<compile_context>
chip_gen: v7x
topology: tpu7x:2x2x1
jax: 0.10.2.dev20260603
libtpu: 0.0.44.dev20260713+nightly
codegen_flags: <defaults>
</compile_context>

<pallas_src>
import functools

import jax
import jax.numpy as jnp
from jax import lax
from jax.experimental import pallas as pl
from jax.experimental.pallas import tpu as pltpu
from jax.experimental.pallas import tpu_sc as plsc

N = 10000
E = 320000
F = 128
HID = 64

NSC = 2
NT = 16
ACC_ROWS = 10240
ZCH = ACC_ROWS // NT

EP_T = E // NT
CE = 88
PCH = 228
DEPTH = 4
ED_T = E // (NSC * NT)
DCH = -(-ED_T // 128)

_MESH = plsc.VectorSubcoreMesh(core_axis_name="c", subcore_axis_name="s")


def _pad_chunks(a, per_tile, nch, pad_val, tiles, ce=128):
    a = a.reshape(tiles, per_tile)
    pad = jnp.full((tiles, nch * ce - per_tile), pad_val, a.dtype)
    return jnp.concatenate([a, pad], axis=1).reshape(tiles, nch, ce)


@functools.partial(
    pl.kernel,
    out_type=jax.ShapeDtypeStruct((2, NSC, ACC_ROWS), jnp.float32),
    mesh=_MESH,
    scratch_types=[
        pltpu.VMEM((DCH, 128), jnp.int32),
        pltpu.VMEM((DCH, 128), jnp.int32),
        pltpu.VMEM((DCH, 128), jnp.float32),
        pltpu.VMEM_SHARED((ACC_ROWS,), jnp.float32),
        pltpu.VMEM_SHARED((ACC_ROWS,), jnp.float32),
    ],
)
def _deg_kernel(src_hbm, dst_hbm, w_hbm, z1_hbm, out_hbm,
                sv, dv, wv, acc_o, acc_i):
    c = lax.axis_index("c")
    s = lax.axis_index("s")
    wid = c * NT + s
    pltpu.sync_copy(z1_hbm, acc_o.at[pl.ds(s * ZCH, ZCH)])
    pltpu.sync_copy(z1_hbm, acc_i.at[pl.ds(s * ZCH, ZCH)])
    pltpu.sync_copy(src_hbm.at[wid], sv)
    pltpu.sync_copy(dst_hbm.at[wid], dv)
    pltpu.sync_copy(w_hbm.at[wid], wv)
    plsc.subcore_barrier()

    def body(j, carry):
        pltpu.sync_copy(wv.at[j], acc_o.at[sv.at[j]], add=True)
        pltpu.sync_copy(wv.at[j], acc_i.at[dv.at[j]], add=True)
        return carry

    lax.fori_loop(0, DCH, body, 0)
    plsc.subcore_barrier()

    @pl.when(s == 0)
    def _():
        pltpu.sync_copy(acc_o, out_hbm.at[0, c])
        pltpu.sync_copy(acc_i, out_hbm.at[1, c])


def _make_prop(C=F):
    @functools.partial(
        pl.kernel,
        out_type=jax.ShapeDtypeStruct((2, ACC_ROWS, C), jnp.float32),
        mesh=_MESH,
        scratch_types=(
            [pltpu.VMEM((CE, C), jnp.float32)] * DEPTH
            + [pltpu.VMEM((2, CE), jnp.int32)] * DEPTH
            + [pltpu.VMEM_SHARED((ACC_ROWS, C), jnp.float32)]
            + [pltpu.SemaphoreType.DMA] * (2 * DEPTH)
        ),
    )
    def prop(xo_hbm, xi_hbm, fw_hbm, bw_hbm, zc_hbm, out_hbm, *scr):
        c = lax.axis_index("c")
        s = lax.axis_index("s")
        BUF = scr[:DEPTH]
        IB = scr[DEPTH:2 * DEPTH]
        acc = scr[2 * DEPTH]
        SG = scr[2 * DEPTH + 1:3 * DEPTH + 1]
        SI = scr[3 * DEPTH + 1:]
        pltpu.sync_copy(zc_hbm, acc.at[pl.ds(s * ZCH, ZCH)])

        def run(x_hbm, idx_hbm):
            plsc.subcore_barrier()

            def step(jj, t, issue_idx, issue_g):
                t2 = (t + DEPTH - 1) % DEPTH
                if issue_g:
                    pltpu.make_async_copy(idx_hbm.at[s, jj + DEPTH - 1],
                                          IB[t2], SI[t2]).wait()
                    pltpu.async_copy(x_hbm.at[IB[t2].at[0]], BUF[t2], SG[t2])
                pltpu.make_async_copy(x_hbm.at[IB[t].at[0]], BUF[t],
                                      SG[t]).wait()
                pltpu.sync_copy(BUF[t], acc.at[IB[t].at[1]], add=True)
                if issue_idx:
                    pltpu.async_copy(idx_hbm.at[s, jj + DEPTH], IB[t], SI[t])

            for t in range(DEPTH - 1):
                pltpu.sync_copy(idx_hbm.at[s, t], IB[t])
            pltpu.async_copy(idx_hbm.at[s, DEPTH - 1], IB[DEPTH - 1],
                             SI[DEPTH - 1])
            for t in range(DEPTH - 1):
                pltpu.async_copy(x_hbm.at[IB[t].at[0]], BUF[t], SG[t])

            def body(k, carry):
                j = DEPTH * k
                for t in range(DEPTH):
                    step(j + t, t, True, True)
                return carry

            lax.fori_loop(0, PCH // DEPTH - 1, body, 0)
            step(PCH - DEPTH, 0, False, True)
            for t in range(1, DEPTH):
                step(PCH - DEPTH + t, t, False, False)

        @pl.when(c == 0)
        def _():
            run(xo_hbm, fw_hbm)

        @pl.when(c == 1)
        def _():
            run(xi_hbm, bw_hbm)

        plsc.subcore_barrier()
        pltpu.sync_copy(acc.at[pl.ds(s * ZCH, ZCH)],
                        out_hbm.at[c, pl.ds(s * ZCH, ZCH)])

    return prop


_prop128 = _make_prop()


def _recips(degp_ref):
    do = degp_ref[0, 0] + degp_ref[0, 1]
    di = degp_ref[1, 0] + degp_ref[1, 1]
    ro = jnp.where(do > 0, 1.0 / do, 0.0)
    ri = jnp.where(di > 0, 1.0 / di, 0.0)
    return ro[:, None], ri[:, None]


def _prescale_body(degp_ref, x_ref, xo_ref, xi_ref):
    ro, ri = _recips(degp_ref)
    x = x_ref[...]
    xo_ref[...] = x * ro
    xi_ref[...] = x * ri


def _gates_body(x_ref, txo_ref, txi_ref, degp_ref,
                az_ref, bz_ref, cz_ref, ah_ref, bh_ref, ch_ref,
                bbz_ref, bbh_ref,
                h_ref, hsc_ref, hsc2_ref):
    x = x_ref[...]
    txo = txo_ref[0]
    txi = txi_ref[0]
    dot = functools.partial(jnp.dot, preferred_element_type=jnp.float32)
    z = jax.nn.sigmoid(dot(x, az_ref[...]) + dot(txo, bz_ref[...])
                       + dot(txi, cz_ref[...]) + bbz_ref[...])
    ht = jnp.tanh(dot(x, ah_ref[...]) + dot(txo, bh_ref[...])
                  + dot(txi, ch_ref[...]) + bbh_ref[...])
    h = (1.0 - z) * ht
    h_ref[...] = h
    ro, ri = _recips(degp_ref)
    hsc = jnp.concatenate([h * ro, h * ri], axis=1)
    hsc_ref[...] = hsc
    hsc2_ref[...] = hsc


def _gates2_body(x_ref, txo_ref, txi_ref,
                 az_ref, bz_ref, cz_ref, ah_ref, bh_ref, ch_ref,
                 bbz_ref, bbh_ref, lw_ref, lb_ref, out_ref):
    x = x_ref[...]
    txo = txo_ref[0][:, :HID]
    txi = txi_ref[0][:, HID:]
    dot = functools.partial(jnp.dot, preferred_element_type=jnp.float32)
    z = jax.nn.sigmoid(dot(x, az_ref[...]) + dot(txo, bz_ref[...])
                       + dot(txi, cz_ref[...]) + bbz_ref[...])
    ht = jnp.tanh(dot(x, ah_ref[...]) + dot(txo, bh_ref[...])
                  + dot(txi, ch_ref[...]) + bbh_ref[...])
    h = (1.0 - z) * ht
    out_ref[...] = dot(h, lw_ref[...]) + lb_ref[...]


_RB = 1024
_GRID = -(-N // _RB)


def _full(shape):
    return pl.BlockSpec(shape, lambda b: (0,) * len(shape))


def _rows(shape_tail, axis0_block=_RB):
    nd = 1 + len(shape_tail)

    def imap(b):
        return (b,) + (0,) * (nd - 1)

    return pl.BlockSpec((axis0_block,) + shape_tail, imap)


def _degp_spec():
    return pl.BlockSpec((2, NSC, _RB), lambda b: (0, 0, b))


def _prop_spec(C, which):
    return pl.BlockSpec((1, _RB, C), lambda b, w=which: (w, b, 0))


def kernel(x, edge_index, edge_weight, Wz0, bz0, Wr0, br0, Wh0, bh0,
           Wz1, bz1, Wr1, br1, Wh1, bh1, lin_W, lin_b):
    src = edge_index[0].astype(jnp.int32)
    dst = edge_index[1].astype(jnp.int32)
    w = edge_weight.astype(jnp.float32)

    src_d = _pad_chunks(src, ED_T, DCH, N, NSC * NT)
    dst_d = _pad_chunks(dst, ED_T, DCH, N, NSC * NT)
    w_d = _pad_chunks(w, ED_T, DCH, 0.0, NSC * NT)
    src_g = _pad_chunks(src, EP_T, PCH, 0, NT, CE)
    src_s = _pad_chunks(src, EP_T, PCH, N, NT, CE)
    dst_g = _pad_chunks(dst, EP_T, PCH, 0, NT, CE)
    dst_s = _pad_chunks(dst, EP_T, PCH, N, NT, CE)
    fw_idx = jnp.stack([src_g, dst_s], axis=2)
    bw_idx = jnp.stack([dst_g, src_s], axis=2)

    z1 = jnp.zeros((ZCH,), jnp.float32)
    z128 = jnp.zeros((ZCH, F), jnp.float32)

    degp = _deg_kernel(src_d, dst_d, w_d, z1)

    xo, xi = pl.pallas_call(
        _prescale_body,
        grid=(_GRID,),
        in_specs=[_degp_spec(), _rows((F,))],
        out_specs=[_rows((F,)), _rows((F,))],
        out_shape=[jax.ShapeDtypeStruct((N, F), jnp.float32)] * 2,
    )(degp, x)

    prop0 = _prop128(xo, xi, fw_idx, bw_idx, z128)

    def wslice(W, C):
        return (W[0, 0, :C] + W[1, 0, :C], W[0, 1, :C], W[1, 1, :C])

    az0, bz0_, cz0 = wslice(Wz0, F)
    ah0, bh0_, ch0 = wslice(Wh0, F)
    h1, h1sc, h1sc2 = pl.pallas_call(
        _gates_body,
        grid=(_GRID,),
        in_specs=[_rows((F,)), _prop_spec(F, 0), _prop_spec(F, 1), _degp_spec(),
                  _full((F, HID)), _full((F, HID)), _full((F, HID)),
                  _full((F, HID)), _full((F, HID)), _full((F, HID)),
                  _full((1, HID)), _full((1, HID))],
        out_specs=[_rows((HID,)), _rows((F,)), _rows((F,))],
        out_shape=[jax.ShapeDtypeStruct((N, HID), jnp.float32),
                   jax.ShapeDtypeStruct((N, F), jnp.float32),
                   jax.ShapeDtypeStruct((N, F), jnp.float32)],
    )(x, prop0, prop0, degp,
      az0, bz0_, cz0, ah0, bh0_, ch0,
      bz0.reshape(1, HID), bh0.reshape(1, HID))

    prop1 = _prop128(h1sc, h1sc2, fw_idx, bw_idx, z128)

    az1, bz1_, cz1 = wslice(Wz1, HID)
    ah1, bh1_, ch1 = wslice(Wh1, HID)
    out = pl.pallas_call(
        _gates2_body,
        grid=(_GRID,),
        in_specs=[_rows((HID,)), _prop_spec(F, 0), _prop_spec(F, 1),
                  _full((HID, HID)), _full((HID, HID)), _full((HID, HID)),
                  _full((HID, HID)), _full((HID, HID)), _full((HID, HID)),
                  _full((1, HID)), _full((1, HID)),
                  _full((HID, 1)), _full((1, 1))],
        out_specs=[_rows((1,))],
        out_shape=[jax.ShapeDtypeStruct((N, 1), jnp.float32)],
    )(h1, prop1, prop1,
      az1, bz1_, cz1, ah1, bh1_, ch1,
      bz1.reshape(1, HID), bh1.reshape(1, HID),
      lin_W, lin_b.reshape(1, 1))[0]

    return out

# --- scband reference (transcript-rebuilt; emitter-appended) ---
"""Pipeline reference for scband-dcrnnmodel-50483045597455 (READ-ONLY COPY).

The authoritative reference and input builder live on the scoring server;
editing this copy changes nothing except your own understanding.
"""

import jax, jax.numpy as jnp
import numpy as np

N = 10000
E = 320000
F = 128
HID = 64

def _glorot(k, shape):
    lim = (6.0 / (shape[-2] + shape[-1])) ** 0.5
    return jax.random.uniform(k, shape, jnp.float32, -lim, lim)

def setup_inputs(seed: int = 0) -> dict:
    key = jax.random.key(seed)
    ks = jax.random.split(key, 20)
    inp = {}
    inp["x"] = jax.random.normal(ks[0], (N, F), jnp.float32)
    inp["edge_index"] = jax.random.randint(ks[1], (2, E), 0, N, dtype=jnp.int32).astype(jnp.int64)
    inp["edge_weight"] = jax.random.uniform(ks[2], (E,), jnp.float32)
    c0 = F + HID
    c1 = HID + HID
    inp["Wz0"] = _glorot(ks[3], (2, 2, c0, HID)); inp["bz0"] = jnp.zeros((HID,), jnp.float32)
    inp["Wr0"] = _glorot(ks[4], (2, 2, c0, HID)); inp["br0"] = jnp.zeros((HID,), jnp.float32)
    inp["Wh0"] = _glorot(ks[5], (2, 2, c0, HID)); inp["bh0"] = jnp.zeros((HID,), jnp.float32)
    inp["Wz1"] = _glorot(ks[6], (2, 2, c1, HID)); inp["bz1"] = jnp.zeros((HID,), jnp.float32)
    inp["Wr1"] = _glorot(ks[7], (2, 2, c1, HID)); inp["br1"] = jnp.zeros((HID,), jnp.float32)
    inp["Wh1"] = _glorot(ks[8], (2, 2, c1, HID)); inp["bh1"] = jnp.zeros((HID,), jnp.float32)
    inp["lin_W"] = _glorot(ks[9], (HID, 1))
    inp["lin_b"] = jnp.zeros((1,), jnp.float32)
    return inp

def _dconv(X, W, b, src, dst, norm_out, norm_in):
    # K=2 diffusion convolution: identity terms (k=0) + 1-hop forward/backward diffusion (k=1)
    out = X @ W[0, 0] + X @ W[1, 0]
    Tx_o = jnp.zeros_like(X).at[dst].add(norm_out[:, None] * X[src])
    Tx_i = jnp.zeros_like(X).at[src].add(norm_in[:, None] * X[dst])
    return out + Tx_o @ W[0, 1] + Tx_i @ W[1, 1] + b

def _cell(X, src, dst, no, ni, Wz, bz, Wr, br, Wh, bh):
    # DCRNN GRU cell; hidden state initialized to zeros (single-step call, H=None)
    Hs = jnp.zeros((X.shape[0], Wz.shape[3]), X.dtype)
    XH = jnp.concatenate([X, Hs], axis=1)
    Z = jax.nn.sigmoid(_dconv(XH, Wz, bz, src, dst, no, ni))
    R = jax.nn.sigmoid(_dconv(XH, Wr, br, src, dst, no, ni))
    XRH = jnp.concatenate([X, R * Hs], axis=1)
    Ht = jnp.tanh(_dconv(XRH, Wh, bh, src, dst, no, ni))
    return Z * Hs + (1.0 - Z) * Ht

def reference(x, edge_index, edge_weight, Wz0, bz0, Wr0, br0, Wh0, bh0, Wz1, bz1, Wr1, br1, Wh1, bh1, lin_W, lin_b):
    src = edge_index[0]
    dst = edge_index[1]
    n = x.shape[0]
    deg_out = jnp.zeros((n,), x.dtype).at[src].add(edge_weight)
    deg_in = jnp.zeros((n,), x.dtype).at[dst].add(edge_weight)
    norm_out = (1.0 / deg_out)[src]
    norm_in = (1.0 / deg_in)[dst]
    h = _cell(x, src, dst, norm_out, norm_in, Wz0, bz0, Wr0, br0, Wh0, bh0)
    h = _cell(h, src, dst, norm_out, norm_in, Wz1, bz1, Wr1, br1, Wh1, bh1)
    # dropout is identity (p=0.0)
    return h @ lin_W + lin_b

if __name__ == "__main__":
    import jax
    _d = setup_inputs()
    print(jax.jit(kernel)(*tuple(_d.values())))

</pallas_src>

<mosaic_0001>
#map = affine_map<(d0, d1) -> (0, 0, 0)>
#map1 = affine_map<(d0, d1) -> (0)>
module attributes {stable_mosaic.version = 14 : i64} {
  func.func @_deg_kernel(%arg0: i32, %arg1: i32, %arg2: memref<32x79x128xi32, #tpu.memory_space<hbm>>, %arg3: memref<32x79x128xi32, #tpu.memory_space<hbm>>, %arg4: memref<32x79x128xf32, #tpu.memory_space<hbm>>, %arg5: memref<640xf32, #tpu.memory_space<hbm>>, %arg6: memref<2x2x10240xf32, #tpu.memory_space<hbm>>, %arg7: memref<79x128xi32, #tpu.memory_space<vmem>>, %arg8: memref<79x128xi32, #tpu.memory_space<vmem>>, %arg9: memref<79x128xf32, #tpu.memory_space<vmem>>, %arg10: memref<10240xf32, #tpu.memory_space<vmem_shared>>, %arg11: memref<10240xf32, #tpu.memory_space<vmem_shared>>) attributes {dimension_semantics = [#tpu.dimension_semantics<core_parallel>, #tpu.dimension_semantics<subcore_parallel>], iteration_bounds = array<i64: 2, 16>, scalar_prefetch = 0 : i64, scratch_operands = 5 : i64, tpu.core_type = #tpu.core_type<sc_vector_subcore>, window_params = [{transform_indices = #map}, {transform_indices = #map}, {transform_indices = #map}, {transform_indices = #map1}, {transform_indices = #map}]} {
    %mul3A = arith.constant 16 : i32
    %mul3A_0 = arith.muli %arg0, %mul3A : i32
    %add3A = arith.addi %mul3A_0, %arg1 : i32
    %mul3A_1 = arith.constant 640 : i32
    %mul3A_2 = arith.muli %arg1, %mul3A_1 : i32
    "tpu.region"() ({
      %run_scoped3A = tpu.sem_alloc : memref<!tpu.dma_semaphore, #tpu.memory_space<semaphore_mem>>
      %dma_start3A = tpu.memref_slice %arg10[%mul3A_2] : memref<10240xf32, #tpu.memory_space<vmem_shared>> -> memref<640xf32, #tpu.memory_space<vmem_shared>>
      tpu.enqueue_dma source(%arg5 : memref<640xf32, #tpu.memory_space<hbm>>) target(%dma_start3A : memref<640xf32, #tpu.memory_space<vmem_shared>>) target_semaphore(%run_scoped3A : memref<!tpu.dma_semaphore, #tpu.memory_space<semaphore_mem>>)
      %dma_wait3A = tpu.memref_slice %arg10[%mul3A_2] : memref<10240xf32, #tpu.memory_space<vmem_shared>> -> memref<640xf32, #tpu.memory_space<vmem_shared>>
      tpu.wait_dma2 semaphore(%run_scoped3A : memref<!tpu.dma_semaphore, #tpu.memory_space<semaphore_mem>>) src(%arg5 : memref<640xf32, #tpu.memory_space<hbm>>) dst(%dma_wait3A : memref<640xf32, #tpu.memory_space<vmem_shared>>)
      tpu.yield
    }) : () -> ()
    %mul3A_3 = arith.constant 640 : i32
    %mul3A_4 = arith.muli %arg1, %mul3A_3 : i32
    "tpu.region"() ({
      %run_scoped3A = tpu.sem_alloc : memref<!tpu.dma_semaphore, #tpu.memory_space<semaphore_mem>>
      %dma_start3A = tpu.memref_slice %arg11[%mul3A_4] : memref<10240xf32, #tpu.memory_space<vmem_shared>> -> memref<640xf32, #tpu.memory_space<vmem_shared>>
      tpu.enqueue_dma source(%arg5 : memref<640xf32, #tpu.memory_space<hbm>>) target(%dma_start3A : memref<640xf32, #tpu.memory_space<vmem_shared>>) target_semaphore(%run_scoped3A : memref<!tpu.dma_semaphore, #tpu.memory_space<semaphore_mem>>)
      %dma_wait3A = tpu.memref_slice %arg11[%mul3A_4] : memref<10240xf32, #tpu.memory_space<vmem_shared>> -> memref<640xf32, #tpu.memory_space<vmem_shared>>
      tpu.wait_dma2 semaphore(%run_scoped3A : memref<!tpu.dma_semaphore, #tpu.memory_space<semaphore_mem>>) src(%arg5 : memref<640xf32, #tpu.memory_space<hbm>>) dst(%dma_wait3A : memref<640xf32, #tpu.memory_space<vmem_shared>>)
      tpu.yield
    }) : () -> ()
    "tpu.region"() ({
      %run_scoped3A = tpu.sem_alloc : memref<!tpu.dma_semaphore, #tpu.memory_space<semaphore_mem>>
      %dma_start3A = arith.constant 0 : i32
      %dma_start3A_13 = arith.constant 0 : i32
      %dma_start3A_14 = tpu.memref_slice %arg2[%add3A, %dma_start3A, %dma_start3A_13] : memref<32x79x128xi32, #tpu.memory_space<hbm>> -> memref<1x79x128xi32, #tpu.memory_space<hbm>>
      %dma_start3A_15 = tpu.memref_squeeze %dma_start3A_14 : memref<1x79x128xi32, #tpu.memory_space<hbm>> -> memref<79x128xi32, #tpu.memory_space<hbm>>
      %dma_start3A_16 = arith.constant 0 : i32
      %dma_start3A_17 = arith.constant 0 : i32
      %dma_start3A_18 = tpu.memref_slice %arg2[%add3A, %dma_start3A_16, %dma_start3A_17] : memref<32x79x128xi32, #tpu.memory_space<hbm>> -> memref<1x79x128xi32, #tpu.memory_space<hbm>>
      %dma_start3A_19 = tpu.memref_squeeze %dma_start3A_18 : memref<1x79x128xi32, #tpu.memory_space<hbm>> -> memref<79x128xi32, #tpu.memory_space<hbm>>
      tpu.enqueue_dma source(%dma_start3A_19 : memref<79x128xi32, #tpu.memory_space<hbm>>) target(%arg7 : memref<79x128xi32, #tpu.memory_space<vmem>>) target_semaphore(%run_scoped3A : memref<!tpu.dma_semaphore, #tpu.memory_space<semaphore_mem>>)
      %dma_wait3A = arith.constant 0 : i32
      %dma_wait3A_20 = arith.constant 0 : i32
      %dma_wait3A_21 = tpu.memref_slice %arg2[%add3A, %dma_wait3A, %dma_wait3A_20] : memref<32x79x128xi32, #tpu.memory_space<hbm>> -> memref<1x79x128xi32, #tpu.memory_space<hbm>>
      %dma_wait3A_22 = tpu.memref_squeeze %dma_wait3A_21 : memref<1x79x128xi32, #tpu.memory_space<hbm>> -> memref<79x128xi32, #tpu.memory_space<hbm>>
      %dma_wait3A_23 = arith.constant 0 : i32
      %dma_wait3A_24 = arith.constant 0 : i32
      %dma_wait3A_25 = tpu.memref_slice %arg2[%add3A, %dma_wait3A_23, %dma_wait3A_24] : memref<32x79x128xi32, #tpu.memory_space<hbm>> -> memref<1x79x128xi32, #tpu.memory_space<hbm>>
      %dma_wait3A_26 = tpu.memref_squeeze %dma_wait3A_25 : memref<1x79x128xi32, #tpu.memory_space<hbm>> -> memref<79x128xi32, #tpu.memory_space<hbm>>
      tpu.wait_dma2 semaphore(%run_scoped3A : memref<!tpu.dma_semaphore, #tpu.memory_space<semaphore_mem>>) src(%dma_wait3A_26 : memref<79x128xi32, #tpu.memory_space<hbm>>) dst(%arg7 : memref<79x128xi32, #tpu.memory_space<vmem>>)
      tpu.yield
    }) : () -> ()
    "tpu.region"() ({
      %run_scoped3A = tpu.sem_alloc : memref<!tpu.dma_semaphore, #tpu.memory_space<semaphore_mem>>
      %dma_start3A = arith.constant 0 : i32
      %dma_start3A_13 = arith.constant 0 : i32
      %dma_start3A_14 = tpu.memref_slice %arg3[%add3A, %dma_start3A, %dma_start3A_13] : memref<32x79x128xi32, #tpu.memory_space<hbm>> -> memref<1x79x128xi32, #tpu.memory_space<hbm>>
      %dma_start3A_15 = tpu.memref_squeeze %dma_start3A_14 : memref<1x79x128xi32, #tpu.memory_space<hbm>> -> memref<79x128xi32, #tpu.memory_space<hbm>>
      %dma_start3A_16 = arith.constant 0 : i32
      %dma_start3A_17 = arith.constant 0 : i32
      %dma_start3A_18 = tpu.memref_slice %arg3[%add3A, %dma_start3A_16, %dma_start3A_17] : memref<32x79x128xi32, #tpu.memory_space<hbm>> -> memref<1x79x128xi32, #tpu.memory_space<hbm>>
      %dma_start3A_19 = tpu.memref_squeeze %dma_start3A_18 : memref<1x79x128xi32, #tpu.memory_space<hbm>> -> memref<79x128xi32, #tpu.memory_space<hbm>>
      tpu.enqueue_dma source(%dma_start3A_19 : memref<79x128xi32, #tpu.memory_space<hbm>>) target(%arg8 : memref<79x128xi32, #tpu.memory_space<vmem>>) target_semaphore(%run_scoped3A : memref<!tpu.dma_semaphore, #tpu.memory_space<semaphore_mem>>)
      %dma_wait3A = arith.constant 0 : i32
      %dma_wait3A_20 = arith.constant 0 : i32
      %dma_wait3A_21 = tpu.memref_slice %arg3[%add3A, %dma_wait3A, %dma_wait3A_20] : memref<32x79x128xi32, #tpu.memory_space<hbm>> -> memref<1x79x128xi32, #tpu.memory_space<hbm>>
      %dma_wait3A_22 = tpu.memref_squeeze %dma_wait3A_21 : memref<1x79x128xi32, #tpu.memory_space<hbm>> -> memref<79x128xi32, #tpu.memory_space<hbm>>
      %dma_wait3A_23 = arith.constant 0 : i32
      %dma_wait3A_24 = arith.constant 0 : i32
      %dma_wait3A_25 = tpu.memref_slice %arg3[%add3A, %dma_wait3A_23, %dma_wait3A_24] : memref<32x79x128xi32, #tpu.memory_space<hbm>> -> memref<1x79x128xi32, #tpu.memory_space<hbm>>
      %dma_wait3A_26 = tpu.memref_squeeze %dma_wait3A_25 : memref<1x79x128xi32, #tpu.memory_space<hbm>> -> memref<79x128xi32, #tpu.memory_space<hbm>>
      tpu.wait_dma2 semaphore(%run_scoped3A : memref<!tpu.dma_semaphore, #tpu.memory_space<semaphore_mem>>) src(%dma_wait3A_26 : memref<79x128xi32, #tpu.memory_space<hbm>>) dst(%arg8 : memref<79x128xi32, #tpu.memory_space<vmem>>)
      tpu.yield
    }) : () -> ()
    "tpu.region"() ({
      %run_scoped3A = tpu.sem_alloc : memref<!tpu.dma_semaphore, #tpu.memory_space<semaphore_mem>>
      %dma_start3A = arith.constant 0 : i32
      %dma_start3A_13 = arith.constant 0 : i32
      %dma_start3A_14 = tpu.memref_slice %arg4[%add3A, %dma_start3A, %dma_start3A_13] : memref<32x79x128xf32, #tpu.memory_space<hbm>> -> memref<1x79x128xf32, #tpu.memory_space<hbm>>
      %dma_start3A_15 = tpu.memref_squeeze %dma_start3A_14 : memref<1x79x128xf32, #tpu.memory_space<hbm>> -> memref<79x128xf32, #tpu.memory_space<hbm>>
      %dma_start3A_16 = arith.constant 0 : i32
      %dma_start3A_17 = arith.constant 0 : i32
      %dma_start3A_18 = tpu.memref_slice %arg4[%add3A, %dma_start3A_16, %dma_start3A_17] : memref<32x79x128xf32, #tpu.memory_space<hbm>> -> memref<1x79x128xf32, #tpu.memory_space<hbm>>
      %dma_start3A_19 = tpu.memref_squeeze %dma_start3A_18 : memref<1x79x128xf32, #tpu.memory_space<hbm>> -> memref<79x128xf32, #tpu.memory_space<hbm>>
      tpu.enqueue_dma source(%dma_start3A_19 : memref<79x128xf32, #tpu.memory_space<hbm>>) target(%arg9 : memref<79x128xf32, #tpu.memory_space<vmem>>) target_semaphore(%run_scoped3A : memref<!tpu.dma_semaphore, #tpu.memory_space<semaphore_mem>>)
      %dma_wait3A = arith.constant 0 : i32
      %dma_wait3A_20 = arith.constant 0 : i32
      %dma_wait3A_21 = tpu.memref_slice %arg4[%add3A, %dma_wait3A, %dma_wait3A_20] : memref<32x79x128xf32, #tpu.memory_space<hbm>> -> memref<1x79x128xf32, #tpu.memory_space<hbm>>
      %dma_wait3A_22 = tpu.memref_squeeze %dma_wait3A_21 : memref<1x79x128xf32, #tpu.memory_space<hbm>> -> memref<79x128xf32, #tpu.memory_space<hbm>>
      %dma_wait3A_23 = arith.constant 0 : i32
      %dma_wait3A_24 = arith.constant 0 : i32
      %dma_wait3A_25 = tpu.memref_slice %arg4[%add3A, %dma_wait3A_23, %dma_wait3A_24] : memref<32x79x128xf32, #tpu.memory_space<hbm>> -> memref<1x79x128xf32, #tpu.memory_space<hbm>>
      %dma_wait3A_26 = tpu.memref_squeeze %dma_wait3A_25 : memref<1x79x128xf32, #tpu.memory_space<hbm>> -> memref<79x128xf32, #tpu.memory_space<hbm>>
      tpu.wait_dma2 semaphore(%run_scoped3A : memref<!tpu.dma_semaphore, #tpu.memory_space<semaphore_mem>>) src(%dma_wait3A_26 : memref<79x128xf32, #tpu.memory_space<hbm>>) dst(%arg9 : memref<79x128xf32, #tpu.memory_space<vmem>>)
      tpu.yield
    }) : () -> ()
    %barrier3A = arith.constant 0 : index
    tpu.barrier barrier_id(%barrier3A)
    %scan3A = arith.constant 0 : i32
    %scan3A_5 = arith.constant 0 : i32
    %scan3A_6 = arith.constant 79 : i32
    %scan3A_7 = arith.addi %scan3A_5, %scan3A_6 : i32
    %scan3A_8 = arith.constant 1 : i32
    scf.for %scan3A_13 = %scan3A_5 to %scan3A_7 step %scan3A_8  : i32 {
      "tpu.region"() ({
        %run_scoped3A = tpu.sem_alloc : memref<!tpu.dma_semaphore, #tpu.memory_space<semaphore_mem>>
        %dma_start3A = arith.constant 0 : i32
        %dma_start3A_14 = tpu.memref_slice %arg9[%scan3A_13, %dma_start3A] : memref<79x128xf32, #tpu.memory_space<vmem>> -> memref<1x128xf32, #tpu.memory_space<vmem>>
        %dma_start3A_15 = tpu.memref_squeeze %dma_start3A_14 : memref<1x128xf32, #tpu.memory_space<vmem>> -> memref<128xf32, #tpu.memory_space<vmem>>
        %dma_start3A_16 = arith.constant 0 : i32
        %dma_start3A_17 = tpu.memref_slice %arg7[%scan3A_13, %dma_start3A_16] : memref<79x128xi32, #tpu.memory_space<vmem>> -> memref<1x128xi32, #tpu.memory_space<vmem>>
        %dma_start3A_18 = tpu.memref_squeeze %dma_start3A_17 : memref<1x128xi32, #tpu.memory_space<vmem>> -> memref<128xi32, #tpu.memory_space<vmem>>
        %dma_start3A_19 = arith.constant 0 : i32
        %dma_start3A_20 = tpu.memref_slice %arg10[%dma_start3A_19] : memref<10240xf32, #tpu.memory_space<vmem_shared>> -> memref<10240xf32, #tpu.memory_space<vmem_shared>>
        tpu.enqueue_indirect_dma source(%dma_start3A_15 : memref<128xf32, #tpu.memory_space<vmem>>) target(%dma_start3A_20 : memref<10240xf32, #tpu.memory_space<vmem_shared>>) offsets(%dma_start3A_18 : memref<128xi32, #tpu.memory_space<vmem>>) semaphore(%run_scoped3A : memref<!tpu.dma_semaphore, #tpu.memory_space<semaphore_mem>>) {add = true}
        %dma_wait3A = arith.constant 0 : i32
        %dma_wait3A_21 = tpu.memref_slice %arg9[%scan3A_13, %dma_wait3A] : memref<79x128xf32, #tpu.memory_space<vmem>> -> memref<1x128xf32, #tpu.memory_space<vmem>>
        %dma_wait3A_22 = tpu.memref_squeeze %dma_wait3A_21 : memref<1x128xf32, #tpu.memory_space<vmem>> -> memref<128xf32, #tpu.memory_space<vmem>>
        %dma_wait3A_23 = arith.constant 0 : i32
        %dma_wait3A_24 = tpu.memref_slice %arg7[%scan3A_13, %dma_wait3A_23] : memref<79x128xi32, #tpu.memory_space<vmem>> -> memref<1x128xi32, #tpu.memory_space<vmem>>
        %dma_wait3A_25 = tpu.memref_squeeze %dma_wait3A_24 : memref<1x128xi32, #tpu.memory_space<vmem>> -> memref<128xi32, #tpu.memory_space<vmem>>
        %dma_wait3A_26 = arith.constant 0 : i32
        %dma_wait3A_27 = tpu.memref_slice %arg10[%dma_wait3A_26] : memref<10240xf32, #tpu.memory_space<vmem_shared>> -> memref<10240xf32, #tpu.memory_space<vmem_shared>>
        tpu.wait_indirect_dma semaphore(%run_scoped3A : memref<!tpu.dma_semaphore, #tpu.memory_space<semaphore_mem>>) src(%dma_wait3A_22 : memref<128xf32, #tpu.memory_space<vmem>>) dst(%dma_wait3A_27 : memref<10240xf32, #tpu.memory_space<vmem_shared>>)
        tpu.yield
      }) : () -> ()
      "tpu.region"() ({
        %run_scoped3A = tpu.sem_alloc : memref<!tpu.dma_semaphore, #tpu.memory_space<semaphore_mem>>
        %dma_start3A = arith.constant 0 : i32
        %dma_start3A_14 = tpu.memref_slice %arg9[%scan3A_13, %dma_start3A] : memref<79x128xf32, #tpu.memory_space<vmem>> -> memref<1x128xf32, #tpu.memory_space<vmem>>
        %dma_start3A_15 = tpu.memref_squeeze %dma_start3A_14 : memref<1x128xf32, #tpu.memory_space<vmem>> -> memref<128xf32, #tpu.memory_space<vmem>>
        %dma_start3A_16 = arith.constant 0 : i32
        %dma_start3A_17 = tpu.memref_slice %arg8[%scan3A_13, %dma_start3A_16] : memref<79x128xi32, #tpu.memory_space<vmem>> -> memref<1x128xi32, #tpu.memory_space<vmem>>
        %dma_start3A_18 = tpu.memref_squeeze %dma_start3A_17 : memref<1x128xi32, #tpu.memory_space<vmem>> -> memref<128xi32, #tpu.memory_space<vmem>>
        %dma_start3A_19 = arith.constant 0 : i32
        %dma_start3A_20 = tpu.memref_slice %arg11[%dma_start3A_19] : memref<10240xf32, #tpu.memory_space<vmem_shared>> -> memref<10240xf32, #tpu.memory_space<vmem_shared>>
        tpu.enqueue_indirect_dma source(%dma_start3A_15 : memref<128xf32, #tpu.memory_space<vmem>>) target(%dma_start3A_20 : memref<10240xf32, #tpu.memory_space<vmem_shared>>) offsets(%dma_start3A_18 : memref<128xi32, #tpu.memory_space<vmem>>) semaphore(%run_scoped3A : memref<!tpu.dma_semaphore, #tpu.memory_space<semaphore_mem>>) {add = true}
        %dma_wait3A = arith.constant 0 : i32
        %dma_wait3A_21 = tpu.memref_slice %arg9[%scan3A_13, %dma_wait3A] : memref<79x128xf32, #tpu.memory_space<vmem>> -> memref<1x128xf32, #tpu.memory_space<vmem>>
        %dma_wait3A_22 = tpu.memref_squeeze %dma_wait3A_21 : memref<1x128xf32, #tpu.memory_space<vmem>> -> memref<128xf32, #tpu.memory_space<vmem>>
        %dma_wait3A_23 = arith.constant 0 : i32
        %dma_wait3A_24 = tpu.memref_slice %arg8[%scan3A_13, %dma_wait3A_23] : memref<79x128xi32, #tpu.memory_space<vmem>> -> memref<1x128xi32, #tpu.memory_space<vmem>>
        %dma_wait3A_25 = tpu.memref_squeeze %dma_wait3A_24 : memref<1x128xi32, #tpu.memory_space<vmem>> -> memref<128xi32, #tpu.memory_space<vmem>>
        %dma_wait3A_26 = arith.constant 0 : i32
        %dma_wait3A_27 = tpu.memref_slice %arg11[%dma_wait3A_26] : memref<10240xf32, #tpu.memory_space<vmem_shared>> -> memref<10240xf32, #tpu.memory_space<vmem_shared>>
        tpu.wait_indirect_dma semaphore(%run_scoped3A : memref<!tpu.dma_semaphore, #tpu.memory_space<semaphore_mem>>) src(%dma_wait3A_22 : memref<128xf32, #tpu.memory_space<vmem>>) dst(%dma_wait3A_27 : memref<10240xf32, #tpu.memory_space<vmem_shared>>)
        tpu.yield
      }) : () -> ()
    }
    %scan3A_9 = arith.constant 79 : i32
    %barrier3A_10 = arith.constant 0 : index
    tpu.barrier barrier_id(%barrier3A_10)
    %eq3A = arith.constant 0 : i32
    %eq3A_11 = arith.cmpi eq, %arg1, %eq3A : i32
    %convert_element_type3A = arith.extui %eq3A_11 : i1 to i32
    %cond3A = arith.constant 0 : i32
    %cond3A_12 = arith.cmpi ne, %convert_element_type3A, %cond3A : i32
    scf.if %cond3A_12 {
      %run_scoped3A = arith.constant 0 : i32
      "tpu.region"() ({
        %run_scoped3A_14 = tpu.sem_alloc : memref<!tpu.dma_semaphore, #tpu.memory_space<semaphore_mem>>
        %dma_start3A = arith.constant 0 : i32
        %dma_start3A_15 = tpu.memref_slice %arg6[%run_scoped3A, %arg0, %dma_start3A] : memref<2x2x10240xf32, #tpu.memory_space<hbm>> -> memref<1x1x10240xf32, #tpu.memory_space<hbm>>
        %dma_start3A_16 = tpu.memref_squeeze %dma_start3A_15 : memref<1x1x10240xf32, #tpu.memory_space<hbm>> -> memref<10240xf32, #tpu.memory_space<hbm>>
        tpu.enqueue_dma source(%arg10 : memref<10240xf32, #tpu.memory_space<vmem_shared>>) target(%dma_start3A_16 : memref<10240xf32, #tpu.memory_space<hbm>>) target_semaphore(%run_scoped3A_14 : memref<!tpu.dma_semaphore, #tpu.memory_space<semaphore_mem>>)
        %dma_wait3A = arith.constant 0 : i32
        %dma_wait3A_17 = tpu.memref_slice %arg6[%run_scoped3A, %arg0, %dma_wait3A] : memref<2x2x10240xf32, #tpu.memory_space<hbm>> -> memref<1x1x10240xf32, #tpu.memory_space<hbm>>
        %dma_wait3A_18 = tpu.memref_squeeze %dma_wait3A_17 : memref<1x1x10240xf32, #tpu.memory_space<hbm>> -> memref<10240xf32, #tpu.memory_space<hbm>>
        tpu.wait_dma2 semaphore(%run_scoped3A_14 : memref<!tpu.dma_semaphore, #tpu.memory_space<semaphore_mem>>) src(%arg10 : memref<10240xf32, #tpu.memory_space<vmem_shared>>) dst(%dma_wait3A_18 : memref<10240xf32, #tpu.memory_space<hbm>>)
        tpu.yield
      }) : () -> ()
      %run_scoped3A_13 = arith.constant 1 : i32
      "tpu.region"() ({
        %run_scoped3A_14 = tpu.sem_alloc : memref<!tpu.dma_semaphore, #tpu.memory_space<semaphore_mem>>
        %dma_start3A = arith.constant 0 : i32
        %dma_start3A_15 = tpu.memref_slice %arg6[%run_scoped3A_13, %arg0, %dma_start3A] : memref<2x2x10240xf32, #tpu.memory_space<hbm>> -> memref<1x1x10240xf32, #tpu.memory_space<hbm>>
        %dma_start3A_16 = tpu.memref_squeeze %dma_start3A_15 : memref<1x1x10240xf32, #tpu.memory_space<hbm>> -> memref<10240xf32, #tpu.memory_space<hbm>>
        tpu.enqueue_dma source(%arg11 : memref<10240xf32, #tpu.memory_space<vmem_shared>>) target(%dma_start3A_16 : memref<10240xf32, #tpu.memory_space<hbm>>) target_semaphore(%run_scoped3A_14 : memref<!tpu.dma_semaphore, #tpu.memory_space<semaphore_mem>>)
        %dma_wait3A = arith.constant 0 : i32
        %dma_wait3A_17 = tpu.memref_slice %arg6[%run_scoped3A_13, %arg0, %dma_wait3A] : memref<2x2x10240xf32, #tpu.memory_space<hbm>> -> memref<1x1x10240xf32, #tpu.memory_space<hbm>>
        %dma_wait3A_18 = tpu.memref_squeeze %dma_wait3A_17 : memref<1x1x10240xf32, #tpu.memory_space<hbm>> -> memref<10240xf32, #tpu.memory_space<hbm>>
        tpu.wait_dma2 semaphore(%run_scoped3A_14 : memref<!tpu.dma_semaphore, #tpu.memory_space<semaphore_mem>>) src(%arg11 : memref<10240xf32, #tpu.memory_space<vmem_shared>>) dst(%dma_wait3A_18 : memref<10240xf32, #tpu.memory_space<hbm>>)
        tpu.yield
      }) : () -> ()
    } else {
    }
    return
  }
}

#map = affine_map<(d0, d1) -> (0, 0)>
#map1 = affine_map<(d0, d1) -> (0, 0, 0, 0)>
#map2 = affine_map<(d0, d1) -> (0, 0, 0)>
module attributes {stable_mosaic.version = 14 : i64} {
  func.func @prop(%arg0: i32, %arg1: i32, %arg2: memref<10000x128xf32, #tpu.memory_space<hbm>>, %arg3: memref<10000x128xf32, #tpu.memory_space<hbm>>, %arg4: memref<16x228x2x88xi32, #tpu.memory_space<hbm>>, %arg5: memref<16x228x2x88xi32, #tpu.memory_space<hbm>>, %arg6: memref<640x128xf32, #tpu.memory_space<hbm>>, %arg7: memref<2x10240x128xf32, #tpu.memory_space<hbm>>, %arg8: memref<88x128xf32, #tpu.memory_space<vmem>>, %arg9: memref<88x128xf32, #tpu.memory_space<vmem>>, %arg10: memref<88x128xf32, #tpu.memory_space<vmem>>, %arg11: memref<88x128xf32, #tpu.memory_space<vmem>>, %arg12: memref<2x88xi32, #tpu.memory_space<vmem>>, %arg13: memref<2x88xi32, #tpu.memory_space<vmem>>, %arg14: memref<2x88xi32, #tpu.memory_space<vmem>>, %arg15: memref<2x88xi32, #tpu.memory_space<vmem>>, %arg16: memref<10240x128xf32, #tpu.memory_space<vmem_shared>>, %arg17: memref<!tpu.dma_semaphore, #tpu.memory_space<semaphore_mem>>, %arg18: memref<!tpu.dma_semaphore, #tpu.memory_space<semaphore_mem>>, %arg19: memref<!tpu.dma_semaphore, #tpu.memory_space<semaphore_mem>>, %arg20: memref<!tpu.dma_semaphore, #tpu.memory_space<semaphore_mem>>, %arg21: memref<!tpu.dma_semaphore, #tpu.memory_space<semaphore_mem>>, %arg22: memref<!tpu.dma_semaphore, #tpu.memory_space<semaphore_mem>>, %arg23: memref<!tpu.dma_semaphore, #tpu.memory_space<semaphore_mem>>, %arg24: memref<!tpu.dma_semaphore, #tpu.memory_space<semaphore_mem>>) attributes {dimension_semantics = [#tpu.dimension_semantics<core_parallel>, #tpu.dimension_semantics<subcore_parallel>], iteration_bounds = array<i64: 2, 16>, scalar_prefetch = 0 : i64, scratch_operands = 17 : i64, tpu.core_type = #tpu.core_type<sc_vector_subcore>, window_params = [{transform_indices = #map}, {transform_indices = #map}, {transform_indices = #map1}, {transform_indices = #map1}, {transform_indices = #map}, {transform_indices = #map2}]} {
    %mul3A = arith.constant 640 : i32
    %mul3A_0 = arith.muli %arg1, %mul3A : i32
    "tpu.region"() ({
      %run_scoped3A = tpu.sem_alloc : memref<!tpu.dma_semaphore, #tpu.memory_space<semaphore_mem>>
      %dma_start3A = arith.constant 0 : i32
      %dma_start3A_12 = tpu.memref_slice %arg16[%mul3A_0, %dma_start3A] : memref<10240x128xf32, #tpu.memory_space<vmem_shared>> -> memref<640x128xf32, #tpu.memory_space<vmem_shared>>
      tpu.enqueue_dma source(%arg6 : memref<640x128xf32, #tpu.memory_space<hbm>>) target(%dma_start3A_12 : memref<640x128xf32, #tpu.memory_space<vmem_shared>>) target_semaphore(%run_scoped3A : memref<!tpu.dma_semaphore, #tpu.memory_space<semaphore_mem>>)
      %dma_wait3A = arith.constant 0 : i32
      %dma_wait3A_13 = tpu.memref_slice %arg16[%mul3A_0, %dma_wait3A] : memref<10240x128xf32, #tpu.memory_space<vmem_shared>> -> memref<640x128xf32, #tpu.memory_space<vmem_shared>>
      tpu.wait_dma2 semaphore(%run_scoped3A : memref<!tpu.dma_semaphore, #tpu.memory_space<semaphore_mem>>) src(%arg6 : memref<640x128xf32, #tpu.memory_space<hbm>>) dst(%dma_wait3A_13 : memref<640x128xf32, #tpu.memory_space<vmem_shared>>)
      tpu.yield
    }) : () -> ()
    %eq3A = arith.constant 0 : i32
    %eq3A_1 = arith.cmpi eq, %arg0, %eq3A : i32
    %convert_element_type3A = arith.extui %eq3A_1 : i1 to i32
    %cond3A = arith.constant 0 : i32
    %cond3A_2 = arith.cmpi ne, %convert_element_type3A, %cond3A : i32
    scf.if %cond3A_2 {
      %barrier3A_12 = arith.constant 0 : index
      tpu.barrier barrier_id(%barrier3A_12)
      %run_scoped3A = arith.constant 0 : i32
      "tpu.region"() ({
        %run_scoped3A_96 = tpu.sem_alloc : memref<!tpu.dma_semaphore, #tpu.memory_space<semaphore_mem>>
        %dma_start3A_97 = arith.constant 0 : i32
        %dma_start3A_98 = arith.constant 0 : i32
        %dma_start3A_99 = tpu.memref_slice %arg4[%arg1, %run_scoped3A, %dma_start3A_97, %dma_start3A_98] : memref<16x228x2x88xi32, #tpu.memory_space<hbm>> -> memref<1x1x2x88xi32, #tpu.memory_space<hbm>>
        %dma_start3A_100 = tpu.memref_squeeze %dma_start3A_99 : memref<1x1x2x88xi32, #tpu.memory_space<hbm>> -> memref<2x88xi32, #tpu.memory_space<hbm>>
        %dma_start3A_101 = arith.constant 0 : i32
        %dma_start3A_102 = arith.constant 0 : i32
        %dma_start3A_103 = tpu.memref_slice %arg4[%arg1, %run_scoped3A, %dma_start3A_101, %dma_start3A_102] : memref<16x228x2x88xi32, #tpu.memory_space<hbm>> -> memref<1x1x2x88xi32, #tpu.memory_space<hbm>>
        %dma_start3A_104 = tpu.memref_squeeze %dma_start3A_103 : memref<1x1x2x88xi32, #tpu.memory_space<hbm>> -> memref<2x88xi32, #tpu.memory_space<hbm>>
        tpu.enqueue_dma source(%dma_start3A_104 : memref<2x88xi32, #tpu.memory_space<hbm>>) target(%arg12 : memref<2x88xi32, #tpu.memory_space<vmem>>) target_semaphore(%run_scoped3A_96 : memref<!tpu.dma_semaphore, #tpu.memory_space<semaphore_mem>>)
        %dma_wait3A_105 = arith.constant 0 : i32
        %dma_wait3A_106 = arith.constant 0 : i32
        %dma_wait3A_107 = tpu.memref_slice %arg4[%arg1, %run_scoped3A, %dma_wait3A_105, %dma_wait3A_106] : memref<16x228x2x88xi32, #tpu.memory_space<hbm>> -> memref<1x1x2x88xi32, #tpu.memory_space<hbm>>
        %dma_wait3A_108 = tpu.memref_squeeze %dma_wait3A_107 : memref<1x1x2x88xi32, #tpu.memory_space<hbm>> -> memref<2x88xi32, #tpu.memory_space<hbm>>
        %dma_wait3A_109 = arith.constant 0 : i32
        %dma_wait3A_110 = arith.constant 0 : i32
        %dma_wait3A_111 = tpu.memref_slice %arg4[%arg1, %run_scoped3A, %dma_wait3A_109, %dma_wait3A_110] : memref<16x228x2x88xi32, #tpu.memory_space<hbm>> -> memref<1x1x2x88xi32, #tpu.memory_space<hbm>>
        %dma_wait3A_112 = tpu.memref_squeeze %dma_wait3A_111 : memref<1x1x2x88xi32, #tpu.memory_space<hbm>> -> memref<2x88xi32, #tpu.memory_space<hbm>>
        tpu.wait_dma2 semaphore(%run_scoped3A_96 : memref<!tpu.dma_semaphore, #tpu.memory_space<semaphore_mem>>) src(%dma_wait3A_112 : memref<2x88xi32, #tpu.memory_space<hbm>>) dst(%arg12 : memref<2x88xi32, #tpu.memory_space<vmem>>)
        tpu.yield
      }) : () -> ()
      %run_scoped3A_13 = arith.constant 1 : i32
      "tpu.region"() ({
        %run_scoped3A_96 = tpu.sem_alloc : memref<!tpu.dma_semaphore, #tpu.memory_space<semaphore_mem>>
        %dma_start3A_97 = arith.constant 0 : i32
        %dma_start3A_98 = arith.constant 0 : i32
        %dma_start3A_99 = tpu.memref_slice %arg4[%arg1, %run_scoped3A_13, %dma_start3A_97, %dma_start3A_98] : memref<16x228x2x88xi32, #tpu.memory_space<hbm>> -> memref<1x1x2x88xi32, #tpu.memory_space<hbm>>
        %dma_start3A_100 = tpu.memref_squeeze %dma_start3A_99 : memref<1x1x2x88xi32, #tpu.memory_space<hbm>> -> memref<2x88xi32, #tpu.memory_space<hbm>>
        %dma_start3A_101 = arith.constant 0 : i32
        %dma_start3A_102 = arith.constant 0 : i32
        %dma_start3A_103 = tpu.memref_slice %arg4[%arg1, %run_scoped3A_13, %dma_start3A_101, %dma_start3A_102] : memref<16x228x2x88xi32, #tpu.memory_space<hbm>> -> memref<1x1x2x88xi32, #tpu.memory_space<hbm>>
        %dma_start3A_104 = tpu.memref_squeeze %dma_start3A_103 : memref<1x1x2x88xi32, #tpu.memory_space<hbm>> -> memref<2x88xi32, #tpu.memory_space<hbm>>
        tpu.enqueue_dma source(%dma_start3A_104 : memref<2x88xi32, #tpu.memory_space<hbm>>) target(%arg13 : memref<2x88xi32, #tpu.memory_space<vmem>>) target_semaphore(%run_scoped3A_96 : memref<!tpu.dma_semaphore, #tpu.memory_space<semaphore_mem>>)
        %dma_wait3A_105 = arith.constant 0 : i32
        %dma_wait3A_106 = arith.constant 0 : i32
        %dma_wait3A_107 = tpu.memref_slice %arg4[%arg1, %run_scoped3A_13, %dma_wait3A_105, %dma_wait3A_106] : memref<16x228x2x88xi32, #tpu.memory_space<hbm>> -> memref<1x1x2x88xi32, #tpu.memory_space<hbm>>
        %dma_wait3A_108 = tpu.memref_squeeze %dma_wait3A_107 : memref<1x1x2x88xi32, #tpu.memory_space<hbm>> -> memref<2x88xi32, #tpu.memory_space<hbm>>
        %dma_wait3A_109 = arith.constant 0 : i32
        %dma_wait3A_110 = arith.constant 0 : i32
        %dma_wait3A_111 = tpu.memref_slice %arg4[%arg1, %run_scoped3A_13, %dma_wait3A_109, %dma_wait3A_110] : memref<16x228x2x88xi32, #tpu.memory_space<hbm>> -> memref<1x1x2x88xi32, #tpu.memory_space<hbm>>
        %dma_wait3A_112 = tpu.memref_squeeze %dma_wait3A_111 : memref<1x1x2x88xi32, #tpu.memory_space<hbm>> -> memref<2x88xi32, #tpu.memory_space<hbm>>
        tpu.wait_dma2 semaphore(%run_scoped3A_96 : memref<!tpu.dma_semaphore, #tpu.memory_space<semaphore_mem>>) src(%dma_wait3A_112 : memref<2x88xi32, #tpu.memory_space<hbm>>) dst(%arg13 : memref<2x88xi32, #tpu.memory_space<vmem>>)
        tpu.yield
      }) : () -> ()
      %run_scoped3A_14 = arith.constant 2 : i32
      "tpu.region"() ({
        %run_scoped3A_96 = tpu.sem_alloc : memref<!tpu.dma_semaphore, #tpu.memory_space<semaphore_mem>>
        %dma_start3A_97 = arith.constant 0 : i32
        %dma_start3A_98 = arith.constant 0 : i32
        %dma_start3A_99 = tpu.memref_slice %arg4[%arg1, %run_scoped3A_14, %dma_start3A_97, %dma_start3A_98] : memref<16x228x2x88xi32, #tpu.memory_space<hbm>> -> memref<1x1x2x88xi32, #tpu.memory_space<hbm>>
        %dma_start3A_100 = tpu.memref_squeeze %dma_start3A_99 : memref<1x1x2x88xi32, #tpu.memory_space<hbm>> -> memref<2x88xi32, #tpu.memory_space<hbm>>
        %dma_start3A_101 = arith.constant 0 : i32
        %dma_start3A_102 = arith.constant 0 : i32
        %dma_start3A_103 = tpu.memref_slice %arg4[%arg1, %run_scoped3A_14, %dma_start3A_101, %dma_start3A_102] : memref<16x228x2x88xi32, #tpu.memory_space<hbm>> -> memref<1x1x2x88xi32, #tpu.memory_space<hbm>>
        %dma_start3A_104 = tpu.memref_squeeze %dma_start3A_103 : memref<1x1x2x88xi32, #tpu.memory_space<hbm>> -> memref<2x88xi32, #tpu.memory_space<hbm>>
        tpu.enqueue_dma source(%dma_start3A_104 : memref<2x88xi32, #tpu.memory_space<hbm>>) target(%arg14 : memref<2x88xi32, #tpu.memory_space<vmem>>) target_semaphore(%run_scoped3A_96 : memref<!tpu.dma_semaphore, #tpu.memory_space<semaphore_mem>>)
        %dma_wait3A_105 = arith.constant 0 : i32
        %dma_wait3A_106 = arith.constant 0 : i32
        %dma_wait3A_107 = tpu.memref_slice %arg4[%arg1, %run_scoped3A_14, %dma_wait3A_105, %dma_wait3A_106] : memref<16x228x2x88xi32, #tpu.memory_space<hbm>> -> memref<1x1x2x88xi32, #tpu.memory_space<hbm>>
        %dma_wait3A_108 = tpu.memref_squeeze %dma_wait3A_107 : memref<1x1x2x88xi32, #tpu.memory_space<hbm>> -> memref<2x88xi32, #tpu.memory_space<hbm>>
        %dma_wait3A_109 = arith.constant 0 : i32
        %dma_wait3A_110 = arith.constant 0 : i32
        %dma_wait3A_111 = tpu.memref_slice %arg4[%arg1, %run_scoped3A_14, %dma_wait3A_109, %dma_wait3A_110] : memref<16x228x2x88xi32, #tpu.memory_space<hbm>> -> memref<1x1x2x88xi32, #tpu.memory_space<hbm>>
        %dma_wait3A_112 = tpu.memref_squeeze %dma_wait3A_111 : memref<1x1x2x88xi32, #tpu.memory_space<hbm>> -> memref<2x88xi32, #tpu.memory_space<hbm>>
        tpu.wait_dma2 semaphore(%run_scoped3A_96 : memref<!tpu.dma_semaphore, #tpu.memory_space<semaphore_mem>>) src(%dma_wait3A_112 : memref<2x88xi32, #tpu.memory_space<hbm>>) dst(%arg14 : memref<2x88xi32, #tpu.memory_space<vmem>>)
        tpu.yield
      }) : () -> ()
      %dma_start3A = arith.constant 3 : i32
      %dma_start3A_15 = arith.constant 0 : i32
      %dma_start3A_16 = arith.constant 0 : i32
      %dma_start3A_17 = tpu.memref_slice %arg4[%arg1, %dma_start3A, %dma_start3A_15, %dma_start3A_16] : memref<16x228x2x88xi32, #tpu.memory_space<hbm>> -> memref<1x1x2x88xi32, #tpu.memory_space<hbm>>
      %dma_start3A_18 = tpu.memref_squeeze %dma_start3A_17 : memref<1x1x2x88xi32, #tpu.memory_space<hbm>> -> memref<2x88xi32, #tpu.memory_space<hbm>>
      %dma_start3A_19 = arith.constant 0 : i32
      %dma_start3A_20 = arith.constant 0 : i32
      %dma_start3A_21 = tpu.memref_slice %arg4[%arg1, %dma_start3A, %dma_start3A_19, %dma_start3A_20] : memref<16x228x2x88xi32, #tpu.memory_space<hbm>> -> memref<1x1x2x88xi32, #tpu.memory_space<hbm>>
      %dma_start3A_22 = tpu.memref_squeeze %dma_start3A_21 : memref<1x1x2x88xi32, #tpu.memory_space<hbm>> -> memref<2x88xi32, #tpu.memory_space<hbm>>
      tpu.enqueue_dma source(%dma_start3A_22 : memref<2x88xi32, #tpu.memory_space<hbm>>) target(%arg15 : memref<2x88xi32, #tpu.memory_space<vmem>>) target_semaphore(%arg24 : memref<!tpu.dma_semaphore, #tpu.memory_space<semaphore_mem>>)
      %dma_start3A_23 = arith.constant 0 : i32
      %dma_start3A_24 = arith.constant 0 : i32
      %dma_start3A_25 = tpu.memref_slice %arg12[%dma_start3A_23, %dma_start3A_24] : memref<2x88xi32, #tpu.memory_space<vmem>> -> memref<1x88xi32, #tpu.memory_space<vmem>>
      %dma_start3A_26 = tpu.memref_squeeze %dma_start3A_25 : memref<1x88xi32, #tpu.memory_space<vmem>> -> memref<88xi32, #tpu.memory_space<vmem>>
      %dma_start3A_27 = arith.constant 0 : i32
      %dma_start3A_28 = arith.constant 0 : i32
      %dma_start3A_29 = tpu.memref_slice %arg2[%dma_start3A_27, %dma_start3A_28] : memref<10000x128xf32, #tpu.memory_space<hbm>> -> memref<10000x128xf32, #tpu.memory_space<hbm>>
      tpu.enqueue_indirect_dma source(%dma_start3A_29 : memref<10000x128xf32, #tpu.memory_space<hbm>>) target(%arg8 : memref<88x128xf32, #tpu.memory_space<vmem>>) offsets(%dma_start3A_26 : memref<88xi32, #tpu.memory_space<vmem>>) semaphore(%arg17 : memref<!tpu.dma_semaphore, #tpu.memory_space<semaphore_mem>>)
      %dma_start3A_30 = arith.constant 0 : i32
      %dma_start3A_31 = arith.constant 0 : i32
      %dma_start3A_32 = tpu.memref_slice %arg13[%dma_start3A_30, %dma_start3A_31] : memref<2x88xi32, #tpu.memory_space<vmem>> -> memref<1x88xi32, #tpu.memory_space<vmem>>
      %dma_start3A_33 = tpu.memref_squeeze %dma_start3A_32 : memref<1x88xi32, #tpu.memory_space<vmem>> -> memref<88xi32, #tpu.memory_space<vmem>>
      %dma_start3A_34 = arith.constant 0 : i32
      %dma_start3A_35 = arith.constant 0 : i32
      %dma_start3A_36 = tpu.memref_slice %arg2[%dma_start3A_34, %dma_start3A_35] : memref<10000x128xf32, #tpu.memory_space<hbm>> -> memref<10000x128xf32, #tpu.memory_space<hbm>>
      tpu.enqueue_indirect_dma source(%dma_start3A_36 : memref<10000x128xf32, #tpu.memory_space<hbm>>) target(%arg9 : memref<88x128xf32, #tpu.memory_space<vmem>>) offsets(%dma_start3A_33 : memref<88xi32, #tpu.memory_space<vmem>>) semaphore(%arg18 : memref<!tpu.dma_semaphore, #tpu.memory_space<semaphore_mem>>)
      %dma_start3A_37 = arith.constant 0 : i32
      %dma_start3A_38 = arith.constant 0 : i32
      %dma_start3A_39 = tpu.memref_slice %arg14[%dma_start3A_37, %dma_start3A_38] : memref<2x88xi32, #tpu.memory_space<vmem>> -> memref<1x88xi32, #tpu.memory_space<vmem>>
      %dma_start3A_40 = tpu.memref_squeeze %dma_start3A_39 : memref<1x88xi32, #tpu.memory_space<vmem>> -> memref<88xi32, #tpu.memory_space<vmem>>
      %dma_start3A_41 = arith.constant 0 : i32
      %dma_start3A_42 = arith.constant 0 : i32
      %dma_start3A_43 = tpu.memref_slice %arg2[%dma_start3A_41, %dma_start3A_42] : memref<10000x128xf32, #tpu.memory_space<hbm>> -> memref<10000x128xf32, #tpu.memory_space<hbm>>
      tpu.enqueue_indirect_dma source(%dma_start3A_43 : memref<10000x128xf32, #tpu.memory_space<hbm>>) target(%arg10 : memref<88x128xf32, #tpu.memory_space<vmem>>) offsets(%dma_start3A_40 : memref<88xi32, #tpu.memory_space<vmem>>) semaphore(%arg19 : memref<!tpu.dma_semaphore, #tpu.memory_space<semaphore_mem>>)
      %scan3A = arith.constant 0 : i32
      %scan3A_44 = arith.constant 0 : i32
      %scan3A_45 = arith.constant 56 : i32
      %scan3A_46 = arith.addi %scan3A_44, %scan3A_45 : i32
      %scan3A_47 = arith.constant 1 : i32
      scf.for %scan3A_96 = %scan3A_44 to %scan3A_46 step %scan3A_47  : i32 {
        %mul3A_97 = arith.constant 4 : i32
        %mul3A_98 = arith.muli %mul3A_97, %scan3A_96 : i32
        %add3A = arith.constant 0 : i32
        %add3A_99 = arith.addi %mul3A_98, %add3A : i32
        %add3A_100 = arith.constant 4 : i32
        %add3A_101 = arith.addi %add3A_99, %add3A_100 : i32
        %sub3A = arith.constant 1 : i32
        %sub3A_102 = arith.subi %add3A_101, %sub3A : i32
        %dma_wait3A_103 = arith.constant 0 : i32
        %dma_wait3A_104 = arith.constant 0 : i32
        %dma_wait3A_105 = tpu.memref_slice %arg4[%arg1, %sub3A_102, %dma_wait3A_103, %dma_wait3A_104] : memref<16x228x2x88xi32, #tpu.memory_space<hbm>> -> memref<1x1x2x88xi32, #tpu.memory_space<hbm>>
        %dma_wait3A_106 = tpu.memref_squeeze %dma_wait3A_105 : memref<1x1x2x88xi32, #tpu.memory_space<hbm>> -> memref<2x88xi32, #tpu.memory_space<hbm>>
        %dma_wait3A_107 = arith.constant 0 : i32
        %dma_wait3A_108 = arith.constant 0 : i32
        %dma_wait3A_109 = tpu.memref_slice %arg4[%arg1, %sub3A_102, %dma_wait3A_107, %dma_wait3A_108] : memref<16x228x2x88xi32, #tpu.memory_space<hbm>> -> memref<1x1x2x88xi32, #tpu.memory_space<hbm>>
        %dma_wait3A_110 = tpu.memref_squeeze %dma_wait3A_109 : memref<1x1x2x88xi32, #tpu.memory_space<hbm>> -> memref<2x88xi32, #tpu.memory_space<hbm>>
        tpu.wait_dma2 semaphore(%arg24 : memref<!tpu.dma_semaphore, #tpu.memory_space<semaphore_mem>>) src(%dma_wait3A_110 : memref<2x88xi32, #tpu.memory_space<hbm>>) dst(%arg15 : memref<2x88xi32, #tpu.memory_space<vmem>>)
        %dma_start3A_111 = arith.constant 0 : i32
        %dma_start3A_112 = arith.constant 0 : i32
        %dma_start3A_113 = tpu.memref_slice %arg15[%dma_start3A_111, %dma_start3A_112] : memref<2x88xi32, #tpu.memory_space<vmem>> -> memref<1x88xi32, #tpu.memory_space<vmem>>
        %dma_start3A_114 = tpu.memref_squeeze %dma_start3A_113 : memref<1x88xi32, #tpu.memory_space<vmem>> -> memref<88xi32, #tpu.memory_space<vmem>>
        %dma_start3A_115 = arith.constant 0 : i32
        %dma_start3A_116 = arith.constant 0 : i32
        %dma_start3A_117 = tpu.memref_slice %arg2[%dma_start3A_115, %dma_start3A_116] : memref<10000x128xf32, #tpu.memory_space<hbm>> -> memref<10000x128xf32, #tpu.memory_space<hbm>>
        tpu.enqueue_indirect_dma source(%dma_start3A_117 : memref<10000x128xf32, #tpu.memory_space<hbm>>) target(%arg11 : memref<88x128xf32, #tpu.memory_space<vmem>>) offsets(%dma_start3A_114 : memref<88xi32, #tpu.memory_space<vmem>>) semaphore(%arg20 : memref<!tpu.dma_semaphore, #tpu.memory_space<semaphore_mem>>)
        %dma_wait3A_118 = arith.constant 0 : i32
        %dma_wait3A_119 = arith.constant 0 : i32
        %dma_wait3A_120 = tpu.memref_slice %arg12[%dma_wait3A_118, %dma_wait3A_119] : memref<2x88xi32, #tpu.memory_space<vmem>> -> memref<1x88xi32, #tpu.memory_space<vmem>>
        %dma_wait3A_121 = tpu.memref_squeeze %dma_wait3A_120 : memref<1x88xi32, #tpu.memory_space<vmem>> -> memref<88xi32, #tpu.memory_space<vmem>>
        %dma_wait3A_122 = arith.constant 0 : i32
        %dma_wait3A_123 = arith.constant 0 : i32
        %dma_wait3A_124 = tpu.memref_slice %arg2[%dma_wait3A_122, %dma_wait3A_123] : memref<10000x128xf32, #tpu.memory_space<hbm>> -> memref<10000x128xf32, #tpu.memory_space<hbm>>
        tpu.wait_indirect_dma semaphore(%arg17 : memref<!tpu.dma_semaphore, #tpu.memory_space<semaphore_mem>>) src(%dma_wait3A_124 : memref<10000x128xf32, #tpu.memory_space<hbm>>) dst(%arg8 : memref<88x128xf32, #tpu.memory_space<vmem>>)
        %run_scoped3A_125 = arith.constant 1 : i32
        "tpu.region"() ({
          %run_scoped3A_253 = tpu.sem_alloc : memref<!tpu.dma_semaphore, #tpu.memory_space<semaphore_mem>>
          %dma_start3A_254 = arith.constant 0 : i32
          %dma_start3A_255 = tpu.memref_slice %arg12[%run_scoped3A_125, %dma_start3A_254] : memref<2x88xi32, #tpu.memory_space<vmem>> -> memref<1x88xi32, #tpu.memory_space<vmem>>
          %dma_start3A_256 = tpu.memref_squeeze %dma_start3A_255 : memref<1x88xi32, #tpu.memory_space<vmem>> -> memref<88xi32, #tpu.memory_space<vmem>>
          %dma_start3A_257 = arith.constant 0 : i32
          %dma_start3A_258 = arith.constant 0 : i32
          %dma_start3A_259 = tpu.memref_slice %arg16[%dma_start3A_257, %dma_start3A_258] : memref<10240x128xf32, #tpu.memory_space<vmem_shared>> -> memref<10240x128xf32, #tpu.memory_space<vmem_shared>>
          tpu.enqueue_indirect_dma source(%arg8 : memref<88x128xf32, #tpu.memory_space<vmem>>) target(%dma_start3A_259 : memref<10240x128xf32, #tpu.memory_space<vmem_shared>>) offsets(%dma_start3A_256 : memref<88xi32, #tpu.memory_space<vmem>>) semaphore(%run_scoped3A_253 : memref<!tpu.dma_semaphore, #tpu.memory_space<semaphore_mem>>) {add = true}
          %dma_wait3A_260 = arith.constant 0 : i32
          %dma_wait3A_261 = tpu.memref_slice %arg12[%run_scoped3A_125, %dma_wait3A_260] : memref<2x88xi32, #tpu.memory_space<vmem>> -> memref<1x88xi32, #tpu.memory_space<vmem>>
          %dma_wait3A_262 = tpu.memref_squeeze %dma_wait3A_261 : memref<1x88xi32, #tpu.memory_space<vmem>> -> memref<88xi32, #tpu.memory_space<vmem>>
          %dma_wait3A_263 = arith.constant 0 : i32
          %dma_wait3A_264 = arith.constant 0 : i32
          %dma_wait3A_265 = tpu.memref_slice %arg16[%dma_wait3A_263, %dma_wait3A_264] : memref<10240x128xf32, #tpu.memory_space<vmem_shared>> -> memref<10240x128xf32, #tpu.memory_space<vmem_shared>>
          tpu.wait_indirect_dma semaphore(%run_scoped3A_253 : memref<!tpu.dma_semaphore, #tpu.memory_space<semaphore_mem>>) src(%arg8 : memref<88x128xf32, #tpu.memory_space<vmem>>) dst(%dma_wait3A_265 : memref<10240x128xf32, #tpu.memory_space<vmem_shared>>)
          tpu.yield
        }) : () -> ()
        %add3A_126 = arith.constant 4 : i32
        %add3A_127 = arith.addi %add3A_99, %add3A_126 : i32
        %dma_start3A_128 = arith.constant 0 : i32
        %dma_start3A_129 = arith.constant 0 : i32
        %dma_start3A_130 = tpu.memref_slice %arg4[%arg1, %add3A_127, %dma_start3A_128, %dma_start3A_129] : memref<16x228x2x88xi32, #tpu.memory_space<hbm>> -> memref<1x1x2x88xi32, #tpu.memory_space<hbm>>
        %dma_start3A_131 = tpu.memref_squeeze %dma_start3A_130 : memref<1x1x2x88xi32, #tpu.memory_space<hbm>> -> memref<2x88xi32, #tpu.memory_space<hbm>>
        %dma_start3A_132 = arith.constant 0 : i32
        %dma_start3A_133 = arith.constant 0 : i32
        %dma_start3A_134 = tpu.memref_slice %arg4[%arg1, %add3A_127, %dma_start3A_132, %dma_start3A_133] : memref<16x228x2x88xi32, #tpu.memory_space<hbm>> -> memref<1x1x2x88xi32, #tpu.memory_space<hbm>>
        %dma_start3A_135 = tpu.memref_squeeze %dma_start3A_134 : memref<1x1x2x88xi32, #tpu.memory_space<hbm>> -> memref<2x88xi32, #tpu.memory_space<hbm>>
        tpu.enqueue_dma source(%dma_start3A_135 : memref<2x88xi32, #tpu.memory_space<hbm>>) target(%arg12 : memref<2x88xi32, #tpu.memory_space<vmem>>) target_semaphore(%arg21 : memref<!tpu.dma_semaphore, #tpu.memory_space<semaphore_mem>>)
        %add3A_136 = arith.constant 1 : i32
        %add3A_137 = arith.addi %mul3A_98, %add3A_136 : i32
        %add3A_138 = arith.constant 4 : i32
        %add3A_139 = arith.addi %add3A_137, %add3A_138 : i32
        %sub3A_140 = arith.constant 1 : i32
        %sub3A_141 = arith.subi %add3A_139, %sub3A_140 : i32
        %dma_wait3A_142 = arith.constant 0 : i32
        %dma_wait3A_143 = arith.constant 0 : i32
        %dma_wait3A_144 = tpu.memref_slice %arg4[%arg1, %sub3A_141, %dma_wait3A_142, %dma_wait3A_143] : memref<16x228x2x88xi32, #tpu.memory_space<hbm>> -> memref<1x1x2x88xi32, #tpu.memory_space<hbm>>
        %dma_wait3A_145 = tpu.memref_squeeze %dma_wait3A_144 : memref<1x1x2x88xi32, #tpu.memory_space<hbm>> -> memref<2x88xi32, #tpu.memory_space<hbm>>
        %dma_wait3A_146 = arith.constant 0 : i32
        %dma_wait3A_147 = arith.constant 0 : i32
        %dma_wait3A_148 = tpu.memref_slice %arg4[%arg1, %sub3A_141, %dma_wait3A_146, %dma_wait3A_147] : memref<16x228x2x88xi32, #tpu.memory_space<hbm>> -> memref<1x1x2x88xi32, #tpu.memory_space<hbm>>
        %dma_wait3A_149 = tpu.memref_squeeze %dma_wait3A_148 : memref<1x1x2x88xi32, #tpu.memory_space<hbm>> -> memref<2x88xi32, #tpu.memory_space<hbm>>
        tpu.wait_dma2 semaphore(%arg21 : memref<!tpu.dma_semaphore, #tpu.memory_space<semaphore_mem>>) src(%dma_wait3A_149 : memref<2x88xi32, #tpu.memory_space<hbm>>) dst(%arg12 : memref<2x88xi32, #tpu.memory_space<vmem>>)
        %dma_start3A_150 = arith.constant 0 : i32
        %dma_start3A_151 = arith.constant 0 : i32
        %dma_start3A_152 = tpu.memref_slice %arg12[%dma_start3A_150, %dma_start3A_151] : memref<2x88xi32, #tpu.memory_space<vmem>> -> memref<1x88xi32, #tpu.memory_space<vmem>>
        %dma_start3A_153 = tpu.memref_squeeze %dma_start3A_152 : memref<1x88xi32, #tpu.memory_space<vmem>> -> memref<88xi32, #tpu.memory_space<vmem>>
        %dma_start3A_154 = arith.constant 0 : i32
        %dma_start3A_155 = arith.constant 0 : i32
        %dma_start3A_156 = tpu.memref_slice %arg2[%dma_start3A_154, %dma_start3A_155] : memref<10000x128xf32, #tpu.memory_space<hbm>> -> memref<10000x128xf32, #tpu.memory_space<hbm>>
        tpu.enqueue_indirect_dma source(%dma_start3A_156 : memref<10000x128xf32, #tpu.memory_space<hbm>>) target(%arg8 : memref<88x128xf32, #tpu.memory_space<vmem>>) offsets(%dma_start3A_153 : memref<88xi32, #tpu.memory_space<vmem>>) semaphore(%arg17 : memref<!tpu.dma_semaphore, #tpu.memory_space<semaphore_mem>>)
        %dma_wait3A_157 = arith.constant 0 : i32
        %dma_wait3A_158 = arith.constant 0 : i32
        %dma_wait3A_159 = tpu.memref_slice %arg13[%dma_wait3A_157, %dma_wait3A_158] : memref<2x88xi32, #tpu.memory_space<vmem>> -> memref<1x88xi32, #tpu.memory_space<vmem>>
        %dma_wait3A_160 = tpu.memref_squeeze %dma_wait3A_159 : memref<1x88xi32, #tpu.memory_space<vmem>> -> memref<88xi32, #tpu.memory_space<vmem>>
        %dma_wait3A_161 = arith.constant 0 : i32
        %dma_wait3A_162 = arith.constant 0 : i32
        %dma_wait3A_163 = tpu.memref_slice %arg2[%dma_wait3A_161, %dma_wait3A_162] : memref<10000x128xf32, #tpu.memory_space<hbm>> -> memref<10000x128xf32, #tpu.memory_space<hbm>>
        tpu.wait_indirect_dma semaphore(%arg18 : memref<!tpu.dma_semaphore, #tpu.memory_space<semaphore_mem>>) src(%dma_wait3A_163 : memref<10000x128xf32, #tpu.memory_space<hbm>>) dst(%arg9 : memref<88x128xf32, #tpu.memory_space<vmem>>)
        %run_scoped3A_164 = arith.constant 1 : i32
        "tpu.region"() ({
          %run_scoped3A_253 = tpu.sem_alloc : memref<!tpu.dma_semaphore, #tpu.memory_space<semaphore_mem>>
          %dma_start3A_254 = arith.constant 0 : i32
          %dma_start3A_255 = tpu.memref_slice %arg13[%run_scoped3A_164, %dma_start3A_254] : memref<2x88xi32, #tpu.memory_space<vmem>> -> memref<1x88xi32, #tpu.memory_space<vmem>>
          %dma_start3A_256 = tpu.memref_squeeze %dma_start3A_255 : memref<1x88xi32, #tpu.memory_space<vmem>> -> memref<88xi32, #tpu.memory_space<vmem>>
          %dma_start3A_257 = arith.constant 0 : i32
          %dma_start3A_258 = arith.constant 0 : i32
          %dma_start3A_259 = tpu.memref_slice %arg16[%dma_start3A_257, %dma_start3A_258] : memref<10240x128xf32, #tpu.memory_space<vmem_shared>> -> memref<10240x128xf32, #tpu.memory_space<vmem_shared>>
          tpu.enqueue_indirect_dma source(%arg9 : memref<88x128xf32, #tpu.memory_space<vmem>>) target(%dma_start3A_259 : memref<10240x128xf32, #tpu.memory_space<vmem_shared>>) offsets(%dma_start3A_256 : memref<88xi32, #tpu.memory_space<vmem>>) semaphore(%run_scoped3A_253 : memref<!tpu.dma_semaphore, #tpu.memory_space<semaphore_mem>>) {add = true}
          %dma_wait3A_260 = arith.constant 0 : i32
          %dma_wait3A_261 = tpu.memref_slice %arg13[%run_scoped3A_164, %dma_wait3A_260] : memref<2x88xi32, #tpu.memory_space<vmem>> -> memref<1x88xi32, #tpu.memory_space<vmem>>
          %dma_wait3A_262 = tpu.memref_squeeze %dma_wait3A_261 : memref<1x88xi32, #tpu.memory_space<vmem>> -> memref<88xi32, #tpu.memory_space<vmem>>
          %dma_wait3A_263 = arith.constant 0 : i32
          %dma_wait3A_264 = arith.constant 0 : i32
          %dma_wait3A_265 = tpu.memref_slice %arg16[%dma_wait3A_263, %dma_wait3A_264] : memref<10240x128xf32, #tpu.memory_space<vmem_shared>> -> memref<10240x128xf32, #tpu.memory_space<vmem_shared>>
          tpu.wait_indirect_dma semaphore(%run_scoped3A_253 : memref<!tpu.dma_semaphore, #tpu.memory_space<semaphore_mem>>) src(%arg9 : memref<88x128xf32, #tpu.memory_space<vmem>>) dst(%dma_wait3A_265 : memref<10240x128xf32, #tpu.memory_space<vmem_shared>>)
          tpu.yield
        }) : () -> ()
        %add3A_165 = arith.constant 4 : i32
        %add3A_166 = arith.addi %add3A_137, %add3A_165 : i32
        %dma_start3A_167 = arith.constant 0 : i32
        %dma_start3A_168 = arith.constant 0 : i32
        %dma_start3A_169 = tpu.memref_slice %arg4[%arg1, %add3A_166, %dma_start3A_167, %dma_start3A_168] : memref<16x228x2x88xi32, #tpu.memory_space<hbm>> -> memref<1x1x2x88xi32, #tpu.memory_space<hbm>>
        %dma_start3A_170 = tpu.memref_squeeze %dma_start3A_169 : memref<1x1x2x88xi32, #tpu.memory_space<hbm>> -> memref<2x88xi32, #tpu.memory_space<hbm>>
        %dma_start3A_171 = arith.constant 0 : i32
        %dma_start3A_172 = arith.constant 0 : i32
        %dma_start3A_173 = tpu.memref_slice %arg4[%arg1, %add3A_166, %dma_start3A_171, %dma_start3A_172] : memref<16x228x2x88xi32, #tpu.memory_space<hbm>> -> memref<1x1x2x88xi32, #tpu.memory_space<hbm>>
        %dma_start3A_174 = tpu.memref_squeeze %dma_start3A_173 : memref<1x1x2x88xi32, #tpu.memory_space<hbm>> -> memref<2x88xi32, #tpu.memory_space<hbm>>
        tpu.enqueue_dma source(%dma_start3A_174 : memref<2x88xi32, #tpu.memory_space<hbm>>) target(%arg13 : memref<2x88xi32, #tpu.memory_space<vmem>>) target_semaphore(%arg22 : memref<!tpu.dma_semaphore, #tpu.memory_space<semaphore_mem>>)
        %add3A_175 = arith.constant 2 : i32
        %add3A_176 = arith.addi %mul3A_98, %add3A_175 : i32
        %add3A_177 = arith.constant 4 : i32
        %add3A_178 = arith.addi %add3A_176, %add3A_177 : i32
        %sub3A_179 = arith.constant 1 : i32
        %sub3A_180 = arith.subi %add3A_178, %sub3A_179 : i32
        %dma_wait3A_181 = arith.constant 0 : i32
        %dma_wait3A_182 = arith.constant 0 : i32
        %dma_wait3A_183 = tpu.memref_slice %arg4[%arg1, %sub3A_180, %dma_wait3A_181, %dma_wait3A_182] : memref<16x228x2x88xi32, #tpu.memory_space<hbm>> -> memref<1x1x2x88xi32, #tpu.memory_space<hbm>>
        %dma_wait3A_184 = tpu.memref_squeeze %dma_wait3A_183 : memref<1x1x2x88xi32, #tpu.memory_space<hbm>> -> memref<2x88xi32, #tpu.memory_space<hbm>>
        %dma_wait3A_185 = arith.constant 0 : i32
        %dma_wait3A_186 = arith.constant 0 : i32
        %dma_wait3A_187 = tpu.memref_slice %arg4[%arg1, %sub3A_180, %dma_wait3A_185, %dma_wait3A_186] : memref<16x228x2x88xi32, #tpu.memory_space<hbm>> -> memref<1x1x2x88xi32, #tpu.memory_space<hbm>>
        %dma_wait3A_188 = tpu.memref_squeeze %dma_wait3A_187 : memref<1x1x2x88xi32, #tpu.memory_space<hbm>> -> memref<2x88xi32, #tpu.memory_space<hbm>>
        tpu.wait_dma2 semaphore(%arg22 : memref<!tpu.dma_semaphore, #tpu.memory_space<semaphore_mem>>) src(%dma_wait3A_188 : memref<2x88xi32, #tpu.memory_space<hbm>>) dst(%arg13 : memref<2x88xi32, #tpu.memory_space<vmem>>)
        %dma_start3A_189 = arith.constant 0 : i32
        %dma_start3A_190 = arith.constant 0 : i32
        %dma_start3A_191 = tpu.memref_slice %arg13[%dma_start3A_189, %dma_start3A_190] : memref<2x88xi32, #tpu.memory_space<vmem>> -> memref<1x88xi32, #tpu.memory_space<vmem>>
        %dma_start3A_192 = tpu.memref_squeeze %dma_start3A_191 : memref<1x88xi32, #tpu.memory_space<vmem>> -> memref<88xi32, #tpu.memory_space<vmem>>
        %dma_start3A_193 = arith.constant 0 : i32
        %dma_start3A_194 = arith.constant 0 : i32
        %dma_start3A_195 = tpu.memref_slice %arg2[%dma_start3A_193, %dma_start3A_194] : memref<10000x128xf32, #tpu.memory_space<hbm>> -> memref<10000x128xf32, #tpu.memory_space<hbm>>
        tpu.enqueue_indirect_dma source(%dma_start3A_195 : memref<10000x128xf32, #tpu.memory_space<hbm>>) target(%arg9 : memref<88x128xf32, #tpu.memory_space<vmem>>) offsets(%dma_start3A_192 : memref<88xi32, #tpu.memory_space<vmem>>) semaphore(%arg18 : memref<!tpu.dma_semaphore, #tpu.memory_space<semaphore_mem>>)
        %dma_wait3A_196 = arith.constant 0 : i32
        %dma_wait3A_197 = arith.constant 0 : i32
        %dma_wait3A_198 = tpu.memref_slice %arg14[%dma_wait3A_196, %dma_wait3A_197] : memref<2x88xi32, #tpu.memory_space<vmem>> -> memref<1x88xi32, #tpu.memory_space<vmem>>
        %dma_wait3A_199 = tpu.memref_squeeze %dma_wait3A_198 : memref<1x88xi32, #tpu.memory_space<vmem>> -> memref<88xi32, #tpu.memory_space<vmem>>
        %dma_wait3A_200 = arith.constant 0 : i32
        %dma_wait3A_201 = arith.constant 0 : i32
        %dma_wait3A_202 = tpu.memref_slice %arg2[%dma_wait3A_200, %dma_wait3A_201] : memref<10000x128xf32, #tpu.memory_space<hbm>> -> memref<10000x128xf32, #tpu.memory_space<hbm>>
        tpu.wait_indirect_dma semaphore(%arg19 : memref<!tpu.dma_semaphore, #tpu.memory_space<semaphore_mem>>) src(%dma_wait3A_202 : memref<10000x128xf32, #tpu.memory_space<hbm>>) dst(%arg10 : memref<88x128xf32, #tpu.memory_space<vmem>>)
        %run_scoped3A_203 = arith.constant 1 : i32
        "tpu.region"() ({
          %run_scoped3A_253 = tpu.sem_alloc : memref<!tpu.dma_semaphore, #tpu.memory_space<semaphore_mem>>
          %dma_start3A_254 = arith.constant 0 : i32
          %dma_start3A_255 = tpu.memref_slice %arg14[%run_scoped3A_203, %dma_start3A_254] : memref<2x88xi32, #tpu.memory_space<vmem>> -> memref<1x88xi32, #tpu.memory_space<vmem>>
          %dma_start3A_256 = tpu.memref_squeeze %dma_start3A_255 : memref<1x88xi32, #tpu.memory_space<vmem>> -> memref<88xi32, #tpu.memory_space<vmem>>
          %dma_start3A_257 = arith.constant 0 : i32
          %dma_start3A_258 = arith.constant 0 : i32
          %dma_start3A_259 = tpu.memref_slice %arg16[%dma_start3A_257, %dma_start3A_258] : memref<10240x128xf32, #tpu.memory_space<vmem_shared>> -> memref<10240x128xf32, #tpu.memory_space<vmem_shared>>
          tpu.enqueue_indirect_dma source(%arg10 : memref<88x128xf32, #tpu.memory_space<vmem>>) target(%dma_start3A_259 : memref<10240x128xf32, #tpu.memory_space<vmem_shared>>) offsets(%dma_start3A_256 : memref<88xi32, #tpu.memory_space<vmem>>) semaphore(%run_scoped3A_253 : memref<!tpu.dma_semaphore, #tpu.memory_space<semaphore_mem>>) {add = true}
          %dma_wait3A_260 = arith.constant 0 : i32
          %dma_wait3A_261 = tpu.memref_slice %arg14[%run_scoped3A_203, %dma_wait3A_260] : memref<2x88xi32, #tpu.memory_space<vmem>> -> memref<1x88xi32, #tpu.memory_space<vmem>>
          %dma_wait3A_262 = tpu.memref_squeeze %dma_wait3A_261 : memref<1x88xi32, #tpu.memory_space<vmem>> -> memref<88xi32, #tpu.memory_space<vmem>>
          %dma_wait3A_263 = arith.constant 0 : i32
          %dma_wait3A_264 = arith.constant 0 : i32
          %dma_wait3A_265 = tpu.memref_slice %arg16[%dma_wait3A_263, %dma_wait3A_264] : memref<10240x128xf32, #tpu.memory_space<vmem_shared>> -> memref<10240x128xf32, #tpu.memory_space<vmem_shared>>
          tpu.wait_indirect_dma semaphore(%run_scoped3A_253 : memref<!tpu.dma_semaphore, #tpu.memory_space<semaphore_mem>>) src(%arg10 : memref<88x128xf32, #tpu.memory_space<vmem>>) dst(%dma_wait3A_265 : memref<10240x128xf32, #tpu.memory_space<vmem_shared>>)
          tpu.yield
        }) : () -> ()
        %add3A_204 = arith.constant 4 : i32
        %add3A_205 = arith.addi %add3A_176, %add3A_204 : i32
        %dma_start3A_206 = arith.constant 0 : i32
        %dma_start3A_207 = arith.constant 0 : i32
        %dma_start3A_208 = tpu.memref_slice %arg4[%arg1, %add3A_205, %dma_start3A_206, %dma_start3A_207] : memref<16x228x2x88xi32, #tpu.memory_space<hbm>> -> memref<1x1x2x88xi32, #tpu.memory_space<hbm>>
        %dma_start3A_209 = tpu.memref_squeeze %dma_start3A_208 : memref<1x1x2x88xi32, #tpu.memory_space<hbm>> -> memref<2x88xi32, #tpu.memory_space<hbm>>
        %dma_start3A_210 = arith.constant 0 : i32
        %dma_start3A_211 = arith.constant 0 : i32
        %dma_start3A_212 = tpu.memref_slice %arg4[%arg1, %add3A_205, %dma_start3A_210, %dma_start3A_211] : memref<16x228x2x88xi32, #tpu.memory_space<hbm>> -> memref<1x1x2x88xi32, #tpu.memory_space<hbm>>
        %dma_start3A_213 = tpu.memref_squeeze %dma_start3A_212 : memref<1x1x2x88xi32, #tpu.memory_space<hbm>> -> memref<2x88xi32, #tpu.memory_space<hbm>>
        tpu.enqueue_dma source(%dma_start3A_213 : memref<2x88xi32, #tpu.memory_space<hbm>>) target(%arg14 : memref<2x88xi32, #tpu.memory_space<vmem>>) target_semaphore(%arg23 : memref<!tpu.dma_semaphore, #tpu.memory_space<semaphore_mem>>)
        %add3A_214 = arith.constant 3 : i32
        %add3A_215 = arith.addi %mul3A_98, %add3A_214 : i32
        %add3A_216 = arith.constant 4 : i32
        %add3A_217 = arith.addi %add3A_215, %add3A_216 : i32
        %sub3A_218 = arith.constant 1 : i32
        %sub3A_219 = arith.subi %add3A_217, %sub3A_218 : i32
        %dma_wait3A_220 = arith.constant 0 : i32
        %dma_wait3A_221 = arith.constant 0 : i32
        %dma_wait3A_222 = tpu.memref_slice %arg4[%arg1, %sub3A_219, %dma_wait3A_220, %dma_wait3A_221] : memref<16x228x2x88xi32, #tpu.memory_space<hbm>> -> memref<1x1x2x88xi32, #tpu.memory_space<hbm>>
        %dma_wait3A_223 = tpu.memref_squeeze %dma_wait3A_222 : memref<1x1x2x88xi32, #tpu.memory_space<hbm>> -> memref<2x88xi32, #tpu.memory_space<hbm>>
        %dma_wait3A_224 = arith.constant 0 : i32
        %dma_wait3A_225 = arith.constant 0 : i32
        %dma_wait3A_226 = tpu.memref_slice %arg4[%arg1, %sub3A_219, %dma_wait3A_224, %dma_wait3A_225] : memref<16x228x2x88xi32, #tpu.memory_space<hbm>> -> memref<1x1x2x88xi32, #tpu.memory_space<hbm>>
        %dma_wait3A_227 = tpu.memref_squeeze %dma_wait3A_226 : memref<1x1x2x88xi32, #tpu.memory_space<hbm>> -> memref<2x88xi32, #tpu.memory_space<hbm>>
        tpu.wait_dma2 semaphore(%arg23 : memref<!tpu.dma_semaphore, #tpu.memory_space<semaphore_mem>>) src(%dma_wait3A_227 : memref<2x88xi32, #tpu.memory_space<hbm>>) dst(%arg14 : memref<2x88xi32, #tpu.memory_space<vmem>>)
        %dma_start3A_228 = arith.constant 0 : i32
        %dma_start3A_229 = arith.constant 0 : i32
        %dma_start3A_230 = tpu.memref_slice %arg14[%dma_start3A_228, %dma_start3A_229] : memref<2x88xi32, #tpu.memory_space<vmem>> -> memref<1x88xi32, #tpu.memory_space<vmem>>
        %dma_start3A_231 = tpu.memref_squeeze %dma_start3A_230 : memref<1x88xi32, #tpu.memory_space<vmem>> -> memref<88xi32, #tpu.memory_space<vmem>>
        %dma_start3A_232 = arith.constant 0 : i32
        %dma_start3A_233 = arith.constant 0 : i32
        %dma_start3A_234 = tpu.memref_slice %arg2[%dma_start3A_232, %dma_start3A_233] : memref<10000x128xf32, #tpu.memory_space<hbm>> -> memref<10000x128xf32, #tpu.memory_space<hbm>>
        tpu.enqueue_indirect_dma source(%dma_start3A_234 : memref<10000x128xf32, #tpu.memory_space<hbm>>) target(%arg10 : memref<88x128xf32, #tpu.memory_space<vmem>>) offsets(%dma_start3A_231 : memref<88xi32, #tpu.memory_space<vmem>>) semaphore(%arg19 : memref<!tpu.dma_semaphore, #tpu.memory_space<semaphore_mem>>)
        %dma_wait3A_235 = arith.constant 0 : i32
        %dma_wait3A_236 = arith.constant 0 : i32
        %dma_wait3A_237 = tpu.memref_slice %arg15[%dma_wait3A_235, %dma_wait3A_236] : memref<2x88xi32, #tpu.memory_space<vmem>> -> memref<1x88xi32, #tpu.memory_space<vmem>>
        %dma_wait3A_238 = tpu.memref_squeeze %dma_wait3A_237 : memref<1x88xi32, #tpu.memory_space<vmem>> -> memref<88xi32, #tpu.memory_space<vmem>>
        %dma_wait3A_239 = arith.constant 0 : i32
        %dma_wait3A_240 = arith.constant 0 : i32
        %dma_wait3A_241 = tpu.memref_slice %arg2[%dma_wait3A_239, %dma_wait3A_240] : memref<10000x128xf32, #tpu.memory_space<hbm>> -> memref<10000x128xf32, #tpu.memory_space<hbm>>
        tpu.wait_indirect_dma semaphore(%arg20 : memref<!tpu.dma_semaphore, #tpu.memory_space<semaphore_mem>>) src(%dma_wait3A_241 : memref<10000x128xf32, #tpu.memory_space<hbm>>) dst(%arg11 : memref<88x128xf32, #tpu.memory_space<vmem>>)
        %run_scoped3A_242 = arith.constant 1 : i32
        "tpu.region"() ({
          %run_scoped3A_253 = tpu.sem_alloc : memref<!tpu.dma_semaphore, #tpu.memory_space<semaphore_mem>>
          %dma_start3A_254 = arith.constant 0 : i32
          %dma_start3A_255 = tpu.memref_slice %arg15[%run_scoped3A_242, %dma_start3A_254] : memref<2x88xi32, #tpu.memory_space<vmem>> -> memref<1x88xi32, #tpu.memory_space<vmem>>
          %dma_start3A_256 = tpu.memref_squeeze %dma_start3A_255 : memref<1x88xi32, #tpu.memory_space<vmem>> -> memref<88xi32, #tpu.memory_space<vmem>>
          %dma_start3A_257 = arith.constant 0 : i32
          %dma_start3A_258 = arith.constant 0 : i32
          %dma_start3A_259 = tpu.memref_slice %arg16[%dma_start3A_257, %dma_start3A_258] : memref<10240x128xf32, #tpu.memory_space<vmem_shared>> -> memref<10240x128xf32, #tpu.memory_space<vmem_shared>>
          tpu.enqueue_indirect_dma source(%arg11 : memref<88x128xf32, #tpu.memory_space<vmem>>) target(%dma_start3A_259 : memref<10240x128xf32, #tpu.memory_space<vmem_shared>>) offsets(%dma_start3A_256 : memref<88xi32, #tpu.memory_space<vmem>>) semaphore(%run_scoped3A_253 : memref<!tpu.dma_semaphore, #tpu.memory_space<semaphore_mem>>) {add = true}
          %dma_wait3A_260 = arith.constant 0 : i32
          %dma_wait3A_261 = tpu.memref_slice %arg15[%run_scoped3A_242, %dma_wait3A_260] : memref<2x88xi32, #tpu.memory_space<vmem>> -> memref<1x88xi32, #tpu.memory_space<vmem>>
          %dma_wait3A_262 = tpu.memref_squeeze %dma_wait3A_261 : memref<1x88xi32, #tpu.memory_space<vmem>> -> memref<88xi32, #tpu.memory_space<vmem>>
          %dma_wait3A_263 = arith.constant 0 : i32
          %dma_wait3A_264 = arith.constant 0 : i32
          %dma_wait3A_265 = tpu.memref_slice %arg16[%dma_wait3A_263, %dma_wait3A_264] : memref<10240x128xf32, #tpu.memory_space<vmem_shared>> -> memref<10240x128xf32, #tpu.memory_space<vmem_shared>>
          tpu.wait_indirect_dma semaphore(%run_scoped3A_253 : memref<!tpu.dma_semaphore, #tpu.memory_space<semaphore_mem>>) src(%arg11 : memref<88x128xf32, #tpu.memory_space<vmem>>) dst(%dma_wait3A_265 : memref<10240x128xf32, #tpu.memory_space<vmem_shared>>)
          tpu.yield
        }) : () -> ()
        %add3A_243 = arith.constant 4 : i32
        %add3A_244 = arith.addi %add3A_215, %add3A_243 : i32
        %dma_start3A_245 = arith.constant 0 : i32
        %dma_start3A_246 = arith.constant 0 : i32
        %dma_start3A_247 = tpu.memref_slice %arg4[%arg1, %add3A_244, %dma_start3A_245, %dma_start3A_246] : memref<16x228x2x88xi32, #tpu.memory_space<hbm>> -> memref<1x1x2x88xi32, #tpu.memory_space<hbm>>
        %dma_start3A_248 = tpu.memref_squeeze %dma_start3A_247 : memref<1x1x2x88xi32, #tpu.memory_space<hbm>> -> memref<2x88xi32, #tpu.memory_space<hbm>>
        %dma_start3A_249 = arith.constant 0 : i32
        %dma_start3A_250 = arith.constant 0 : i32
        %dma_start3A_251 = tpu.memref_slice %arg4[%arg1, %add3A_244, %dma_start3A_249, %dma_start3A_250] : memref<16x228x2x88xi32, #tpu.memory_space<hbm>> -> memref<1x1x2x88xi32, #tpu.memory_space<hbm>>
        %dma_start3A_252 = tpu.memref_squeeze %dma_start3A_251 : memref<1x1x2x88xi32, #tpu.memory_space<hbm>> -> memref<2x88xi32, #tpu.memory_space<hbm>>
        tpu.enqueue_dma source(%dma_start3A_252 : memref<2x88xi32, #tpu.memory_space<hbm>>) target(%arg15 : memref<2x88xi32, #tpu.memory_space<vmem>>) target_semaphore(%arg24 : memref<!tpu.dma_semaphore, #tpu.memory_space<semaphore_mem>>)
      }
      %scan3A_48 = arith.constant 56 : i32
      %dma_wait3A = arith.constant 227 : i32
      %dma_wait3A_49 = arith.constant 0 : i32
      %dma_wait3A_50 = arith.constant 0 : i32
      %dma_wait3A_51 = tpu.memref_slice %arg4[%arg1, %dma_wait3A, %dma_wait3A_49, %dma_wait3A_50] : memref<16x228x2x88xi32, #tpu.memory_space<hbm>> -> memref<1x1x2x88xi32, #tpu.memory_space<hbm>>
      %dma_wait3A_52 = tpu.memref_squeeze %dma_wait3A_51 : memref<1x1x2x88xi32, #tpu.memory_space<hbm>> -> memref<2x88xi32, #tpu.memory_space<hbm>>
      %dma_wait3A_53 = arith.constant 0 : i32
      %dma_wait3A_54 = arith.constant 0 : i32
      %dma_wait3A_55 = tpu.memref_slice %arg4[%arg1, %dma_wait3A, %dma_wait3A_53, %dma_wait3A_54] : memref<16x228x2x88xi32, #tpu.memory_space<hbm>> -> memref<1x1x2x88xi32, #tpu.memory_space<hbm>>
      %dma_wait3A_56 = tpu.memref_squeeze %dma_wait3A_55 : memref<1x1x2x88xi32, #tpu.memory_space<hbm>> -> memref<2x88xi32, #tpu.memory_space<hbm>>
      tpu.wait_dma2 semaphore(%arg24 : memref<!tpu.dma_semaphore, #tpu.memory_space<semaphore_mem>>) src(%dma_wait3A_56 : memref<2x88xi32, #tpu.memory_space<hbm>>) dst(%arg15 : memref<2x88xi32, #tpu.memory_space<vmem>>)
      %dma_start3A_57 = arith.constant 0 : i32
      %dma_start3A_58 = arith.constant 0 : i32
      %dma_start3A_59 = tpu.memref_slice %arg15[%dma_start3A_57, %dma_start3A_58] : memref<2x88xi32, #tpu.memory_space<vmem>> -> memref<1x88xi32, #tpu.memory_space<vmem>>
      %dma_start3A_60 = tpu.memref_squeeze %dma_start3A_59 : memref<1x88xi32, #tpu.memory_space<vmem>> -> memref<88xi32, #tpu.memory_space<vmem>>
      %dma_start3A_61 = arith.constant 0 : i32
      %dma_start3A_62 = arith.constant 0 : i32
      %dma_start3A_63 = tpu.memref_slice %arg2[%dma_start3A_61, %dma_start3A_62] : memref<10000x128xf32, #tpu.memory_space<hbm>> -> memref<10000x128xf32, #tpu.memory_space<hbm>>
      tpu.enqueue_indirect_dma source(%dma_start3A_63 : memref<10000x128xf32, #tpu.memory_space<hbm>>) target(%arg11 : memref<88x128xf32, #tpu.memory_space<vmem>>) offsets(%dma_start3A_60 : memref<88xi32, #tpu.memory_space<vmem>>) semaphore(%arg20 : memref<!tpu.dma_semaphore, #tpu.memory_space<semaphore_mem>>)
      %dma_wait3A_64 = arith.constant 0 : i32
      %dma_wait3A_65 = arith.constant 0 : i32
      %dma_wait3A_66 = tpu.memref_slice %arg12[%dma_wait3A_64, %dma_wait3A_65] : memref<2x88xi32, #tpu.memory_space<vmem>> -> memref<1x88xi32, #tpu.memory_space<vmem>>
      %dma_wait3A_67 = tpu.memref_squeeze %dma_wait3A_66 : memref<1x88xi32, #tpu.memory_space<vmem>> -> memref<88xi32, #tpu.memory_space<vmem>>
      %dma_wait3A_68 = arith.constant 0 : i32
      %dma_wait3A_69 = arith.constant 0 : i32
      %dma_wait3A_70 = tpu.memref_slice %arg2[%dma_wait3A_68, %dma_wait3A_69] : memref<10000x128xf32, #tpu.memory_space<hbm>> -> memref<10000x128xf32, #tpu.memory_space<hbm>>
      tpu.wait_indirect_dma semaphore(%arg17 : memref<!tpu.dma_semaphore, #tpu.memory_space<semaphore_mem>>) src(%dma_wait3A_70 : memref<10000x128xf32, #tpu.memory_space<hbm>>) dst(%arg8 : memref<88x128xf32, #tpu.memory_space<vmem>>)
      %run_scoped3A_71 = arith.constant 1 : i32
      "tpu.region"() ({
        %run_scoped3A_96 = tpu.sem_alloc : memref<!tpu.dma_semaphore, #tpu.memory_space<semaphore_mem>>
        %dma_start3A_97 = arith.constant 0 : i32
        %dma_start3A_98 = tpu.memref_slice %arg12[%run_scoped3A_71, %dma_start3A_97] : memref<2x88xi32, #tpu.memory_space<vmem>> -> memref<1x88xi32, #tpu.memory_space<vmem>>
        %dma_start3A_99 = tpu.memref_squeeze %dma_start3A_98 : memref<1x88xi32, #tpu.memory_space<vmem>> -> memref<88xi32, #tpu.memory_space<vmem>>
        %dma_start3A_100 = arith.constant 0 : i32
        %dma_start3A_101 = arith.constant 0 : i32
        %dma_start3A_102 = tpu.memref_slice %arg16[%dma_start3A_100, %dma_start3A_101] : memref<10240x128xf32, #tpu.memory_space<vmem_shared>> -> memref<10240x128xf32, #tpu.memory_space<vmem_shared>>
        tpu.enqueue_indirect_dma source(%arg8 : memref<88x128xf32, #tpu.memory_space<vmem>>) target(%dma_start3A_102 : memref<10240x128xf32, #tpu.memory_space<vmem_shared>>) offsets(%dma_start3A_99 : memref<88xi32, #tpu.memory_space<vmem>>) semaphore(%run_scoped3A_96 : memref<!tpu.dma_semaphore, #tpu.memory_space<semaphore_mem>>) {add = true}
        %dma_wait3A_103 = arith.constant 0 : i32
        %dma_wait3A_104 = tpu.memref_slice %arg12[%run_scoped3A_71, %dma_wait3A_103] : memref<2x88xi32, #tpu.memory_space<vmem>> -> memref<1x88xi32, #tpu.memory_space<vmem>>
        %dma_wait3A_105 = tpu.memref_squeeze %dma_wait3A_104 : memref<1x88xi32, #tpu.memory_space<vmem>> -> memref<88xi32, #tpu.memory_space<vmem>>
        %dma_wait3A_106 = arith.constant 0 : i32
        %dma_wait3A_107 = arith.constant 0 : i32
        %dma_wait3A_108 = tpu.memref_slice %arg16[%dma_wait3A_106, %dma_wait3A_107] : memref<10240x128xf32, #tpu.memory_space<vmem_shared>> -> memref<10240x128xf32, #tpu.memory_space<vmem_shared>>
        tpu.wait_indirect_dma semaphore(%run_scoped3A_96 : memref<!tpu.dma_semaphore, #tpu.memory_space<semaphore_mem>>) src(%arg8 : memref<88x128xf32, #tpu.memory_space<vmem>>) dst(%dma_wait3A_108 : memref<10240x128xf32, #tpu.memory_space<vmem_shared>>)
        tpu.yield
      }) : () -> ()
      %dma_wait3A_72 = arith.constant 0 : i32
      %dma_wait3A_73 = arith.constant 0 : i32
      %dma_wait3A_74 = tpu.memref_slice %arg13[%dma_wait3A_72, %dma_wait3A_73] : memref<2x88xi32, #tpu.memory_space<vmem>> -> memref<1x88xi32, #tpu.memory_space<vmem>>
      %dma_wait3A_75 = tpu.memref_squeeze %dma_wait3A_74 : memref<1x88xi32, #tpu.memory_space<vmem>> -> memref<88xi32, #tpu.memory_space<vmem>>
      %dma_wait3A_76 = arith.constant 0 : i32
      %dma_wait3A_77 = arith.constant 0 : i32
      %dma_wait3A_78 = tpu.memref_slice %arg2[%dma_wait3A_76, %dma_wait3A_77] : memref<10000x128xf32, #tpu.memory_space<hbm>> -> memref<10000x128xf32, #tpu.memory_space<hbm>>
      tpu.wait_indirect_dma semaphore(%arg18 : memref<!tpu.dma_semaphore, #tpu.memory_space<semaphore_mem>>) src(%dma_wait3A_78 : memref<10000x128xf32, #tpu.memory_space<hbm>>) dst(%arg9 : memref<88x128xf32, #tpu.memory_space<vmem>>)
      %run_scoped3A_79 = arith.constant 1 : i32
      "tpu.region"() ({
        %run_scoped3A_96 = tpu.sem_alloc : memref<!tpu.dma_semaphore, #tpu.memory_space<semaphore_mem>>
        %dma_start3A_97 = arith.constant 0 : i32
        %dma_start3A_98 = tpu.memref_slice %arg13[%run_scoped3A_79, %dma_start3A_97] : memref<2x88xi32, #tpu.memory_space<vmem>> -> memref<1x88xi32, #tpu.memory_space<vmem>>
        %dma_start3A_99 = tpu.memref_squeeze %dma_start3A_98 : memref<1x88xi32, #tpu.memory_space<vmem>> -> memref<88xi32, #tpu.memory_space<vmem>>
        %dma_start3A_100 = arith.constant 0 : i32
        %dma_start3A_101 = arith.constant 0 : i32
        %dma_start3A_102 = tpu.memref_slice %arg16[%dma_start3A_100, %dma_start3A_101] : memref<10240x128xf32, #tpu.memory_space<vmem_shared>> -> memref<10240x128xf32, #tpu.memory_space<vmem_shared>>
        tpu.enqueue_indirect_dma source(%arg9 : memref<88x128xf32, #tpu.memory_space<vmem>>) target(%dma_start3A_102 : memref<10240x128xf32, #tpu.memory_space<vmem_shared>>) offsets(%dma_start3A_99 : memref<88xi32, #tpu.memory_space<vmem>>) semaphore(%run_scoped3A_96 : memref<!tpu.dma_semaphore, #tpu.memory_space<semaphore_mem>>) {add = true}
        %dma_wait3A_103 = arith.constant 0 : i32
        %dma_wait3A_104 = tpu.memref_slice %arg13[%run_scoped3A_79, %dma_wait3A_103] : memref<2x88xi32, #tpu.memory_space<vmem>> -> memref<1x88xi32, #tpu.memory_space<vmem>>
        %dma_wait3A_105 = tpu.memref_squeeze %dma_wait3A_104 : memref<1x88xi32, #tpu.memory_space<vmem>> -> memref<88xi32, #tpu.memory_space<vmem>>
        %dma_wait3A_106 = arith.constant 0 : i32
        %dma_wait3A_107 = arith.constant 0 : i32
        %dma_wait3A_108 = tpu.memref_slice %arg16[%dma_wait3A_106, %dma_wait3A_107] : memref<10240x128xf32, #tpu.memory_space<vmem_shared>> -> memref<10240x128xf32, #tpu.memory_space<vmem_shared>>
        tpu.wait_indirect_dma semaphore(%run_scoped3A_96 : memref<!tpu.dma_semaphore, #tpu.memory_space<semaphore_mem>>) src(%arg9 : memref<88x128xf32, #tpu.memory_space<vmem>>) dst(%dma_wait3A_108 : memref<10240x128xf32, #tpu.memory_space<vmem_shared>>)
        tpu.yield
      }) : () -> ()
      %dma_wait3A_80 = arith.constant 0 : i32
      %dma_wait3A_81 = arith.constant 0 : i32
      %dma_wait3A_82 = tpu.memref_slice %arg14[%dma_wait3A_80, %dma_wait3A_81] : memref<2x88xi32, #tpu.memory_space<vmem>> -> memref<1x88xi32, #tpu.memory_space<vmem>>
      %dma_wait3A_83 = tpu.memref_squeeze %dma_wait3A_82 : memref<1x88xi32, #tpu.memory_space<vmem>> -> memref<88xi32, #tpu.memory_space<vmem>>
      %dma_wait3A_84 = arith.constant 0 : i32
      %dma_wait3A_85 = arith.constant 0 : i32
      %dma_wait3A_86 = tpu.memref_slice %arg2[%dma_wait3A_84, %dma_wait3A_85] : memref<10000x128xf32, #tpu.memory_space<hbm>> -> memref<10000x128xf32, #tpu.memory_space<hbm>>
      tpu.wait_indirect_dma semaphore(%arg19 : memref<!tpu.dma_semaphore, #tpu.memory_space<semaphore_mem>>) src(%dma_wait3A_86 : memref<10000x128xf32, #tpu.memory_space<hbm>>) dst(%arg10 : memref<88x128xf32, #tpu.memory_space<vmem>>)
      %run_scoped3A_87 = arith.constant 1 : i32
      "tpu.region"() ({
        %run_scoped3A_96 = tpu.sem_alloc : memref<!tpu.dma_semaphore, #tpu.memory_space<semaphore_mem>>
        %dma_start3A_97 = arith.constant 0 : i32
        %dma_start3A_98 = tpu.memref_slice %arg14[%run_scoped3A_87, %dma_start3A_97] : memref<2x88xi32, #tpu.memory_space<vmem>> -> memref<1x88xi32, #tpu.memory_space<vmem>>
        %dma_start3A_99 = tpu.memref_squeeze %dma_start3A_98 : memref<1x88xi32, #tpu.memory_space<vmem>> -> memref<88xi32, #tpu.memory_space<vmem>>
        %dma_start3A_100 = arith.constant 0 : i32
        %dma_start3A_101 = arith.constant 0 : i32
        %dma_start3A_102 = tpu.memref_slice %arg16[%dma_start3A_100, %dma_start3A_101] : memref<10240x128xf32, #tpu.memory_space<vmem_shared>> -> memref<10240x128xf32, #tpu.memory_space<vmem_shared>>
        tpu.enqueue_indirect_dma source(%arg10 : memref<88x128xf32, #tpu.memory_space<vmem>>) target(%dma_start3A_102 : memref<10240x128xf32, #tpu.memory_space<vmem_shared>>) offsets(%dma_start3A_99 : memref<88xi32, #tpu.memory_space<vmem>>) semaphore(%run_scoped3A_96 : memref<!tpu.dma_semaphore, #tpu.memory_space<semaphore_mem>>) {add = true}
        %dma_wait3A_103 = arith.constant 0 : i32
        %dma_wait3A_104 = tpu.memref_slice %arg14[%run_scoped3A_87, %dma_wait3A_103] : memref<2x88xi32, #tpu.memory_space<vmem>> -> memref<1x88xi32, #tpu.memory_space<vmem>>
        %dma_wait3A_105 = tpu.memref_squeeze %dma_wait3A_104 : memref<1x88xi32, #tpu.memory_space<vmem>> -> memref<88xi32, #tpu.memory_space<vmem>>
        %dma_wait3A_106 = arith.constant 0 : i32
        %dma_wait3A_107 = arith.constant 0 : i32
        %dma_wait3A_108 = tpu.memref_slice %arg16[%dma_wait3A_106, %dma_wait3A_107] : memref<10240x128xf32, #tpu.memory_space<vmem_shared>> -> memref<10240x128xf32, #tpu.memory_space<vmem_shared>>
        tpu.wait_indirect_dma semaphore(%run_scoped3A_96 : memref<!tpu.dma_semaphore, #tpu.memory_space<semaphore_mem>>) src(%arg10 : memref<88x128xf32, #tpu.memory_space<vmem>>) dst(%dma_wait3A_108 : memref<10240x128xf32, #tpu.memory_space<vmem_shared>>)
        tpu.yield
      }) : () -> ()
      %dma_wait3A_88 = arith.constant 0 : i32
      %dma_wait3A_89 = arith.constant 0 : i32
      %dma_wait3A_90 = tpu.memref_slice %arg15[%dma_wait3A_88, %dma_wait3A_89] : memref<2x88xi32, #tpu.memory_space<vmem>> -> memref<1x88xi32, #tpu.memory_space<vmem>>
      %dma_wait3A_91 = tpu.memref_squeeze %dma_wait3A_90 : memref<1x88xi32, #tpu.memory_space<vmem>> -> memref<88xi32, #tpu.memory_space<vmem>>
      %dma_wait3A_92 = arith.constant 0 : i32
      %dma_wait3A_93 = arith.constant 0 : i32
      %dma_wait3A_94 = tpu.memref_slice %arg2[%dma_wait3A_92, %dma_wait3A_93] : memref<10000x128xf32, #tpu.memory_space<hbm>> -> memref<10000x128xf32, #tpu.memory_space<hbm>>
      tpu.wait_indirect_dma semaphore(%arg20 : memref<!tpu.dma_semaphore, #tpu.memory_space<semaphore_mem>>) src(%dma_wait3A_94 : memref<10000x128xf32, #tpu.memory_space<hbm>>) dst(%arg11 : memref<88x128xf32, #tpu.memory_space<vmem>>)
      %run_scoped3A_95 = arith.constant 1 : i32
      "tpu.region"() ({
        %run_scoped3A_96 = tpu.sem_alloc : memref<!tpu.dma_semaphore, #tpu.memory_space<semaphore_mem>>
        %dma_start3A_97 = arith.constant 0 : i32
        %dma_start3A_98 = tpu.memref_slice %arg15[%run_scoped3A_95, %dma_start3A_97] : memref<2x88xi32, #tpu.memory_space<vmem>> -> memref<1x88xi32, #tpu.memory_space<vmem>>
        %dma_start3A_99 = tpu.memref_squeeze %dma_start3A_98 : memref<1x88xi32, #tpu.memory_space<vmem>> -> memref<88xi32, #tpu.memory_space<vmem>>
        %dma_start3A_100 = arith.constant 0 : i32
        %dma_start3A_101 = arith.constant 0 : i32
        %dma_start3A_102 = tpu.memref_slice %arg16[%dma_start3A_100, %dma_start3A_101] : memref<10240x128xf32, #tpu.memory_space<vmem_shared>> -> memref<10240x128xf32, #tpu.memory_space<vmem_shared>>
        tpu.enqueue_indirect_dma source(%arg11 : memref<88x128xf32, #tpu.memory_space<vmem>>) target(%dma_start3A_102 : memref<10240x128xf32, #tpu.memory_space<vmem_shared>>) offsets(%dma_start3A_99 : memref<88xi32, #tpu.memory_space<vmem>>) semaphore(%run_scoped3A_96 : memref<!tpu.dma_semaphore, #tpu.memory_space<semaphore_mem>>) {add = true}
        %dma_wait3A_103 = arith.constant 0 : i32
        %dma_wait3A_104 = tpu.memref_slice %arg15[%run_scoped3A_95, %dma_wait3A_103] : memref<2x88xi32, #tpu.memory_space<vmem>> -> memref<1x88xi32, #tpu.memory_space<vmem>>
        %dma_wait3A_105 = tpu.memref_squeeze %dma_wait3A_104 : memref<1x88xi32, #tpu.memory_space<vmem>> -> memref<88xi32, #tpu.memory_space<vmem>>
        %dma_wait3A_106 = arith.constant 0 : i32
        %dma_wait3A_107 = arith.constant 0 : i32
        %dma_wait3A_108 = tpu.memref_slice %arg16[%dma_wait3A_106, %dma_wait3A_107] : memref<10240x128xf32, #tpu.memory_space<vmem_shared>> -> memref<10240x128xf32, #tpu.memory_space<vmem_shared>>
        tpu.wait_indirect_dma semaphore(%run_scoped3A_96 : memref<!tpu.dma_semaphore, #tpu.memory_space<semaphore_mem>>) src(%arg11 : memref<88x128xf32, #tpu.memory_space<vmem>>) dst(%dma_wait3A_108 : memref<10240x128xf32, #tpu.memory_space<vmem_shared>>)
        tpu.yield
      }) : () -> ()
    } else {
    }
    %eq3A_3 = arith.constant 1 : i32
    %eq3A_4 = arith.cmpi eq, %arg0, %eq3A_3 : i32
    %convert_element_type3A_5 = arith.extui %eq3A_4 : i1 to i32
    %cond3A_6 = arith.constant 0 : i32
    %cond3A_7 = arith.cmpi ne, %convert_element_type3A_5, %cond3A_6 : i32
    scf.if %cond3A_7 {
      %barrier3A_12 = arith.constant 0 : index
      tpu.barrier barrier_id(%barrier3A_12)
      %run_scoped3A = arith.constant 0 : i32
      "tpu.region"() ({
        %run_scoped3A_96 = tpu.sem_alloc : memref<!tpu.dma_semaphore, #tpu.memory_space<semaphore_mem>>
        %dma_start3A_97 = arith.constant 0 : i32
        %dma_start3A_98 = arith.constant 0 : i32
        %dma_start3A_99 = tpu.memref_slice %arg5[%arg1, %run_scoped3A, %dma_start3A_97, %dma_start3A_98] : memref<16x228x2x88xi32, #tpu.memory_space<hbm>> -> memref<1x1x2x88xi32, #tpu.memory_space<hbm>>
        %dma_start3A_100 = tpu.memref_squeeze %dma_start3A_99 : memref<1x1x2x88xi32, #tpu.memory_space<hbm>> -> memref<2x88xi32, #tpu.memory_space<hbm>>
        %dma_start3A_101 = arith.constant 0 : i32
        %dma_start3A_102 = arith.constant 0 : i32
        %dma_start3A_103 = tpu.memref_slice %arg5[%arg1, %run_scoped3A, %dma_start3A_101, %dma_start3A_102] : memref<16x228x2x88xi32, #tpu.memory_space<hbm>> -> memref<1x1x2x88xi32, #tpu.memory_space<hbm>>
        %dma_start3A_104 = tpu.memref_squeeze %dma_start3A_103 : memref<1x1x2x88xi32, #tpu.memory_space<hbm>> -> memref<2x88xi32, #tpu.memory_space<hbm>>
        tpu.enqueue_dma source(%dma_start3A_104 : memref<2x88xi32, #tpu.memory_space<hbm>>) target(%arg12 : memref<2x88xi32, #tpu.memory_space<vmem>>) target_semaphore(%run_scoped3A_96 : memref<!tpu.dma_semaphore, #tpu.memory_space<semaphore_mem>>)
        %dma_wait3A_105 = arith.constant 0 : i32
        %dma_wait3A_106 = arith.constant 0 : i32
        %dma_wait3A_107 = tpu.memref_slice %arg5[%arg1, %run_scoped3A, %dma_wait3A_105, %dma_wait3A_106] : memref<16x228x2x88xi32, #tpu.memory_space<hbm>> -> memref<1x1x2x88xi32, #tpu.memory_space<hbm>>
        %dma_wait3A_108 = tpu.memref_squeeze %dma_wait3A_107 : memref<1x1x2x88xi32, #tpu.memory_space<hbm>> -> memref<2x88xi32, #tpu.memory_space<hbm>>
        %dma_wait3A_109 = arith.constant 0 : i32
        %dma_wait3A_110 = arith.constant 0 : i32
        %dma_wait3A_111 = tpu.memref_slice %arg5[%arg1, %run_scoped3A, %dma_wait3A_109, %dma_wait3A_110] : memref<16x228x2x88xi32, #tpu.memory_space<hbm>> -> memref<1x1x2x88xi32, #tpu.memory_space<hbm>>
        %dma_wait3A_112 = tpu.memref_squeeze %dma_wait3A_111 : memref<1x1x2x88xi32, #tpu.memory_space<hbm>> -> memref<2x88xi32, #tpu.memory_space<hbm>>
        tpu.wait_dma2 semaphore(%run_scoped3A_96 : memref<!tpu.dma_semaphore, #tpu.memory_space<semaphore_mem>>) src(%dma_wait3A_112 : memref<2x88xi32, #tpu.memory_space<hbm>>) dst(%arg12 : memref<2x88xi32, #tpu.memory_space<vmem>>)
        tpu.yield
      }) : () -> ()
      %run_scoped3A_13 = arith.constant 1 : i32
      "tpu.region"() ({
        %run_scoped3A_96 = tpu.sem_alloc : memref<!tpu.dma_semaphore, #tpu.memory_space<semaphore_mem>>
        %dma_start3A_97 = arith.constant 0 : i32
        %dma_start3A_98 = arith.constant 0 : i32
        %dma_start3A_99 = tpu.memref_slice %arg5[%arg1, %run_scoped3A_13, %dma_start3A_97, %dma_start3A_98] : memref<16x228x2x88xi32, #tpu.memory_space<hbm>> -> memref<1x1x2x88xi32, #tpu.memory_space<hbm>>
        %dma_start3A_100 = tpu.memref_squeeze %dma_start3A_99 : memref<1x1x2x88xi32, #tpu.memory_space<hbm>> -> memref<2x88xi32, #tpu.memory_space<hbm>>
        %dma_start3A_101 = arith.constant 0 : i32
        %dma_start3A_102 = arith.constant 0 : i32
        %dma_start3A_103 = tpu.memref_slice %arg5[%arg1, %run_scoped3A_13, %dma_start3A_101, %dma_start3A_102] : memref<16x228x2x88xi32, #tpu.memory_space<hbm>> -> memref<1x1x2x88xi32, #tpu.memory_space<hbm>>
        %dma_start3A_104 = tpu.memref_squeeze %dma_start3A_103 : memref<1x1x2x88xi32, #tpu.memory_space<hbm>> -> memref<2x88xi32, #tpu.memory_space<hbm>>
        tpu.enqueue_dma source(%dma_start3A_104 : memref<2x88xi32, #tpu.memory_space<hbm>>) target(%arg13 : memref<2x88xi32, #tpu.memory_space<vmem>>) target_semaphore(%run_scoped3A_96 : memref<!tpu.dma_semaphore, #tpu.memory_space<semaphore_mem>>)
        %dma_wait3A_105 = arith.constant 0 : i32
        %dma_wait3A_106 = arith.constant 0 : i32
        %dma_wait3A_107 = tpu.memref_slice %arg5[%arg1, %run_scoped3A_13, %dma_wait3A_105, %dma_wait3A_106] : memref<16x228x2x88xi32, #tpu.memory_space<hbm>> -> memref<1x1x2x88xi32, #tpu.memory_space<hbm>>
        %dma_wait3A_108 = tpu.memref_squeeze %dma_wait3A_107 : memref<1x1x2x88xi32, #tpu.memory_space<hbm>> -> memref<2x88xi32, #tpu.memory_space<hbm>>
        %dma_wait3A_109 = arith.constant 0 : i32
        %dma_wait3A_110 = arith.constant 0 : i32
        %dma_wait3A_111 = tpu.memref_slice %arg5[%arg1, %run_scoped3A_13, %dma_wait3A_109, %dma_wait3A_110] : memref<16x228x2x88xi32, #tpu.memory_space<hbm>> -> memref<1x1x2x88xi32, #tpu.memory_space<hbm>>
        %dma_wait3A_112 = tpu.memref_squeeze %dma_wait3A_111 : memref<1x1x2x88xi32, #tpu.memory_space<hbm>> -> memref<2x88xi32, #tpu.memory_space<hbm>>
        tpu.wait_dma2 semaphore(%run_scoped3A_96 : memref<!tpu.dma_semaphore, #tpu.memory_space<semaphore_mem>>) src(%dma_wait3A_112 : memref<2x88xi32, #tpu.memory_space<hbm>>) dst(%arg13 : memref<2x88xi32, #tpu.memory_space<vmem>>)
        tpu.yield
      }) : () -> ()
      %run_scoped3A_14 = arith.constant 2 : i32
      "tpu.region"() ({
        %run_scoped3A_96 = tpu.sem_alloc : memref<!tpu.dma_semaphore, #tpu.memory_space<semaphore_mem>>
        %dma_start3A_97 = arith.constant 0 : i32
        %dma_start3A_98 = arith.constant 0 : i32
        %dma_start3A_99 = tpu.memref_slice %arg5[%arg1, %run_scoped3A_14, %dma_start3A_97, %dma_start3A_98] : memref<16x228x2x88xi32, #tpu.memory_space<hbm>> -> memref<1x1x2x88xi32, #tpu.memory_space<hbm>>
        %dma_start3A_100 = tpu.memref_squeeze %dma_start3A_99 : memref<1x1x2x88xi32, #tpu.memory_space<hbm>> -> memref<2x88xi32, #tpu.memory_space<hbm>>
        %dma_start3A_101 = arith.constant 0 : i32
        %dma_start3A_102 = arith.constant 0 : i32
        %dma_start3A_103 = tpu.memref_slice %arg5[%arg1, %run_scoped3A_14, %dma_start3A_101, %dma_start3A_102] : memref<16x228x2x88xi32, #tpu.memory_space<hbm>> -> memref<1x1x2x88xi32, #tpu.memory_space<hbm>>
        %dma_start3A_104 = tpu.memref_squeeze %dma_start3A_103 : memref<1x1x2x88xi32, #tpu.memory_space<hbm>> -> memref<2x88xi32, #tpu.memory_space<hbm>>
        tpu.enqueue_dma source(%dma_start3A_104 : memref<2x88xi32, #tpu.memory_space<hbm>>) target(%arg14 : memref<2x88xi32, #tpu.memory_space<vmem>>) target_semaphore(%run_scoped3A_96 : memref<!tpu.dma_semaphore, #tpu.memory_space<semaphore_mem>>)
        %dma_wait3A_105 = arith.constant 0 : i32
        %dma_wait3A_106 = arith.constant 0 : i32
        %dma_wait3A_107 = tpu.memref_slice %arg5[%arg1, %run_scoped3A_14, %dma_wait3A_105, %dma_wait3A_106] : memref<16x228x2x88xi32, #tpu.memory_space<hbm>> -> memref<1x1x2x88xi32, #tpu.memory_space<hbm>>
        %dma_wait3A_108 = tpu.memref_squeeze %dma_wait3A_107 : memref<1x1x2x88xi32, #tpu.memory_space<hbm>> -> memref<2x88xi32, #tpu.memory_space<hbm>>
        %dma_wait3A_109 = arith.constant 0 : i32
        %dma_wait3A_110 = arith.constant 0 : i32
        %dma_wait3A_111 = tpu.memref_slice %arg5[%arg1, %run_scoped3A_14, %dma_wait3A_109, %dma_wait3A_110] : memref<16x228x2x88xi32, #tpu.memory_space<hbm>> -> memref<1x1x2x88xi32, #tpu.memory_space<hbm>>
        %dma_wait3A_112 = tpu.memref_squeeze %dma_wait3A_111 : memref<1x1x2x88xi32, #tpu.memory_space<hbm>> -> memref<2x88xi32, #tpu.memory_space<hbm>>
        tpu.wait_dma2 semaphore(%run_scoped3A_96 : memref<!tpu.dma_semaphore, #tpu.memory_space<semaphore_mem>>) src(%dma_wait3A_112 : memref<2x88xi32, #tpu.memory_space<hbm>>) dst(%arg14 : memref<2x88xi32, #tpu.memory_space<vmem>>)
        tpu.yield
      }) : () -> ()
      %dma_start3A = arith.constant 3 : i32
      %dma_start3A_15 = arith.constant 0 : i32
      %dma_start3A_16 = arith.constant 0 : i32
      %dma_start3A_17 = tpu.memref_slice %arg5[%arg1, %dma_start3A, %dma_start3A_15, %dma_start3A_16] : memref<16x228x2x88xi32, #tpu.memory_space<hbm>> -> memref<1x1x2x88xi32, #tpu.memory_space<hbm>>
      %dma_start3A_18 = tpu.memref_squeeze %dma_start3A_17 : memref<1x1x2x88xi32, #tpu.memory_space<hbm>> -> memref<2x88xi32, #tpu.memory_space<hbm>>
      %dma_start3A_19 = arith.constant 0 : i32
      %dma_start3A_20 = arith.constant 0 : i32
      %dma_start3A_21 = tpu.memref_slice %arg5[%arg1, %dma_start3A, %dma_start3A_19, %dma_start3A_20] : memref<16x228x2x88xi32, #tpu.memory_space<hbm>> -> memref<1x1x2x88xi32, #tpu.memory_space<hbm>>
      %dma_start3A_22 = tpu.memref_squeeze %dma_start3A_21 : memref<1x1x2x88xi32, #tpu.memory_space<hbm>> -> memref<2x88xi32, #tpu.memory_space<hbm>>
      tpu.enqueue_dma source(%dma_start3A_22 : memref<2x88xi32, #tpu.memory_space<hbm>>) target(%arg15 : memref<2x88xi32, #tpu.memory_space<vmem>>) target_semaphore(%arg24 : memref<!tpu.dma_semaphore, #tpu.memory_space<semaphore_mem>>)
      %dma_start3A_23 = arith.constant 0 : i32
      %dma_start3A_24 = arith.constant 0 : i32
      %dma_start3A_25 = tpu.memref_slice %arg12[%dma_start3A_23, %dma_start3A_24] : memref<2x88xi32, #tpu.memory_space<vmem>> -> memref<1x88xi32, #tpu.memory_space<vmem>>
      %dma_start3A_26 = tpu.memref_squeeze %dma_start3A_25 : memref<1x88xi32, #tpu.memory_space<vmem>> -> memref<88xi32, #tpu.memory_space<vmem>>
      %dma_start3A_27 = arith.constant 0 : i32
      %dma_start3A_28 = arith.constant 0 : i32
      %dma_start3A_29 = tpu.memref_slice %arg3[%dma_start3A_27, %dma_start3A_28] : memref<10000x128xf32, #tpu.memory_space<hbm>> -> memref<10000x128xf32, #tpu.memory_space<hbm>>
      tpu.enqueue_indirect_dma source(%dma_start3A_29 : memref<10000x128xf32, #tpu.memory_space<hbm>>) target(%arg8 : memref<88x128xf32, #tpu.memory_space<vmem>>) offsets(%dma_start3A_26 : memref<88xi32, #tpu.memory_space<vmem>>) semaphore(%arg17 : memref<!tpu.dma_semaphore, #tpu.memory_space<semaphore_mem>>)
      %dma_start3A_30 = arith.constant 0 : i32
      %dma_start3A_31 = arith.constant 0 : i32
      %dma_start3A_32 = tpu.memref_slice %arg13[%dma_start3A_30, %dma_start3A_31] : memref<2x88xi32, #tpu.memory_space<vmem>> -> memref<1x88xi32, #tpu.memory_space<vmem>>
      %dma_start3A_33 = tpu.memref_squeeze %dma_start3A_32 : memref<1x88xi32, #tpu.memory_space<vmem>> -> memref<88xi32, #tpu.memory_space<vmem>>
      %dma_start3A_34 = arith.constant 0 : i32
      %dma_start3A_35 = arith.constant 0 : i32
      %dma_start3A_36 = tpu.memref_slice %arg3[%dma_start3A_34, %dma_start3A_35] : memref<10000x128xf32, #tpu.memory_space<hbm>> -> memref<10000x128xf32, #tpu.memory_space<hbm>>
      tpu.enqueue_indirect_dma source(%dma_start3A_36 : memref<10000x128xf32, #tpu.memory_space<hbm>>) target(%arg9 : memref<88x128xf32, #tpu.memory_space<vmem>>) offsets(%dma_start3A_33 : memref<88xi32, #tpu.memory_space<vmem>>) semaphore(%arg18 : memref<!tpu.dma_semaphore, #tpu.memory_space<semaphore_mem>>)
      %dma_start3A_37 = arith.constant 0 : i32
      %dma_start3A_38 = arith.constant 0 : i32
      %dma_start3A_39 = tpu.memref_slice %arg14[%dma_start3A_37, %dma_start3A_38] : memref<2x88xi32, #tpu.memory_space<vmem>> -> memref<1x88xi32, #tpu.memory_space<vmem>>
      %dma_start3A_40 = tpu.memref_squeeze %dma_start3A_39 : memref<1x88xi32, #tpu.memory_space<vmem>> -> memref<88xi32, #tpu.memory_space<vmem>>
      %dma_start3A_41 = arith.constant 0 : i32
      %dma_start3A_42 = arith.constant 0 : i32
      %dma_start3A_43 = tpu.memref_slice %arg3[%dma_start3A_41, %dma_start3A_42] : memref<10000x128xf32, #tpu.memory_space<hbm>> -> memref<10000x128xf32, #tpu.memory_space<hbm>>
      tpu.enqueue_indirect_dma source(%dma_start3A_43 : memref<10000x128xf32, #tpu.memory_space<hbm>>) target(%arg10 : memref<88x128xf32, #tpu.memory_space<vmem>>) offsets(%dma_start3A_40 : memref<88xi32, #tpu.memory_space<vmem>>) semaphore(%arg19 : memref<!tpu.dma_semaphore, #tpu.memory_space<semaphore_mem>>)
      %scan3A = arith.constant 0 : i32
      %scan3A_44 = arith.constant 0 : i32
      %scan3A_45 = arith.constant 56 : i32
      %scan3A_46 = arith.addi %scan3A_44, %scan3A_45 : i32
      %scan3A_47 = arith.constant 1 : i32
      scf.for %scan3A_96 = %scan3A_44 to %scan3A_46 step %scan3A_47  : i32 {
        %mul3A_97 = arith.constant 4 : i32
        %mul3A_98 = arith.muli %mul3A_97, %scan3A_96 : i32
        %add3A = arith.constant 0 : i32
        %add3A_99 = arith.addi %mul3A_98, %add3A : i32
        %add3A_100 = arith.constant 4 : i32
        %add3A_101 = arith.addi %add3A_99, %add3A_100 : i32
        %sub3A = arith.constant 1 : i32
        %sub3A_102 = arith.subi %add3A_101, %sub3A : i32
        %dma_wait3A_103 = arith.constant 0 : i32
        %dma_wait3A_104 = arith.constant 0 : i32
        %dma_wait3A_105 = tpu.memref_slice %arg5[%arg1, %sub3A_102, %dma_wait3A_103, %dma_wait3A_104] : memref<16x228x2x88xi32, #tpu.memory_space<hbm>> -> memref<1x1x2x88xi32, #tpu.memory_space<hbm>>
        %dma_wait3A_106 = tpu.memref_squeeze %dma_wait3A_105 : memref<1x1x2x88xi32, #tpu.memory_space<hbm>> -> memref<2x88xi32, #tpu.memory_space<hbm>>
        %dma_wait3A_107 = arith.constant 0 : i32
        %dma_wait3A_108 = arith.constant 0 : i32
        %dma_wait3A_109 = tpu.memref_slice %arg5[%arg1, %sub3A_102, %dma_wait3A_107, %dma_wait3A_108] : memref<16x228x2x88xi32, #tpu.memory_space<hbm>> -> memref<1x1x2x88xi32, #tpu.memory_space<hbm>>
        %dma_wait3A_110 = tpu.memref_squeeze %dma_wait3A_109 : memref<1x1x2x88xi32, #tpu.memory_space<hbm>> -> memref<2x88xi32, #tpu.memory_space<hbm>>
        tpu.wait_dma2 semaphore(%arg24 : memref<!tpu.dma_semaphore, #tpu.memory_space<semaphore_mem>>) src(%dma_wait3A_110 : memref<2x88xi32, #tpu.memory_space<hbm>>) dst(%arg15 : memref<2x88xi32, #tpu.memory_space<vmem>>)
        %dma_start3A_111 = arith.constant 0 : i32
        %dma_start3A_112 = arith.constant 0 : i32
        %dma_start3A_113 = tpu.memref_slice %arg15[%dma_start3A_111, %dma_start3A_112] : memref<2x88xi32, #tpu.memory_space<vmem>> -> memref<1x88xi32, #tpu.memory_space<vmem>>
        %dma_start3A_114 = tpu.memref_squeeze %dma_start3A_113 : memref<1x88xi32, #tpu.memory_space<vmem>> -> memref<88xi32, #tpu.memory_space<vmem>>
        %dma_start3A_115 = arith.constant 0 : i32
        %dma_start3A_116 = arith.constant 0 : i32
        %dma_start3A_117 = tpu.memref_slice %arg3[%dma_start3A_115, %dma_start3A_116] : memref<10000x128xf32, #tpu.memory_space<hbm>> -> memref<10000x128xf32, #tpu.memory_space<hbm>>
        tpu.enqueue_indirect_dma source(%dma_start3A_117 : memref<10000x128xf32, #tpu.memory_space<hbm>>) target(%arg11 : memref<88x128xf32, #tpu.memory_space<vmem>>) offsets(%dma_start3A_114 : memref<88xi32, #tpu.memory_space<vmem>>) semaphore(%arg20 : memref<!tpu.dma_semaphore, #tpu.memory_space<semaphore_mem>>)
        %dma_wait3A_118 = arith.constant 0 : i32
        %dma_wait3A_119 = arith.constant 0 : i32
        %dma_wait3A_120 = tpu.memref_slice %arg12[%dma_wait3A_118, %dma_wait3A_119] : memref<2x88xi32, #tpu.memory_space<vmem>> -> memref<1x88xi32, #tpu.memory_space<vmem>>
        %dma_wait3A_121 = tpu.memref_squeeze %dma_wait3A_120 : memref<1x88xi32, #tpu.memory_space<vmem>> -> memref<88xi32, #tpu.memory_space<vmem>>
        %dma_wait3A_122 = arith.constant 0 : i32
        %dma_wait3A_123 = arith.constant 0 : i32
        %dma_wait3A_124 = tpu.memref_slice %arg3[%dma_wait3A_122, %dma_wait3A_123] : memref<10000x128xf32, #tpu.memory_space<hbm>> -> memref<10000x128xf32, #tpu.memory_space<hbm>>
        tpu.wait_indirect_dma semaphore(%arg17 : memref<!tpu.dma_semaphore, #tpu.memory_space<semaphore_mem>>) src(%dma_wait3A_124 : memref<10000x128xf32, #tpu.memory_space<hbm>>) dst(%arg8 : memref<88x128xf32, #tpu.memory_space<vmem>>)
        %run_scoped3A_125 = arith.constant 1 : i32
        "tpu.region"() ({
          %run_scoped3A_253 = tpu.sem_alloc : memref<!tpu.dma_semaphore, #tpu.memory_space<semaphore_mem>>
          %dma_start3A_254 = arith.constant 0 : i32
          %dma_start3A_255 = tpu.memref_slice %arg12[%run_scoped3A_125, %dma_start3A_254] : memref<2x88xi32, #tpu.memory_space<vmem>> -> memref<1x88xi32, #tpu.memory_space<vmem>>
          %dma_start3A_256 = tpu.memref_squeeze %dma_start3A_255 : memref<1x88xi32, #tpu.memory_space<vmem>> -> memref<88xi32, #tpu.memory_space<vmem>>
          %dma_start3A_257 = arith.constant 0 : i32
          %dma_start3A_258 = arith.constant 0 : i32
          %dma_start3A_259 = tpu.memref_slice %arg16[%dma_start3A_257, %dma_start3A_258] : memref<10240x128xf32, #tpu.memory_space<vmem_shared>> -> memref<10240x128xf32, #tpu.memory_space<vmem_shared>>
          tpu.enqueue_indirect_dma source(%arg8 : memref<88x128xf32, #tpu.memory_space<vmem>>) target(%dma_start3A_259 : memref<10240x128xf32, #tpu.memory_space<vmem_shared>>) offsets(%dma_start3A_256 : memref<88xi32, #tpu.memory_space<vmem>>) semaphore(%run_scoped3A_253 : memref<!tpu.dma_semaphore, #tpu.memory_space<semaphore_mem>>) {add = true}
          %dma_wait3A_260 = arith.constant 0 : i32
          %dma_wait3A_261 = tpu.memref_slice %arg12[%run_scoped3A_125, %dma_wait3A_260] : memref<2x88xi32, #tpu.memory_space<vmem>> -> memref<1x88xi32, #tpu.memory_space<vmem>>
          %dma_wait3A_262 = tpu.memref_squeeze %dma_wait3A_261 : memref<1x88xi32, #tpu.memory_space<vmem>> -> memref<88xi32, #tpu.memory_space<vmem>>
          %dma_wait3A_263 = arith.constant 0 : i32
          %dma_wait3A_264 = arith.constant 0 : i32
          %dma_wait3A_265 = tpu.memref_slice %arg16[%dma_wait3A_263, %dma_wait3A_264] : memref<10240x128xf32, #tpu.memory_space<vmem_shared>> -> memref<10240x128xf32, #tpu.memory_space<vmem_shared>>
          tpu.wait_indirect_dma semaphore(%run_scoped3A_253 : memref<!tpu.dma_semaphore, #tpu.memory_space<semaphore_mem>>) src(%arg8 : memref<88x128xf32, #tpu.memory_space<vmem>>) dst(%dma_wait3A_265 : memref<10240x128xf32, #tpu.memory_space<vmem_shared>>)
          tpu.yield
        }) : () -> ()
        %add3A_126 = arith.constant 4 : i32
        %add3A_127 = arith.addi %add3A_99, %add3A_126 : i32
        %dma_start3A_128 = arith.constant 0 : i32
        %dma_start3A_129 = arith.constant 0 : i32
        %dma_start3A_130 = tpu.memref_slice %arg5[%arg1, %add3A_127, %dma_start3A_128, %dma_start3A_129] : memref<16x228x2x88xi32, #tpu.memory_space<hbm>> -> memref<1x1x2x88xi32, #tpu.memory_space<hbm>>
        %dma_start3A_131 = tpu.memref_squeeze %dma_start3A_130 : memref<1x1x2x88xi32, #tpu.memory_space<hbm>> -> memref<2x88xi32, #tpu.memory_space<hbm>>
        %dma_start3A_132 = arith.constant 0 : i32
        %dma_start3A_133 = arith.constant 0 : i32
        %dma_start3A_134 = tpu.memref_slice %arg5[%arg1, %add3A_127, %dma_start3A_132, %dma_start3A_133] : memref<16x228x2x88xi32, #tpu.memory_space<hbm>> -> memref<1x1x2x88xi32, #tpu.memory_space<hbm>>
        %dma_start3A_135 = tpu.memref_squeeze %dma_start3A_134 : memref<1x1x2x88xi32, #tpu.memory_space<hbm>> -> memref<2x88xi32, #tpu.memory_space<hbm>>
        tpu.enqueue_dma source(%dma_start3A_135 : memref<2x88xi32, #tpu.memory_space<hbm>>) target(%arg12 : memref<2x88xi32, #tpu.memory_space<vmem>>) target_semaphore(%arg21 : memref<!tpu.dma_semaphore, #tpu.memory_space<semaphore_mem>>)
        %add3A_136 = arith.constant 1 : i32
        %add3A_137 = arith.addi %mul3A_98, %add3A_136 : i32
        %add3A_138 = arith.constant 4 : i32
        %add3A_139 = arith.addi %add3A_137, %add3A_138 : i32
        %sub3A_140 = arith.constant 1 : i32
        %sub3A_141 = arith.subi %add3A_139, %sub3A_140 : i32
        %dma_wait3A_142 = arith.constant 0 : i32
        %dma_wait3A_143 = arith.constant 0 : i32
        %dma_wait3A_144 = tpu.memref_slice %arg5[%arg1, %sub3A_141, %dma_wait3A_142, %dma_wait3A_143] : memref<16x228x2x88xi32, #tpu.memory_space<hbm>> -> memref<1x1x2x88xi32, #tpu.memory_space<hbm>>
        %dma_wait3A_145 = tpu.memref_squeeze %dma_wait3A_144 : memref<1x1x2x88xi32, #tpu.memory_space<hbm>> -> memref<2x88xi32, #tpu.memory_space<hbm>>
        %dma_wait3A_146 = arith.constant 0 : i32
        %dma_wait3A_147 = arith.constant 0 : i32
        %dma_wait3A_148 = tpu.memref_slice %arg5[%arg1, %sub3A_141, %dma_wait3A_146, %dma_wait3A_147] : memref<16x228x2x88xi32, #tpu.memory_space<hbm>> -> memref<1x1x2x88xi32, #tpu.memory_space<hbm>>
        %dma_wait3A_149 = tpu.memref_squeeze %dma_wait3A_148 : memref<1x1x2x88xi32, #tpu.memory_space<hbm>> -> memref<2x88xi32, #tpu.memory_space<hbm>>
        tpu.wait_dma2 semaphore(%arg21 : memref<!tpu.dma_semaphore, #tpu.memory_space<semaphore_mem>>) src(%dma_wait3A_149 : memref<2x88xi32, #tpu.memory_space<hbm>>) dst(%arg12 : memref<2x88xi32, #tpu.memory_space<vmem>>)
        %dma_start3A_150 = arith.constant 0 : i32
        %dma_start3A_151 = arith.constant 0 : i32
        %dma_start3A_152 = tpu.memref_slice %arg12[%dma_start3A_150, %dma_start3A_151] : memref<2x88xi32, #tpu.memory_space<vmem>> -> memref<1x88xi32, #tpu.memory_space<vmem>>
        %dma_start3A_153 = tpu.memref_squeeze %dma_start3A_152 : memref<1x88xi32, #tpu.memory_space<vmem>> -> memref<88xi32, #tpu.memory_space<vmem>>
        %dma_start3A_154 = arith.constant 0 : i32
        %dma_start3A_155 = arith.constant 0 : i32
        %dma_start3A_156 = tpu.memref_slice %arg3[%dma_start3A_154, %dma_start3A_155] : memref<10000x128xf32, #tpu.memory_space<hbm>> -> memref<10000x128xf32, #tpu.memory_space<hbm>>
        tpu.enqueue_indirect_dma source(%dma_start3A_156 : memref<10000x128xf32, #tpu.memory_space<hbm>>) target(%arg8 : memref<88x128xf32, #tpu.memory_space<vmem>>) offsets(%dma_start3A_153 : memref<88xi32, #tpu.memory_space<vmem>>) semaphore(%arg17 : memref<!tpu.dma_semaphore, #tpu.memory_space<semaphore_mem>>)
        %dma_wait3A_157 = arith.constant 0 : i32
        %dma_wait3A_158 = arith.constant 0 : i32
        %dma_wait3A_159 = tpu.memref_slice %arg13[%dma_wait3A_157, %dma_wait3A_158] : memref<2x88xi32, #tpu.memory_space<vmem>> -> memref<1x88xi32, #tpu.memory_space<vmem>>
        %dma_wait3A_160 = tpu.memref_squeeze %dma_wait3A_159 : memref<1x88xi32, #tpu.memory_space<vmem>> -> memref<88xi32, #tpu.memory_space<vmem>>
        %dma_wait3A_161 = arith.constant 0 : i32
        %dma_wait3A_162 = arith.constant 0 : i32
        %dma_wait3A_163 = tpu.memref_slice %arg3[%dma_wait3A_161, %dma_wait3A_162] : memref<10000x128xf32, #tpu.memory_space<hbm>> -> memref<10000x128xf32, #tpu.memory_space<hbm>>
        tpu.wait_indirect_dma semaphore(%arg18 : memref<!tpu.dma_semaphore, #tpu.memory_space<semaphore_mem>>) src(%dma_wait3A_163 : memref<10000x128xf32, #tpu.memory_space<hbm>>) dst(%arg9 : memref<88x128xf32, #tpu.memory_space<vmem>>)
        %run_scoped3A_164 = arith.constant 1 : i32
        "tpu.region"() ({
          %run_scoped3A_253 = tpu.sem_alloc : memref<!tpu.dma_semaphore, #tpu.memory_space<semaphore_mem>>
          %dma_start3A_254 = arith.constant 0 : i32
          %dma_start3A_255 = tpu.memref_slice %arg13[%run_scoped3A_164, %dma_start3A_254] : memref<2x88xi32, #tpu.memory_space<vmem>> -> memref<1x88xi32, #tpu.memory_space<vmem>>
          %dma_start3A_256 = tpu.memref_squeeze %dma_start3A_255 : memref<1x88xi32, #tpu.memory_space<vmem>> -> memref<88xi32, #tpu.memory_space<vmem>>
          %dma_start3A_257 = arith.constant 0 : i32
          %dma_start3A_258 = arith.constant 0 : i32
          %dma_start3A_259 = tpu.memref_slice %arg16[%dma_start3A_257, %dma_start3A_258] : memref<10240x128xf32, #tpu.memory_space<vmem_shared>> -> memref<10240x128xf32, #tpu.memory_space<vmem_shared>>
          tpu.enqueue_indirect_dma source(%arg9 : memref<88x128xf32, #tpu.memory_space<vmem>>) target(%dma_start3A_259 : memref<10240x128xf32, #tpu.memory_space<vmem_shared>>) offsets(%dma_start3A_256 : memref<88xi32, #tpu.memory_space<vmem>>) semaphore(%run_scoped3A_253 : memref<!tpu.dma_semaphore, #tpu.memory_space<semaphore_mem>>) {add = true}
          %dma_wait3A_260 = arith.constant 0 : i32
          %dma_wait3A_261 = tpu.memref_slice %arg13[%run_scoped3A_164, %dma_wait3A_260] : memref<2x88xi32, #tpu.memory_space<vmem>> -> memref<1x88xi32, #tpu.memory_space<vmem>>
          %dma_wait3A_262 = tpu.memref_squeeze %dma_wait3A_261 : memref<1x88xi32, #tpu.memory_space<vmem>> -> memref<88xi32, #tpu.memory_space<vmem>>
          %dma_wait3A_263 = arith.constant 0 : i32
          %dma_wait3A_264 = arith.constant 0 : i32
          %dma_wait3A_265 = tpu.memref_slice %arg16[%dma_wait3A_263, %dma_wait3A_264] : memref<10240x128xf32, #tpu.memory_space<vmem_shared>> -> memref<10240x128xf32, #tpu.memory_space<vmem_shared>>
          tpu.wait_indirect_dma semaphore(%run_scoped3A_253 : memref<!tpu.dma_semaphore, #tpu.memory_space<semaphore_mem>>) src(%arg9 : memref<88x128xf32, #tpu.memory_space<vmem>>) dst(%dma_wait3A_265 : memref<10240x128xf32, #tpu.memory_space<vmem_shared>>)
          tpu.yield
        }) : () -> ()
        %add3A_165 = arith.constant 4 : i32
        %add3A_166 = arith.addi %add3A_137, %add3A_165 : i32
        %dma_start3A_167 = arith.constant 0 : i32
        %dma_start3A_168 = arith.constant 0 : i32
        %dma_start3A_169 = tpu.memref_slice %arg5[%arg1, %add3A_166, %dma_start3A_167, %dma_start3A_168] : memref<16x228x2x88xi32, #tpu.memory_space<hbm>> -> memref<1x1x2x88xi32, #tpu.memory_space<hbm>>
        %dma_start3A_170 = tpu.memref_squeeze %dma_start3A_169 : memref<1x1x2x88xi32, #tpu.memory_space<hbm>> -> memref<2x88xi32, #tpu.memory_space<hbm>>
        %dma_start3A_171 = arith.constant 0 : i32
        %dma_start3A_172 = arith.constant 0 : i32
        %dma_start3A_173 = tpu.memref_slice %arg5[%arg1, %add3A_166, %dma_start3A_171, %dma_start3A_172] : memref<16x228x2x88xi32, #tpu.memory_space<hbm>> -> memref<1x1x2x88xi32, #tpu.memory_space<hbm>>
        %dma_start3A_174 = tpu.memref_squeeze %dma_start3A_173 : memref<1x1x2x88xi32, #tpu.memory_space<hbm>> -> memref<2x88xi32, #tpu.memory_space<hbm>>
        tpu.enqueue_dma source(%dma_start3A_174 : memref<2x88xi32, #tpu.memory_space<hbm>>) target(%arg13 : memref<2x88xi32, #tpu.memory_space<vmem>>) target_semaphore(%arg22 : memref<!tpu.dma_semaphore, #tpu.memory_space<semaphore_mem>>)
        %add3A_175 = arith.constant 2 : i32
        %add3A_176 = arith.addi %mul3A_98, %add3A_175 : i32
        %add3A_177 = arith.constant 4 : i32
        %add3A_178 = arith.addi %add3A_176, %add3A_177 : i32
        %sub3A_179 = arith.constant 1 : i32
        %sub3A_180 = arith.subi %add3A_178, %sub3A_179 : i32
        %dma_wait3A_181 = arith.constant 0 : i32
        %dma_wait3A_182 = arith.constant 0 : i32
        %dma_wait3A_183 = tpu.memref_slice %arg5[%arg1, %sub3A_180, %dma_wait3A_181, %dma_wait3A_182] : memref<16x228x2x88xi32, #tpu.memory_space<hbm>> -> memref<1x1x2x88xi32, #tpu.memory_space<hbm>>
        %dma_wait3A_184 = tpu.memref_squeeze %dma_wait3A_183 : memref<1x1x2x88xi32, #tpu.memory_space<hbm>> -> memref<2x88xi32, #tpu.memory_space<hbm>>
        %dma_wait3A_185 = arith.constant 0 : i32
        %dma_wait3A_186 = arith.constant 0 : i32
        %dma_wait3A_187 = tpu.memref_slice %arg5[%arg1, %sub3A_180, %dma_wait3A_185, %dma_wait3A_186] : memref<16x228x2x88xi32, #tpu.memory_space<hbm>> -> memref<1x1x2x88xi32, #tpu.memory_space<hbm>>
        %dma_wait3A_188 = tpu.memref_squeeze %dma_wait3A_187 : memref<1x1x2x88xi32, #tpu.memory_space<hbm>> -> memref<2x88xi32, #tpu.memory_space<hbm>>
        tpu.wait_dma2 semaphore(%arg22 : memref<!tpu.dma_semaphore, #tpu.memory_space<semaphore_mem>>) src(%dma_wait3A_188 : memref<2x88xi32, #tpu.memory_space<hbm>>) dst(%arg13 : memref<2x88xi32, #tpu.memory_space<vmem>>)
        %dma_start3A_189 = arith.constant 0 : i32
        %dma_start3A_190 = arith.constant 0 : i32
        %dma_start3A_191 = tpu.memref_slice %arg13[%dma_start3A_189, %dma_start3A_190] : memref<2x88xi32, #tpu.memory_space<vmem>> -> memref<1x88xi32, #tpu.memory_space<vmem>>
        %dma_start3A_192 = tpu.memref_squeeze %dma_start3A_191 : memref<1x88xi32, #tpu.memory_space<vmem>> -> memref<88xi32, #tpu.memory_space<vmem>>
        %dma_start3A_193 = arith.constant 0 : i32
        %dma_start3A_194 = arith.constant 0 : i32
        %dma_start3A_195 = tpu.memref_slice %arg3[%dma_start3A_193, %dma_start3A_194] : memref<10000x128xf32, #tpu.memory_space<hbm>> -> memref<10000x128xf32, #tpu.memory_space<hbm>>
        tpu.enqueue_indirect_dma source(%dma_start3A_195 : memref<10000x128xf32, #tpu.memory_space<hbm>>) target(%arg9 : memref<88x128xf32, #tpu.memory_space<vmem>>) offsets(%dma_start3A_192 : memref<88xi32, #tpu.memory_space<vmem>>) semaphore(%arg18 : memref<!tpu.dma_semaphore, #tpu.memory_space<semaphore_mem>>)
        %dma_wait3A_196 = arith.constant 0 : i32
        %dma_wait3A_197 = arith.constant 0 : i32
        %dma_wait3A_198 = tpu.memref_slice %arg14[%dma_wait3A_196, %dma_wait3A_197] : memref<2x88xi32, #tpu.memory_space<vmem>> -> memref<1x88xi32, #tpu.memory_space<vmem>>
        %dma_wait3A_199 = tpu.memref_squeeze %dma_wait3A_198 : memref<1x88xi32, #tpu.memory_space<vmem>> -> memref<88xi32, #tpu.memory_space<vmem>>
        %dma_wait3A_200 = arith.constant 0 : i32
        %dma_wait3A_201 = arith.constant 0 : i32
        %dma_wait3A_202 = tpu.memref_slice %arg3[%dma_wait3A_200, %dma_wait3A_201] : memref<10000x128xf32, #tpu.memory_space<hbm>> -> memref<10000x128xf32, #tpu.memory_space<hbm>>
        tpu.wait_indirect_dma semaphore(%arg19 : memref<!tpu.dma_semaphore, #tpu.memory_space<semaphore_mem>>) src(%dma_wait3A_202 : memref<10000x128xf32, #tpu.memory_space<hbm>>) dst(%arg10 : memref<88x128xf32, #tpu.memory_space<vmem>>)
        %run_scoped3A_203 = arith.constant 1 : i32
        "tpu.region"() ({
          %run_scoped3A_253 = tpu.sem_alloc : memref<!tpu.dma_semaphore, #tpu.memory_space<semaphore_mem>>
          %dma_start3A_254 = arith.constant 0 : i32
          %dma_start3A_255 = tpu.memref_slice %arg14[%run_scoped3A_203, %dma_start3A_254] : memref<2x88xi32, #tpu.memory_space<vmem>> -> memref<1x88xi32, #tpu.memory_space<vmem>>
          %dma_start3A_256 = tpu.memref_squeeze %dma_start3A_255 : memref<1x88xi32, #tpu.memory_space<vmem>> -> memref<88xi32, #tpu.memory_space<vmem>>
          %dma_start3A_257 = arith.constant 0 : i32
          %dma_start3A_258 = arith.constant 0 : i32
          %dma_start3A_259 = tpu.memref_slice %arg16[%dma_start3A_257, %dma_start3A_258] : memref<10240x128xf32, #tpu.memory_space<vmem_shared>> -> memref<10240x128xf32, #tpu.memory_space<vmem_shared>>
          tpu.enqueue_indirect_dma source(%arg10 : memref<88x128xf32, #tpu.memory_space<vmem>>) target(%dma_start3A_259 : memref<10240x128xf32, #tpu.memory_space<vmem_shared>>) offsets(%dma_start3A_256 : memref<88xi32, #tpu.memory_space<vmem>>) semaphore(%run_scoped3A_253 : memref<!tpu.dma_semaphore, #tpu.memory_space<semaphore_mem>>) {add = true}
          %dma_wait3A_260 = arith.constant 0 : i32
          %dma_wait3A_261 = tpu.memref_slice %arg14[%run_scoped3A_203, %dma_wait3A_260] : memref<2x88xi32, #tpu.memory_space<vmem>> -> memref<1x88xi32, #tpu.memory_space<vmem>>
          %dma_wait3A_262 = tpu.memref_squeeze %dma_wait3A_261 : memref<1x88xi32, #tpu.memory_space<vmem>> -> memref<88xi32, #tpu.memory_space<vmem>>
          %dma_wait3A_263 = arith.constant 0 : i32
          %dma_wait3A_264 = arith.constant 0 : i32
          %dma_wait3A_265 = tpu.memref_slice %arg16[%dma_wait3A_263, %dma_wait3A_264] : memref<10240x128xf32, #tpu.memory_space<vmem_shared>> -> memref<10240x128xf32, #tpu.memory_space<vmem_shared>>
          tpu.wait_indirect_dma semaphore(%run_scoped3A_253 : memref<!tpu.dma_semaphore, #tpu.memory_space<semaphore_mem>>) src(%arg10 : memref<88x128xf32, #tpu.memory_space<vmem>>) dst(%dma_wait3A_265 : memref<10240x128xf32, #tpu.memory_space<vmem_shared>>)
          tpu.yield
        }) : () -> ()
        %add3A_204 = arith.constant 4 : i32
        %add3A_205 = arith.addi %add3A_176, %add3A_204 : i32
        %dma_start3A_206 = arith.constant 0 : i32
        %dma_start3A_207 = arith.constant 0 : i32
        %dma_start3A_208 = tpu.memref_slice %arg5[%arg1, %add3A_205, %dma_start3A_206, %dma_start3A_207] : memref<16x228x2x88xi32, #tpu.memory_space<hbm>> -> memref<1x1x2x88xi32, #tpu.memory_space<hbm>>
        %dma_start3A_209 = tpu.memref_squeeze %dma_start3A_208 : memref<1x1x2x88xi32, #tpu.memory_space<hbm>> -> memref<2x88xi32, #tpu.memory_space<hbm>>
        %dma_start3A_210 = arith.constant 0 : i32
        %dma_start3A_211 = arith.constant 0 : i32
        %dma_start3A_212 = tpu.memref_slice %arg5[%arg1, %add3A_205, %dma_start3A_210, %dma_start3A_211] : memref<16x228x2x88xi32, #tpu.memory_space<hbm>> -> memref<1x1x2x88xi32, #tpu.memory_space<hbm>>
        %dma_start3A_213 = tpu.memref_squeeze %dma_start3A_212 : memref<1x1x2x88xi32, #tpu.memory_space<hbm>> -> memref<2x88xi32, #tpu.memory_space<hbm>>
        tpu.enqueue_dma source(%dma_start3A_213 : memref<2x88xi32, #tpu.memory_space<hbm>>) target(%arg14 : memref<2x88xi32, #tpu.memory_space<vmem>>) target_semaphore(%arg23 : memref<!tpu.dma_semaphore, #tpu.memory_space<semaphore_mem>>)
        %add3A_214 = arith.constant 3 : i32
        %add3A_215 = arith.addi %mul3A_98, %add3A_214 : i32
        %add3A_216 = arith.constant 4 : i32
        %add3A_217 = arith.addi %add3A_215, %add3A_216 : i32
        %sub3A_218 = arith.constant 1 : i32
        %sub3A_219 = arith.subi %add3A_217, %sub3A_218 : i32
        %dma_wait3A_220 = arith.constant 0 : i32
        %dma_wait3A_221 = arith.constant 0 : i32
        %dma_wait3A_222 = tpu.memref_slice %arg5[%arg1, %sub3A_219, %dma_wait3A_220, %dma_wait3A_221] : memref<16x228x2x88xi32, #tpu.memory_space<hbm>> -> memref<1x1x2x88xi32, #tpu.memory_space<hbm>>
        %dma_wait3A_223 = tpu.memref_squeeze %dma_wait3A_222 : memref<1x1x2x88xi32, #tpu.memory_space<hbm>> -> memref<2x88xi32, #tpu.memory_space<hbm>>
        %dma_wait3A_224 = arith.constant 0 : i32
        %dma_wait3A_225 = arith.constant 0 : i32
        %dma_wait3A_226 = tpu.memref_slice %arg5[%arg1, %sub3A_219, %dma_wait3A_224, %dma_wait3A_225] : memref<16x228x2x88xi32, #tpu.memory_space<hbm>> -> memref<1x1x2x88xi32, #tpu.memory_space<hbm>>
        %dma_wait3A_227 = tpu.memref_squeeze %dma_wait3A_226 : memref<1x1x2x88xi32, #tpu.memory_space<hbm>> -> memref<2x88xi32, #tpu.memory_space<hbm>>
        tpu.wait_dma2 semaphore(%arg23 : memref<!tpu.dma_semaphore, #tpu.memory_space<semaphore_mem>>) src(%dma_wait3A_227 : memref<2x88xi32, #tpu.memory_space<hbm>>) dst(%arg14 : memref<2x88xi32, #tpu.memory_space<vmem>>)
        %dma_start3A_228 = arith.constant 0 : i32
        %dma_start3A_229 = arith.constant 0 : i32
        %dma_start3A_230 = tpu.memref_slice %arg14[%dma_start3A_228, %dma_start3A_229] : memref<2x88xi32, #tpu.memory_space<vmem>> -> memref<1x88xi32, #tpu.memory_space<vmem>>
        %dma_start3A_231 = tpu.memref_squeeze %dma_start3A_230 : memref<1x88xi32, #tpu.memory_space<vmem>> -> memref<88xi32, #tpu.memory_space<vmem>>
        %dma_start3A_232 = arith.constant 0 : i32
        %dma_start3A_233 = arith.constant 0 : i32
        %dma_start3A_234 = tpu.memref_slice %arg3[%dma_start3A_232, %dma_start3A_233] : memref<10000x128xf32, #tpu.memory_space<hbm>> -> memref<10000x128xf32, #tpu.memory_space<hbm>>
        tpu.enqueue_indirect_dma source(%dma_start3A_234 : memref<10000x128xf32, #tpu.memory_space<hbm>>) target(%arg10 : memref<88x128xf32, #tpu.memory_space<vmem>>) offsets(%dma_start3A_231 : memref<88xi32, #tpu.memory_space<vmem>>) semaphore(%arg19 : memref<!tpu.dma_semaphore, #tpu.memory_space<semaphore_mem>>)
        %dma_wait3A_235 = arith.constant 0 : i32
        %dma_wait3A_236 = arith.constant 0 : i32
        %dma_wait3A_237 = tpu.memref_slice %arg15[%dma_wait3A_235, %dma_wait3A_236] : memref<2x88xi32, #tpu.memory_space<vmem>> -> memref<1x88xi32, #tpu.memory_space<vmem>>
        %dma_wait3A_238 = tpu.memref_squeeze %dma_wait3A_237 : memref<1x88xi32, #tpu.memory_space<vmem>> -> memref<88xi32, #tpu.memory_space<vmem>>
        %dma_wait3A_239 = arith.constant 0 : i32
        %dma_wait3A_240 = arith.constant 0 : i32
        %dma_wait3A_241 = tpu.memref_slice %arg3[%dma_wait3A_239, %dma_wait3A_240] : memref<10000x128xf32, #tpu.memory_space<hbm>> -> memref<10000x128xf32, #tpu.memory_space<hbm>>
        tpu.wait_indirect_dma semaphore(%arg20 : memref<!tpu.dma_semaphore, #tpu.memory_space<semaphore_mem>>) src(%dma_wait3A_241 : memref<10000x128xf32, #tpu.memory_space<hbm>>) dst(%arg11 : memref<88x128xf32, #tpu.memory_space<vmem>>)
        %run_scoped3A_242 = arith.constant 1 : i32
        "tpu.region"() ({
          %run_scoped3A_253 = tpu.sem_alloc : memref<!tpu.dma_semaphore, #tpu.memory_space<semaphore_mem>>
          %dma_start3A_254 = arith.constant 0 : i32
          %dma_start3A_255 = tpu.memref_slice %arg15[%run_scoped3A_242, %dma_start3A_254] : memref<2x88xi32, #tpu.memory_space<vmem>> -> memref<1x88xi32, #tpu.memory_space<vmem>>
          %dma_start3A_256 = tpu.memref_squeeze %dma_start3A_255 : memref<1x88xi32, #tpu.memory_space<vmem>> -> memref<88xi32, #tpu.memory_space<vmem>>
          %dma_start3A_257 = arith.constant 0 : i32
          %dma_start3A_258 = arith.constant 0 : i32
          %dma_start3A_259 = tpu.memref_slice %arg16[%dma_start3A_257, %dma_start3A_258] : memref<10240x128xf32, #tpu.memory_space<vmem_shared>> -> memref<10240x128xf32, #tpu.memory_space<vmem_shared>>
          tpu.enqueue_indirect_dma source(%arg11 : memref<88x128xf32, #tpu.memory_space<vmem>>) target(%dma_start3A_259 : memref<10240x128xf32, #tpu.memory_space<vmem_shared>>) offsets(%dma_start3A_256 : memref<88xi32, #tpu.memory_space<vmem>>) semaphore(%run_scoped3A_253 : memref<!tpu.dma_semaphore, #tpu.memory_space<semaphore_mem>>) {add = true}
          %dma_wait3A_260 = arith.constant 0 : i32
          %dma_wait3A_261 = tpu.memref_slice %arg15[%run_scoped3A_242, %dma_wait3A_260] : memref<2x88xi32, #tpu.memory_space<vmem>> -> memref<1x88xi32, #tpu.memory_space<vmem>>
          %dma_wait3A_262 = tpu.memref_squeeze %dma_wait3A_261 : memref<1x88xi32, #tpu.memory_space<vmem>> -> memref<88xi32, #tpu.memory_space<vmem>>
          %dma_wait3A_263 = arith.constant 0 : i32
          %dma_wait3A_264 = arith.constant 0 : i32
          %dma_wait3A_265 = tpu.memref_slice %arg16[%dma_wait3A_263, %dma_wait3A_264] : memref<10240x128xf32, #tpu.memory_space<vmem_shared>> -> memref<10240x128xf32, #tpu.memory_space<vmem_shared>>
          tpu.wait_indirect_dma semaphore(%run_scoped3A_253 : memref<!tpu.dma_semaphore, #tpu.memory_space<semaphore_mem>>) src(%arg11 : memref<88x128xf32, #tpu.memory_space<vmem>>) dst(%dma_wait3A_265 : memref<10240x128xf32, #tpu.memory_space<vmem_shared>>)
          tpu.yield
        }) : () -> ()
        %add3A_243 = arith.constant 4 : i32
        %add3A_244 = arith.addi %add3A_215, %add3A_243 : i32
        %dma_start3A_245 = arith.constant 0 : i32
        %dma_start3A_246 = arith.constant 0 : i32
        %dma_start3A_247 = tpu.memref_slice %arg5[%arg1, %add3A_244, %dma_start3A_245, %dma_start3A_246] : memref<16x228x2x88xi32, #tpu.memory_space<hbm>> -> memref<1x1x2x88xi32, #tpu.memory_space<hbm>>
        %dma_start3A_248 = tpu.memref_squeeze %dma_start3A_247 : memref<1x1x2x88xi32, #tpu.memory_space<hbm>> -> memref<2x88xi32, #tpu.memory_space<hbm>>
        %dma_start3A_249 = arith.constant 0 : i32
        %dma_start3A_250 = arith.constant 0 : i32
        %dma_start3A_251 = tpu.memref_slice %arg5[%arg1, %add3A_244, %dma_start3A_249, %dma_start3A_250] : memref<16x228x2x88xi32, #tpu.memory_space<hbm>> -> memref<1x1x2x88xi32, #tpu.memory_space<hbm>>
        %dma_start3A_252 = tpu.memref_squeeze %dma_start3A_251 : memref<1x1x2x88xi32, #tpu.memory_space<hbm>> -> memref<2x88xi32, #tpu.memory_space<hbm>>
        tpu.enqueue_dma source(%dma_start3A_252 : memref<2x88xi32, #tpu.memory_space<hbm>>) target(%arg15 : memref<2x88xi32, #tpu.memory_space<vmem>>) target_semaphore(%arg24 : memref<!tpu.dma_semaphore, #tpu.memory_space<semaphore_mem>>)
      }
      %scan3A_48 = arith.constant 56 : i32
      %dma_wait3A = arith.constant 227 : i32
      %dma_wait3A_49 = arith.constant 0 : i32
      %dma_wait3A_50 = arith.constant 0 : i32
      %dma_wait3A_51 = tpu.memref_slice %arg5[%arg1, %dma_wait3A, %dma_wait3A_49, %dma_wait3A_50] : memref<16x228x2x88xi32, #tpu.memory_space<hbm>> -> memref<1x1x2x88xi32, #tpu.memory_space<hbm>>
      %dma_wait3A_52 = tpu.memref_squeeze %dma_wait3A_51 : memref<1x1x2x88xi32, #tpu.memory_space<hbm>> -> memref<2x88xi32, #tpu.memory_space<hbm>>
      %dma_wait3A_53 = arith.constant 0 : i32
      %dma_wait3A_54 = arith.constant 0 : i32
      %dma_wait3A_55 = tpu.memref_slice %arg5[%arg1, %dma_wait3A, %dma_wait3A_53, %dma_wait3A_54] : memref<16x228x2x88xi32, #tpu.memory_space<hbm>> -> memref<1x1x2x88xi32, #tpu.memory_space<hbm>>
      %dma_wait3A_56 = tpu.memref_squeeze %dma_wait3A_55 : memref<1x1x2x88xi32, #tpu.memory_space<hbm>> -> memref<2x88xi32, #tpu.memory_space<hbm>>
      tpu.wait_dma2 semaphore(%arg24 : memref<!tpu.dma_semaphore, #tpu.memory_space<semaphore_mem>>) src(%dma_wait3A_56 : memref<2x88xi32, #tpu.memory_space<hbm>>) dst(%arg15 : memref<2x88xi32, #tpu.memory_space<vmem>>)
      %dma_start3A_57 = arith.constant 0 : i32
      %dma_start3A_58 = arith.constant 0 : i32
      %dma_start3A_59 = tpu.memref_slice %arg15[%dma_start3A_57, %dma_start3A_58] : memref<2x88xi32, #tpu.memory_space<vmem>> -> memref<1x88xi32, #tpu.memory_space<vmem>>
      %dma_start3A_60 = tpu.memref_squeeze %dma_start3A_59 : memref<1x88xi32, #tpu.memory_space<vmem>> -> memref<88xi32, #tpu.memory_space<vmem>>
      %dma_start3A_61 = arith.constant 0 : i32
      %dma_start3A_62 = arith.constant 0 : i32
      %dma_start3A_63 = tpu.memref_slice %arg3[%dma_start3A_61, %dma_start3A_62] : memref<10000x128xf32, #tpu.memory_space<hbm>> -> memref<10000x128xf32, #tpu.memory_space<hbm>>
      tpu.enqueue_indirect_dma source(%dma_start3A_63 : memref<10000x128xf32, #tpu.memory_space<hbm>>) target(%arg11 : memref<88x128xf32, #tpu.memory_space<vmem>>) offsets(%dma_start3A_60 : memref<88xi32, #tpu.memory_space<vmem>>) semaphore(%arg20 : memref<!tpu.dma_semaphore, #tpu.memory_space<semaphore_mem>>)
      %dma_wait3A_64 = arith.constant 0 : i32
      %dma_wait3A_65 = arith.constant 0 : i32
      %dma_wait3A_66 = tpu.memref_slice %arg12[%dma_wait3A_64, %dma_wait3A_65] : memref<2x88xi32, #tpu.memory_space<vmem>> -> memref<1x88xi32, #tpu.memory_space<vmem>>
      %dma_wait3A_67 = tpu.memref_squeeze %dma_wait3A_66 : memref<1x88xi32, #tpu.memory_space<vmem>> -> memref<88xi32, #tpu.memory_space<vmem>>
      %dma_wait3A_68 = arith.constant 0 : i32
      %dma_wait3A_69 = arith.constant 0 : i32
      %dma_wait3A_70 = tpu.memref_slice %arg3[%dma_wait3A_68, %dma_wait3A_69] : memref<10000x128xf32, #tpu.memory_space<hbm>> -> memref<10000x128xf32, #tpu.memory_space<hbm>>
      tpu.wait_indirect_dma semaphore(%arg17 : memref<!tpu.dma_semaphore, #tpu.memory_space<semaphore_mem>>) src(%dma_wait3A_70 : memref<10000x128xf32, #tpu.memory_space<hbm>>) dst(%arg8 : memref<88x128xf32, #tpu.memory_space<vmem>>)
      %run_scoped3A_71 = arith.constant 1 : i32
      "tpu.region"() ({
        %run_scoped3A_96 = tpu.sem_alloc : memref<!tpu.dma_semaphore, #tpu.memory_space<semaphore_mem>>
        %dma_start3A_97 = arith.constant 0 : i32
        %dma_start3A_98 = tpu.memref_slice %arg12[%run_scoped3A_71, %dma_start3A_97] : memref<2x88xi32, #tpu.memory_space<vmem>> -> memref<1x88xi32, #tpu.memory_space<vmem>>
        %dma_start3A_99 = tpu.memref_squeeze %dma_start3A_98 : memref<1x88xi32, #tpu.memory_space<vmem>> -> memref<88xi32, #tpu.memory_space<vmem>>
        %dma_start3A_100 = arith.constant 0 : i32
        %dma_start3A_101 = arith.constant 0 : i32
        %dma_start3A_102 = tpu.memref_slice %arg16[%dma_start3A_100, %dma_start3A_101] : memref<10240x128xf32, #tpu.memory_space<vmem_shared>> -> memref<10240x128xf32, #tpu.memory_space<vmem_shared>>
        tpu.enqueue_indirect_dma source(%arg8 : memref<88x128xf32, #tpu.memory_space<vmem>>) target(%dma_start3A_102 : memref<10240x128xf32, #tpu.memory_space<vmem_shared>>) offsets(%dma_start3A_99 : memref<88xi32, #tpu.memory_space<vmem>>) semaphore(%run_scoped3A_96 : memref<!tpu.dma_semaphore, #tpu.memory_space<semaphore_mem>>) {add = true}
        %dma_wait3A_103 = arith.constant 0 : i32
        %dma_wait3A_104 = tpu.memref_slice %arg12[%run_scoped3A_71, %dma_wait3A_103] : memref<2x88xi32, #tpu.memory_space<vmem>> -> memref<1x88xi32, #tpu.memory_space<vmem>>
        %dma_wait3A_105 = tpu.memref_squeeze %dma_wait3A_104 : memref<1x88xi32, #tpu.memory_space<vmem>> -> memref<88xi32, #tpu.memory_space<vmem>>
        %dma_wait3A_106 = arith.constant 0 : i32
        %dma_wait3A_107 = arith.constant 0 : i32
        %dma_wait3A_108 = tpu.memref_slice %arg16[%dma_wait3A_106, %dma_wait3A_107] : memref<10240x128xf32, #tpu.memory_space<vmem_shared>> -> memref<10240x128xf32, #tpu.memory_space<vmem_shared>>
        tpu.wait_indirect_dma semaphore(%run_scoped3A_96 : memref<!tpu.dma_semaphore, #tpu.memory_space<semaphore_mem>>) src(%arg8 : memref<88x128xf32, #tpu.memory_space<vmem>>) dst(%dma_wait3A_108 : memref<10240x128xf32, #tpu.memory_space<vmem_shared>>)
        tpu.yield
      }) : () -> ()
      %dma_wait3A_72 = arith.constant 0 : i32
      %dma_wait3A_73 = arith.constant 0 : i32
      %dma_wait3A_74 = tpu.memref_slice %arg13[%dma_wait3A_72, %dma_wait3A_73] : memref<2x88xi32, #tpu.memory_space<vmem>> -> memref<1x88xi32, #tpu.memory_space<vmem>>
      %dma_wait3A_75 = tpu.memref_squeeze %dma_wait3A_74 : memref<1x88xi32, #tpu.memory_space<vmem>> -> memref<88xi32, #tpu.memory_space<vmem>>
      %dma_wait3A_76 = arith.constant 0 : i32
      %dma_wait3A_77 = arith.constant 0 : i32
      %dma_wait3A_78 = tpu.memref_slice %arg3[%dma_wait3A_76, %dma_wait3A_77] : memref<10000x128xf32, #tpu.memory_space<hbm>> -> memref<10000x128xf32, #tpu.memory_space<hbm>>
      tpu.wait_indirect_dma semaphore(%arg18 : memref<!tpu.dma_semaphore, #tpu.memory_space<semaphore_mem>>) src(%dma_wait3A_78 : memref<10000x128xf32, #tpu.memory_space<hbm>>) dst(%arg9 : memref<88x128xf32, #tpu.memory_space<vmem>>)
      %run_scoped3A_79 = arith.constant 1 : i32
      "tpu.region"() ({
        %run_scoped3A_96 = tpu.sem_alloc : memref<!tpu.dma_semaphore, #tpu.memory_space<semaphore_mem>>
        %dma_start3A_97 = arith.constant 0 : i32
        %dma_start3A_98 = tpu.memref_slice %arg13[%run_scoped3A_79, %dma_start3A_97] : memref<2x88xi32, #tpu.memory_space<vmem>> -> memref<1x88xi32, #tpu.memory_space<vmem>>
        %dma_start3A_99 = tpu.memref_squeeze %dma_start3A_98 : memref<1x88xi32, #tpu.memory_space<vmem>> -> memref<88xi32, #tpu.memory_space<vmem>>
        %dma_start3A_100 = arith.constant 0 : i32
        %dma_start3A_101 = arith.constant 0 : i32
        %dma_start3A_102 = tpu.memref_slice %arg16[%dma_start3A_100, %dma_start3A_101] : memref<10240x128xf32, #tpu.memory_space<vmem_shared>> -> memref<10240x128xf32, #tpu.memory_space<vmem_shared>>
        tpu.enqueue_indirect_dma source(%arg9 : memref<88x128xf32, #tpu.memory_space<vmem>>) target(%dma_start3A_102 : memref<10240x128xf32, #tpu.memory_space<vmem_shared>>) offsets(%dma_start3A_99 : memref<88xi32, #tpu.memory_space<vmem>>) semaphore(%run_scoped3A_96 : memref<!tpu.dma_semaphore, #tpu.memory_space<semaphore_mem>>) {add = true}
        %dma_wait3A_103 = arith.constant 0 : i32
        %dma_wait3A_104 = tpu.memref_slice %arg13[%run_scoped3A_79, %dma_wait3A_103] : memref<2x88xi32, #tpu.memory_space<vmem>> -> memref<1x88xi32, #tpu.memory_space<vmem>>
        %dma_wait3A_105 = tpu.memref_squeeze %dma_wait3A_104 : memref<1x88xi32, #tpu.memory_space<vmem>> -> memref<88xi32, #tpu.memory_space<vmem>>
        %dma_wait3A_106 = arith.constant 0 : i32
        %dma_wait3A_107 = arith.constant 0 : i32
        %dma_wait3A_108 = tpu.memref_slice %arg16[%dma_wait3A_106, %dma_wait3A_107] : memref<10240x128xf32, #tpu.memory_space<vmem_shared>> -> memref<10240x128xf32, #tpu.memory_space<vmem_shared>>
        tpu.wait_indirect_dma semaphore(%run_scoped3A_96 : memref<!tpu.dma_semaphore, #tpu.memory_space<semaphore_mem>>) src(%arg9 : memref<88x128xf32, #tpu.memory_space<vmem>>) dst(%dma_wait3A_108 : memref<10240x128xf32, #tpu.memory_space<vmem_shared>>)
        tpu.yield
      }) : () -> ()
      %dma_wait3A_80 = arith.constant 0 : i32
      %dma_wait3A_81 = arith.constant 0 : i32
      %dma_wait3A_82 = tpu.memref_slice %arg14[%dma_wait3A_80, %dma_wait3A_81] : memref<2x88xi32, #tpu.memory_space<vmem>> -> memref<1x88xi32, #tpu.memory_space<vmem>>
      %dma_wait3A_83 = tpu.memref_squeeze %dma_wait3A_82 : memref<1x88xi32, #tpu.memory_space<vmem>> -> memref<88xi32, #tpu.memory_space<vmem>>
      %dma_wait3A_84 = arith.constant 0 : i32
      %dma_wait3A_85 = arith.constant 0 : i32
      %dma_wait3A_86 = tpu.memref_slice %arg3[%dma_wait3A_84, %dma_wait3A_85] : memref<10000x128xf32, #tpu.memory_space<hbm>> -> memref<10000x128xf32, #tpu.memory_space<hbm>>
      tpu.wait_indirect_dma semaphore(%arg19 : memref<!tpu.dma_semaphore, #tpu.memory_space<semaphore_mem>>) src(%dma_wait3A_86 : memref<10000x128xf32, #tpu.memory_space<hbm>>) dst(%arg10 : memref<88x128xf32, #tpu.memory_space<vmem>>)
      %run_scoped3A_87 = arith.constant 1 : i32
      "tpu.region"() ({
        %run_scoped3A_96 = tpu.sem_alloc : memref<!tpu.dma_semaphore, #tpu.memory_space<semaphore_mem>>
        %dma_start3A_97 = arith.constant 0 : i32
        %dma_start3A_98 = tpu.memref_slice %arg14[%run_scoped3A_87, %dma_start3A_97] : memref<2x88xi32, #tpu.memory_space<vmem>> -> memref<1x88xi32, #tpu.memory_space<vmem>>
        %dma_start3A_99 = tpu.memref_squeeze %dma_start3A_98 : memref<1x88xi32, #tpu.memory_space<vmem>> -> memref<88xi32, #tpu.memory_space<vmem>>
        %dma_start3A_100 = arith.constant 0 : i32
        %dma_start3A_101 = arith.constant 0 : i32
        %dma_start3A_102 = tpu.memref_slice %arg16[%dma_start3A_100, %dma_start3A_101] : memref<10240x128xf32, #tpu.memory_space<vmem_shared>> -> memref<10240x128xf32, #tpu.memory_space<vmem_shared>>
        tpu.enqueue_indirect_dma source(%arg10 : memref<88x128xf32, #tpu.memory_space<vmem>>) target(%dma_start3A_102 : memref<10240x128xf32, #tpu.memory_space<vmem_shared>>) offsets(%dma_start3A_99 : memref<88xi32, #tpu.memory_space<vmem>>) semaphore(%run_scoped3A_96 : memref<!tpu.dma_semaphore, #tpu.memory_space<semaphore_mem>>) {add = true}
        %dma_wait3A_103 = arith.constant 0 : i32
        %dma_wait3A_104 = tpu.memref_slice %arg14[%run_scoped3A_87, %dma_wait3A_103] : memref<2x88xi32, #tpu.memory_space<vmem>> -> memref<1x88xi32, #tpu.memory_space<vmem>>
        %dma_wait3A_105 = tpu.memref_squeeze %dma_wait3A_104 : memref<1x88xi32, #tpu.memory_space<vmem>> -> memref<88xi32, #tpu.memory_space<vmem>>
        %dma_wait3A_106 = arith.constant 0 : i32
        %dma_wait3A_107 = arith.constant 0 : i32
        %dma_wait3A_108 = tpu.memref_slice %arg16[%dma_wait3A_106, %dma_wait3A_107] : memref<10240x128xf32, #tpu.memory_space<vmem_shared>> -> memref<10240x128xf32, #tpu.memory_space<vmem_shared>>
        tpu.wait_indirect_dma semaphore(%run_scoped3A_96 : memref<!tpu.dma_semaphore, #tpu.memory_space<semaphore_mem>>) src(%arg10 : memref<88x128xf32, #tpu.memory_space<vmem>>) dst(%dma_wait3A_108 : memref<10240x128xf32, #tpu.memory_space<vmem_shared>>)
        tpu.yield
      }) : () -> ()
      %dma_wait3A_88 = arith.constant 0 : i32
      %dma_wait3A_89 = arith.constant 0 : i32
      %dma_wait3A_90 = tpu.memref_slice %arg15[%dma_wait3A_88, %dma_wait3A_89] : memref<2x88xi32, #tpu.memory_space<vmem>> -> memref<1x88xi32, #tpu.memory_space<vmem>>
      %dma_wait3A_91 = tpu.memref_squeeze %dma_wait3A_90 : memref<1x88xi32, #tpu.memory_space<vmem>> -> memref<88xi32, #tpu.memory_space<vmem>>
      %dma_wait3A_92 = arith.constant 0 : i32
      %dma_wait3A_93 = arith.constant 0 : i32
      %dma_wait3A_94 = tpu.memref_slice %arg3[%dma_wait3A_92, %dma_wait3A_93] : memref<10000x128xf32, #tpu.memory_space<hbm>> -> memref<10000x128xf32, #tpu.memory_space<hbm>>
      tpu.wait_indirect_dma semaphore(%arg20 : memref<!tpu.dma_semaphore, #tpu.memory_space<semaphore_mem>>) src(%dma_wait3A_94 : memref<10000x128xf32, #tpu.memory_space<hbm>>) dst(%arg11 : memref<88x128xf32, #tpu.memory_space<vmem>>)
      %run_scoped3A_95 = arith.constant 1 : i32
      "tpu.region"() ({
        %run_scoped3A_96 = tpu.sem_alloc : memref<!tpu.dma_semaphore, #tpu.memory_space<semaphore_mem>>
        %dma_start3A_97 = arith.constant 0 : i32
        %dma_start3A_98 = tpu.memref_slice %arg15[%run_scoped3A_95, %dma_start3A_97] : memref<2x88xi32, #tpu.memory_space<vmem>> -> memref<1x88xi32, #tpu.memory_space<vmem>>
        %dma_start3A_99 = tpu.memref_squeeze %dma_start3A_98 : memref<1x88xi32, #tpu.memory_space<vmem>> -> memref<88xi32, #tpu.memory_space<vmem>>
        %dma_start3A_100 = arith.constant 0 : i32
        %dma_start3A_101 = arith.constant 0 : i32
        %dma_start3A_102 = tpu.memref_slice %arg16[%dma_start3A_100, %dma_start3A_101] : memref<10240x128xf32, #tpu.memory_space<vmem_shared>> -> memref<10240x128xf32, #tpu.memory_space<vmem_shared>>
        tpu.enqueue_indirect_dma source(%arg11 : memref<88x128xf32, #tpu.memory_space<vmem>>) target(%dma_start3A_102 : memref<10240x128xf32, #tpu.memory_space<vmem_shared>>) offsets(%dma_start3A_99 : memref<88xi32, #tpu.memory_space<vmem>>) semaphore(%run_scoped3A_96 : memref<!tpu.dma_semaphore, #tpu.memory_space<semaphore_mem>>) {add = true}
        %dma_wait3A_103 = arith.constant 0 : i32
        %dma_wait3A_104 = tpu.memref_slice %arg15[%run_scoped3A_95, %dma_wait3A_103] : memref<2x88xi32, #tpu.memory_space<vmem>> -> memref<1x88xi32, #tpu.memory_space<vmem>>
        %dma_wait3A_105 = tpu.memref_squeeze %dma_wait3A_104 : memref<1x88xi32, #tpu.memory_space<vmem>> -> memref<88xi32, #tpu.memory_space<vmem>>
        %dma_wait3A_106 = arith.constant 0 : i32
        %dma_wait3A_107 = arith.constant 0 : i32
        %dma_wait3A_108 = tpu.memref_slice %arg16[%dma_wait3A_106, %dma_wait3A_107] : memref<10240x128xf32, #tpu.memory_space<vmem_shared>> -> memref<10240x128xf32, #tpu.memory_space<vmem_shared>>
        tpu.wait_indirect_dma semaphore(%run_scoped3A_96 : memref<!tpu.dma_semaphore, #tpu.memory_space<semaphore_mem>>) src(%arg11 : memref<88x128xf32, #tpu.memory_space<vmem>>) dst(%dma_wait3A_108 : memref<10240x128xf32, #tpu.memory_space<vmem_shared>>)
        tpu.yield
      }) : () -> ()
    } else {
    }
    %barrier3A = arith.constant 0 : index
    tpu.barrier barrier_id(%barrier3A)
    %mul3A_8 = arith.constant 640 : i32
    %mul3A_9 = arith.muli %arg1, %mul3A_8 : i32
    %mul3A_10 = arith.constant 640 : i32
    %mul3A_11 = arith.muli %arg1, %mul3A_10 : i32
    "tpu.region"() ({
      %run_scoped3A = tpu.sem_alloc : memref<!tpu.dma_semaphore, #tpu.memory_space<semaphore_mem>>
      %dma_start3A = arith.constant 0 : i32
      %dma_start3A_12 = tpu.memref_slice %arg7[%arg0, %mul3A_11, %dma_start3A] : memref<2x10240x128xf32, #tpu.memory_space<hbm>> -> memref<1x640x128xf32, #tpu.memory_space<hbm>>
      %dma_start3A_13 = tpu.memref_squeeze %dma_start3A_12 : memref<1x640x128xf32, #tpu.memory_space<hbm>> -> memref<640x128xf32, #tpu.memory_space<hbm>>
      %dma_start3A_14 = arith.constant 0 : i32
      %dma_start3A_15 = tpu.memref_slice %arg16[%mul3A_9, %dma_start3A_14] : memref<10240x128xf32, #tpu.memory_space<vmem_shared>> -> memref<640x128xf32, #tpu.memory_space<vmem_shared>>
      tpu.enqueue_dma source(%dma_start3A_15 : memref<640x128xf32, #tpu.memory_space<vmem_shared>>) target(%dma_start3A_13 : memref<640x128xf32, #tpu.memory_space<hbm>>) target_semaphore(%run_scoped3A : memref<!tpu.dma_semaphore, #tpu.memory_space<semaphore_mem>>)
      %dma_wait3A = arith.constant 0 : i32
      %dma_wait3A_16 = tpu.memref_slice %arg7[%arg0, %mul3A_11, %dma_wait3A] : memref<2x10240x128xf32, #tpu.memory_space<hbm>> -> memref<1x640x128xf32, #tpu.memory_space<hbm>>
      %dma_wait3A_17 = tpu.memref_squeeze %dma_wait3A_16 : memref<1x640x128xf32, #tpu.memory_space<hbm>> -> memref<640x128xf32, #tpu.memory_space<hbm>>
      %dma_wait3A_18 = arith.constant 0 : i32
      %dma_wait3A_19 = tpu.memref_slice %arg16[%mul3A_9, %dma_wait3A_18] : memref<10240x128xf32, #tpu.memory_space<vmem_shared>> -> memref<640x128xf32, #tpu.memory_space<vmem_shared>>
      tpu.wait_dma2 semaphore(%run_scoped3A : memref<!tpu.dma_semaphore, #tpu.memory_space<semaphore_mem>>) src(%dma_wait3A_19 : memref<640x128xf32, #tpu.memory_space<vmem_shared>>) dst(%dma_wait3A_17 : memref<640x128xf32, #tpu.memory_space<hbm>>)
      tpu.yield
    }) : () -> ()
    return
  }
}

#map = affine_map<(d0, d1) -> (0, 0)>
#map1 = affine_map<(d0, d1) -> (0, 0, 0, 0)>
#map2 = affine_map<(d0, d1) -> (0, 0, 0)>
module attributes {stable_mosaic.version = 14 : i64} {
  func.func @prop(%arg0: i32, %arg1: i32, %arg2: memref<10000x128xf32, #tpu.memory_space<hbm>>, %arg3: memref<10000x128xf32, #tpu.memory_space<hbm>>, %arg4: memref<16x228x2x88xi32, #tpu.memory_space<hbm>>, %arg5: memref<16x228x2x88xi32, #tpu.memory_space<hbm>>, %arg6: memref<640x128xf32, #tpu.memory_space<hbm>>, %arg7: memref<2x10240x128xf32, #tpu.memory_space<hbm>>, %arg8: memref<88x128xf32, #tpu.memory_space<vmem>>, %arg9: memref<88x128xf32, #tpu.memory_space<vmem>>, %arg10: memref<88x128xf32, #tpu.memory_space<vmem>>, %arg11: memref<88x128xf32, #tpu.memory_space<vmem>>, %arg12: memref<2x88xi32, #tpu.memory_space<vmem>>, %arg13: memref<2x88xi32, #tpu.memory_space<vmem>>, %arg14: memref<2x88xi32, #tpu.memory_space<vmem>>, %arg15: memref<2x88xi32, #tpu.memory_space<vmem>>, %arg16: memref<10240x128xf32, #tpu.memory_space<vmem_shared>>, %arg17: memref<!tpu.dma_semaphore, #tpu.memory_space<semaphore_mem>>, %arg18: memref<!tpu.dma_semaphore, #tpu.memory_space<semaphore_mem>>, %arg19: memref<!tpu.dma_semaphore, #tpu.memory_space<semaphore_mem>>, %arg20: memref<!tpu.dma_semaphore, #tpu.memory_space<semaphore_mem>>, %arg21: memref<!tpu.dma_semaphore, #tpu.memory_space<semaphore_mem>>, %arg22: memref<!tpu.dma_semaphore, #tpu.memory_space<semaphore_mem>>, %arg23: memref<!tpu.dma_semaphore, #tpu.memory_space<semaphore_mem>>, %arg24: memref<!tpu.dma_semaphore, #tpu.memory_space<semaphore_mem>>) attributes {dimension_semantics = [#tpu.dimension_semantics<core_parallel>, #tpu.dimension_semantics<subcore_parallel>], iteration_bounds = array<i64: 2, 16>, scalar_prefetch = 0 : i64, scratch_operands = 17 : i64, tpu.core_type = #tpu.core_type<sc_vector_subcore>, window_params = [{transform_indices = #map}, {transform_indices = #map}, {transform_indices = #map1}, {transform_indices = #map1}, {transform_indices = #map}, {transform_indices = #map2}]} {
    %mul3A = arith.constant 640 : i32
    %mul3A_0 = arith.muli %arg1, %mul3A : i32
    "tpu.region"() ({
      %run_scoped3A = tpu.sem_alloc : memref<!tpu.dma_semaphore, #tpu.memory_space<semaphore_mem>>
      %dma_start3A = arith.constant 0 : i32
      %dma_start3A_12 = tpu.memref_slice %arg16[%mul3A_0, %dma_start3A] : memref<10240x128xf32, #tpu.memory_space<vmem_shared>> -> memref<640x128xf32, #tpu.memory_space<vmem_shared>>
      tpu.enqueue_dma source(%arg6 : memref<640x128xf32, #tpu.memory_space<hbm>>) target(%dma_start3A_12 : memref<640x128xf32, #tpu.memory_space<vmem_shared>>) target_semaphore(%run_scoped3A : memref<!tpu.dma_semaphore, #tpu.memory_space<semaphore_mem>>)
      %dma_wait3A = arith.constant 0 : i32
      %dma_wait3A_13 = tpu.memref_slice %arg16[%mul3A_0, %dma_wait3A] : memref<10240x128xf32, #tpu.memory_space<vmem_shared>> -> memref<640x128xf32, #tpu.memory_space<vmem_shared>>
      tpu.wait_dma2 semaphore(%run_scoped3A : memref<!tpu.dma_semaphore, #tpu.memory_space<semaphore_mem>>) src(%arg6 : memref<640x128xf32, #tpu.memory_space<hbm>>) dst(%dma_wait3A_13 : memref<640x128xf32, #tpu.memory_space<vmem_shared>>)
      tpu.yield
    }) : () -> ()
    %eq3A = arith.constant 0 : i32
    %eq3A_1 = arith.cmpi eq, %arg0, %eq3A : i32
    %convert_element_type3A = arith.extui %eq3A_1 : i1 to i32
    %cond3A = arith.constant 0 : i32
    %cond3A_2 = arith.cmpi ne, %convert_element_type3A, %cond3A : i32
    scf.if %cond3A_2 {
      %barrier3A_12 = arith.constant 0 : index
      tpu.barrier barrier_id(%barrier3A_12)
      %run_scoped3A = arith.constant 0 : i32
      "tpu.region"() ({
        %run_scoped3A_96 = tpu.sem_alloc : memref<!tpu.dma_semaphore, #tpu.memory_space<semaphore_mem>>
        %dma_start3A_97 = arith.constant 0 : i32
        %dma_start3A_98 = arith.constant 0 : i32
        %dma_start3A_99 = tpu.memref_slice %arg4[%arg1, %run_scoped3A, %dma_start3A_97, %dma_start3A_98] : memref<16x228x2x88xi32, #tpu.memory_space<hbm>> -> memref<1x1x2x88xi32, #tpu.memory_space<hbm>>
        %dma_start3A_100 = tpu.memref_squeeze %dma_start3A_99 : memref<1x1x2x88xi32, #tpu.memory_space<hbm>> -> memref<2x88xi32, #tpu.memory_space<hbm>>
        %dma_start3A_101 = arith.constant 0 : i32
        %dma_start3A_102 = arith.constant 0 : i32
        %dma_start3A_103 = tpu.memref_slice %arg4[%arg1, %run_scoped3A, %dma_start3A_101, %dma_start3A_102] : memref<16x228x2x88xi32, #tpu.memory_space<hbm>> -> memref<1x1x2x88xi32, #tpu.memory_space<hbm>>
        %dma_start3A_104 = tpu.memref_squeeze %dma_start3A_103 : memref<1x1x2x88xi32, #tpu.memory_space<hbm>> -> memref<2x88xi32, #tpu.memory_space<hbm>>
        tpu.enqueue_dma source(%dma_start3A_104 : memref<2x88xi32, #tpu.memory_space<hbm>>) target(%arg12 : memref<2x88xi32, #tpu.memory_space<vmem>>) target_semaphore(%run_scoped3A_96 : memref<!tpu.dma_semaphore, #tpu.memory_space<semaphore_mem>>)
        %dma_wait3A_105 = arith.constant 0 : i32
        %dma_wait3A_106 = arith.constant 0 : i32
        %dma_wait3A_107 = tpu.memref_slice %arg4[%arg1, %run_scoped3A, %dma_wait3A_105, %dma_wait3A_106] : memref<16x228x2x88xi32, #tpu.memory_space<hbm>> -> memref<1x1x2x88xi32, #tpu.memory_space<hbm>>
        %dma_wait3A_108 = tpu.memref_squeeze %dma_wait3A_107 : memref<1x1x2x88xi32, #tpu.memory_space<hbm>> -> memref<2x88xi32, #tpu.memory_space<hbm>>
        %dma_wait3A_109 = arith.constant 0 : i32
        %dma_wait3A_110 = arith.constant 0 : i32
        %dma_wait3A_111 = tpu.memref_slice %arg4[%arg1, %run_scoped3A, %dma_wait3A_109, %dma_wait3A_110] : memref<16x228x2x88xi32, #tpu.memory_space<hbm>> -> memref<1x1x2x88xi32, #tpu.memory_space<hbm>>
        %dma_wait3A_112 = tpu.memref_squeeze %dma_wait3A_111 : memref<1x1x2x88xi32, #tpu.memory_space<hbm>> -> memref<2x88xi32, #tpu.memory_space<hbm>>
        tpu.wait_dma2 semaphore(%run_scoped3A_96 : memref<!tpu.dma_semaphore, #tpu.memory_space<semaphore_mem>>) src(%dma_wait3A_112 : memref<2x88xi32, #tpu.memory_space<hbm>>) dst(%arg12 : memref<2x88xi32, #tpu.memory_space<vmem>>)
        tpu.yield
      }) : () -> ()
      %run_scoped3A_13 = arith.constant 1 : i32
      "tpu.region"() ({
        %run_scoped3A_96 = tpu.sem_alloc : memref<!tpu.dma_semaphore, #tpu.memory_space<semaphore_mem>>
        %dma_start3A_97 = arith.constant 0 : i32
        %dma_start3A_98 = arith.constant 0 : i32
        %dma_start3A_99 = tpu.memref_slice %arg4[%arg1, %run_scoped3A_13, %dma_start3A_97, %dma_start3A_98] : memref<16x228x2x88xi32, #tpu.memory_space<hbm>> -> memref<1x1x2x88xi32, #tpu.memory_space<hbm>>
        %dma_start3A_100 = tpu.memref_squeeze %dma_start3A_99 : memref<1x1x2x88xi32, #tpu.memory_space<hbm>> -> memref<2x88xi32, #tpu.memory_space<hbm>>
        %dma_start3A_101 = arith.constant 0 : i32
        %dma_start3A_102 = arith.constant 0 : i32
        %dma_start3A_103 = tpu.memref_slice %arg4[%arg1, %run_scoped3A_13, %dma_start3A_101, %dma_start3A_102] : memref<16x228x2x88xi32, #tpu.memory_space<hbm>> -> memref<1x1x2x88xi32, #tpu.memory_space<hbm>>
        %dma_start3A_104 = tpu.memref_squeeze %dma_start3A_103 : memref<1x1x2x88xi32, #tpu.memory_space<hbm>> -> memref<2x88xi32, #tpu.memory_space<hbm>>
        tpu.enqueue_dma source(%dma_start3A_104 : memref<2x88xi32, #tpu.memory_space<hbm>>) target(%arg13 : memref<2x88xi32, #tpu.memory_space<vmem>>) target_semaphore(%run_scoped3A_96 : memref<!tpu.dma_semaphore, #tpu.memory_space<semaphore_mem>>)
        %dma_wait3A_105 = arith.constant 0 : i32
        %dma_wait3A_106 = arith.constant 0 : i32
        %dma_wait3A_107 = tpu.memref_slice %arg4[%arg1, %run_scoped3A_13, %dma_wait3A_105, %dma_wait3A_106] : memref<16x228x2x88xi32, #tpu.memory_space<hbm>> -> memref<1x1x2x88xi32, #tpu.memory_space<hbm>>
        %dma_wait3A_108 = tpu.memref_squeeze %dma_wait3A_107 : memref<1x1x2x88xi32, #tpu.memory_space<hbm>> -> memref<2x88xi32, #tpu.memory_space<hbm>>
        %dma_wait3A_109 = arith.constant 0 : i32
        %dma_wait3A_110 = arith.constant 0 : i32
        %dma_wait3A_111 = tpu.memref_slice %arg4[%arg1, %run_scoped3A_13, %dma_wait3A_109, %dma_wait3A_110] : memref<16x228x2x88xi32, #tpu.memory_space<hbm>> -> memref<1x1x2x88xi32, #tpu.memory_space<hbm>>
        %dma_wait3A_112 = tpu.memref_squeeze %dma_wait3A_111 : memref<1x1x2x88xi32, #tpu.memory_space<hbm>> -> memref<2x88xi32, #tpu.memory_space<hbm>>
        tpu.wait_dma2 semaphore(%run_scoped3A_96 : memref<!tpu.dma_semaphore, #tpu.memory_space<semaphore_mem>>) src(%dma_wait3A_112 : memref<2x88xi32, #tpu.memory_space<hbm>>) dst(%arg13 : memref<2x88xi32, #tpu.memory_space<vmem>>)
        tpu.yield
      }) : () -> ()
      %run_scoped3A_14 = arith.constant 2 : i32
      "tpu.region"() ({
        %run_scoped3A_96 = tpu.sem_alloc : memref<!tpu.dma_semaphore, #tpu.memory_space<semaphore_mem>>
        %dma_start3A_97 = arith.constant 0 : i32
        %dma_start3A_98 = arith.constant 0 : i32
        %dma_start3A_99 = tpu.memref_slice %arg4[%arg1, %run_scoped3A_14, %dma_start3A_97, %dma_start3A_98] : memref<16x228x2x88xi32, #tpu.memory_space<hbm>> -> memref<1x1x2x88xi32, #tpu.memory_space<hbm>>
        %dma_start3A_100 = tpu.memref_squeeze %dma_start3A_99 : memref<1x1x2x88xi32, #tpu.memory_space<hbm>> -> memref<2x88xi32, #tpu.memory_space<hbm>>
        %dma_start3A_101 = arith.constant 0 : i32
        %dma_start3A_102 = arith.constant 0 : i32
        %dma_start3A_103 = tpu.memref_slice %arg4[%arg1, %run_scoped3A_14, %dma_start3A_101, %dma_start3A_102] : memref<16x228x2x88xi32, #tpu.memory_space<hbm>> -> memref<1x1x2x88xi32, #tpu.memory_space<hbm>>
        %dma_start3A_104 = tpu.memref_squeeze %dma_start3A_103 : memref<1x1x2x88xi32, #tpu.memory_space<hbm>> -> memref<2x88xi32, #tpu.memory_space<hbm>>
        tpu.enqueue_dma source(%dma_start3A_104 : memref<2x88xi32, #tpu.memory_space<hbm>>) target(%arg14 : memref<2x88xi32, #tpu.memory_space<vmem>>) target_semaphore(%run_scoped3A_96 : memref<!tpu.dma_semaphore, #tpu.memory_space<semaphore_mem>>)
        %dma_wait3A_105 = arith.constant 0 : i32
        %dma_wait3A_106 = arith.constant 0 : i32
        %dma_wait3A_107 = tpu.memref_slice %arg4[%arg1, %run_scoped3A_14, %dma_wait3A_105, %dma_wait3A_106] : memref<16x228x2x88xi32, #tpu.memory_space<hbm>> -> memref<1x1x2x88xi32, #tpu.memory_space<hbm>>
        %dma_wait3A_108 = tpu.memref_squeeze %dma_wait3A_107 : memref<1x1x2x88xi32, #tpu.memory_space<hbm>> -> memref<2x88xi32, #tpu.memory_space<hbm>>
        %dma_wait3A_109 = arith.constant 0 : i32
        %dma_wait3A_110 = arith.constant 0 : i32
        %dma_wait3A_111 = tpu.memref_slice %arg4[%arg1, %run_scoped3A_14, %dma_wait3A_109, %dma_wait3A_110] : memref<16x228x2x88xi32, #tpu.memory_space<hbm>> -> memref<1x1x2x88xi32, #tpu.memory_space<hbm>>
        %dma_wait3A_112 = tpu.memref_squeeze %dma_wait3A_111 : memref<1x1x2x88xi32, #tpu.memory_space<hbm>> -> memref<2x88xi32, #tpu.memory_space<hbm>>
        tpu.wait_dma2 semaphore(%run_scoped3A_96 : memref<!tpu.dma_semaphore, #tpu.memory_space<semaphore_mem>>) src(%dma_wait3A_112 : memref<2x88xi32, #tpu.memory_space<hbm>>) dst(%arg14 : memref<2x88xi32, #tpu.memory_space<vmem>>)
        tpu.yield
      }) : () -> ()
      %dma_start3A = arith.constant 3 : i32
      %dma_start3A_15 = arith.constant 0 : i32
      %dma_start3A_16 = arith.constant 0 : i32
      %dma_start3A_17 = tpu.memref_slice %arg4[%arg1, %dma_start3A, %dma_start3A_15, %dma_start3A_16] : memref<16x228x2x88xi32, #tpu.memory_space<hbm>> -> memref<1x1x2x88xi32, #tpu.memory_space<hbm>>
      %dma_start3A_18 = tpu.memref_squeeze %dma_start3A_17 : memref<1x1x2x88xi32, #tpu.memory_space<hbm>> -> memref<2x88xi32, #tpu.memory_space<hbm>>
      %dma_start3A_19 = arith.constant 0 : i32
      %dma_start3A_20 = arith.constant 0 : i32
      %dma_start3A_21 = tpu.memref_slice %arg4[%arg1, %dma_start3A, %dma_start3A_19, %dma_start3A_20] : memref<16x228x2x88xi32, #tpu.memory_space<hbm>> -> memref<1x1x2x88xi32, #tpu.memory_space<hbm>>
      %dma_start3A_22 = tpu.memref_squeeze %dma_start3A_21 : memref<1x1x2x88xi32, #tpu.memory_space<hbm>> -> memref<2x88xi32, #tpu.memory_space<hbm>>
      tpu.enqueue_dma source(%dma_start3A_22 : memref<2x88xi32, #tpu.memory_space<hbm>>) target(%arg15 : memref<2x88xi32, #tpu.memory_space<vmem>>) target_semaphore(%arg24 : memref<!tpu.dma_semaphore, #tpu.memory_space<semaphore_mem>>)
      %dma_start3A_23 = arith.constant 0 : i32
      %dma_start3A_24 = arith.constant 0 : i32
      %dma_start3A_25 = tpu.memref_slice %arg12[%dma_start3A_23, %dma_start3A_24] : memref<2x88xi32, #tpu.memory_space<vmem>> -> memref<1x88xi32, #tpu.memory_space<vmem>>
      %dma_start3A_26 = tpu.memref_squeeze %dma_start3A_25 : memref<1x88xi32, #tpu.memory_space<vmem>> -> memref<88xi32, #tpu.memory_space<vmem>>
      %dma_start3A_27 = arith.constant 0 : i32
      %dma_start3A_28 = arith.constant 0 : i32
      %dma_start3A_29 = tpu.memref_slice %arg2[%dma_start3A_27, %dma_start3A_28] : memref<10000x128xf32, #tpu.memory_space<hbm>> -> memref<10000x128xf32, #tpu.memory_space<hbm>>
      tpu.enqueue_indirect_dma source(%dma_start3A_29 : memref<10000x128xf32, #tpu.memory_space<hbm>>) target(%arg8 : memref<88x128xf32, #tpu.memory_space<vmem>>) offsets(%dma_start3A_26 : memref<88xi32, #tpu.memory_space<vmem>>) semaphore(%arg17 : memref<!tpu.dma_semaphore, #tpu.memory_space<semaphore_mem>>)
      %dma_start3A_30 = arith.constant 0 : i32
      %dma_start3A_31 = arith.constant 0 : i32
      %dma_start3A_32 = tpu.memref_slice %arg13[%dma_start3A_30, %dma_start3A_31] : memref<2x88xi32, #tpu.memory_space<vmem>> -> memref<1x88xi32, #tpu.memory_space<vmem>>
      %dma_start3A_33 = tpu.memref_squeeze %dma_start3A_32 : memref<1x88xi32, #tpu.memory_space<vmem>> -> memref<88xi32, #tpu.memory_space<vmem>>
      %dma_start3A_34 = arith.constant 0 : i32
      %dma_start3A_35 = arith.constant 0 : i32
      %dma_start3A_36 = tpu.memref_slice %arg2[%dma_start3A_34, %dma_start3A_35] : memref<10000x128xf32, #tpu.memory_space<hbm>> -> memref<10000x128xf32, #tpu.memory_space<hbm>>
      tpu.enqueue_indirect_dma source(%dma_start3A_36 : memref<10000x128xf32, #tpu.memory_space<hbm>>) target(%arg9 : memref<88x128xf32, #tpu.memory_space<vmem>>) offsets(%dma_start3A_33 : memref<88xi32, #tpu.memory_space<vmem>>) semaphore(%arg18 : memref<!tpu.dma_semaphore, #tpu.memory_space<semaphore_mem>>)
      %dma_start3A_37 = arith.constant 0 : i32
      %dma_start3A_38 = arith.constant 0 : i32
      %dma_start3A_39 = tpu.memref_slice %arg14[%dma_start3A_37, %dma_start3A_38] : memref<2x88xi32, #tpu.memory_space<vmem>> -> memref<1x88xi32, #tpu.memory_space<vmem>>
      %dma_start3A_40 = tpu.memref_squeeze %dma_start3A_39 : memref<1x88xi32, #tpu.memory_space<vmem>> -> memref<88xi32, #tpu.memory_space<vmem>>
      %dma_start3A_41 = arith.constant 0 : i32
      %dma_start3A_42 = arith.constant 0 : i32
      %dma_start3A_43 = tpu.memref_slice %arg2[%dma_start3A_41, %dma_start3A_42] : memref<10000x128xf32, #tpu.memory_space<hbm>> -> memref<10000x128xf32, #tpu.memory_space<hbm>>
      tpu.enqueue_indirect_dma source(%dma_start3A_43 : memref<10000x128xf32, #tpu.memory_space<hbm>>) target(%arg10 : memref<88x128xf32, #tpu.memory_space<vmem>>) offsets(%dma_start3A_40 : memref<88xi32, #tpu.memory_space<vmem>>) semaphore(%arg19 : memref<!tpu.dma_semaphore, #tpu.memory_space<semaphore_mem>>)
      %scan3A = arith.constant 0 : i32
      %scan3A_44 = arith.constant 0 : i32
      %scan3A_45 = arith.constant 56 : i32
      %scan3A_46 = arith.addi %scan3A_44, %scan3A_45 : i32
      %scan3A_47 = arith.constant 1 : i32
      scf.for %scan3A_96 = %scan3A_44 to %scan3A_46 step %scan3A_47  : i32 {
        %mul3A_97 = arith.constant 4 : i32
        %mul3A_98 = arith.muli %mul3A_97, %scan3A_96 : i32
        %add3A = arith.constant 0 : i32
        %add3A_99 = arith.addi %mul3A_98, %add3A : i32
        %add3A_100 = arith.constant 4 : i32
        %add3A_101 = arith.addi %add3A_99, %add3A_100 : i32
        %sub3A = arith.constant 1 : i32
        %sub3A_102 = arith.subi %add3A_101, %sub3A : i32
        %dma_wait3A_103 = arith.constant 0 : i32
        %dma_wait3A_104 = arith.constant 0 : i32
        %dma_wait3A_105 = tpu.memref_slice %arg4[%arg1, %sub3A_102, %dma_wait3A_103, %dma_wait3A_104] : memref<16x228x2x88xi32, #tpu.memory_space<hbm>> -> memref<1x1x2x88xi32, #tpu.memory_space<hbm>>
        %dma_wait3A_106 = tpu.memref_squeeze %dma_wait3A_105 : memref<1x1x2x88xi32, #tpu.memory_space<hbm>> -> memref<2x88xi32, #tpu.memory_space<hbm>>
        %dma_wait3A_107 = arith.constant 0 : i32
        %dma_wait3A_108 = arith.constant 0 : i32
        %dma_wait3A_109 = tpu.memref_slice %arg4[%arg1, %sub3A_102, %dma_wait3A_107, %dma_wait3A_108] : memref<16x228x2x88xi32, #tpu.memory_space<hbm>> -> memref<1x1x2x88xi32, #tpu.memory_space<hbm>>
        %dma_wait3A_110 = tpu.memref_squeeze %dma_wait3A_109 : memref<1x1x2x88xi32, #tpu.memory_space<hbm>> -> memref<2x88xi32, #tpu.memory_space<hbm>>
        tpu.wait_dma2 semaphore(%arg24 : memref<!tpu.dma_semaphore, #tpu.memory_space<semaphore_mem>>) src(%dma_wait3A_110 : memref<2x88xi32, #tpu.memory_space<hbm>>) dst(%arg15 : memref<2x88xi32, #tpu.memory_space<vmem>>)
        %dma_start3A_111 = arith.constant 0 : i32
        %dma_start3A_112 = arith.constant 0 : i32
        %dma_start3A_113 = tpu.memref_slice %arg15[%dma_start3A_111, %dma_start3A_112] : memref<2x88xi32, #tpu.memory_space<vmem>> -> memref<1x88xi32, #tpu.memory_space<vmem>>
        %dma_start3A_114 = tpu.memref_squeeze %dma_start3A_113 : memref<1x88xi32, #tpu.memory_space<vmem>> -> memref<88xi32, #tpu.memory_space<vmem>>
        %dma_start3A_115 = arith.constant 0 : i32
        %dma_start3A_116 = arith.constant 0 : i32
        %dma_start3A_117 = tpu.memref_slice %arg2[%dma_start3A_115, %dma_start3A_116] : memref<10000x128xf32, #tpu.memory_space<hbm>> -> memref<10000x128xf32, #tpu.memory_space<hbm>>
        tpu.enqueue_indirect_dma source(%dma_start3A_117 : memref<10000x128xf32, #tpu.memory_space<hbm>>) target(%arg11 : memref<88x128xf32, #tpu.memory_space<vmem>>) offsets(%dma_start3A_114 : memref<88xi32, #tpu.memory_space<vmem>>) semaphore(%arg20 : memref<!tpu.dma_semaphore, #tpu.memory_space<semaphore_mem>>)
        %dma_wait3A_118 = arith.constant 0 : i32
        %dma_wait3A_119 = arith.constant 0 : i32
        %dma_wait3A_120 = tpu.memref_slice %arg12[%dma_wait3A_118, %dma_wait3A_119] : memref<2x88xi32, #tpu.memory_space<vmem>> -> memref<1x88xi32, #tpu.memory_space<vmem>>
        %dma_wait3A_121 = tpu.memref_squeeze %dma_wait3A_120 : memref<1x88xi32, #tpu.memory_space<vmem>> -> memref<88xi32, #tpu.memory_space<vmem>>
        %dma_wait3A_122 = arith.constant 0 : i32
        %dma_wait3A_123 = arith.constant 0 : i32
        %dma_wait3A_124 = tpu.memref_slice %arg2[%dma_wait3A_122, %dma_wait3A_123] : memref<10000x128xf32, #tpu.memory_space<hbm>> -> memref<10000x128xf32, #tpu.memory_space<hbm>>
        tpu.wait_indirect_dma semaphore(%arg17 : memref<!tpu.dma_semaphore, #tpu.memory_space<semaphore_mem>>) src(%dma_wait3A_124 : memref<10000x128xf32, #tpu.memory_space<hbm>>) dst(%arg8 : memref<88x128xf32, #tpu.memory_space<vmem>>)
        %run_scoped3A_125 = arith.constant 1 : i32
        "tpu.region"() ({
          %run_scoped3A_253 = tpu.sem_alloc : memref<!tpu.dma_semaphore, #tpu.memory_space<semaphore_mem>>
          %dma_start3A_254 = arith.constant 0 : i32
          %dma_start3A_255 = tpu.memref_slice %arg12[%run_scoped3A_125, %dma_start3A_254] : memref<2x88xi32, #tpu.memory_space<vmem>> -> memref<1x88xi32, #tpu.memory_space<vmem>>
          %dma_start3A_256 = tpu.memref_squeeze %dma_start3A_255 : memref<1x88xi32, #tpu.memory_space<vmem>> -> memref<88xi32, #tpu.memory_space<vmem>>
          %dma_start3A_257 = arith.constant 0 : i32
          %dma_start3A_258 = arith.constant 0 : i32
          %dma_start3A_259 = tpu.memref_slice %arg16[%dma_start3A_257, %dma_start3A_258] : memref<10240x128xf32, #tpu.memory_space<vmem_shared>> -> memref<10240x128xf32, #tpu.memory_space<vmem_shared>>
          tpu.enqueue_indirect_dma source(%arg8 : memref<88x128xf32, #tpu.memory_space<vmem>>) target(%dma_start3A_259 : memref<10240x128xf32, #tpu.memory_space<vmem_shared>>) offsets(%dma_start3A_256 : memref<88xi32, #tpu.memory_space<vmem>>) semaphore(%run_scoped3A_253 : memref<!tpu.dma_semaphore, #tpu.memory_space<semaphore_mem>>) {add = true}
          %dma_wait3A_260 = arith.constant 0 : i32
          %dma_wait3A_261 = tpu.memref_slice %arg12[%run_scoped3A_125, %dma_wait3A_260] : memref<2x88xi32, #tpu.memory_space<vmem>> -> memref<1x88xi32, #tpu.memory_space<vmem>>
          %dma_wait3A_262 = tpu.memref_squeeze %dma_wait3A_261 : memref<1x88xi32, #tpu.memory_space<vmem>> -> memref<88xi32, #tpu.memory_space<vmem>>
          %dma_wait3A_263 = arith.constant 0 : i32
          %dma_wait3A_264 = arith.constant 0 : i32
          %dma_wait3A_265 = tpu.memref_slice %arg16[%dma_wait3A_263, %dma_wait3A_264] : memref<10240x128xf32, #tpu.memory_space<vmem_shared>> -> memref<10240x128xf32, #tpu.memory_space<vmem_shared>>
          tpu.wait_indirect_dma semaphore(%run_scoped3A_253 : memref<!tpu.dma_semaphore, #tpu.memory_space<semaphore_mem>>) src(%arg8 : memref<88x128xf32, #tpu.memory_space<vmem>>) dst(%dma_wait3A_265 : memref<10240x128xf32, #tpu.memory_space<vmem_shared>>)
          tpu.yield
        }) : () -> ()
        %add3A_126 = arith.constant 4 : i32
        %add3A_127 = arith.addi %add3A_99, %add3A_126 : i32
        %dma_start3A_128 = arith.constant 0 : i32
        %dma_start3A_129 = arith.constant 0 : i32
        %dma_start3A_130 = tpu.memref_slice %arg4[%arg1, %add3A_127, %dma_start3A_128, %dma_start3A_129] : memref<16x228x2x88xi32, #tpu.memory_space<hbm>> -> memref<1x1x2x88xi32, #tpu.memory_space<hbm>>
        %dma_start3A_131 = tpu.memref_squeeze %dma_start3A_130 : memref<1x1x2x88xi32, #tpu.memory_space<hbm>> -> memref<2x88xi32, #tpu.memory_space<hbm>>
        %dma_start3A_132 = arith.constant 0 : i32
        %dma_start3A_133 = arith.constant 0 : i32
        %dma_start3A_134 = tpu.memref_slice %arg4[%arg1, %add3A_127, %dma_start3A_132, %dma_start3A_133] : memref<16x228x2x88xi32, #tpu.memory_space<hbm>> -> memref<1x1x2x88xi32, #tpu.memory_space<hbm>>
        %dma_start3A_135 = tpu.memref_squeeze %dma_start3A_134 : memref<1x1x2x88xi32, #tpu.memory_space<hbm>> -> memref<2x88xi32, #tpu.memory_space<hbm>>
        tpu.enqueue_dma source(%dma_start3A_135 : memref<2x88xi32, #tpu.memory_space<hbm>>) target(%arg12 : memref<2x88xi32, #tpu.memory_space<vmem>>) target_semaphore(%arg21 : memref<!tpu.dma_semaphore, #tpu.memory_space<semaphore_mem>>)
        %add3A_136 = arith.constant 1 : i32
        %add3A_137 = arith.addi %mul3A_98, %add3A_136 : i32
        %add3A_138 = arith.constant 4 : i32
        %add3A_139 = arith.addi %add3A_137, %add3A_138 : i32
        %sub3A_140 = arith.constant 1 : i32
        %sub3A_141 = arith.subi %add3A_139, %sub3A_140 : i32
        %dma_wait3A_142 = arith.constant 0 : i32
        %dma_wait3A_143 = arith.constant 0 : i32
        %dma_wait3A_144 = tpu.memref_slice %arg4[%arg1, %sub3A_141, %dma_wait3A_142, %dma_wait3A_143] : memref<16x228x2x88xi32, #tpu.memory_space<hbm>> -> memref<1x1x2x88xi32, #tpu.memory_space<hbm>>
        %dma_wait3A_145 = tpu.memref_squeeze %dma_wait3A_144 : memref<1x1x2x88xi32, #tpu.memory_space<hbm>> -> memref<2x88xi32, #tpu.memory_space<hbm>>
        %dma_wait3A_146 = arith.constant 0 : i32
        %dma_wait3A_147 = arith.constant 0 : i32
        %dma_wait3A_148 = tpu.memref_slice %arg4[%arg1, %sub3A_141, %dma_wait3A_146, %dma_wait3A_147] : memref<16x228x2x88xi32, #tpu.memory_space<hbm>> -> memref<1x1x2x88xi32, #tpu.memory_space<hbm>>
        %dma_wait3A_149 = tpu.memref_squeeze %dma_wait3A_148 : memref<1x1x2x88xi32, #tpu.memory_space<hbm>> -> memref<2x88xi32, #tpu.memory_space<hbm>>
        tpu.wait_dma2 semaphore(%arg21 : memref<!tpu.dma_semaphore, #tpu.memory_space<semaphore_mem>>) src(%dma_wait3A_149 : memref<2x88xi32, #tpu.memory_space<hbm>>) dst(%arg12 : memref<2x88xi32, #tpu.memory_space<vmem>>)
        %dma_start3A_150 = arith.constant 0 : i32
        %dma_start3A_151 = arith.constant 0 : i32
        %dma_start3A_152 = tpu.memref_slice %arg12[%dma_start3A_150, %dma_start3A_151] : memref<2x88xi32, #tpu.memory_space<vmem>> -> memref<1x88xi32, #tpu.memory_space<vmem>>
        %dma_start3A_153 = tpu.memref_squeeze %dma_start3A_152 : memref<1x88xi32, #tpu.memory_space<vmem>> -> memref<88xi32, #tpu.memory_space<vmem>>
        %dma_start3A_154 = arith.constant 0 : i32
        %dma_start3A_155 = arith.constant 0 : i32
        %dma_start3A_156 = tpu.memref_slice %arg2[%dma_start3A_154, %dma_start3A_155] : memref<10000x128xf32, #tpu.memory_space<hbm>> -> memref<10000x128xf32, #tpu.memory_space<hbm>>
        tpu.enqueue_indirect_dma source(%dma_start3A_156 : memref<10000x128xf32, #tpu.memory_space<hbm>>) target(%arg8 : memref<88x128xf32, #tpu.memory_space<vmem>>) offsets(%dma_start3A_153 : memref<88xi32, #tpu.memory_space<vmem>>) semaphore(%arg17 : memref<!tpu.dma_semaphore, #tpu.memory_space<semaphore_mem>>)
        %dma_wait3A_157 = arith.constant 0 : i32
        %dma_wait3A_158 = arith.constant 0 : i32
        %dma_wait3A_159 = tpu.memref_slice %arg13[%dma_wait3A_157, %dma_wait3A_158] : memref<2x88xi32, #tpu.memory_space<vmem>> -> memref<1x88xi32, #tpu.memory_space<vmem>>
        %dma_wait3A_160 = tpu.memref_squeeze %dma_wait3A_159 : memref<1x88xi32, #tpu.memory_space<vmem>> -> memref<88xi32, #tpu.memory_space<vmem>>
        %dma_wait3A_161 = arith.constant 0 : i32
        %dma_wait3A_162 = arith.constant 0 : i32
        %dma_wait3A_163 = tpu.memref_slice %arg2[%dma_wait3A_161, %dma_wait3A_162] : memref<10000x128xf32, #tpu.memory_space<hbm>> -> memref<10000x128xf32, #tpu.memory_space<hbm>>
        tpu.wait_indirect_dma semaphore(%arg18 : memref<!tpu.dma_semaphore, #tpu.memory_space<semaphore_mem>>) src(%dma_wait3A_163 : memref<10000x128xf32, #tpu.memory_space<hbm>>) dst(%arg9 : memref<88x128xf32, #tpu.memory_space<vmem>>)
        %run_scoped3A_164 = arith.constant 1 : i32
        "tpu.region"() ({
          %run_scoped3A_253 = tpu.sem_alloc : memref<!tpu.dma_semaphore, #tpu.memory_space<semaphore_mem>>
          %dma_start3A_254 = arith.constant 0 : i32
          %dma_start3A_255 = tpu.memref_slice %arg13[%run_scoped3A_164, %dma_start3A_254] : memref<2x88xi32, #tpu.memory_space<vmem>> -> memref<1x88xi32, #tpu.memory_space<vmem>>
          %dma_start3A_256 = tpu.memref_squeeze %dma_start3A_255 : memref<1x88xi32, #tpu.memory_space<vmem>> -> memref<88xi32, #tpu.memory_space<vmem>>
          %dma_start3A_257 = arith.constant 0 : i32
          %dma_start3A_258 = arith.constant 0 : i32
          %dma_start3A_259 = tpu.memref_slice %arg16[%dma_start3A_257, %dma_start3A_258] : memref<10240x128xf32, #tpu.memory_space<vmem_shared>> -> memref<10240x128xf32, #tpu.memory_space<vmem_shared>>
          tpu.enqueue_indirect_dma source(%arg9 : memref<88x128xf32, #tpu.memory_space<vmem>>) target(%dma_start3A_259 : memref<10240x128xf32, #tpu.memory_space<vmem_shared>>) offsets(%dma_start3A_256 : memref<88xi32, #tpu.memory_space<vmem>>) semaphore(%run_scoped3A_253 : memref<!tpu.dma_semaphore, #tpu.memory_space<semaphore_mem>>) {add = true}
          %dma_wait3A_260 = arith.constant 0 : i32
          %dma_wait3A_261 = tpu.memref_slice %arg13[%run_scoped3A_164, %dma_wait3A_260] : memref<2x88xi32, #tpu.memory_space<vmem>> -> memref<1x88xi32, #tpu.memory_space<vmem>>
          %dma_wait3A_262 = tpu.memref_squeeze %dma_wait3A_261 : memref<1x88xi32, #tpu.memory_space<vmem>> -> memref<88xi32, #tpu.memory_space<vmem>>
          %dma_wait3A_263 = arith.constant 0 : i32
          %dma_wait3A_264 = arith.constant 0 : i32
          %dma_wait3A_265 = tpu.memref_slice %arg16[%dma_wait3A_263, %dma_wait3A_264] : memref<10240x128xf32, #tpu.memory_space<vmem_shared>> -> memref<10240x128xf32, #tpu.memory_space<vmem_shared>>
          tpu.wait_indirect_dma semaphore(%run_scoped3A_253 : memref<!tpu.dma_semaphore, #tpu.memory_space<semaphore_mem>>) src(%arg9 : memref<88x128xf32, #tpu.memory_space<vmem>>) dst(%dma_wait3A_265 : memref<10240x128xf32, #tpu.memory_space<vmem_shared>>)
          tpu.yield
        }) : () -> ()
        %add3A_165 = arith.constant 4 : i32
        %add3A_166 = arith.addi %add3A_137, %add3A_165 : i32
        %dma_start3A_167 = arith.constant 0 : i32
        %dma_start3A_168 = arith.constant 0 : i32
        %dma_start3A_169 = tpu.memref_slice %arg4[%arg1, %add3A_166, %dma_start3A_167, %dma_start3A_168] : memref<16x228x2x88xi32, #tpu.memory_space<hbm>> -> memref<1x1x2x88xi32, #tpu.memory_space<hbm>>
        %dma_start3A_170 = tpu.memref_squeeze %dma_start3A_169 : memref<1x1x2x88xi32, #tpu.memory_space<hbm>> -> memref<2x88xi32, #tpu.memory_space<hbm>>
        %dma_start3A_171 = arith.constant 0 : i32
        %dma_start3A_172 = arith.constant 0 : i32
        %dma_start3A_173 = tpu.memref_slice %arg4[%arg1, %add3A_166, %dma_start3A_171, %dma_start3A_172] : memref<16x228x2x88xi32, #tpu.memory_space<hbm>> -> memref<1x1x2x88xi32, #tpu.memory_space<hbm>>
        %dma_start3A_174 = tpu.memref_squeeze %dma_start3A_173 : memref<1x1x2x88xi32, #tpu.memory_space<hbm>> -> memref<2x88xi32, #tpu.memory_space<hbm>>
        tpu.enqueue_dma source(%dma_start3A_174 : memref<2x88xi32, #tpu.memory_space<hbm>>) target(%arg13 : memref<2x88xi32, #tpu.memory_space<vmem>>) target_semaphore(%arg22 : memref<!tpu.dma_semaphore, #tpu.memory_space<semaphore_mem>>)
        %add3A_175 = arith.constant 2 : i32
        %add3A_176 = arith.addi %mul3A_98, %add3A_175 : i32
        %add3A_177 = arith.constant 4 : i32
        %add3A_178 = arith.addi %add3A_176, %add3A_177 : i32
        %sub3A_179 = arith.constant 1 : i32
        %sub3A_180 = arith.subi %add3A_178, %sub3A_179 : i32
        %dma_wait3A_181 = arith.constant 0 : i32
        %dma_wait3A_182 = arith.constant 0 : i32
        %dma_wait3A_183 = tpu.memref_slice %arg4[%arg1, %sub3A_180, %dma_wait3A_181, %dma_wait3A_182] : memref<16x228x2x88xi32, #tpu.memory_space<hbm>> -> memref<1x1x2x88xi32, #tpu.memory_space<hbm>>
        %dma_wait3A_184 = tpu.memref_squeeze %dma_wait3A_183 : memref<1x1x2x88xi32, #tpu.memory_space<hbm>> -> memref<2x88xi32, #tpu.memory_space<hbm>>
        %dma_wait3A_185 = arith.constant 0 : i32
        %dma_wait3A_186 = arith.constant 0 : i32
        %dma_wait3A_187 = tpu.memref_slice %arg4[%arg1, %sub3A_180, %dma_wait3A_185, %dma_wait3A_186] : memref<16x228x2x88xi32, #tpu.memory_space<hbm>> -> memref<1x1x2x88xi32, #tpu.memory_space<hbm>>
        %dma_wait3A_188 = tpu.memref_squeeze %dma_wait3A_187 : memref<1x1x2x88xi32, #tpu.memory_space<hbm>> -> memref<2x88xi32, #tpu.memory_space<hbm>>
        tpu.wait_dma2 semaphore(%arg22 : memref<!tpu.dma_semaphore, #tpu.memory_space<semaphore_mem>>) src(%dma_wait3A_188 : memref<2x88xi32, #tpu.memory_space<hbm>>) dst(%arg13 : memref<2x88xi32, #tpu.memory_space<vmem>>)
        %dma_start3A_189 = arith.constant 0 : i32
        %dma_start3A_190 = arith.constant 0 : i32
        %dma_start3A_191 = tpu.memref_slice %arg13[%dma_start3A_189, %dma_start3A_190] : memref<2x88xi32, #tpu.memory_space<vmem>> -> memref<1x88xi32, #tpu.memory_space<vmem>>
        %dma_start3A_192 = tpu.memref_squeeze %dma_start3A_191 : memref<1x88xi32, #tpu.memory_space<vmem>> -> memref<88xi32, #tpu.memory_space<vmem>>
        %dma_start3A_193 = arith.constant 0 : i32
        %dma_start3A_194 = arith.constant 0 : i32
        %dma_start3A_195 = tpu.memref_slice %arg2[%dma_start3A_193, %dma_start3A_194] : memref<10000x128xf32, #tpu.memory_space<hbm>> -> memref<10000x128xf32, #tpu.memory_space<hbm>>
        tpu.enqueue_indirect_dma source(%dma_start3A_195 : memref<10000x128xf32, #tpu.memory_space<hbm>>) target(%arg9 : memref<88x128xf32, #tpu.memory_space<vmem>>) offsets(%dma_start3A_192 : memref<88xi32, #tpu.memory_space<vmem>>) semaphore(%arg18 : memref<!tpu.dma_semaphore, #tpu.memory_space<semaphore_mem>>)
        %dma_wait3A_196 = arith.constant 0 : i32
        %dma_wait3A_197 = arith.constant 0 : i32
        %dma_wait3A_198 = tpu.memref_slice %arg14[%dma_wait3A_196, %dma_wait3A_197] : memref<2x88xi32, #tpu.memory_space<vmem>> -> memref<1x88xi32, #tpu.memory_space<vmem>>
        %dma_wait3A_199 = tpu.memref_squeeze %dma_wait3A_198 : memref<1x88xi32, #tpu.memory_space<vmem>> -> memref<88xi32, #tpu.memory_space<vmem>>
        %dma_wait3A_200 = arith.constant 0 : i32
        %dma_wait3A_201 = arith.constant 0 : i32
        %dma_wait3A_202 = tpu.memref_slice %arg2[%dma_wait3A_200, %dma_wait3A_201] : memref<10000x128xf32, #tpu.memory_space<hbm>> -> memref<10000x128xf32, #tpu.memory_space<hbm>>
        tpu.wait_indirect_dma semaphore(%arg19 : memref<!tpu.dma_semaphore, #tpu.memory_space<semaphore_mem>>) src(%dma_wait3A_202 : memref<10000x128xf32, #tpu.memory_space<hbm>>) dst(%arg10 : memref<88x128xf32, #tpu.memory_space<vmem>>)
        %run_scoped3A_203 = arith.constant 1 : i32
        "tpu.region"() ({
          %run_scoped3A_253 = tpu.sem_alloc : memref<!tpu.dma_semaphore, #tpu.memory_space<semaphore_mem>>
          %dma_start3A_254 = arith.constant 0 : i32
          %dma_start3A_255 = tpu.memref_slice %arg14[%run_scoped3A_203, %dma_start3A_254] : memref<2x88xi32, #tpu.memory_space<vmem>> -> memref<1x88xi32, #tpu.memory_space<vmem>>
          %dma_start3A_256 = tpu.memref_squeeze %dma_start3A_255 : memref<1x88xi32, #tpu.memory_space<vmem>> -> memref<88xi32, #tpu.memory_space<vmem>>
          %dma_start3A_257 = arith.constant 0 : i32
          %dma_start3A_258 = arith.constant 0 : i32
          %dma_start3A_259 = tpu.memref_slice %arg16[%dma_start3A_257, %dma_start3A_258] : memref<10240x128xf32, #tpu.memory_space<vmem_shared>> -> memref<10240x128xf32, #tpu.memory_space<vmem_shared>>
          tpu.enqueue_indirect_dma source(%arg10 : memref<88x128xf32, #tpu.memory_space<vmem>>) target(%dma_start3A_259 : memref<10240x128xf32, #tpu.memory_space<vmem_shared>>) offsets(%dma_start3A_256 : memref<88xi32, #tpu.memory_space<vmem>>) semaphore(%run_scoped3A_253 : memref<!tpu.dma_semaphore, #tpu.memory_space<semaphore_mem>>) {add = true}
          %dma_wait3A_260 = arith.constant 0 : i32
          %dma_wait3A_261 = tpu.memref_slice %arg14[%run_scoped3A_203, %dma_wait3A_260] : memref<2x88xi32, #tpu.memory_space<vmem>> -> memref<1x88xi32, #tpu.memory_space<vmem>>
          %dma_wait3A_262 = tpu.memref_squeeze %dma_wait3A_261 : memref<1x88xi32, #tpu.memory_space<vmem>> -> memref<88xi32, #tpu.memory_space<vmem>>
          %dma_wait3A_263 = arith.constant 0 : i32
          %dma_wait3A_264 = arith.constant 0 : i32
          %dma_wait3A_265 = tpu.memref_slice %arg16[%dma_wait3A_263, %dma_wait3A_264] : memref<10240x128xf32, #tpu.memory_space<vmem_shared>> -> memref<10240x128xf32, #tpu.memory_space<vmem_shared>>
          tpu.wait_indirect_dma semaphore(%run_scoped3A_253 : memref<!tpu.dma_semaphore, #tpu.memory_space<semaphore_mem>>) src(%arg10 : memref<88x128xf32, #tpu.memory_space<vmem>>) dst(%dma_wait3A_265 : memref<10240x128xf32, #tpu.memory_space<vmem_shared>>)
          tpu.yield
        }) : () -> ()
        %add3A_204 = arith.constant 4 : i32
        %add3A_205 = arith.addi %add3A_176, %add3A_204 : i32
        %dma_start3A_206 = arith.constant 0 : i32
        %dma_start3A_207 = arith.constant 0 : i32
        %dma_start3A_208 = tpu.memref_slice %arg4[%arg1, %add3A_205, %dma_start3A_206, %dma_start3A_207] : memref<16x228x2x88xi32, #tpu.memory_space<hbm>> -> memref<1x1x2x88xi32, #tpu.memory_space<hbm>>
        %dma_start3A_209 = tpu.memref_squeeze %dma_start3A_208 : memref<1x1x2x88xi32, #tpu.memory_space<hbm>> -> memref<2x88xi32, #tpu.memory_space<hbm>>
        %dma_start3A_210 = arith.constant 0 : i32
        %dma_start3A_211 = arith.constant 0 : i32
        %dma_start3A_212 = tpu.memref_slice %arg4[%arg1, %add3A_205, %dma_start3A_210, %dma_start3A_211] : memref<16x228x2x88xi32, #tpu.memory_space<hbm>> -> memref<1x1x2x88xi32, #tpu.memory_space<hbm>>
        %dma_start3A_213 = tpu.memref_squeeze %dma_start3A_212 : memref<1x1x2x88xi32, #tpu.memory_space<hbm>> -> memref<2x88xi32, #tpu.memory_space<hbm>>
        tpu.enqueue_dma source(%dma_start3A_213 : memref<2x88xi32, #tpu.memory_space<hbm>>) target(%arg14 : memref<2x88xi32, #tpu.memory_space<vmem>>) target_semaphore(%arg23 : memref<!tpu.dma_semaphore, #tpu.memory_space<semaphore_mem>>)
        %add3A_214 = arith.constant 3 : i32
        %add3A_215 = arith.addi %mul3A_98, %add3A_214 : i32
        %add3A_216 = arith.constant 4 : i32
        %add3A_217 = arith.addi %add3A_215, %add3A_216 : i32
        %sub3A_218 = arith.constant 1 : i32
        %sub3A_219 = arith.subi %add3A_217, %sub3A_218 : i32
        %dma_wait3A_220 = arith.constant 0 : i32
        %dma_wait3A_221 = arith.constant 0 : i32
        %dma_wait3A_222 = tpu.memref_slice %arg4[%arg1, %sub3A_219, %dma_wait3A_220, %dma_wait3A_221] : memref<16x228x2x88xi32, #tpu.memory_space<hbm>> -> memref<1x1x2x88xi32, #tpu.memory_space<hbm>>
        %dma_wait3A_223 = tpu.memref_squeeze %dma_wait3A_222 : memref<1x1x2x88xi32, #tpu.memory_space<hbm>> -> memref<2x88xi32, #tpu.memory_space<hbm>>
        %dma_wait3A_224 = arith.constant 0 : i32
        %dma_wait3A_225 = arith.constant 0 : i32
        %dma_wait3A_226 = tpu.memref_slice %arg4[%arg1, %sub3A_219, %dma_wait3A_224, %dma_wait3A_225] : memref<16x228x2x88xi32, #tpu.memory_space<hbm>> -> memref<1x1x2x88xi32, #tpu.memory_space<hbm>>
        %dma_wait3A_227 = tpu.memref_squeeze %dma_wait3A_226 : memref<1x1x2x88xi32, #tpu.memory_space<hbm>> -> memref<2x88xi32, #tpu.memory_space<hbm>>
        tpu.wait_dma2 semaphore(%arg23 : memref<!tpu.dma_semaphore, #tpu.memory_space<semaphore_mem>>) src(%dma_wait3A_227 : memref<2x88xi32, #tpu.memory_space<hbm>>) dst(%arg14 : memref<2x88xi32, #tpu.memory_space<vmem>>)
        %dma_start3A_228 = arith.constant 0 : i32
        %dma_start3A_229 = arith.constant 0 : i32
        %dma_start3A_230 = tpu.memref_slice %arg14[%dma_start3A_228, %dma_start3A_229] : memref<2x88xi32, #tpu.memory_space<vmem>> -> memref<1x88xi32, #tpu.memory_space<vmem>>
        %dma_start3A_231 = tpu.memref_squeeze %dma_start3A_230 : memref<1x88xi32, #tpu.memory_space<vmem>> -> memref<88xi32, #tpu.memory_space<vmem>>
        %dma_start3A_232 = arith.constant 0 : i32
        %dma_start3A_233 = arith.constant 0 : i32
        %dma_start3A_234 = tpu.memref_slice %arg2[%dma_start3A_232, %dma_start3A_233] : memref<10000x128xf32, #tpu.memory_space<hbm>> -> memref<10000x128xf32, #tpu.memory_space<hbm>>
        tpu.enqueue_indirect_dma source(%dma_start3A_234 : memref<10000x128xf32, #tpu.memory_space<hbm>>) target(%arg10 : memref<88x128xf32, #tpu.memory_space<vmem>>) offsets(%dma_start3A_231 : memref<88xi32, #tpu.memory_space<vmem>>) semaphore(%arg19 : memref<!tpu.dma_semaphore, #tpu.memory_space<semaphore_mem>>)
        %dma_wait3A_235 = arith.constant 0 : i32
        %dma_wait3A_236 = arith.constant 0 : i32
        %dma_wait3A_237 = tpu.memref_slice %arg15[%dma_wait3A_235, %dma_wait3A_236] : memref<2x88xi32, #tpu.memory_space<vmem>> -> memref<1x88xi32, #tpu.memory_space<vmem>>
        %dma_wait3A_238 = tpu.memref_squeeze %dma_wait3A_237 : memref<1x88xi32, #tpu.memory_space<vmem>> -> memref<88xi32, #tpu.memory_space<vmem>>
        %dma_wait3A_239 = arith.constant 0 : i32
        %dma_wait3A_240 = arith.constant 0 : i32
        %dma_wait3A_241 = tpu.memref_slice %arg2[%dma_wait3A_239, %dma_wait3A_240] : memref<10000x128xf32, #tpu.memory_space<hbm>> -> memref<10000x128xf32, #tpu.memory_space<hbm>>
        tpu.wait_indirect_dma semaphore(%arg20 : memref<!tpu.dma_semaphore, #tpu.memory_space<semaphore_mem>>) src(%dma_wait3A_241 : memref<10000x128xf32, #tpu.memory_space<hbm>>) dst(%arg11 : memref<88x128xf32, #tpu.memory_space<vmem>>)
        %run_scoped3A_242 = arith.constant 1 : i32
        "tpu.region"() ({
          %run_scoped3A_253 = tpu.sem_alloc : memref<!tpu.dma_semaphore, #tpu.memory_space<semaphore_mem>>
          %dma_start3A_254 = arith.constant 0 : i32
          %dma_start3A_255 = tpu.memref_slice %arg15[%run_scoped3A_242, %dma_start3A_254] : memref<2x88xi32, #tpu.memory_space<vmem>> -> memref<1x88xi32, #tpu.memory_space<vmem>>
          %dma_start3A_256 = tpu.memref_squeeze %dma_start3A_255 : memref<1x88xi32, #tpu.memory_space<vmem>> -> memref<88xi32, #tpu.memory_space<vmem>>
          %dma_start3A_257 = arith.constant 0 : i32
          %dma_start3A_258 = arith.constant 0 : i32
          %dma_start3A_259 = tpu.memref_slice %arg16[%dma_start3A_257, %dma_start3A_258] : memref<10240x128xf32, #tpu.memory_space<vmem_shared>> -> memref<10240x128xf32, #tpu.memory_space<vmem_shared>>
          tpu.enqueue_indirect_dma source(%arg11 : memref<88x128xf32, #tpu.memory_space<vmem>>) target(%dma_start3A_259 : memref<10240x128xf32, #tpu.memory_space<vmem_shared>>) offsets(%dma_start3A_256 : memref<88xi32, #tpu.memory_space<vmem>>) semaphore(%run_scoped3A_253 : memref<!tpu.dma_semaphore, #tpu.memory_space<semaphore_mem>>) {add = true}
          %dma_wait3A_260 = arith.constant 0 : i32
          %dma_wait3A_261 = tpu.memref_slice %arg15[%run_scoped3A_242, %dma_wait3A_260] : memref<2x88xi32, #tpu.memory_space<vmem>> -> memref<1x88xi32, #tpu.memory_space<vmem>>
          %dma_wait3A_262 = tpu.memref_squeeze %dma_wait3A_261 : memref<1x88xi32, #tpu.memory_space<vmem>> -> memref<88xi32, #tpu.memory_space<vmem>>
          %dma_wait3A_263 = arith.constant 0 : i32
          %dma_wait3A_264 = arith.constant 0 : i32
          %dma_wait3A_265 = tpu.memref_slice %arg16[%dma_wait3A_263, %dma_wait3A_264] : memref<10240x128xf32, #tpu.memory_space<vmem_shared>> -> memref<10240x128xf32, #tpu.memory_space<vmem_shared>>
          tpu.wait_indirect_dma semaphore(%run_scoped3A_253 : memref<!tpu.dma_semaphore, #tpu.memory_space<semaphore_mem>>) src(%arg11 : memref<88x128xf32, #tpu.memory_space<vmem>>) dst(%dma_wait3A_265 : memref<10240x128xf32, #tpu.memory_space<vmem_shared>>)
          tpu.yield
        }) : () -> ()
        %add3A_243 = arith.constant 4 : i32
        %add3A_244 = arith.addi %add3A_215, %add3A_243 : i32
        %dma_start3A_245 = arith.constant 0 : i32
        %dma_start3A_246 = arith.constant 0 : i32
        %dma_start3A_247 = tpu.memref_slice %arg4[%arg1, %add3A_244, %dma_start3A_245, %dma_start3A_246] : memref<16x228x2x88xi32, #tpu.memory_space<hbm>> -> memref<1x1x2x88xi32, #tpu.memory_space<hbm>>
        %dma_start3A_248 = tpu.memref_squeeze %dma_start3A_247 : memref<1x1x2x88xi32, #tpu.memory_space<hbm>> -> memref<2x88xi32, #tpu.memory_space<hbm>>
        %dma_start3A_249 = arith.constant 0 : i32
        %dma_start3A_250 = arith.constant 0 : i32
        %dma_start3A_251 = tpu.memref_slice %arg4[%arg1, %add3A_244, %dma_start3A_249, %dma_start3A_250] : memref<16x228x2x88xi32, #tpu.memory_space<hbm>> -> memref<1x1x2x88xi32, #tpu.memory_space<hbm>>
        %dma_start3A_252 = tpu.memref_squeeze %dma_start3A_251 : memref<1x1x2x88xi32, #tpu.memory_space<hbm>> -> memref<2x88xi32, #tpu.memory_space<hbm>>
        tpu.enqueue_dma source(%dma_start3A_252 : memref<2x88xi32, #tpu.memory_space<hbm>>) target(%arg15 : memref<2x88xi32, #tpu.memory_space<vmem>>) target_semaphore(%arg24 : memref<!tpu.dma_semaphore, #tpu.memory_space<semaphore_mem>>)
      }
      %scan3A_48 = arith.constant 56 : i32
      %dma_wait3A = arith.constant 227 : i32
      %dma_wait3A_49 = arith.constant 0 : i32
      %dma_wait3A_50 = arith.constant 0 : i32
      %dma_wait3A_51 = tpu.memref_slice %arg4[%arg1, %dma_wait3A, %dma_wait3A_49, %dma_wait3A_50] : memref<16x228x2x88xi32, #tpu.memory_space<hbm>> -> memref<1x1x2x88xi32, #tpu.memory_space<hbm>>
      %dma_wait3A_52 = tpu.memref_squeeze %dma_wait3A_51 : memref<1x1x2x88xi32, #tpu.memory_space<hbm>> -> memref<2x88xi32, #tpu.memory_space<hbm>>
      %dma_wait3A_53 = arith.constant 0 : i32
      %dma_wait3A_54 = arith.constant 0 : i32
      %dma_wait3A_55 = tpu.memref_slice %arg4[%arg1, %dma_wait3A, %dma_wait3A_53, %dma_wait3A_54] : memref<16x228x2x88xi32, #tpu.memory_space<hbm>> -> memref<1x1x2x88xi32, #tpu.memory_space<hbm>>
      %dma_wait3A_56 = tpu.memref_squeeze %dma_wait3A_55 : memref<1x1x2x88xi32, #tpu.memory_space<hbm>> -> memref<2x88xi32, #tpu.memory_space<hbm>>
      tpu.wait_dma2 semaphore(%arg24 : memref<!tpu.dma_semaphore, #tpu.memory_space<semaphore_mem>>) src(%dma_wait3A_56 : memref<2x88xi32, #tpu.memory_space<hbm>>) dst(%arg15 : memref<2x88xi32, #tpu.memory_space<vmem>>)
      %dma_start3A_57 = arith.constant 0 : i32
      %dma_start3A_58 = arith.constant 0 : i32
      %dma_start3A_59 = tpu.memref_slice %arg15[%dma_start3A_57, %dma_start3A_58] : memref<2x88xi32, #tpu.memory_space<vmem>> -> memref<1x88xi32, #tpu.memory_space<vmem>>
      %dma_start3A_60 = tpu.memref_squeeze %dma_start3A_59 : memref<1x88xi32, #tpu.memory_space<vmem>> -> memref<88xi32, #tpu.memory_space<vmem>>
      %dma_start3A_61 = arith.constant 0 : i32
      %dma_start3A_62 = arith.constant 0 : i32
      %dma_start3A_63 = tpu.memref_slice %arg2[%dma_start3A_61, %dma_start3A_62] : memref<10000x128xf32, #tpu.memory_space<hbm>> -> memref<10000x128xf32, #tpu.memory_space<hbm>>
      tpu.enqueue_indirect_dma source(%dma_start3A_63 : memref<10000x128xf32, #tpu.memory_space<hbm>>) target(%arg11 : memref<88x128xf32, #tpu.memory_space<vmem>>) offsets(%dma_start3A_60 : memref<88xi32, #tpu.memory_space<vmem>>) semaphore(%arg20 : memref<!tpu.dma_semaphore, #tpu.memory_space<semaphore_mem>>)
      %dma_wait3A_64 = arith.constant 0 : i32
      %dma_wait3A_65 = arith.constant 0 : i32
      %dma_wait3A_66 = tpu.memref_slice %arg12[%dma_wait3A_64, %dma_wait3A_65] : memref<2x88xi32, #tpu.memory_space<vmem>> -> memref<1x88xi32, #tpu.memory_space<vmem>>
      %dma_wait3A_67 = tpu.memref_squeeze %dma_wait3A_66 : memref<1x88xi32, #tpu.memory_space<vmem>> -> memref<88xi32, #tpu.memory_space<vmem>>
      %dma_wait3A_68 = arith.constant 0 : i32
      %dma_wait3A_69 = arith.constant 0 : i32
      %dma_wait3A_70 = tpu.memref_slice %arg2[%dma_wait3A_68, %dma_wait3A_69] : memref<10000x128xf32, #tpu.memory_space<hbm>> -> memref<10000x128xf32, #tpu.memory_space<hbm>>
      tpu.wait_indirect_dma semaphore(%arg17 : memref<!tpu.dma_semaphore, #tpu.memory_space<semaphore_mem>>) src(%dma_wait3A_70 : memref<10000x128xf32, #tpu.memory_space<hbm>>) dst(%arg8 : memref<88x128xf32, #tpu.memory_space<vmem>>)
      %run_scoped3A_71 = arith.constant 1 : i32
      "tpu.region"() ({
        %run_scoped3A_96 = tpu.sem_alloc : memref<!tpu.dma_semaphore, #tpu.memory_space<semaphore_mem>>
        %dma_start3A_97 = arith.constant 0 : i32
        %dma_start3A_98 = tpu.memref_slice %arg12[%run_scoped3A_71, %dma_start3A_97] : memref<2x88xi32, #tpu.memory_space<vmem>> -> memref<1x88xi32, #tpu.memory_space<vmem>>
        %dma_start3A_99 = tpu.memref_squeeze %dma_start3A_98 : memref<1x88xi32, #tpu.memory_space<vmem>> -> memref<88xi32, #tpu.memory_space<vmem>>
        %dma_start3A_100 = arith.constant 0 : i32
        %dma_start3A_101 = arith.constant 0 : i32
        %dma_start3A_102 = tpu.memref_slice %arg16[%dma_start3A_100, %dma_start3A_101] : memref<10240x128xf32, #tpu.memory_space<vmem_shared>> -> memref<10240x128xf32, #tpu.memory_space<vmem_shared>>
        tpu.enqueue_indirect_dma source(%arg8 : memref<88x128xf32, #tpu.memory_space<vmem>>) target(%dma_start3A_102 : memref<10240x128xf32, #tpu.memory_space<vmem_shared>>) offsets(%dma_start3A_99 : memref<88xi32, #tpu.memory_space<vmem>>) semaphore(%run_scoped3A_96 : memref<!tpu.dma_semaphore, #tpu.memory_space<semaphore_mem>>) {add = true}
        %dma_wait3A_103 = arith.constant 0 : i32
        %dma_wait3A_104 = tpu.memref_slice %arg12[%run_scoped3A_71, %dma_wait3A_103] : memref<2x88xi32, #tpu.memory_space<vmem>> -> memref<1x88xi32, #tpu.memory_space<vmem>>
        %dma_wait3A_105 = tpu.memref_squeeze %dma_wait3A_104 : memref<1x88xi32, #tpu.memory_space<vmem>> -> memref<88xi32, #tpu.memory_space<vmem>>
        %dma_wait3A_106 = arith.constant 0 : i32
        %dma_wait3A_107 = arith.constant 0 : i32
        %dma_wait3A_108 = tpu.memref_slice %arg16[%dma_wait3A_106, %dma_wait3A_107] : memref<10240x128xf32, #tpu.memory_space<vmem_shared>> -> memref<10240x128xf32, #tpu.memory_space<vmem_shared>>
        tpu.wait_indirect_dma semaphore(%run_scoped3A_96 : memref<!tpu.dma_semaphore, #tpu.memory_space<semaphore_mem>>) src(%arg8 : memref<88x128xf32, #tpu.memory_space<vmem>>) dst(%dma_wait3A_108 : memref<10240x128xf32, #tpu.memory_space<vmem_shared>>)
        tpu.yield
      }) : () -> ()
      %dma_wait3A_72 = arith.constant 0 : i32
      %dma_wait3A_73 = arith.constant 0 : i32
      %dma_wait3A_74 = tpu.memref_slice %arg13[%dma_wait3A_72, %dma_wait3A_73] : memref<2x88xi32, #tpu.memory_space<vmem>> -> memref<1x88xi32, #tpu.memory_space<vmem>>
      %dma_wait3A_75 = tpu.memref_squeeze %dma_wait3A_74 : memref<1x88xi32, #tpu.memory_space<vmem>> -> memref<88xi32, #tpu.memory_space<vmem>>
      %dma_wait3A_76 = arith.constant 0 : i32
      %dma_wait3A_77 = arith.constant 0 : i32
      %dma_wait3A_78 = tpu.memref_slice %arg2[%dma_wait3A_76, %dma_wait3A_77] : memref<10000x128xf32, #tpu.memory_space<hbm>> -> memref<10000x128xf32, #tpu.memory_space<hbm>>
      tpu.wait_indirect_dma semaphore(%arg18 : memref<!tpu.dma_semaphore, #tpu.memory_space<semaphore_mem>>) src(%dma_wait3A_78 : memref<10000x128xf32, #tpu.memory_space<hbm>>) dst(%arg9 : memref<88x128xf32, #tpu.memory_space<vmem>>)
      %run_scoped3A_79 = arith.constant 1 : i32
      "tpu.region"() ({
        %run_scoped3A_96 = tpu.sem_alloc : memref<!tpu.dma_semaphore, #tpu.memory_space<semaphore_mem>>
        %dma_start3A_97 = arith.constant 0 : i32
        %dma_start3A_98 = tpu.memref_slice %arg13[%run_scoped3A_79, %dma_start3A_97] : memref<2x88xi32, #tpu.memory_space<vmem>> -> memref<1x88xi32, #tpu.memory_space<vmem>>
        %dma_start3A_99 = tpu.memref_squeeze %dma_start3A_98 : memref<1x88xi32, #tpu.memory_space<vmem>> -> memref<88xi32, #tpu.memory_space<vmem>>
        %dma_start3A_100 = arith.constant 0 : i32
        %dma_start3A_101 = arith.constant 0 : i32
        %dma_start3A_102 = tpu.memref_slice %arg16[%dma_start3A_100, %dma_start3A_101] : memref<10240x128xf32, #tpu.memory_space<vmem_shared>> -> memref<10240x128xf32, #tpu.memory_space<vmem_shared>>
        tpu.enqueue_indirect_dma source(%arg9 : memref<88x128xf32, #tpu.memory_space<vmem>>) target(%dma_start3A_102 : memref<10240x128xf32, #tpu.memory_space<vmem_shared>>) offsets(%dma_start3A_99 : memref<88xi32, #tpu.memory_space<vmem>>) semaphore(%run_scoped3A_96 : memref<!tpu.dma_semaphore, #tpu.memory_space<semaphore_mem>>) {add = true}
        %dma_wait3A_103 = arith.constant 0 : i32
        %dma_wait3A_104 = tpu.memref_slice %arg13[%run_scoped3A_79, %dma_wait3A_103] : memref<2x88xi32, #tpu.memory_space<vmem>> -> memref<1x88xi32, #tpu.memory_space<vmem>>
        %dma_wait3A_105 = tpu.memref_squeeze %dma_wait3A_104 : memref<1x88xi32, #tpu.memory_space<vmem>> -> memref<88xi32, #tpu.memory_space<vmem>>
        %dma_wait3A_106 = arith.constant 0 : i32
        %dma_wait3A_107 = arith.constant 0 : i32
        %dma_wait3A_108 = tpu.memref_slice %arg16[%dma_wait3A_106, %dma_wait3A_107] : memref<10240x128xf32, #tpu.memory_space<vmem_shared>> -> memref<10240x128xf32, #tpu.memory_space<vmem_shared>>
        tpu.wait_indirect_dma semaphore(%run_scoped3A_96 : memref<!tpu.dma_semaphore, #tpu.memory_space<semaphore_mem>>) src(%arg9 : memref<88x128xf32, #tpu.memory_space<vmem>>) dst(%dma_wait3A_108 : memref<10240x128xf32, #tpu.memory_space<vmem_shared>>)
        tpu.yield
      }) : () -> ()
      %dma_wait3A_80 = arith.constant 0 : i32
      %dma_wait3A_81 = arith.constant 0 : i32
      %dma_wait3A_82 = tpu.memref_slice %arg14[%dma_wait3A_80, %dma_wait3A_81] : memref<2x88xi32, #tpu.memory_space<vmem>> -> memref<1x88xi32, #tpu.memory_space<vmem>>
      %dma_wait3A_83 = tpu.memref_squeeze %dma_wait3A_82 : memref<1x88xi32, #tpu.memory_space<vmem>> -> memref<88xi32, #tpu.memory_space<vmem>>
      %dma_wait3A_84 = arith.constant 0 : i32
      %dma_wait3A_85 = arith.constant 0 : i32
      %dma_wait3A_86 = tpu.memref_slice %arg2[%dma_wait3A_84, %dma_wait3A_85] : memref<10000x128xf32, #tpu.memory_space<hbm>> -> memref<10000x128xf32, #tpu.memory_space<hbm>>
      tpu.wait_indirect_dma semaphore(%arg19 : memref<!tpu.dma_semaphore, #tpu.memory_space<semaphore_mem>>) src(%dma_wait3A_86 : memref<10000x128xf32, #tpu.memory_space<hbm>>) dst(%arg10 : memref<88x128xf32, #tpu.memory_space<vmem>>)
      %run_scoped3A_87 = arith.constant 1 : i32
      "tpu.region"() ({
        %run_scoped3A_96 = tpu.sem_alloc : memref<!tpu.dma_semaphore, #tpu.memory_space<semaphore_mem>>
        %dma_start3A_97 = arith.constant 0 : i32
        %dma_start3A_98 = tpu.memref_slice %arg14[%run_scoped3A_87, %dma_start3A_97] : memref<2x88xi32, #tpu.memory_space<vmem>> -> memref<1x88xi32, #tpu.memory_space<vmem>>
        %dma_start3A_99 = tpu.memref_squeeze %dma_start3A_98 : memref<1x88xi32, #tpu.memory_space<vmem>> -> memref<88xi32, #tpu.memory_space<vmem>>
        %dma_start3A_100 = arith.constant 0 : i32
        %dma_start3A_101 = arith.constant 0 : i32
        %dma_start3A_102 = tpu.memref_slice %arg16[%dma_start3A_100, %dma_start3A_101] : memref<10240x128xf32, #tpu.memory_space<vmem_shared>> -> memref<10240x128xf32, #tpu.memory_space<vmem_shared>>
        tpu.enqueue_indirect_dma source(%arg10 : memref<88x128xf32, #tpu.memory_space<vmem>>) target(%dma_start3A_102 : memref<10240x128xf32, #tpu.memory_space<vmem_shared>>) offsets(%dma_start3A_99 : memref<88xi32, #tpu.memory_space<vmem>>) semaphore(%run_scoped3A_96 : memref<!tpu.dma_semaphore, #tpu.memory_space<semaphore_mem>>) {add = true}
        %dma_wait3A_103 = arith.constant 0 : i32
        %dma_wait3A_104 = tpu.memref_slice %arg14[%run_scoped3A_87, %dma_wait3A_103] : memref<2x88xi32, #tpu.memory_space<vmem>> -> memref<1x88xi32, #tpu.memory_space<vmem>>
        %dma_wait3A_105 = tpu.memref_squeeze %dma_wait3A_104 : memref<1x88xi32, #tpu.memory_space<vmem>> -> memref<88xi32, #tpu.memory_space<vmem>>
        %dma_wait3A_106 = arith.constant 0 : i32
        %dma_wait3A_107 = arith.constant 0 : i32
        %dma_wait3A_108 = tpu.memref_slice %arg16[%dma_wait3A_106, %dma_wait3A_107] : memref<10240x128xf32, #tpu.memory_space<vmem_shared>> -> memref<10240x128xf32, #tpu.memory_space<vmem_shared>>
        tpu.wait_indirect_dma semaphore(%run_scoped3A_96 : memref<!tpu.dma_semaphore, #tpu.memory_space<semaphore_mem>>) src(%arg10 : memref<88x128xf32, #tpu.memory_space<vmem>>) dst(%dma_wait3A_108 : memref<10240x128xf32, #tpu.memory_space<vmem_shared>>)
        tpu.yield
      }) : () -> ()
      %dma_wait3A_88 = arith.constant 0 : i32
      %dma_wait3A_89 = arith.constant 0 : i32
      %dma_wait3A_90 = tpu.memref_slice %arg15[%dma_wait3A_88, %dma_wait3A_89] : memref<2x88xi32, #tpu.memory_space<vmem>> -> memref<1x88xi32, #tpu.memory_space<vmem>>
      %dma_wait3A_91 = tpu.memref_squeeze %dma_wait3A_90 : memref<1x88xi32, #tpu.memory_space<vmem>> -> memref<88xi32, #tpu.memory_space<vmem>>
      %dma_wait3A_92 = arith.constant 0 : i32
      %dma_wait3A_93 = arith.constant 0 : i32
      %dma_wait3A_94 = tpu.memref_slice %arg2[%dma_wait3A_92, %dma_wait3A_93] : memref<10000x128xf32, #tpu.memory_space<hbm>> -> memref<10000x128xf32, #tpu.memory_space<hbm>>
      tpu.wait_indirect_dma semaphore(%arg20 : memref<!tpu.dma_semaphore, #tpu.memory_space<semaphore_mem>>) src(%dma_wait3A_94 : memref<10000x128xf32, #tpu.memory_space<hbm>>) dst(%arg11 : memref<88x128xf32, #tpu.memory_space<vmem>>)
      %run_scoped3A_95 = arith.constant 1 : i32
      "tpu.region"() ({
        %run_scoped3A_96 = tpu.sem_alloc : memref<!tpu.dma_semaphore, #tpu.memory_space<semaphore_mem>>
        %dma_start3A_97 = arith.constant 0 : i32
        %dma_start3A_98 = tpu.memref_slice %arg15[%run_scoped3A_95, %dma_start3A_97] : memref<2x88xi32, #tpu.memory_space<vmem>> -> memref<1x88xi32, #tpu.memory_space<vmem>>
        %dma_start3A_99 = tpu.memref_squeeze %dma_start3A_98 : memref<1x88xi32, #tpu.memory_space<vmem>> -> memref<88xi32, #tpu.memory_space<vmem>>
        %dma_start3A_100 = arith.constant 0 : i32
        %dma_start3A_101 = arith.constant 0 : i32
        %dma_start3A_102 = tpu.memref_slice %arg16[%dma_start3A_100, %dma_start3A_101] : memref<10240x128xf32, #tpu.memory_space<vmem_shared>> -> memref<10240x128xf32, #tpu.memory_space<vmem_shared>>
        tpu.enqueue_indirect_dma source(%arg11 : memref<88x128xf32, #tpu.memory_space<vmem>>) target(%dma_start3A_102 : memref<10240x128xf32, #tpu.memory_space<vmem_shared>>) offsets(%dma_start3A_99 : memref<88xi32, #tpu.memory_space<vmem>>) semaphore(%run_scoped3A_96 : memref<!tpu.dma_semaphore, #tpu.memory_space<semaphore_mem>>) {add = true}
        %dma_wait3A_103 = arith.constant 0 : i32
        %dma_wait3A_104 = tpu.memref_slice %arg15[%run_scoped3A_95, %dma_wait3A_103] : memref<2x88xi32, #tpu.memory_space<vmem>> -> memref<1x88xi32, #tpu.memory_space<vmem>>
        %dma_wait3A_105 = tpu.memref_squeeze %dma_wait3A_104 : memref<1x88xi32, #tpu.memory_space<vmem>> -> memref<88xi32, #tpu.memory_space<vmem>>
        %dma_wait3A_106 = arith.constant 0 : i32
        %dma_wait3A_107 = arith.constant 0 : i32
        %dma_wait3A_108 = tpu.memref_slice %arg16[%dma_wait3A_106, %dma_wait3A_107] : memref<10240x128xf32, #tpu.memory_space<vmem_shared>> -> memref<10240x128xf32, #tpu.memory_space<vmem_shared>>
        tpu.wait_indirect_dma semaphore(%run_scoped3A_96 : memref<!tpu.dma_semaphore, #tpu.memory_space<semaphore_mem>>) src(%arg11 : memref<88x128xf32, #tpu.memory_space<vmem>>) dst(%dma_wait3A_108 : memref<10240x128xf32, #tpu.memory_space<vmem_shared>>)
        tpu.yield
      }) : () -> ()
    } else {
    }
    %eq3A_3 = arith.constant 1 : i32
    %eq3A_4 = arith.cmpi eq, %arg0, %eq3A_3 : i32
    %convert_element_type3A_5 = arith.extui %eq3A_4 : i1 to i32
    %cond3A_6 = arith.constant 0 : i32
    %cond3A_7 = arith.cmpi ne, %convert_element_type3A_5, %cond3A_6 : i32
    scf.if %cond3A_7 {
      %barrier3A_12 = arith.constant 0 : index
      tpu.barrier barrier_id(%barrier3A_12)
      %run_scoped3A = arith.constant 0 : i32
      "tpu.region"() ({
        %run_scoped3A_96 = tpu.sem_alloc : memref<!tpu.dma_semaphore, #tpu.memory_space<semaphore_mem>>
        %dma_start3A_97 = arith.constant 0 : i32
        %dma_start3A_98 = arith.constant 0 : i32
        %dma_start3A_99 = tpu.memref_slice %arg5[%arg1, %run_scoped3A, %dma_start3A_97, %dma_start3A_98] : memref<16x228x2x88xi32, #tpu.memory_space<hbm>> -> memref<1x1x2x88xi32, #tpu.memory_space<hbm>>
        %dma_start3A_100 = tpu.memref_squeeze %dma_start3A_99 : memref<1x1x2x88xi32, #tpu.memory_space<hbm>> -> memref<2x88xi32, #tpu.memory_space<hbm>>
        %dma_start3A_101 = arith.constant 0 : i32
        %dma_start3A_102 = arith.constant 0 : i32
        %dma_start3A_103 = tpu.memref_slice %arg5[%arg1, %run_scoped3A, %dma_start3A_101, %dma_start3A_102] : memref<16x228x2x88xi32, #tpu.memory_space<hbm>> -> memref<1x1x2x88xi32, #tpu.memory_space<hbm>>
        %dma_start3A_104 = tpu.memref_squeeze %dma_start3A_103 : memref<1x1x2x88xi32, #tpu.memory_space<hbm>> -> memref<2x88xi32, #tpu.memory_space<hbm>>
        tpu.enqueue_dma source(%dma_start3A_104 : memref<2x88xi32, #tpu.memory_space<hbm>>) target(%arg12 : memref<2x88xi32, #tpu.memory_space<vmem>>) target_semaphore(%run_scoped3A_96 : memref<!tpu.dma_semaphore, #tpu.memory_space<semaphore_mem>>)
        %dma_wait3A_105 = arith.constant 0 : i32
        %dma_wait3A_106 = arith.constant 0 : i32
        %dma_wait3A_107 = tpu.memref_slice %arg5[%arg1, %run_scoped3A, %dma_wait3A_105, %dma_wait3A_106] : memref<16x228x2x88xi32, #tpu.memory_space<hbm>> -> memref<1x1x2x88xi32, #tpu.memory_space<hbm>>
        %dma_wait3A_108 = tpu.memref_squeeze %dma_wait3A_107 : memref<1x1x2x88xi32, #tpu.memory_space<hbm>> -> memref<2x88xi32, #tpu.memory_space<hbm>>
        %dma_wait3A_109 = arith.constant 0 : i32
        %dma_wait3A_110 = arith.constant 0 : i32
        %dma_wait3A_111 = tpu.memref_slice %arg5[%arg1, %run_scoped3A, %dma_wait3A_109, %dma_wait3A_110] : memref<16x228x2x88xi32, #tpu.memory_space<hbm>> -> memref<1x1x2x88xi32, #tpu.memory_space<hbm>>
        %dma_wait3A_112 = tpu.memref_squeeze %dma_wait3A_111 : memref<1x1x2x88xi32, #tpu.memory_space<hbm>> -> memref<2x88xi32, #tpu.memory_space<hbm>>
        tpu.wait_dma2 semaphore(%run_scoped3A_96 : memref<!tpu.dma_semaphore, #tpu.memory_space<semaphore_mem>>) src(%dma_wait3A_112 : memref<2x88xi32, #tpu.memory_space<hbm>>) dst(%arg12 : memref<2x88xi32, #tpu.memory_space<vmem>>)
        tpu.yield
      }) : () -> ()
      %run_scoped3A_13 = arith.constant 1 : i32
      "tpu.region"() ({
        %run_scoped3A_96 = tpu.sem_alloc : memref<!tpu.dma_semaphore, #tpu.memory_space<semaphore_mem>>
        %dma_start3A_97 = arith.constant 0 : i32
        %dma_start3A_98 = arith.constant 0 : i32
        %dma_start3A_99 = tpu.memref_slice %arg5[%arg1, %run_scoped3A_13, %dma_start3A_97, %dma_start3A_98] : memref<16x228x2x88xi32, #tpu.memory_space<hbm>> -> memref<1x1x2x88xi32, #tpu.memory_space<hbm>>
        %dma_start3A_100 = tpu.memref_squeeze %dma_start3A_99 : memref<1x1x2x88xi32, #tpu.memory_space<hbm>> -> memref<2x88xi32, #tpu.memory_space<hbm>>
        %dma_start3A_101 = arith.constant 0 : i32
        %dma_start3A_102 = arith.constant 0 : i32
        %dma_start3A_103 = tpu.memref_slice %arg5[%arg1, %run_scoped3A_13, %dma_start3A_101, %dma_start3A_102] : memref<16x228x2x88xi32, #tpu.memory_space<hbm>> -> memref<1x1x2x88xi32, #tpu.memory_space<hbm>>
        %dma_start3A_104 = tpu.memref_squeeze %dma_start3A_103 : memref<1x1x2x88xi32, #tpu.memory_space<hbm>> -> memref<2x88xi32, #tpu.memory_space<hbm>>
        tpu.enqueue_dma source(%dma_start3A_104 : memref<2x88xi32, #tpu.memory_space<hbm>>) target(%arg13 : memref<2x88xi32, #tpu.memory_space<vmem>>) target_semaphore(%run_scoped3A_96 : memref<!tpu.dma_semaphore, #tpu.memory_space<semaphore_mem>>)
        %dma_wait3A_105 = arith.constant 0 : i32
        %dma_wait3A_106 = arith.constant 0 : i32
        %dma_wait3A_107 = tpu.memref_slice %arg5[%arg1, %run_scoped3A_13, %dma_wait3A_105, %dma_wait3A_106] : memref<16x228x2x88xi32, #tpu.memory_space<hbm>> -> memref<1x1x2x88xi32, #tpu.memory_space<hbm>>
        %dma_wait3A_108 = tpu.memref_squeeze %dma_wait3A_107 : memref<1x1x2x88xi32, #tpu.memory_space<hbm>> -> memref<2x88xi32, #tpu.memory_space<hbm>>
        %dma_wait3A_109 = arith.constant 0 : i32
        %dma_wait3A_110 = arith.constant 0 : i32
        %dma_wait3A_111 = tpu.memref_slice %arg5[%arg1, %run_scoped3A_13, %dma_wait3A_109, %dma_wait3A_110] : memref<16x228x2x88xi32, #tpu.memory_space<hbm>> -> memref<1x1x2x88xi32, #tpu.memory_space<hbm>>
        %dma_wait3A_112 = tpu.memref_squeeze %dma_wait3A_111 : memref<1x1x2x88xi32, #tpu.memory_space<hbm>> -> memref<2x88xi32, #tpu.memory_space<hbm>>
        tpu.wait_dma2 semaphore(%run_scoped3A_96 : memref<!tpu.dma_semaphore, #tpu.memory_space<semaphore_mem>>) src(%dma_wait3A_112 : memref<2x88xi32, #tpu.memory_space<hbm>>) dst(%arg13 : memref<2x88xi32, #tpu.memory_space<vmem>>)
        tpu.yield
      }) : () -> ()
      %run_scoped3A_14 = arith.constant 2 : i32
      "tpu.region"() ({
        %run_scoped3A_96 = tpu.sem_alloc : memref<!tpu.dma_semaphore, #tpu.memory_space<semaphore_mem>>
        %dma_start3A_97 = arith.constant 0 : i32
        %dma_start3A_98 = arith.constant 0 : i32
        %dma_start3A_99 = tpu.memref_slice %arg5[%arg1, %run_scoped3A_14, %dma_start3A_97, %dma_start3A_98] : memref<16x228x2x88xi32, #tpu.memory_space<hbm>> -> memref<1x1x2x88xi32, #tpu.memory_space<hbm>>
        %dma_start3A_100 = tpu.memref_squeeze %dma_start3A_99 : memref<1x1x2x88xi32, #tpu.memory_space<hbm>> -> memref<2x88xi32, #tpu.memory_space<hbm>>
        %dma_start3A_101 = arith.constant 0 : i32
        %dma_start3A_102 = arith.constant 0 : i32
        %dma_start3A_103 = tpu.memref_slice %arg5[%arg1, %run_scoped3A_14, %dma_start3A_101, %dma_start3A_102] : memref<16x228x2x88xi32, #tpu.memory_space<hbm>> -> memref<1x1x2x88xi32, #tpu.memory_space<hbm>>
        %dma_start3A_104 = tpu.memref_squeeze %dma_start3A_103 : memref<1x1x2x88xi32, #tpu.memory_space<hbm>> -> memref<2x88xi32, #tpu.memory_space<hbm>>
        tpu.enqueue_dma source(%dma_start3A_104 : memref<2x88xi32, #tpu.memory_space<hbm>>) target(%arg14 : memref<2x88xi32, #tpu.memory_space<vmem>>) target_semaphore(%run_scoped3A_96 : memref<!tpu.dma_semaphore, #tpu.memory_space<semaphore_mem>>)
        %dma_wait3A_105 = arith.constant 0 : i32
        %dma_wait3A_106 = arith.constant 0 : i32
        %dma_wait3A_107 = tpu.memref_slice %arg5[%arg1, %run_scoped3A_14, %dma_wait3A_105, %dma_wait3A_106] : memref<16x228x2x88xi32, #tpu.memory_space<hbm>> -> memref<1x1x2x88xi32, #tpu.memory_space<hbm>>
        %dma_wait3A_108 = tpu.memref_squeeze %dma_wait3A_107 : memref<1x1x2x88xi32, #tpu.memory_space<hbm>> -> memref<2x88xi32, #tpu.memory_space<hbm>>
        %dma_wait3A_109 = arith.constant 0 : i32
        %dma_wait3A_110 = arith.constant 0 : i32
        %dma_wait3A_111 = tpu.memref_slice %arg5[%arg1, %run_scoped3A_14, %dma_wait3A_109, %dma_wait3A_110] : memref<16x228x2x88xi32, #tpu.memory_space<hbm>> -> memref<1x1x2x88xi32, #tpu.memory_space<hbm>>
        %dma_wait3A_112 = tpu.memref_squeeze %dma_wait3A_111 : memref<1x1x2x88xi32, #tpu.memory_space<hbm>> -> memref<2x88xi32, #tpu.memory_space<hbm>>
        tpu.wait_dma2 semaphore(%run_scoped3A_96 : memref<!tpu.dma_semaphore, #tpu.memory_space<semaphore_mem>>) src(%dma_wait3A_112 : memref<2x88xi32, #tpu.memory_space<hbm>>) dst(%arg14 : memref<2x88xi32, #tpu.memory_space<vmem>>)
        tpu.yield
      }) : () -> ()
      %dma_start3A = arith.constant 3 : i32
      %dma_start3A_15 = arith.constant 0 : i32
      %dma_start3A_16 = arith.constant 0 : i32
      %dma_start3A_17 = tpu.memref_slice %arg5[%arg1, %dma_start3A, %dma_start3A_15, %dma_start3A_16] : memref<16x228x2x88xi32, #tpu.memory_space<hbm>> -> memref<1x1x2x88xi32, #tpu.memory_space<hbm>>
      %dma_start3A_18 = tpu.memref_squeeze %dma_start3A_17 : memref<1x1x2x88xi32, #tpu.memory_space<hbm>> -> memref<2x88xi32, #tpu.memory_space<hbm>>
      %dma_start3A_19 = arith.constant 0 : i32
      %dma_start3A_20 = arith.constant 0 : i32
      %dma_start3A_21 = tpu.memref_slice %arg5[%arg1, %dma_start3A, %dma_start3A_19, %dma_start3A_20] : memref<16x228x2x88xi32, #tpu.memory_space<hbm>> -> memref<1x1x2x88xi32, #tpu.memory_space<hbm>>
      %dma_start3A_22 = tpu.memref_squeeze %dma_start3A_21 : memref<1x1x2x88xi32, #tpu.memory_space<hbm>> -> memref<2x88xi32, #tpu.memory_space<hbm>>
      tpu.enqueue_dma source(%dma_start3A_22 : memref<2x88xi32, #tpu.memory_space<hbm>>) target(%arg15 : memref<2x88xi32, #tpu.memory_space<vmem>>) target_semaphore(%arg24 : memref<!tpu.dma_semaphore, #tpu.memory_space<semaphore_mem>>)
      %dma_start3A_23 = arith.constant 0 : i32
      %dma_start3A_24 = arith.constant 0 : i32
      %dma_start3A_25 = tpu.memref_slice %arg12[%dma_start3A_23, %dma_start3A_24] : memref<2x88xi32, #tpu.memory_space<vmem>> -> memref<1x88xi32, #tpu.memory_space<vmem>>
      %dma_start3A_26 = tpu.memref_squeeze %dma_start3A_25 : memref<1x88xi32, #tpu.memory_space<vmem>> -> memref<88xi32, #tpu.memory_space<vmem>>
      %dma_start3A_27 = arith.constant 0 : i32
      %dma_start3A_28 = arith.constant 0 : i32
      %dma_start3A_29 = tpu.memref_slice %arg3[%dma_start3A_27, %dma_start3A_28] : memref<10000x128xf32, #tpu.memory_space<hbm>> -> memref<10000x128xf32, #tpu.memory_space<hbm>>
      tpu.enqueue_indirect_dma source(%dma_start3A_29 : memref<10000x128xf32, #tpu.memory_space<hbm>>) target(%arg8 : memref<88x128xf32, #tpu.memory_space<vmem>>) offsets(%dma_start3A_26 : memref<88xi32, #tpu.memory_space<vmem>>) semaphore(%arg17 : memref<!tpu.dma_semaphore, #tpu.memory_space<semaphore_mem>>)
      %dma_start3A_30 = arith.constant 0 : i32
      %dma_start3A_31 = arith.constant 0 : i32
      %dma_start3A_32 = tpu.memref_slice %arg13[%dma_start3A_30, %dma_start3A_31] : memref<2x88xi32, #tpu.memory_space<vmem>> -> memref<1x88xi32, #tpu.memory_space<vmem>>
      %dma_start3A_33 = tpu.memref_squeeze %dma_start3A_32 : memref<1x88xi32, #tpu.memory_space<vmem>> -> memref<88xi32, #tpu.memory_space<vmem>>
      %dma_start3A_34 = arith.constant 0 : i32
      %dma_start3A_35 = arith.constant 0 : i32
      %dma_start3A_36 = tpu.memref_slice %arg3[%dma_start3A_34, %dma_start3A_35] : memref<10000x128xf32, #tpu.memory_space<hbm>> -> memref<10000x128xf32, #tpu.memory_space<hbm>>
      tpu.enqueue_indirect_dma source(%dma_start3A_36 : memref<10000x128xf32, #tpu.memory_space<hbm>>) target(%arg9 : memref<88x128xf32, #tpu.memory_space<vmem>>) offsets(%dma_start3A_33 : memref<88xi32, #tpu.memory_space<vmem>>) semaphore(%arg18 : memref<!tpu.dma_semaphore, #tpu.memory_space<semaphore_mem>>)
      %dma_start3A_37 = arith.constant 0 : i32
      %dma_start3A_38 = arith.constant 0 : i32
      %dma_start3A_39 = tpu.memref_slice %arg14[%dma_start3A_37, %dma_start3A_38] : memref<2x88xi32, #tpu.memory_space<vmem>> -> memref<1x88xi32, #tpu.memory_space<vmem>>
      %dma_start3A_40 = tpu.memref_squeeze %dma_start3A_39 : memref<1x88xi32, #tpu.memory_space<vmem>> -> memref<88xi32, #tpu.memory_space<vmem>>
      %dma_start3A_41 = arith.constant 0 : i32
      %dma_start3A_42 = arith.constant 0 : i32
      %dma_start3A_43 = tpu.memref_slice %arg3[%dma_start3A_41, %dma_start3A_42] : memref<10000x128xf32, #tpu.memory_space<hbm>> -> memref<10000x128xf32, #tpu.memory_space<hbm>>
      tpu.enqueue_indirect_dma source(%dma_start3A_43 : memref<10000x128xf32, #tpu.memory_space<hbm>>) target(%arg10 : memref<88x128xf32, #tpu.memory_space<vmem>>) offsets(%dma_start3A_40 : memref<88xi32, #tpu.memory_space<vmem>>) semaphore(%arg19 : memref<!tpu.dma_semaphore, #tpu.memory_space<semaphore_mem>>)
      %scan3A = arith.constant 0 : i32
      %scan3A_44 = arith.constant 0 : i32
      %scan3A_45 = arith.constant 56 : i32
      %scan3A_46 = arith.addi %scan3A_44, %scan3A_45 : i32
      %scan3A_47 = arith.constant 1 : i32
      scf.for %scan3A_96 = %scan3A_44 to %scan3A_46 step %scan3A_47  : i32 {
        %mul3A_97 = arith.constant 4 : i32
        %mul3A_98 = arith.muli %mul3A_97, %scan3A_96 : i32
        %add3A = arith.constant 0 : i32
        %add3A_99 = arith.addi %mul3A_98, %add3A : i32
        %add3A_100 = arith.constant 4 : i32
        %add3A_101 = arith.addi %add3A_99, %add3A_100 : i32
        %sub3A = arith.constant 1 : i32
        %sub3A_102 = arith.subi %add3A_101, %sub3A : i32
        %dma_wait3A_103 = arith.constant 0 : i32
        %dma_wait3A_104 = arith.constant 0 : i32
        %dma_wait3A_105 = tpu.memref_slice %arg5[%arg1, %sub3A_102, %dma_wait3A_103, %dma_wait3A_104] : memref<16x228x2x88xi32, #tpu.memory_space<hbm>> -> memref<1x1x2x88xi32, #tpu.memory_space<hbm>>
        %dma_wait3A_106 = tpu.memref_squeeze %dma_wait3A_105 : memref<1x1x2x88xi32, #tpu.memory_space<hbm>> -> memref<2x88xi32, #tpu.memory_space<hbm>>
        %dma_wait3A_107 = arith.constant 0 : i32
        %dma_wait3A_108 = arith.constant 0 : i32
        %dma_wait3A_109 = tpu.memref_slice %arg5[%arg1, %sub3A_102, %dma_wait3A_107, %dma_wait3A_108] : memref<16x228x2x88xi32, #tpu.memory_space<hbm>> -> memref<1x1x2x88xi32, #tpu.memory_space<hbm>>
        %dma_wait3A_110 = tpu.memref_squeeze %dma_wait3A_109 : memref<1x1x2x88xi32, #tpu.memory_space<hbm>> -> memref<2x88xi32, #tpu.memory_space<hbm>>
        tpu.wait_dma2 semaphore(%arg24 : memref<!tpu.dma_semaphore, #tpu.memory_space<semaphore_mem>>) src(%dma_wait3A_110 : memref<2x88xi32, #tpu.memory_space<hbm>>) dst(%arg15 : memref<2x88xi32, #tpu.memory_space<vmem>>)
        %dma_start3A_111 = arith.constant 0 : i32
        %dma_start3A_112 = arith.constant 0 : i32
        %dma_start3A_113 = tpu.memref_slice %arg15[%dma_start3A_111, %dma_start3A_112] : memref<2x88xi32, #tpu.memory_space<vmem>> -> memref<1x88xi32, #tpu.memory_space<vmem>>
        %dma_start3A_114 = tpu.memref_squeeze %dma_start3A_113 : memref<1x88xi32, #tpu.memory_space<vmem>> -> memref<88xi32, #tpu.memory_space<vmem>>
        %dma_start3A_115 = arith.constant 0 : i32
        %dma_start3A_116 = arith.constant 0 : i32
        %dma_start3A_117 = tpu.memref_slice %arg3[%dma_start3A_115, %dma_start3A_116] : memref<10000x128xf32, #tpu.memory_space<hbm>> -> memref<10000x128xf32, #tpu.memory_space<hbm>>
        tpu.enqueue_indirect_dma source(%dma_start3A_117 : memref<10000x128xf32, #tpu.memory_space<hbm>>) target(%arg11 : memref<88x128xf32, #tpu.memory_space<vmem>>) offsets(%dma_start3A_114 : memref<88xi32, #tpu.memory_space<vmem>>) semaphore(%arg20 : memref<!tpu.dma_semaphore, #tpu.memory_space<semaphore_mem>>)
        %dma_wait3A_118 = arith.constant 0 : i32
        %dma_wait3A_119 = arith.constant 0 : i32
        %dma_wait3A_120 = tpu.memref_slice %arg12[%dma_wait3A_118, %dma_wait3A_119] : memref<2x88xi32, #tpu.memory_space<vmem>> -> memref<1x88xi32, #tpu.memory_space<vmem>>
        %dma_wait3A_121 = tpu.memref_squeeze %dma_wait3A_120 : memref<1x88xi32, #tpu.memory_space<vmem>> -> memref<88xi32, #tpu.memory_space<vmem>>
        %dma_wait3A_122 = arith.constant 0 : i32
        %dma_wait3A_123 = arith.constant 0 : i32
        %dma_wait3A_124 = tpu.memref_slice %arg3[%dma_wait3A_122, %dma_wait3A_123] : memref<10000x128xf32, #tpu.memory_space<hbm>> -> memref<10000x128xf32, #tpu.memory_space<hbm>>
        tpu.wait_indirect_dma semaphore(%arg17 : memref<!tpu.dma_semaphore, #tpu.memory_space<semaphore_mem>>) src(%dma_wait3A_124 : memref<10000x128xf32, #tpu.memory_space<hbm>>) dst(%arg8 : memref<88x128xf32, #tpu.memory_space<vmem>>)
        %run_scoped3A_125 = arith.constant 1 : i32
        "tpu.region"() ({
          %run_scoped3A_253 = tpu.sem_alloc : memref<!tpu.dma_semaphore, #tpu.memory_space<semaphore_mem>>
          %dma_start3A_254 = arith.constant 0 : i32
          %dma_start3A_255 = tpu.memref_slice %arg12[%run_scoped3A_125, %dma_start3A_254] : memref<2x88xi32, #tpu.memory_space<vmem>> -> memref<1x88xi32, #tpu.memory_space<vmem>>
          %dma_start3A_256 = tpu.memref_squeeze %dma_start3A_255 : memref<1x88xi32, #tpu.memory_space<vmem>> -> memref<88xi32, #tpu.memory_space<vmem>>
          %dma_start3A_257 = arith.constant 0 : i32
          %dma_start3A_258 = arith.constant 0 : i32
          %dma_start3A_259 = tpu.memref_slice %arg16[%dma_start3A_257, %dma_start3A_258] : memref<10240x128xf32, #tpu.memory_space<vmem_shared>> -> memref<10240x128xf32, #tpu.memory_space<vmem_shared>>
          tpu.enqueue_indirect_dma source(%arg8 : memref<88x128xf32, #tpu.memory_space<vmem>>) target(%dma_start3A_259 : memref<10240x128xf32, #tpu.memory_space<vmem_shared>>) offsets(%dma_start3A_256 : memref<88xi32, #tpu.memory_space<vmem>>) semaphore(%run_scoped3A_253 : memref<!tpu.dma_semaphore, #tpu.memory_space<semaphore_mem>>) {add = true}
          %dma_wait3A_260 = arith.constant 0 : i32
          %dma_wait3A_261 = tpu.memref_slice %arg12[%run_scoped3A_125, %dma_wait3A_260] : memref<2x88xi32, #tpu.memory_space<vmem>> -> memref<1x88xi32, #tpu.memory_space<vmem>>
          %dma_wait3A_262 = tpu.memref_squeeze %dma_wait3A_261 : memref<1x88xi32, #tpu.memory_space<vmem>> -> memref<88xi32, #tpu.memory_space<vmem>>
          %dma_wait3A_263 = arith.constant 0 : i32
          %dma_wait3A_264 = arith.constant 0 : i32
          %dma_wait3A_265 = tpu.memref_slice %arg16[%dma_wait3A_263, %dma_wait3A_264] : memref<10240x128xf32, #tpu.memory_space<vmem_shared>> -> memref<10240x128xf32, #tpu.memory_space<vmem_shared>>
          tpu.wait_indirect_dma semaphore(%run_scoped3A_253 : memref<!tpu.dma_semaphore, #tpu.memory_space<semaphore_mem>>) src(%arg8 : memref<88x128xf32, #tpu.memory_space<vmem>>) dst(%dma_wait3A_265 : memref<10240x128xf32, #tpu.memory_space<vmem_shared>>)
          tpu.yield
        }) : () -> ()
        %add3A_126 = arith.constant 4 : i32
        %add3A_127 = arith.addi %add3A_99, %add3A_126 : i32
        %dma_start3A_128 = arith.constant 0 : i32
        %dma_start3A_129 = arith.constant 0 : i32
        %dma_start3A_130 = tpu.memref_slice %arg5[%arg1, %add3A_127, %dma_start3A_128, %dma_start3A_129] : memref<16x228x2x88xi32, #tpu.memory_space<hbm>> -> memref<1x1x2x88xi32, #tpu.memory_space<hbm>>
        %dma_start3A_131 = tpu.memref_squeeze %dma_start3A_130 : memref<1x1x2x88xi32, #tpu.memory_space<hbm>> -> memref<2x88xi32, #tpu.memory_space<hbm>>
        %dma_start3A_132 = arith.constant 0 : i32
        %dma_start3A_133 = arith.constant 0 : i32
        %dma_start3A_134 = tpu.memref_slice %arg5[%arg1, %add3A_127, %dma_start3A_132, %dma_start3A_133] : memref<16x228x2x88xi32, #tpu.memory_space<hbm>> -> memref<1x1x2x88xi32, #tpu.memory_space<hbm>>
        %dma_start3A_135 = tpu.memref_squeeze %dma_start3A_134 : memref<1x1x2x88xi32, #tpu.memory_space<hbm>> -> memref<2x88xi32, #tpu.memory_space<hbm>>
        tpu.enqueue_dma source(%dma_start3A_135 : memref<2x88xi32, #tpu.memory_space<hbm>>) target(%arg12 : memref<2x88xi32, #tpu.memory_space<vmem>>) target_semaphore(%arg21 : memref<!tpu.dma_semaphore, #tpu.memory_space<semaphore_mem>>)
        %add3A_136 = arith.constant 1 : i32
        %add3A_137 = arith.addi %mul3A_98, %add3A_136 : i32
        %add3A_138 = arith.constant 4 : i32
        %add3A_139 = arith.addi %add3A_137, %add3A_138 : i32
        %sub3A_140 = arith.constant 1 : i32
        %sub3A_141 = arith.subi %add3A_139, %sub3A_140 : i32
        %dma_wait3A_142 = arith.constant 0 : i32
        %dma_wait3A_143 = arith.constant 0 : i32
        %dma_wait3A_144 = tpu.memref_slice %arg5[%arg1, %sub3A_141, %dma_wait3A_142, %dma_wait3A_143] : memref<16x228x2x88xi32, #tpu.memory_space<hbm>> -> memref<1x1x2x88xi32, #tpu.memory_space<hbm>>
        %dma_wait3A_145 = tpu.memref_squeeze %dma_wait3A_144 : memref<1x1x2x88xi32, #tpu.memory_space<hbm>> -> memref<2x88xi32, #tpu.memory_space<hbm>>
        %dma_wait3A_146 = arith.constant 0 : i32
        %dma_wait3A_147 = arith.constant 0 : i32
        %dma_wait3A_148 = tpu.memref_slice %arg5[%arg1, %sub3A_141, %dma_wait3A_146, %dma_wait3A_147] : memref<16x228x2x88xi32, #tpu.memory_space<hbm>> -> memref<1x1x2x88xi32, #tpu.memory_space<hbm>>
        %dma_wait3A_149 = tpu.memref_squeeze %dma_wait3A_148 : memref<1x1x2x88xi32, #tpu.memory_space<hbm>> -> memref<2x88xi32, #tpu.memory_space<hbm>>
        tpu.wait_dma2 semaphore(%arg21 : memref<!tpu.dma_semaphore, #tpu.memory_space<semaphore_mem>>) src(%dma_wait3A_149 : memref<2x88xi32, #tpu.memory_space<hbm>>) dst(%arg12 : memref<2x88xi32, #tpu.memory_space<vmem>>)
        %dma_start3A_150 = arith.constant 0 : i32
        %dma_start3A_151 = arith.constant 0 : i32
        %dma_start3A_152 = tpu.memref_slice %arg12[%dma_start3A_150, %dma_start3A_151] : memref<2x88xi32, #tpu.memory_space<vmem>> -> memref<1x88xi32, #tpu.memory_space<vmem>>
        %dma_start3A_153 = tpu.memref_squeeze %dma_start3A_152 : memref<1x88xi32, #tpu.memory_space<vmem>> -> memref<88xi32, #tpu.memory_space<vmem>>
        %dma_start3A_154 = arith.constant 0 : i32
        %dma_start3A_155 = arith.constant 0 : i32
        %dma_start3A_156 = tpu.memref_slice %arg3[%dma_start3A_154, %dma_start3A_155] : memref<10000x128xf32, #tpu.memory_space<hbm>> -> memref<10000x128xf32, #tpu.memory_space<hbm>>
        tpu.enqueue_indirect_dma source(%dma_start3A_156 : memref<10000x128xf32, #tpu.memory_space<hbm>>) target(%arg8 : memref<88x128xf32, #tpu.memory_space<vmem>>) offsets(%dma_start3A_153 : memref<88xi32, #tpu.memory_space<vmem>>) semaphore(%arg17 : memref<!tpu.dma_semaphore, #tpu.memory_space<semaphore_mem>>)
        %dma_wait3A_157 = arith.constant 0 : i32
        %dma_wait3A_158 = arith.constant 0 : i32
        %dma_wait3A_159 = tpu.memref_slice %arg13[%dma_wait3A_157, %dma_wait3A_158] : memref<2x88xi32, #tpu.memory_space<vmem>> -> memref<1x88xi32, #tpu.memory_space<vmem>>
        %dma_wait3A_160 = tpu.memref_squeeze %dma_wait3A_159 : memref<1x88xi32, #tpu.memory_space<vmem>> -> memref<88xi32, #tpu.memory_space<vmem>>
        %dma_wait3A_161 = arith.constant 0 : i32
        %dma_wait3A_162 = arith.constant 0 : i32
        %dma_wait3A_163 = tpu.memref_slice %arg3[%dma_wait3A_161, %dma_wait3A_162] : memref<10000x128xf32, #tpu.memory_space<hbm>> -> memref<10000x128xf32, #tpu.memory_space<hbm>>
        tpu.wait_indirect_dma semaphore(%arg18 : memref<!tpu.dma_semaphore, #tpu.memory_space<semaphore_mem>>) src(%dma_wait3A_163 : memref<10000x128xf32, #tpu.memory_space<hbm>>) dst(%arg9 : memref<88x128xf32, #tpu.memory_space<vmem>>)
        %run_scoped3A_164 = arith.constant 1 : i32
        "tpu.region"() ({
          %run_scoped3A_253 = tpu.sem_alloc : memref<!tpu.dma_semaphore, #tpu.memory_space<semaphore_mem>>
          %dma_start3A_254 = arith.constant 0 : i32
          %dma_start3A_255 = tpu.memref_slice %arg13[%run_scoped3A_164, %dma_start3A_254] : memref<2x88xi32, #tpu.memory_space<vmem>> -> memref<1x88xi32, #tpu.memory_space<vmem>>
          %dma_start3A_256 = tpu.memref_squeeze %dma_start3A_255 : memref<1x88xi32, #tpu.memory_space<vmem>> -> memref<88xi32, #tpu.memory_space<vmem>>
          %dma_start3A_257 = arith.constant 0 : i32
          %dma_start3A_258 = arith.constant 0 : i32
          %dma_start3A_259 = tpu.memref_slice %arg16[%dma_start3A_257, %dma_start3A_258] : memref<10240x128xf32, #tpu.memory_space<vmem_shared>> -> memref<10240x128xf32, #tpu.memory_space<vmem_shared>>
          tpu.enqueue_indirect_dma source(%arg9 : memref<88x128xf32, #tpu.memory_space<vmem>>) target(%dma_start3A_259 : memref<10240x128xf32, #tpu.memory_space<vmem_shared>>) offsets(%dma_start3A_256 : memref<88xi32, #tpu.memory_space<vmem>>) semaphore(%run_scoped3A_253 : memref<!tpu.dma_semaphore, #tpu.memory_space<semaphore_mem>>) {add = true}
          %dma_wait3A_260 = arith.constant 0 : i32
          %dma_wait3A_261 = tpu.memref_slice %arg13[%run_scoped3A_164, %dma_wait3A_260] : memref<2x88xi32, #tpu.memory_space<vmem>> -> memref<1x88xi32, #tpu.memory_space<vmem>>
          %dma_wait3A_262 = tpu.memref_squeeze %dma_wait3A_261 : memref<1x88xi32, #tpu.memory_space<vmem>> -> memref<88xi32, #tpu.memory_space<vmem>>
          %dma_wait3A_263 = arith.constant 0 : i32
          %dma_wait3A_264 = arith.constant 0 : i32
          %dma_wait3A_265 = tpu.memref_slice %arg16[%dma_wait3A_263, %dma_wait3A_264] : memref<10240x128xf32, #tpu.memory_space<vmem_shared>> -> memref<10240x128xf32, #tpu.memory_space<vmem_shared>>
          tpu.wait_indirect_dma semaphore(%run_scoped3A_253 : memref<!tpu.dma_semaphore, #tpu.memory_space<semaphore_mem>>) src(%arg9 : memref<88x128xf32, #tpu.memory_space<vmem>>) dst(%dma_wait3A_265 : memref<10240x128xf32, #tpu.memory_space<vmem_shared>>)
          tpu.yield
        }) : () -> ()
        %add3A_165 = arith.constant 4 : i32
        %add3A_166 = arith.addi %add3A_137, %add3A_165 : i32
        %dma_start3A_167 = arith.constant 0 : i32
        %dma_start3A_168 = arith.constant 0 : i32
        %dma_start3A_169 = tpu.memref_slice %arg5[%arg1, %add3A_166, %dma_start3A_167, %dma_start3A_168] : memref<16x228x2x88xi32, #tpu.memory_space<hbm>> -> memref<1x1x2x88xi32, #tpu.memory_space<hbm>>
        %dma_start3A_170 = tpu.memref_squeeze %dma_start3A_169 : memref<1x1x2x88xi32, #tpu.memory_space<hbm>> -> memref<2x88xi32, #tpu.memory_space<hbm>>
        %dma_start3A_171 = arith.constant 0 : i32
        %dma_start3A_172 = arith.constant 0 : i32
        %dma_start3A_173 = tpu.memref_slice %arg5[%arg1, %add3A_166, %dma_start3A_171, %dma_start3A_172] : memref<16x228x2x88xi32, #tpu.memory_space<hbm>> -> memref<1x1x2x88xi32, #tpu.memory_space<hbm>>
        %dma_start3A_174 = tpu.memref_squeeze %dma_start3A_173 : memref<1x1x2x88xi32, #tpu.memory_space<hbm>> -> memref<2x88xi32, #tpu.memory_space<hbm>>
        tpu.enqueue_dma source(%dma_start3A_174 : memref<2x88xi32, #tpu.memory_space<hbm>>) target(%arg13 : memref<2x88xi32, #tpu.memory_space<vmem>>) target_semaphore(%arg22 : memref<!tpu.dma_semaphore, #tpu.memory_space<semaphore_mem>>)
        %add3A_175 = arith.constant 2 : i32
        %add3A_176 = arith.addi %mul3A_98, %add3A_175 : i32
        %add3A_177 = arith.constant 4 : i32
        %add3A_178 = arith.addi %add3A_176, %add3A_177 : i32
        %sub3A_179 = arith.constant 1 : i32
        %sub3A_180 = arith.subi %add3A_178, %sub3A_179 : i32
        %dma_wait3A_181 = arith.constant 0 : i32
        %dma_wait3A_182 = arith.constant 0 : i32
        %dma_wait3A_183 = tpu.memref_slice %arg5[%arg1, %sub3A_180, %dma_wait3A_181, %dma_wait3A_182] : memref<16x228x2x88xi32, #tpu.memory_space<hbm>> -> memref<1x1x2x88xi32, #tpu.memory_space<hbm>>
        %dma_wait3A_184 = tpu.memref_squeeze %dma_wait3A_183 : memref<1x1x2x88xi32, #tpu.memory_space<hbm>> -> memref<2x88xi32, #tpu.memory_space<hbm>>
        %dma_wait3A_185 = arith.constant 0 : i32
        %dma_wait3A_186 = arith.constant 0 : i32
        %dma_wait3A_187 = tpu.memref_slice %arg5[%arg1, %sub3A_180, %dma_wait3A_185, %dma_wait3A_186] : memref<16x228x2x88xi32, #tpu.memory_space<hbm>> -> memref<1x1x2x88xi32, #tpu.memory_space<hbm>>
        %dma_wait3A_188 = tpu.memref_squeeze %dma_wait3A_187 : memref<1x1x2x88xi32, #tpu.memory_space<hbm>> -> memref<2x88xi32, #tpu.memory_space<hbm>>
        tpu.wait_dma2 semaphore(%arg22 : memref<!tpu.dma_semaphore, #tpu.memory_space<semaphore_mem>>) src(%dma_wait3A_188 : memref<2x88xi32, #tpu.memory_space<hbm>>) dst(%arg13 : memref<2x88xi32, #tpu.memory_space<vmem>>)
        %dma_start3A_189 = arith.constant 0 : i32
        %dma_start3A_190 = arith.constant 0 : i32
        %dma_start3A_191 = tpu.memref_slice %arg13[%dma_start3A_189, %dma_start3A_190] : memref<2x88xi32, #tpu.memory_space<vmem>> -> memref<1x88xi32, #tpu.memory_space<vmem>>
        %dma_start3A_192 = tpu.memref_squeeze %dma_start3A_191 : memref<1x88xi32, #tpu.memory_space<vmem>> -> memref<88xi32, #tpu.memory_space<vmem>>
        %dma_start3A_193 = arith.constant 0 : i32
        %dma_start3A_194 = arith.constant 0 : i32
        %dma_start3A_195 = tpu.memref_slice %arg3[%dma_start3A_193, %dma_start3A_194] : memref<10000x128xf32, #tpu.memory_space<hbm>> -> memref<10000x128xf32, #tpu.memory_space<hbm>>
        tpu.enqueue_indirect_dma source(%dma_start3A_195 : memref<10000x128xf32, #tpu.memory_space<hbm>>) target(%arg9 : memref<88x128xf32, #tpu.memory_space<vmem>>) offsets(%dma_start3A_192 : memref<88xi32, #tpu.memory_space<vmem>>) semaphore(%arg18 : memref<!tpu.dma_semaphore, #tpu.memory_space<semaphore_mem>>)
        %dma_wait3A_196 = arith.constant 0 : i32
        %dma_wait3A_197 = arith.constant 0 : i32
        %dma_wait3A_198 = tpu.memref_slice %arg14[%dma_wait3A_196, %dma_wait3A_197] : memref<2x88xi32, #tpu.memory_space<vmem>> -> memref<1x88xi32, #tpu.memory_space<vmem>>
        %dma_wait3A_199 = tpu.memref_squeeze %dma_wait3A_198 : memref<1x88xi32, #tpu.memory_space<vmem>> -> memref<88xi32, #tpu.memory_space<vmem>>
        %dma_wait3A_200 = arith.constant 0 : i32
        %dma_wait3A_201 = arith.constant 0 : i32
        %dma_wait3A_202 = tpu.memref_slice %arg3[%dma_wait3A_200, %dma_wait3A_201] : memref<10000x128xf32, #tpu.memory_space<hbm>> -> memref<10000x128xf32, #tpu.memory_space<hbm>>
        tpu.wait_indirect_dma semaphore(%arg19 : memref<!tpu.dma_semaphore, #tpu.memory_space<semaphore_mem>>) src(%dma_wait3A_202 : memref<10000x128xf32, #tpu.memory_space<hbm>>) dst(%arg10 : memref<88x128xf32, #tpu.memory_space<vmem>>)
        %run_scoped3A_203 = arith.constant 1 : i32
        "tpu.region"() ({
          %run_scoped3A_253 = tpu.sem_alloc : memref<!tpu.dma_semaphore, #tpu.memory_space<semaphore_mem>>
          %dma_start3A_254 = arith.constant 0 : i32
          %dma_start3A_255 = tpu.memref_slice %arg14[%run_scoped3A_203, %dma_start3A_254] : memref<2x88xi32, #tpu.memory_space<vmem>> -> memref<1x88xi32, #tpu.memory_space<vmem>>
          %dma_start3A_256 = tpu.memref_squeeze %dma_start3A_255 : memref<1x88xi32, #tpu.memory_space<vmem>> -> memref<88xi32, #tpu.memory_space<vmem>>
          %dma_start3A_257 = arith.constant 0 : i32
          %dma_start3A_258 = arith.constant 0 : i32
          %dma_start3A_259 = tpu.memref_slice %arg16[%dma_start3A_257, %dma_start3A_258] : memref<10240x128xf32, #tpu.memory_space<vmem_shared>> -> memref<10240x128xf32, #tpu.memory_space<vmem_shared>>
          tpu.enqueue_indirect_dma source(%arg10 : memref<88x128xf32, #tpu.memory_space<vmem>>) target(%dma_start3A_259 : memref<10240x128xf32, #tpu.memory_space<vmem_shared>>) offsets(%dma_start3A_256 : memref<88xi32, #tpu.memory_space<vmem>>) semaphore(%run_scoped3A_253 : memref<!tpu.dma_semaphore, #tpu.memory_space<semaphore_mem>>) {add = true}
          %dma_wait3A_260 = arith.constant 0 : i32
          %dma_wait3A_261 = tpu.memref_slice %arg14[%run_scoped3A_203, %dma_wait3A_260] : memref<2x88xi32, #tpu.memory_space<vmem>> -> memref<1x88xi32, #tpu.memory_space<vmem>>
          %dma_wait3A_262 = tpu.memref_squeeze %dma_wait3A_261 : memref<1x88xi32, #tpu.memory_space<vmem>> -> memref<88xi32, #tpu.memory_space<vmem>>
          %dma_wait3A_263 = arith.constant 0 : i32
          %dma_wait3A_264 = arith.constant 0 : i32
          %dma_wait3A_265 = tpu.memref_slice %arg16[%dma_wait3A_263, %dma_wait3A_264] : memref<10240x128xf32, #tpu.memory_space<vmem_shared>> -> memref<10240x128xf32, #tpu.memory_space<vmem_shared>>
          tpu.wait_indirect_dma semaphore(%run_scoped3A_253 : memref<!tpu.dma_semaphore, #tpu.memory_space<semaphore_mem>>) src(%arg10 : memref<88x128xf32, #tpu.memory_space<vmem>>) dst(%dma_wait3A_265 : memref<10240x128xf32, #tpu.memory_space<vmem_shared>>)
          tpu.yield
        }) : () -> ()
        %add3A_204 = arith.constant 4 : i32
        %add3A_205 = arith.addi %add3A_176, %add3A_204 : i32
        %dma_start3A_206 = arith.constant 0 : i32
        %dma_start3A_207 = arith.constant 0 : i32
        %dma_start3A_208 = tpu.memref_slice %arg5[%arg1, %add3A_205, %dma_start3A_206, %dma_start3A_207] : memref<16x228x2x88xi32, #tpu.memory_space<hbm>> -> memref<1x1x2x88xi32, #tpu.memory_space<hbm>>
        %dma_start3A_209 = tpu.memref_squeeze %dma_start3A_208 : memref<1x1x2x88xi32, #tpu.memory_space<hbm>> -> memref<2x88xi32, #tpu.memory_space<hbm>>
        %dma_start3A_210 = arith.constant 0 : i32
        %dma_start3A_211 = arith.constant 0 : i32
        %dma_start3A_212 = tpu.memref_slice %arg5[%arg1, %add3A_205, %dma_start3A_210, %dma_start3A_211] : memref<16x228x2x88xi32, #tpu.memory_space<hbm>> -> memref<1x1x2x88xi32, #tpu.memory_space<hbm>>
        %dma_start3A_213 = tpu.memref_squeeze %dma_start3A_212 : memref<1x1x2x88xi32, #tpu.memory_space<hbm>> -> memref<2x88xi32, #tpu.memory_space<hbm>>
        tpu.enqueue_dma source(%dma_start3A_213 : memref<2x88xi32, #tpu.memory_space<hbm>>) target(%arg14 : memref<2x88xi32, #tpu.memory_space<vmem>>) target_semaphore(%arg23 : memref<!tpu.dma_semaphore, #tpu.memory_space<semaphore_mem>>)
        %add3A_214 = arith.constant 3 : i32
        %add3A_215 = arith.addi %mul3A_98, %add3A_214 : i32
        %add3A_216 = arith.constant 4 : i32
        %add3A_217 = arith.addi %add3A_215, %add3A_216 : i32
        %sub3A_218 = arith.constant 1 : i32
        %sub3A_219 = arith.subi %add3A_217, %sub3A_218 : i32
        %dma_wait3A_220 = arith.constant 0 : i32
        %dma_wait3A_221 = arith.constant 0 : i32
        %dma_wait3A_222 = tpu.memref_slice %arg5[%arg1, %sub3A_219, %dma_wait3A_220, %dma_wait3A_221] : memref<16x228x2x88xi32, #tpu.memory_space<hbm>> -> memref<1x1x2x88xi32, #tpu.memory_space<hbm>>
        %dma_wait3A_223 = tpu.memref_squeeze %dma_wait3A_222 : memref<1x1x2x88xi32, #tpu.memory_space<hbm>> -> memref<2x88xi32, #tpu.memory_space<hbm>>
        %dma_wait3A_224 = arith.constant 0 : i32
        %dma_wait3A_225 = arith.constant 0 : i32
        %dma_wait3A_226 = tpu.memref_slice %arg5[%arg1, %sub3A_219, %dma_wait3A_224, %dma_wait3A_225] : memref<16x228x2x88xi32, #tpu.memory_space<hbm>> -> memref<1x1x2x88xi32, #tpu.memory_space<hbm>>
        %dma_wait3A_227 = tpu.memref_squeeze %dma_wait3A_226 : memref<1x1x2x88xi32, #tpu.memory_space<hbm>> -> memref<2x88xi32, #tpu.memory_space<hbm>>
        tpu.wait_dma2 semaphore(%arg23 : memref<!tpu.dma_semaphore, #tpu.memory_space<semaphore_mem>>) src(%dma_wait3A_227 : memref<2x88xi32, #tpu.memory_space<hbm>>) dst(%arg14 : memref<2x88xi32, #tpu.memory_space<vmem>>)
        %dma_start3A_228 = arith.constant 0 : i32
        %dma_start3A_229 = arith.constant 0 : i32
        %dma_start3A_230 = tpu.memref_slice %arg14[%dma_start3A_228, %dma_start3A_229] : memref<2x88xi32, #tpu.memory_space<vmem>> -> memref<1x88xi32, #tpu.memory_space<vmem>>
        %dma_start3A_231 = tpu.memref_squeeze %dma_start3A_230 : memref<1x88xi32, #tpu.memory_space<vmem>> -> memref<88xi32, #tpu.memory_space<vmem>>
        %dma_start3A_232 = arith.constant 0 : i32
        %dma_start3A_233 = arith.constant 0 : i32
        %dma_start3A_234 = tpu.memref_slice %arg3[%dma_start3A_232, %dma_start3A_233] : memref<10000x128xf32, #tpu.memory_space<hbm>> -> memref<10000x128xf32, #tpu.memory_space<hbm>>
        tpu.enqueue_indirect_dma source(%dma_start3A_234 : memref<10000x128xf32, #tpu.memory_space<hbm>>) target(%arg10 : memref<88x128xf32, #tpu.memory_space<vmem>>) offsets(%dma_start3A_231 : memref<88xi32, #tpu.memory_space<vmem>>) semaphore(%arg19 : memref<!tpu.dma_semaphore, #tpu.memory_space<semaphore_mem>>)
        %dma_wait3A_235 = arith.constant 0 : i32
        %dma_wait3A_236 = arith.constant 0 : i32
        %dma_wait3A_237 = tpu.memref_slice %arg15[%dma_wait3A_235, %dma_wait3A_236] : memref<2x88xi32, #tpu.memory_space<vmem>> -> memref<1x88xi32, #tpu.memory_space<vmem>>
        %dma_wait3A_238 = tpu.memref_squeeze %dma_wait3A_237 : memref<1x88xi32, #tpu.memory_space<vmem>> -> memref<88xi32, #tpu.memory_space<vmem>>
        %dma_wait3A_239 = arith.constant 0 : i32
        %dma_wait3A_240 = arith.constant 0 : i32
        %dma_wait3A_241 = tpu.memref_slice %arg3[%dma_wait3A_239, %dma_wait3A_240] : memref<10000x128xf32, #tpu.memory_space<hbm>> -> memref<10000x128xf32, #tpu.memory_space<hbm>>
        tpu.wait_indirect_dma semaphore(%arg20 : memref<!tpu.dma_semaphore, #tpu.memory_space<semaphore_mem>>) src(%dma_wait3A_241 : memref<10000x128xf32, #tpu.memory_space<hbm>>) dst(%arg11 : memref<88x128xf32, #tpu.memory_space<vmem>>)
        %run_scoped3A_242 = arith.constant 1 : i32
        "tpu.region"() ({
          %run_scoped3A_253 = tpu.sem_alloc : memref<!tpu.dma_semaphore, #tpu.memory_space<semaphore_mem>>
          %dma_start3A_254 = arith.constant 0 : i32
          %dma_start3A_255 = tpu.memref_slice %arg15[%run_scoped3A_242, %dma_start3A_254] : memref<2x88xi32, #tpu.memory_space<vmem>> -> memref<1x88xi32, #tpu.memory_space<vmem>>
          %dma_start3A_256 = tpu.memref_squeeze %dma_start3A_255 : memref<1x88xi32, #tpu.memory_space<vmem>> -> memref<88xi32, #tpu.memory_space<vmem>>
          %dma_start3A_257 = arith.constant 0 : i32
          %dma_start3A_258 = arith.constant 0 : i32
          %dma_start3A_259 = tpu.memref_slice %arg16[%dma_start3A_257, %dma_start3A_258] : memref<10240x128xf32, #tpu.memory_space<vmem_shared>> -> memref<10240x128xf32, #tpu.memory_space<vmem_shared>>
          tpu.enqueue_indirect_dma source(%arg11 : memref<88x128xf32, #tpu.memory_space<vmem>>) target(%dma_start3A_259 : memref<10240x128xf32, #tpu.memory_space<vmem_shared>>) offsets(%dma_start3A_256 : memref<88xi32, #tpu.memory_space<vmem>>) semaphore(%run_scoped3A_253 : memref<!tpu.dma_semaphore, #tpu.memory_space<semaphore_mem>>) {add = true}
          %dma_wait3A_260 = arith.constant 0 : i32
          %dma_wait3A_261 = tpu.memref_slice %arg15[%run_scoped3A_242, %dma_wait3A_260] : memref<2x88xi32, #tpu.memory_space<vmem>> -> memref<1x88xi32, #tpu.memory_space<vmem>>
          %dma_wait3A_262 = tpu.memref_squeeze %dma_wait3A_261 : memref<1x88xi32, #tpu.memory_space<vmem>> -> memref<88xi32, #tpu.memory_space<vmem>>
          %dma_wait3A_263 = arith.constant 0 : i32
          %dma_wait3A_264 = arith.constant 0 : i32
          %dma_wait3A_265 = tpu.memref_slice %arg16[%dma_wait3A_263, %dma_wait3A_264] : memref<10240x128xf32, #tpu.memory_space<vmem_shared>> -> memref<10240x128xf32, #tpu.memory_space<vmem_shared>>
          tpu.wait_indirect_dma semaphore(%run_scoped3A_253 : memref<!tpu.dma_semaphore, #tpu.memory_space<semaphore_mem>>) src(%arg11 : memref<88x128xf32, #tpu.memory_space<vmem>>) dst(%dma_wait3A_265 : memref<10240x128xf32, #tpu.memory_space<vmem_shared>>)
          tpu.yield
        }) : () -> ()
        %add3A_243 = arith.constant 4 : i32
        %add3A_244 = arith.addi %add3A_215, %add3A_243 : i32
        %dma_start3A_245 = arith.constant 0 : i32
        %dma_start3A_246 = arith.constant 0 : i32
        %dma_start3A_247 = tpu.memref_slice %arg5[%arg1, %add3A_244, %dma_start3A_245, %dma_start3A_246] : memref<16x228x2x88xi32, #tpu.memory_space<hbm>> -> memref<1x1x2x88xi32, #tpu.memory_space<hbm>>
        %dma_start3A_248 = tpu.memref_squeeze %dma_start3A_247 : memref<1x1x2x88xi32, #tpu.memory_space<hbm>> -> memref<2x88xi32, #tpu.memory_space<hbm>>
        %dma_start3A_249 = arith.constant 0 : i32
        %dma_start3A_250 = arith.constant 0 : i32
        %dma_start3A_251 = tpu.memref_slice %arg5[%arg1, %add3A_244, %dma_start3A_249, %dma_start3A_250] : memref<16x228x2x88xi32, #tpu.memory_space<hbm>> -> memref<1x1x2x88xi32, #tpu.memory_space<hbm>>
        %dma_start3A_252 = tpu.memref_squeeze %dma_start3A_251 : memref<1x1x2x88xi32, #tpu.memory_space<hbm>> -> memref<2x88xi32, #tpu.memory_space<hbm>>
        tpu.enqueue_dma source(%dma_start3A_252 : memref<2x88xi32, #tpu.memory_space<hbm>>) target(%arg15 : memref<2x88xi32, #tpu.memory_space<vmem>>) target_semaphore(%arg24 : memref<!tpu.dma_semaphore, #tpu.memory_space<semaphore_mem>>)
      }
      %scan3A_48 = arith.constant 56 : i32
      %dma_wait3A = arith.constant 227 : i32
      %dma_wait3A_49 = arith.constant 0 : i32
      %dma_wait3A_50 = arith.constant 0 : i32
      %dma_wait3A_51 = tpu.memref_slice %arg5[%arg1, %dma_wait3A, %dma_wait3A_49, %dma_wait3A_50] : memref<16x228x2x88xi32, #tpu.memory_space<hbm>> -> memref<1x1x2x88xi32, #tpu.memory_space<hbm>>
      %dma_wait3A_52 = tpu.memref_squeeze %dma_wait3A_51 : memref<1x1x2x88xi32, #tpu.memory_space<hbm>> -> memref<2x88xi32, #tpu.memory_space<hbm>>
      %dma_wait3A_53 = arith.constant 0 : i32
      %dma_wait3A_54 = arith.constant 0 : i32
      %dma_wait3A_55 = tpu.memref_slice %arg5[%arg1, %dma_wait3A, %dma_wait3A_53, %dma_wait3A_54] : memref<16x228x2x88xi32, #tpu.memory_space<hbm>> -> memref<1x1x2x88xi32, #tpu.memory_space<hbm>>
      %dma_wait3A_56 = tpu.memref_squeeze %dma_wait3A_55 : memref<1x1x2x88xi32, #tpu.memory_space<hbm>> -> memref<2x88xi32, #tpu.memory_space<hbm>>
      tpu.wait_dma2 semaphore(%arg24 : memref<!tpu.dma_semaphore, #tpu.memory_space<semaphore_mem>>) src(%dma_wait3A_56 : memref<2x88xi32, #tpu.memory_space<hbm>>) dst(%arg15 : memref<2x88xi32, #tpu.memory_space<vmem>>)
      %dma_start3A_57 = arith.constant 0 : i32
      %dma_start3A_58 = arith.constant 0 : i32
      %dma_start3A_59 = tpu.memref_slice %arg15[%dma_start3A_57, %dma_start3A_58] : memref<2x88xi32, #tpu.memory_space<vmem>> -> memref<1x88xi32, #tpu.memory_space<vmem>>
      %dma_start3A_60 = tpu.memref_squeeze %dma_start3A_59 : memref<1x88xi32, #tpu.memory_space<vmem>> -> memref<88xi32, #tpu.memory_space<vmem>>
      %dma_start3A_61 = arith.constant 0 : i32
      %dma_start3A_62 = arith.constant 0 : i32
      %dma_start3A_63 = tpu.memref_slice %arg3[%dma_start3A_61, %dma_start3A_62] : memref<10000x128xf32, #tpu.memory_space<hbm>> -> memref<10000x128xf32, #tpu.memory_space<hbm>>
      tpu.enqueue_indirect_dma source(%dma_start3A_63 : memref<10000x128xf32, #tpu.memory_space<hbm>>) target(%arg11 : memref<88x128xf32, #tpu.memory_space<vmem>>) offsets(%dma_start3A_60 : memref<88xi32, #tpu.memory_space<vmem>>) semaphore(%arg20 : memref<!tpu.dma_semaphore, #tpu.memory_space<semaphore_mem>>)
      %dma_wait3A_64 = arith.constant 0 : i32
      %dma_wait3A_65 = arith.constant 0 : i32
      %dma_wait3A_66 = tpu.memref_slice %arg12[%dma_wait3A_64, %dma_wait3A_65] : memref<2x88xi32, #tpu.memory_space<vmem>> -> memref<1x88xi32, #tpu.memory_space<vmem>>
      %dma_wait3A_67 = tpu.memref_squeeze %dma_wait3A_66 : memref<1x88xi32, #tpu.memory_space<vmem>> -> memref<88xi32, #tpu.memory_space<vmem>>
      %dma_wait3A_68 = arith.constant 0 : i32
      %dma_wait3A_69 = arith.constant 0 : i32
      %dma_wait3A_70 = tpu.memref_slice %arg3[%dma_wait3A_68, %dma_wait3A_69] : memref<10000x128xf32, #tpu.memory_space<hbm>> -> memref<10000x128xf32, #tpu.memory_space<hbm>>
      tpu.wait_indirect_dma semaphore(%arg17 : memref<!tpu.dma_semaphore, #tpu.memory_space<semaphore_mem>>) src(%dma_wait3A_70 : memref<10000x128xf32, #tpu.memory_space<hbm>>) dst(%arg8 : memref<88x128xf32, #tpu.memory_space<vmem>>)
      %run_scoped3A_71 = arith.constant 1 : i32
      "tpu.region"() ({
        %run_scoped3A_96 = tpu.sem_alloc : memref<!tpu.dma_semaphore, #tpu.memory_space<semaphore_mem>>
        %dma_start3A_97 = arith.constant 0 : i32
        %dma_start3A_98 = tpu.memref_slice %arg12[%run_scoped3A_71, %dma_start3A_97] : memref<2x88xi32, #tpu.memory_space<vmem>> -> memref<1x88xi32, #tpu.memory_space<vmem>>
        %dma_start3A_99 = tpu.memref_squeeze %dma_start3A_98 : memref<1x88xi32, #tpu.memory_space<vmem>> -> memref<88xi32, #tpu.memory_space<vmem>>
        %dma_start3A_100 = arith.constant 0 : i32
        %dma_start3A_101 = arith.constant 0 : i32
        %dma_start3A_102 = tpu.memref_slice %arg16[%dma_start3A_100, %dma_start3A_101] : memref<10240x128xf32, #tpu.memory_space<vmem_shared>> -> memref<10240x128xf32, #tpu.memory_space<vmem_shared>>
        tpu.enqueue_indirect_dma source(%arg8 : memref<88x128xf32, #tpu.memory_space<vmem>>) target(%dma_start3A_102 : memref<10240x128xf32, #tpu.memory_space<vmem_shared>>) offsets(%dma_start3A_99 : memref<88xi32, #tpu.memory_space<vmem>>) semaphore(%run_scoped3A_96 : memref<!tpu.dma_semaphore, #tpu.memory_space<semaphore_mem>>) {add = true}
        %dma_wait3A_103 = arith.constant 0 : i32
        %dma_wait3A_104 = tpu.memref_slice %arg12[%run_scoped3A_71, %dma_wait3A_103] : memref<2x88xi32, #tpu.memory_space<vmem>> -> memref<1x88xi32, #tpu.memory_space<vmem>>
        %dma_wait3A_105 = tpu.memref_squeeze %dma_wait3A_104 : memref<1x88xi32, #tpu.memory_space<vmem>> -> memref<88xi32, #tpu.memory_space<vmem>>
        %dma_wait3A_106 = arith.constant 0 : i32
        %dma_wait3A_107 = arith.constant 0 : i32
        %dma_wait3A_108 = tpu.memref_slice %arg16[%dma_wait3A_106, %dma_wait3A_107] : memref<10240x128xf32, #tpu.memory_space<vmem_shared>> -> memref<10240x128xf32, #tpu.memory_space<vmem_shared>>
        tpu.wait_indirect_dma semaphore(%run_scoped3A_96 : memref<!tpu.dma_semaphore, #tpu.memory_space<semaphore_mem>>) src(%arg8 : memref<88x128xf32, #tpu.memory_space<vmem>>) dst(%dma_wait3A_108 : memref<10240x128xf32, #tpu.memory_space<vmem_shared>>)
        tpu.yield
      }) : () -> ()
      %dma_wait3A_72 = arith.constant 0 : i32
      %dma_wait3A_73 = arith.constant 0 : i32
      %dma_wait3A_74 = tpu.memref_slice %arg13[%dma_wait3A_72, %dma_wait3A_73] : memref<2x88xi32, #tpu.memory_space<vmem>> -> memref<1x88xi32, #tpu.memory_space<vmem>>
      %dma_wait3A_75 = tpu.memref_squeeze %dma_wait3A_74 : memref<1x88xi32, #tpu.memory_space<vmem>> -> memref<88xi32, #tpu.memory_space<vmem>>
      %dma_wait3A_76 = arith.constant 0 : i32
      %dma_wait3A_77 = arith.constant 0 : i32
      %dma_wait3A_78 = tpu.memref_slice %arg3[%dma_wait3A_76, %dma_wait3A_77] : memref<10000x128xf32, #tpu.memory_space<hbm>> -> memref<10000x128xf32, #tpu.memory_space<hbm>>
      tpu.wait_indirect_dma semaphore(%arg18 : memref<!tpu.dma_semaphore, #tpu.memory_space<semaphore_mem>>) src(%dma_wait3A_78 : memref<10000x128xf32, #tpu.memory_space<hbm>>) dst(%arg9 : memref<88x128xf32, #tpu.memory_space<vmem>>)
      %run_scoped3A_79 = arith.constant 1 : i32
      "tpu.region"() ({
        %run_scoped3A_96 = tpu.sem_alloc : memref<!tpu.dma_semaphore, #tpu.memory_space<semaphore_mem>>
        %dma_start3A_97 = arith.constant 0 : i32
        %dma_start3A_98 = tpu.memref_slice %arg13[%run_scoped3A_79, %dma_start3A_97] : memref<2x88xi32, #tpu.memory_space<vmem>> -> memref<1x88xi32, #tpu.memory_space<vmem>>
        %dma_start3A_99 = tpu.memref_squeeze %dma_start3A_98 : memref<1x88xi32, #tpu.memory_space<vmem>> -> memref<88xi32, #tpu.memory_space<vmem>>
        %dma_start3A_100 = arith.constant 0 : i32
        %dma_start3A_101 = arith.constant 0 : i32
        %dma_start3A_102 = tpu.memref_slice %arg16[%dma_start3A_100, %dma_start3A_101] : memref<10240x128xf32, #tpu.memory_space<vmem_shared>> -> memref<10240x128xf32, #tpu.memory_space<vmem_shared>>
        tpu.enqueue_indirect_dma source(%arg9 : memref<88x128xf32, #tpu.memory_space<vmem>>) target(%dma_start3A_102 : memref<10240x128xf32, #tpu.memory_space<vmem_shared>>) offsets(%dma_start3A_99 : memref<88xi32, #tpu.memory_space<vmem>>) semaphore(%run_scoped3A_96 : memref<!tpu.dma_semaphore, #tpu.memory_space<semaphore_mem>>) {add = true}
        %dma_wait3A_103 = arith.constant 0 : i32
        %dma_wait3A_104 = tpu.memref_slice %arg13[%run_scoped3A_79, %dma_wait3A_103] : memref<2x88xi32, #tpu.memory_space<vmem>> -> memref<1x88xi32, #tpu.memory_space<vmem>>
        %dma_wait3A_105 = tpu.memref_squeeze %dma_wait3A_104 : memref<1x88xi32, #tpu.memory_space<vmem>> -> memref<88xi32, #tpu.memory_space<vmem>>
        %dma_wait3A_106 = arith.constant 0 : i32
        %dma_wait3A_107 = arith.constant 0 : i32
        %dma_wait3A_108 = tpu.memref_slice %arg16[%dma_wait3A_106, %dma_wait3A_107] : memref<10240x128xf32, #tpu.memory_space<vmem_shared>> -> memref<10240x128xf32, #tpu.memory_space<vmem_shared>>
        tpu.wait_indirect_dma semaphore(%run_scoped3A_96 : memref<!tpu.dma_semaphore, #tpu.memory_space<semaphore_mem>>) src(%arg9 : memref<88x128xf32, #tpu.memory_space<vmem>>) dst(%dma_wait3A_108 : memref<10240x128xf32, #tpu.memory_space<vmem_shared>>)
        tpu.yield
      }) : () -> ()
      %dma_wait3A_80 = arith.constant 0 : i32
      %dma_wait3A_81 = arith.constant 0 : i32
      %dma_wait3A_82 = tpu.memref_slice %arg14[%dma_wait3A_80, %dma_wait3A_81] : memref<2x88xi32, #tpu.memory_space<vmem>> -> memref<1x88xi32, #tpu.memory_space<vmem>>
      %dma_wait3A_83 = tpu.memref_squeeze %dma_wait3A_82 : memref<1x88xi32, #tpu.memory_space<vmem>> -> memref<88xi32, #tpu.memory_space<vmem>>
      %dma_wait3A_84 = arith.constant 0 : i32
      %dma_wait3A_85 = arith.constant 0 : i32
      %dma_wait3A_86 = tpu.memref_slice %arg3[%dma_wait3A_84, %dma_wait3A_85] : memref<10000x128xf32, #tpu.memory_space<hbm>> -> memref<10000x128xf32, #tpu.memory_space<hbm>>
      tpu.wait_indirect_dma semaphore(%arg19 : memref<!tpu.dma_semaphore, #tpu.memory_space<semaphore_mem>>) src(%dma_wait3A_86 : memref<10000x128xf32, #tpu.memory_space<hbm>>) dst(%arg10 : memref<88x128xf32, #tpu.memory_space<vmem>>)
      %run_scoped3A_87 = arith.constant 1 : i32
      "tpu.region"() ({
        %run_scoped3A_96 = tpu.sem_alloc : memref<!tpu.dma_semaphore, #tpu.memory_space<semaphore_mem>>
        %dma_start3A_97 = arith.constant 0 : i32
        %dma_start3A_98 = tpu.memref_slice %arg14[%run_scoped3A_87, %dma_start3A_97] : memref<2x88xi32, #tpu.memory_space<vmem>> -> memref<1x88xi32, #tpu.memory_space<vmem>>
        %dma_start3A_99 = tpu.memref_squeeze %dma_start3A_98 : memref<1x88xi32, #tpu.memory_space<vmem>> -> memref<88xi32, #tpu.memory_space<vmem>>
        %dma_start3A_100 = arith.constant 0 : i32
        %dma_start3A_101 = arith.constant 0 : i32
        %dma_start3A_102 = tpu.memref_slice %arg16[%dma_start3A_100, %dma_start3A_101] : memref<10240x128xf32, #tpu.memory_space<vmem_shared>> -> memref<10240x128xf32, #tpu.memory_space<vmem_shared>>
        tpu.enqueue_indirect_dma source(%arg10 : memref<88x128xf32, #tpu.memory_space<vmem>>) target(%dma_start3A_102 : memref<10240x128xf32, #tpu.memory_space<vmem_shared>>) offsets(%dma_start3A_99 : memref<88xi32, #tpu.memory_space<vmem>>) semaphore(%run_scoped3A_96 : memref<!tpu.dma_semaphore, #tpu.memory_space<semaphore_mem>>) {add = true}
        %dma_wait3A_103 = arith.constant 0 : i32
        %dma_wait3A_104 = tpu.memref_slice %arg14[%run_scoped3A_87, %dma_wait3A_103] : memref<2x88xi32, #tpu.memory_space<vmem>> -> memref<1x88xi32, #tpu.memory_space<vmem>>
        %dma_wait3A_105 = tpu.memref_squeeze %dma_wait3A_104 : memref<1x88xi32, #tpu.memory_space<vmem>> -> memref<88xi32, #tpu.memory_space<vmem>>
        %dma_wait3A_106 = arith.constant 0 : i32
        %dma_wait3A_107 = arith.constant 0 : i32
        %dma_wait3A_108 = tpu.memref_slice %arg16[%dma_wait3A_106, %dma_wait3A_107] : memref<10240x128xf32, #tpu.memory_space<vmem_shared>> -> memref<10240x128xf32, #tpu.memory_space<vmem_shared>>
        tpu.wait_indirect_dma semaphore(%run_scoped3A_96 : memref<!tpu.dma_semaphore, #tpu.memory_space<semaphore_mem>>) src(%arg10 : memref<88x128xf32, #tpu.memory_space<vmem>>) dst(%dma_wait3A_108 : memref<10240x128xf32, #tpu.memory_space<vmem_shared>>)
        tpu.yield
      }) : () -> ()
      %dma_wait3A_88 = arith.constant 0 : i32
      %dma_wait3A_89 = arith.constant 0 : i32
      %dma_wait3A_90 = tpu.memref_slice %arg15[%dma_wait3A_88, %dma_wait3A_89] : memref<2x88xi32, #tpu.memory_space<vmem>> -> memref<1x88xi32, #tpu.memory_space<vmem>>
      %dma_wait3A_91 = tpu.memref_squeeze %dma_wait3A_90 : memref<1x88xi32, #tpu.memory_space<vmem>> -> memref<88xi32, #tpu.memory_space<vmem>>
      %dma_wait3A_92 = arith.constant 0 : i32
      %dma_wait3A_93 = arith.constant 0 : i32
      %dma_wait3A_94 = tpu.memref_slice %arg3[%dma_wait3A_92, %dma_wait3A_93] : memref<10000x128xf32, #tpu.memory_space<hbm>> -> memref<10000x128xf32, #tpu.memory_space<hbm>>
      tpu.wait_indirect_dma semaphore(%arg20 : memref<!tpu.dma_semaphore, #tpu.memory_space<semaphore_mem>>) src(%dma_wait3A_94 : memref<10000x128xf32, #tpu.memory_space<hbm>>) dst(%arg11 : memref<88x128xf32, #tpu.memory_space<vmem>>)
      %run_scoped3A_95 = arith.constant 1 : i32
      "tpu.region"() ({
        %run_scoped3A_96 = tpu.sem_alloc : memref<!tpu.dma_semaphore, #tpu.memory_space<semaphore_mem>>
        %dma_start3A_97 = arith.constant 0 : i32
        %dma_start3A_98 = tpu.memref_slice %arg15[%run_scoped3A_95, %dma_start3A_97] : memref<2x88xi32, #tpu.memory_space<vmem>> -> memref<1x88xi32, #tpu.memory_space<vmem>>
        %dma_start3A_99 = tpu.memref_squeeze %dma_start3A_98 : memref<1x88xi32, #tpu.memory_space<vmem>> -> memref<88xi32, #tpu.memory_space<vmem>>
        %dma_start3A_100 = arith.constant 0 : i32
        %dma_start3A_101 = arith.constant 0 : i32
        %dma_start3A_102 = tpu.memref_slice %arg16[%dma_start3A_100, %dma_start3A_101] : memref<10240x128xf32, #tpu.memory_space<vmem_shared>> -> memref<10240x128xf32, #tpu.memory_space<vmem_shared>>
        tpu.enqueue_indirect_dma source(%arg11 : memref<88x128xf32, #tpu.memory_space<vmem>>) target(%dma_start3A_102 : memref<10240x128xf32, #tpu.memory_space<vmem_shared>>) offsets(%dma_start3A_99 : memref<88xi32, #tpu.memory_space<vmem>>) semaphore(%run_scoped3A_96 : memref<!tpu.dma_semaphore, #tpu.memory_space<semaphore_mem>>) {add = true}
        %dma_wait3A_103 = arith.constant 0 : i32
        %dma_wait3A_104 = tpu.memref_slice %arg15[%run_scoped3A_95, %dma_wait3A_103] : memref<2x88xi32, #tpu.memory_space<vmem>> -> memref<1x88xi32, #tpu.memory_space<vmem>>
        %dma_wait3A_105 = tpu.memref_squeeze %dma_wait3A_104 : memref<1x88xi32, #tpu.memory_space<vmem>> -> memref<88xi32, #tpu.memory_space<vmem>>
        %dma_wait3A_106 = arith.constant 0 : i32
        %dma_wait3A_107 = arith.constant 0 : i32
        %dma_wait3A_108 = tpu.memref_slice %arg16[%dma_wait3A_106, %dma_wait3A_107] : memref<10240x128xf32, #tpu.memory_space<vmem_shared>> -> memref<10240x128xf32, #tpu.memory_space<vmem_shared>>
        tpu.wait_indirect_dma semaphore(%run_scoped3A_96 : memref<!tpu.dma_semaphore, #tpu.memory_space<semaphore_mem>>) src(%arg11 : memref<88x128xf32, #tpu.memory_space<vmem>>) dst(%dma_wait3A_108 : memref<10240x128xf32, #tpu.memory_space<vmem_shared>>)
        tpu.yield
      }) : () -> ()
    } else {
    }
    %barrier3A = arith.constant 0 : index
    tpu.barrier barrier_id(%barrier3A)
    %mul3A_8 = arith.constant 640 : i32
    %mul3A_9 = arith.muli %arg1, %mul3A_8 : i32
    %mul3A_10 = arith.constant 640 : i32
    %mul3A_11 = arith.muli %arg1, %mul3A_10 : i32
    "tpu.region"() ({
      %run_scoped3A = tpu.sem_alloc : memref<!tpu.dma_semaphore, #tpu.memory_space<semaphore_mem>>
      %dma_start3A = arith.constant 0 : i32
      %dma_start3A_12 = tpu.memref_slice %arg7[%arg0, %mul3A_11, %dma_start3A] : memref<2x10240x128xf32, #tpu.memory_space<hbm>> -> memref<1x640x128xf32, #tpu.memory_space<hbm>>
      %dma_start3A_13 = tpu.memref_squeeze %dma_start3A_12 : memref<1x640x128xf32, #tpu.memory_space<hbm>> -> memref<640x128xf32, #tpu.memory_space<hbm>>
      %dma_start3A_14 = arith.constant 0 : i32
      %dma_start3A_15 = tpu.memref_slice %arg16[%mul3A_9, %dma_start3A_14] : memref<10240x128xf32, #tpu.memory_space<vmem_shared>> -> memref<640x128xf32, #tpu.memory_space<vmem_shared>>
      tpu.enqueue_dma source(%dma_start3A_15 : memref<640x128xf32, #tpu.memory_space<vmem_shared>>) target(%dma_start3A_13 : memref<640x128xf32, #tpu.memory_space<hbm>>) target_semaphore(%run_scoped3A : memref<!tpu.dma_semaphore, #tpu.memory_space<semaphore_mem>>)
      %dma_wait3A = arith.constant 0 : i32
      %dma_wait3A_16 = tpu.memref_slice %arg7[%arg0, %mul3A_11, %dma_wait3A] : memref<2x10240x128xf32, #tpu.memory_space<hbm>> -> memref<1x640x128xf32, #tpu.memory_space<hbm>>
      %dma_wait3A_17 = tpu.memref_squeeze %dma_wait3A_16 : memref<1x640x128xf32, #tpu.memory_space<hbm>> -> memref<640x128xf32, #tpu.memory_space<hbm>>
      %dma_wait3A_18 = arith.constant 0 : i32
      %dma_wait3A_19 = tpu.memref_slice %arg16[%mul3A_9, %dma_wait3A_18] : memref<10240x128xf32, #tpu.memory_space<vmem_shared>> -> memref<640x128xf32, #tpu.memory_space<vmem_shared>>
      tpu.wait_dma2 semaphore(%run_scoped3A : memref<!tpu.dma_semaphore, #tpu.memory_space<semaphore_mem>>) src(%dma_wait3A_19 : memref<640x128xf32, #tpu.memory_space<vmem_shared>>) dst(%dma_wait3A_17 : memref<640x128xf32, #tpu.memory_space<hbm>>)
      tpu.yield
    }) : () -> ()
    return
  }
}

module attributes {stable_mosaic.version = 14 : i64} {
  func.func @_prescale_body(%arg0: i32, %arg1: memref<2x2x1024xf32, #tpu.memory_space<vmem>>, %arg2: memref<1024x128xf32, #tpu.memory_space<vmem>>, %arg3: memref<1024x128xf32, #tpu.memory_space<vmem>>, %arg4: memref<1024x128xf32, #tpu.memory_space<vmem>>) attributes {dimension_semantics = [#tpu.dimension_semantics<arbitrary>], iteration_bounds = array<i64: 10>, scalar_prefetch = 0 : i64, scratch_operands = 0 : i64, tpu.core_type = #tpu.core_type<tc>, window_params = [{transform_indices = @transform_0, window_bounds = array<i64: 2, 2, 1024>}, {transform_indices = @transform_1, window_bounds = array<i64: 1024, 128>}, {transform_indices = @transform_2, window_bounds = array<i64: 1024, 128>}, {transform_indices = @transform_3, window_bounds = array<i64: 1024, 128>}]} {
    %get3A = arith.constant 0 : index
    %get3A_0 = arith.constant 0 : index
    %get3A_1 = arith.constant 0 : index
    %get3A_2 = vector.load %arg1[%get3A, %get3A_0, %get3A_1] : memref<2x2x1024xf32, #tpu.memory_space<vmem>>, vector<1x1x1024xf32>
    %get3A_3 = vector.shape_cast %get3A_2 : vector<1x1x1024xf32> to vector<1024xf32>
    %get3A_4 = arith.constant 0 : index
    %get3A_5 = arith.constant 1 : index
    %get3A_6 = arith.constant 0 : index
    %get3A_7 = vector.load %arg1[%get3A_4, %get3A_5, %get3A_6] : memref<2x2x1024xf32, #tpu.memory_space<vmem>>, vector<1x1x1024xf32>
    %get3A_8 = vector.shape_cast %get3A_7 : vector<1x1x1024xf32> to vector<1024xf32>
    %add3A = arith.addf %get3A_3, %get3A_8 : vector<1024xf32>
    %get3A_9 = arith.constant 1 : index
    %get3A_10 = arith.constant 0 : index
    %get3A_11 = arith.constant 0 : index
    %get3A_12 = vector.load %arg1[%get3A_9, %get3A_10, %get3A_11] : memref<2x2x1024xf32, #tpu.memory_space<vmem>>, vector<1x1x1024xf32>
    %get3A_13 = vector.shape_cast %get3A_12 : vector<1x1x1024xf32> to vector<1024xf32>
    %get3A_14 = arith.constant 1 : index
    %get3A_15 = arith.constant 1 : index
    %get3A_16 = arith.constant 0 : index
    %get3A_17 = vector.load %arg1[%get3A_14, %get3A_15, %get3A_16] : memref<2x2x1024xf32, #tpu.memory_space<vmem>>, vector<1x1x1024xf32>
    %get3A_18 = vector.shape_cast %get3A_17 : vector<1x1x1024xf32> to vector<1024xf32>
    %add3A_19 = arith.addf %get3A_13, %get3A_18 : vector<1024xf32>
    %gt3A = arith.constant 0.000000e+00 : f32
    %gt3A_20 = vector.broadcast %gt3A : f32 to vector<1024xf32>
    %gt3A_21 = arith.cmpf ogt, %add3A, %gt3A_20 : vector<1024xf32>
    %div3A = arith.constant 1.000000e+00 : f32
    %div3A_22 = vector.broadcast %div3A : f32 to vector<1024xf32>
    %div3A_23 = arith.divf %div3A_22, %add3A : vector<1024xf32>
    %jit3A = arith.constant 0.000000e+00 : f32
    %broadcast_in_dim3A = vector.broadcast %jit3A : f32 to vector<1024xf32>
    %select_n3A = arith.select %gt3A_21, %div3A_23, %broadcast_in_dim3A : vector<1024xi1>, vector<1024xf32>
    %gt3A_24 = arith.constant 0.000000e+00 : f32
    %gt3A_25 = vector.broadcast %gt3A_24 : f32 to vector<1024xf32>
    %gt3A_26 = arith.cmpf ogt, %add3A_19, %gt3A_25 : vector<1024xf32>
    %div3A_27 = arith.constant 1.000000e+00 : f32
    %div3A_28 = vector.broadcast %div3A_27 : f32 to vector<1024xf32>
    %div3A_29 = arith.divf %div3A_28, %add3A_19 : vector<1024xf32>
    %jit3A_30 = arith.constant 0.000000e+00 : f32
    %broadcast_in_dim3A_31 = vector.broadcast %jit3A_30 : f32 to vector<1024xf32>
    %select_n3A_32 = arith.select %gt3A_26, %div3A_29, %broadcast_in_dim3A_31 : vector<1024xi1>, vector<1024xf32>
    %broadcast_in_dim3A_33 = vector.shape_cast %select_n3A : vector<1024xf32> to vector<1024x1xf32>
    %broadcast_in_dim3A_34 = vector.shape_cast %select_n3A_32 : vector<1024xf32> to vector<1024x1xf32>
    %get3A_35 = arith.constant 0 : index
    %get3A_36 = arith.constant 0 : index
    %get3A_37 = vector.load %arg2[%get3A_35, %get3A_36] : memref<1024x128xf32, #tpu.memory_space<vmem>>, vector<1024x128xf32>
    %mul3A = vector.broadcast %broadcast_in_dim3A_33 : vector<1024x1xf32> to vector<1024x128xf32>
    %mul3A_38 = arith.mulf %get3A_37, %mul3A : vector<1024x128xf32>
    %swap3A = arith.constant 0 : index
    %swap3A_39 = arith.constant 0 : index
    %swap3A_40 = vector.load %arg3[%swap3A, %swap3A_39] : memref<1024x128xf32, #tpu.memory_space<vmem>>, vector<1024x128xf32>
    tpu.vector_store %arg3[%swap3A, %swap3A_39], %mul3A_38 {strides = array<i32>} : memref<1024x128xf32, #tpu.memory_space<vmem>>, vector<1024x128xf32>,
    %mul3A_41 = vector.broadcast %broadcast_in_dim3A_34 : vector<1024x1xf32> to vector<1024x128xf32>
    %mul3A_42 = arith.mulf %get3A_37, %mul3A_41 : vector<1024x128xf32>
    %swap3A_43 = arith.constant 0 : index
    %swap3A_44 = arith.constant 0 : index
    %swap3A_45 = vector.load %arg4[%swap3A_43, %swap3A_44] : memref<1024x128xf32, #tpu.memory_space<vmem>>, vector<1024x128xf32>
    tpu.vector_store %arg4[%swap3A_43, %swap3A_44], %mul3A_42 {strides = array<i32>} : memref<1024x128xf32, #tpu.memory_space<vmem>>, vector<1024x128xf32>,
    return
  }
  func.func @transform_0(%arg0: i32) -> (i32, i32, i32) {
    %c0_i32 = arith.constant 0 : i32
    %c0_i32_0 = arith.constant 0 : i32
    %c0_i32_1 = arith.constant 0 : i32
    return %c0_i32, %c0_i32_0, %arg0 : i32, i32, i32
  }
  func.func @transform_1(%arg0: i32) -> (i32, i32) {
    %c0_i32 = arith.constant 0 : i32
    %c0_i32_0 = arith.constant 0 : i32
    return %arg0, %c0_i32 : i32, i32
  }
  func.func @transform_2(%arg0: i32) -> (i32, i32) {
    %c0_i32 = arith.constant 0 : i32
    %c0_i32_0 = arith.constant 0 : i32
    return %arg0, %c0_i32 : i32, i32
  }
  func.func @transform_3(%arg0: i32) -> (i32, i32) {
    %c0_i32 = arith.constant 0 : i32
    %c0_i32_0 = arith.constant 0 : i32
    return %arg0, %c0_i32 : i32, i32
  }
}

module attributes {stable_mosaic.version = 14 : i64} {
  func.func @_gates_body(%arg0: i32, %arg1: memref<1024x128xf32, #tpu.memory_space<vmem>>, %arg2: memref<1x1024x128xf32, #tpu.memory_space<vmem>>, %arg3: memref<1x1024x128xf32, #tpu.memory_space<vmem>>, %arg4: memref<2x2x1024xf32, #tpu.memory_space<vmem>>, %arg5: memref<128x64xf32, #tpu.memory_space<vmem>>, %arg6: memref<128x64xf32, #tpu.memory_space<vmem>>, %arg7: memref<128x64xf32, #tpu.memory_space<vmem>>, %arg8: memref<128x64xf32, #tpu.memory_space<vmem>>, %arg9: memref<128x64xf32, #tpu.memory_space<vmem>>, %arg10: memref<128x64xf32, #tpu.memory_space<vmem>>, %arg11: memref<1x64xf32, #tpu.memory_space<vmem>>, %arg12: memref<1x64xf32, #tpu.memory_space<vmem>>, %arg13: memref<1024x64xf32, #tpu.memory_space<vmem>>, %arg14: memref<1024x128xf32, #tpu.memory_space<vmem>>, %arg15: memref<1024x128xf32, #tpu.memory_space<vmem>>) attributes {dimension_semantics = [#tpu.dimension_semantics<arbitrary>], iteration_bounds = array<i64: 10>, scalar_prefetch = 0 : i64, scratch_operands = 0 : i64, tpu.core_type = #tpu.core_type<tc>, window_params = [{transform_indices = @transform_0, window_bounds = array<i64: 1024, 128>}, {transform_indices = @transform_1, window_bounds = array<i64: 1, 1024, 128>}, {transform_indices = @transform_2, window_bounds = array<i64: 1, 1024, 128>}, {transform_indices = @transform_3, window_bounds = array<i64: 2, 2, 1024>}, {pipeline_mode = #tpu.pipeline_mode<synchronous>, transform_indices = @transform_4, window_bounds = array<i64: 128, 64>}, {pipeline_mode = #tpu.pipeline_mode<synchronous>, transform_indices = @transform_5, window_bounds = array<i64: 128, 64>}, {pipeline_mode = #tpu.pipeline_mode<synchronous>, transform_indices = @transform_6, window_bounds = array<i64: 128, 64>}, {pipeline_mode = #tpu.pipeline_mode<synchronous>, transform_indices = @transform_7, window_bounds = array<i64: 128, 64>}, {pipeline_mode = #tpu.pipeline_mode<synchronous>, transform_indices = @transform_8, window_bounds = array<i64: 128, 64>}, {pipeline_mode = #tpu.pipeline_mode<synchronous>, transform_indices = @transform_9, window_bounds = array<i64: 128, 64>}, {pipeline_mode = #tpu.pipeline_mode<synchronous>, transform_indices = @transform_10, window_bounds = array<i64: 1, 64>}, {pipeline_mode = #tpu.pipeline_mode<synchronous>, transform_indices = @transform_11, window_bounds = array<i64: 1, 64>}, {transform_indices = @transform_12, window_bounds = array<i64: 1024, 64>}, {transform_indices = @transform_13, window_bounds = array<i64: 1024, 128>}, {transform_indices = @transform_14, window_bounds = array<i64: 1024, 128>}]} {
    %get3A = arith.constant 0 : index
    %get3A_0 = arith.constant 0 : index
    %get3A_1 = vector.load %arg1[%get3A, %get3A_0] : memref<1024x128xf32, #tpu.memory_space<vmem>>, vector<1024x128xf32>
    %get3A_2 = arith.constant 0 : index
    %get3A_3 = arith.constant 0 : index
    %get3A_4 = arith.constant 0 : index
    %get3A_5 = vector.load %arg2[%get3A_2, %get3A_3, %get3A_4] : memref<1x1024x128xf32, #tpu.memory_space<vmem>>, vector<1x1024x128xf32>
    %get3A_6 = vector.shape_cast %get3A_5 : vector<1x1024x128xf32> to vector<1024x128xf32>
    %get3A_7 = arith.constant 0 : index
    %get3A_8 = arith.constant 0 : index
    %get3A_9 = arith.constant 0 : index
    %get3A_10 = vector.load %arg3[%get3A_7, %get3A_8, %get3A_9] : memref<1x1024x128xf32, #tpu.memory_space<vmem>>, vector<1x1024x128xf32>
    %get3A_11 = vector.shape_cast %get3A_10 : vector<1x1024x128xf32> to vector<1024x128xf32>
    %get3A_12 = arith.constant 0 : index
    %get3A_13 = arith.constant 0 : index
    %get3A_14 = vector.load %arg5[%get3A_12, %get3A_13] : memref<128x64xf32, #tpu.memory_space<vmem>>, vector<128x64xf32>
    %dot_general3A = arith.constant dense<0.000000e+00> : vector<1024x64xf32>
    %dot_general3A_15 = tpu.matmul %get3A_1, %get3A_14, %dot_general3A {dimension_numbers = #tpu.dot_dimension_numbers<[1], [0], [0], [1], [0, 0, 1, 1], [], []>, transpose_lhs_hint = false} : vector<1024x128xf32>, vector<128x64xf32>, vector<1024x64xf32> -> vector<1024x64xf32>
    %get3A_16 = arith.constant 0 : index
    %get3A_17 = arith.constant 0 : index
    %get3A_18 = vector.load %arg6[%get3A_16, %get3A_17] : memref<128x64xf32, #tpu.memory_space<vmem>>, vector<128x64xf32>
    %dot_general3A_19 = arith.constant dense<0.000000e+00> : vector<1024x64xf32>
    %dot_general3A_20 = tpu.matmul %get3A_6, %get3A_18, %dot_general3A_19 {dimension_numbers = #tpu.dot_dimension_numbers<[1], [0], [0], [1], [0, 0, 1, 1], [], []>, transpose_lhs_hint = false} : vector<1024x128xf32>, vector<128x64xf32>, vector<1024x64xf32> -> vector<1024x64xf32>
    %add3A = arith.addf %dot_general3A_15, %dot_general3A_20 : vector<1024x64xf32>
    %get3A_21 = arith.constant 0 : index
    %get3A_22 = arith.constant 0 : index
    %get3A_23 = vector.load %arg7[%get3A_21, %get3A_22] : memref<128x64xf32, #tpu.memory_space<vmem>>, vector<128x64xf32>
    %dot_general3A_24 = arith.constant dense<0.000000e+00> : vector<1024x64xf32>
    %dot_general3A_25 = tpu.matmul %get3A_11, %get3A_23, %dot_general3A_24 {dimension_numbers = #tpu.dot_dimension_numbers<[1], [0], [0], [1], [0, 0, 1, 1], [], []>, transpose_lhs_hint = false} : vector<1024x128xf32>, vector<128x64xf32>, vector<1024x64xf32> -> vector<1024x64xf32>
    %add3A_26 = arith.addf %add3A, %dot_general3A_25 : vector<1024x64xf32>
    %get3A_27 = arith.constant 0 : index
    %get3A_28 = arith.constant 0 : index
    %get3A_29 = vector.load %arg11[%get3A_27, %get3A_28] : memref<1x64xf32, #tpu.memory_space<vmem>>, vector<1x64xf32>
    %add3A_30 = vector.broadcast %get3A_29 : vector<1x64xf32> to vector<1024x64xf32>
    %add3A_31 = arith.addf %add3A_26, %add3A_30 : vector<1024x64xf32>
    %logistic3A = arith.negf %add3A_31 : vector<1024x64xf32>
    %logistic3A_32 = math.exp %logistic3A : vector<1024x64xf32>
    %logistic3A_33 = arith.constant 1.000000e+00 : f32
    %logistic3A_34 = vector.broadcast %logistic3A_33 : f32 to vector<1024x64xf32>
    %logistic3A_35 = arith.addf %logistic3A_34, %logistic3A_32 : vector<1024x64xf32>
    %logistic3A_36 = arith.divf %logistic3A_34, %logistic3A_35 : vector<1024x64xf32>
    %get3A_37 = arith.constant 0 : index
    %get3A_38 = arith.constant 0 : index
    %get3A_39 = vector.load %arg8[%get3A_37, %get3A_38] : memref<128x64xf32, #tpu.memory_space<vmem>>, vector<128x64xf32>
    %dot_general3A_40 = arith.constant dense<0.000000e+00> : vector<1024x64xf32>
    %dot_general3A_41 = tpu.matmul %get3A_1, %get3A_39, %dot_general3A_40 {dimension_numbers = #tpu.dot_dimension_numbers<[1], [0], [0], [1], [0, 0, 1, 1], [], []>, transpose_lhs_hint = false} : vector<1024x128xf32>, vector<128x64xf32>, vector<1024x64xf32> -> vector<1024x64xf32>
    %get3A_42 = arith.constant 0 : index
    %get3A_43 = arith.constant 0 : index
    %get3A_44 = vector.load %arg9[%get3A_42, %get3A_43] : memref<128x64xf32, #tpu.memory_space<vmem>>, vector<128x64xf32>
    %dot_general3A_45 = arith.constant dense<0.000000e+00> : vector<1024x64xf32>
    %dot_general3A_46 = tpu.matmul %get3A_6, %get3A_44, %dot_general3A_45 {dimension_numbers = #tpu.dot_dimension_numbers<[1], [0], [0], [1], [0, 0, 1, 1], [], []>, transpose_lhs_hint = false} : vector<1024x128xf32>, vector<128x64xf32>, vector<1024x64xf32> -> vector<1024x64xf32>
    %add3A_47 = arith.addf %dot_general3A_41, %dot_general3A_46 : vector<1024x64xf32>
    %get3A_48 = arith.constant 0 : index
    %get3A_49 = arith.constant 0 : index
    %get3A_50 = vector.load %arg10[%get3A_48, %get3A_49] : memref<128x64xf32, #tpu.memory_space<vmem>>, vector<128x64xf32>
    %dot_general3A_51 = arith.constant dense<0.000000e+00> : vector<1024x64xf32>
    %dot_general3A_52 = tpu.matmul %get3A_11, %get3A_50, %dot_general3A_51 {dimension_numbers = #tpu.dot_dimension_numbers<[1], [0], [0], [1], [0, 0, 1, 1], [], []>, transpose_lhs_hint = false} : vector<1024x128xf32>, vector<128x64xf32>, vector<1024x64xf32> -> vector<1024x64xf32>
    %add3A_53 = arith.addf %add3A_47, %dot_general3A_52 : vector<1024x64xf32>
    %get3A_54 = arith.constant 0 : index
    %get3A_55 = arith.constant 0 : index
    %get3A_56 = vector.load %arg12[%get3A_54, %get3A_55] : memref<1x64xf32, #tpu.memory_space<vmem>>, vector<1x64xf32>
    %add3A_57 = vector.broadcast %get3A_56 : vector<1x64xf32> to vector<1024x64xf32>
    %add3A_58 = arith.addf %add3A_53, %add3A_57 : vector<1024x64xf32>
    %tanh3A = math.tanh %add3A_58 : vector<1024x64xf32>
    %sub3A = arith.constant 1.000000e+00 : f32
    %sub3A_59 = vector.broadcast %sub3A : f32 to vector<1024x64xf32>
    %sub3A_60 = arith.subf %sub3A_59, %logistic3A_36 : vector<1024x64xf32>
    %mul3A = arith.mulf %sub3A_60, %tanh3A : vector<1024x64xf32>
    %swap3A = arith.constant 0 : index
    %swap3A_61 = arith.constant 0 : index
    %swap3A_62 = vector.load %arg13[%swap3A, %swap3A_61] : memref<1024x64xf32, #tpu.memory_space<vmem>>, vector<1024x64xf32>
    tpu.vector_store %arg13[%swap3A, %swap3A_61], %mul3A {strides = array<i32>} : memref<1024x64xf32, #tpu.memory_space<vmem>>, vector<1024x64xf32>,
    %get3A_63 = arith.constant 0 : index
    %get3A_64 = arith.constant 0 : index
    %get3A_65 = arith.constant 0 : index
    %get3A_66 = vector.load %arg4[%get3A_63, %get3A_64, %get3A_65] : memref<2x2x1024xf32, #tpu.memory_space<vmem>>, vector<1x1x1024xf32>
    %get3A_67 = vector.shape_cast %get3A_66 : vector<1x1x1024xf32> to vector<1024xf32>
    %get3A_68 = arith.constant 0 : index
    %get3A_69 = arith.constant 1 : index
    %get3A_70 = arith.constant 0 : index
    %get3A_71 = vector.load %arg4[%get3A_68, %get3A_69, %get3A_70] : memref<2x2x1024xf32, #tpu.memory_space<vmem>>, vector<1x1x1024xf32>
    %get3A_72 = vector.shape_cast %get3A_71 : vector<1x1x1024xf32> to vector<1024xf32>
    %add3A_73 = arith.addf %get3A_67, %get3A_72 : vector<1024xf32>
    %get3A_74 = arith.constant 1 : index
    %get3A_75 = arith.constant 0 : index
    %get3A_76 = arith.constant 0 : index
    %get3A_77 = vector.load %arg4[%get3A_74, %get3A_75, %get3A_76] : memref<2x2x1024xf32, #tpu.memory_space<vmem>>, vector<1x1x1024xf32>
    %get3A_78 = vector.shape_cast %get3A_77 : vector<1x1x1024xf32> to vector<1024xf32>
    %get3A_79 = arith.constant 1 : index
    %get3A_80 = arith.constant 1 : index
    %get3A_81 = arith.constant 0 : index
    %get3A_82 = vector.load %arg4[%get3A_79, %get3A_80, %get3A_81] : memref<2x2x1024xf32, #tpu.memory_space<vmem>>, vector<1x1x1024xf32>
    %get3A_83 = vector.shape_cast %get3A_82 : vector<1x1x1024xf32> to vector<1024xf32>
    %add3A_84 = arith.addf %get3A_78, %get3A_83 : vector<1024xf32>
    %gt3A = arith.constant 0.000000e+00 : f32
    %gt3A_85 = vector.broadcast %gt3A : f32 to vector<1024xf32>
    %gt3A_86 = arith.cmpf ogt, %add3A_73, %gt3A_85 : vector<1024xf32>
    %div3A = arith.constant 1.000000e+00 : f32
    %div3A_87 = vector.broadcast %div3A : f32 to vector<1024xf32>
    %div3A_88 = arith.divf %div3A_87, %add3A_73 : vector<1024xf32>
    %jit3A = arith.constant 0.000000e+00 : f32
    %broadcast_in_dim3A = vector.broadcast %jit3A : f32 to vector<1024xf32>
    %select_n3A = arith.select %gt3A_86, %div3A_88, %broadcast_in_dim3A : vector<1024xi1>, vector<1024xf32>
    %gt3A_89 = arith.constant 0.000000e+00 : f32
    %gt3A_90 = vector.broadcast %gt3A_89 : f32 to vector<1024xf32>
    %gt3A_91 = arith.cmpf ogt, %add3A_84, %gt3A_90 : vector<1024xf32>
    %div3A_92 = arith.constant 1.000000e+00 : f32
    %div3A_93 = vector.broadcast %div3A_92 : f32 to vector<1024xf32>
    %div3A_94 = arith.divf %div3A_93, %add3A_84 : vector<1024xf32>
    %jit3A_95 = arith.constant 0.000000e+00 : f32
    %broadcast_in_dim3A_96 = vector.broadcast %jit3A_95 : f32 to vector<1024xf32>
    %select_n3A_97 = arith.select %gt3A_91, %div3A_94, %broadcast_in_dim3A_96 : vector<1024xi1>, vector<1024xf32>
    %broadcast_in_dim3A_98 = vector.shape_cast %select_n3A : vector<1024xf32> to vector<1024x1xf32>
    %broadcast_in_dim3A_99 = vector.shape_cast %select_n3A_97 : vector<1024xf32> to vector<1024x1xf32>
    %mul3A_100 = vector.broadcast %broadcast_in_dim3A_98 : vector<1024x1xf32> to vector<1024x64xf32>
    %mul3A_101 = arith.mulf %mul3A, %mul3A_100 : vector<1024x64xf32>
    %mul3A_102 = vector.broadcast %broadcast_in_dim3A_99 : vector<1024x1xf32> to vector<1024x64xf32>
    %mul3A_103 = arith.mulf %mul3A, %mul3A_102 : vector<1024x64xf32>
    %concatenate3A = tpu.concatenate %mul3A_101, %mul3A_103 in 1 : vector<1024x64xf32>, vector<1024x64xf32> -> vector<1024x128xf32>
    %swap3A_104 = arith.constant 0 : index
    %swap3A_105 = arith.constant 0 : index
    %swap3A_106 = vector.load %arg14[%swap3A_104, %swap3A_105] : memref<1024x128xf32, #tpu.memory_space<vmem>>, vector<1024x128xf32>
    tpu.vector_store %arg14[%swap3A_104, %swap3A_105], %concatenate3A {strides = array<i32>} : memref<1024x128xf32, #tpu.memory_space<vmem>>, vector<1024x128xf32>,
    %swap3A_107 = arith.constant 0 : index
    %swap3A_108 = arith.constant 0 : index
    %swap3A_109 = vector.load %arg15[%swap3A_107, %swap3A_108] : memref<1024x128xf32, #tpu.memory_space<vmem>>, vector<1024x128xf32>
    tpu.vector_store %arg15[%swap3A_107, %swap3A_108], %concatenate3A {strides = array<i32>} : memref<1024x128xf32, #tpu.memory_space<vmem>>, vector<1024x128xf32>,
    return
  }
  func.func @transform_0(%arg0: i32) -> (i32, i32) {
    %c0_i32 = arith.constant 0 : i32
    %c0_i32_0 = arith.constant 0 : i32
    return %arg0, %c0_i32 : i32, i32
  }
  func.func @transform_1(%arg0: i32) -> (i32, i32, i32) {
    %c0_i32 = arith.constant 0 : i32
    %c0_i32_0 = arith.constant 0 : i32
    %c0_i32_1 = arith.constant 0 : i32
    return %c0_i32, %arg0, %c0_i32_0 : i32, i32, i32
  }
  func.func @transform_2(%arg0: i32) -> (i32, i32, i32) {
    %c1_i32 = arith.constant 1 : i32
    %c0_i32 = arith.constant 0 : i32
    %c0_i32_0 = arith.constant 0 : i32
    return %c1_i32, %arg0, %c0_i32 : i32, i32, i32
  }
  func.func @transform_3(%arg0: i32) -> (i32, i32, i32) {
    %c0_i32 = arith.constant 0 : i32
    %c0_i32_0 = arith.constant 0 : i32
    %c0_i32_1 = arith.constant 0 : i32
    return %c0_i32, %c0_i32_0, %arg0 : i32, i32, i32
  }
  func.func @transform_4(%arg0: i32) -> (i32, i32) {
    %c0_i32 = arith.constant 0 : i32
    %c0_i32_0 = arith.constant 0 : i32
    %c0_i32_1 = arith.constant 0 : i32
    return %c0_i32, %c0_i32_0 : i32, i32
  }
  func.func @transform_5(%arg0: i32) -> (i32, i32) {
    %c0_i32 = arith.constant 0 : i32
    %c0_i32_0 = arith.constant 0 : i32
    %c0_i32_1 = arith.constant 0 : i32
    return %c0_i32, %c0_i32_0 : i32, i32
  }
  func.func @transform_6(%arg0: i32) -> (i32, i32) {
    %c0_i32 = arith.constant 0 : i32
    %c0_i32_0 = arith.constant 0 : i32
    %c0_i32_1 = arith.constant 0 : i32
    return %c0_i32, %c0_i32_0 : i32, i32
  }
  func.func @transform_7(%arg0: i32) -> (i32, i32) {
    %c0_i32 = arith.constant 0 : i32
    %c0_i32_0 = arith.constant 0 : i32
    %c0_i32_1 = arith.constant 0 : i32
    return %c0_i32, %c0_i32_0 : i32, i32
  }
  func.func @transform_8(%arg0: i32) -> (i32, i32) {
    %c0_i32 = arith.constant 0 : i32
    %c0_i32_0 = arith.constant 0 : i32
    %c0_i32_1 = arith.constant 0 : i32
    return %c0_i32, %c0_i32_0 : i32, i32
  }
  func.func @transform_9(%arg0: i32) -> (i32, i32) {
    %c0_i32 = arith.constant 0 : i32
    %c0_i32_0 = arith.constant 0 : i32
    %c0_i32_1 = arith.constant 0 : i32
    return %c0_i32, %c0_i32_0 : i32, i32
  }
  func.func @transform_10(%arg0: i32) -> (i32, i32) {
    %c0_i32 = arith.constant 0 : i32
    %c0_i32_0 = arith.constant 0 : i32
    %c0_i32_1 = arith.constant 0 : i32
    return %c0_i32, %c0_i32_0 : i32, i32
  }
  func.func @transform_11(%arg0: i32) -> (i32, i32) {
    %c0_i32 = arith.constant 0 : i32
    %c0_i32_0 = arith.constant 0 : i32
    %c0_i32_1 = arith.constant 0 : i32
    return %c0_i32, %c0_i32_0 : i32, i32
  }
  func.func @transform_12(%arg0: i32) -> (i32, i32) {
    %c0_i32 = arith.constant 0 : i32
    %c0_i32_0 = arith.constant 0 : i32
    return %arg0, %c0_i32 : i32, i32
  }
  func.func @transform_13(%arg0: i32) -> (i32, i32) {
    %c0_i32 = arith.constant 0 : i32
    %c0_i32_0 = arith.constant 0 : i32
    return %arg0, %c0_i32 : i32, i32
  }
  func.func @transform_14(%arg0: i32) -> (i32, i32) {
    %c0_i32 = arith.constant 0 : i32
    %c0_i32_0 = arith.constant 0 : i32
    return %arg0, %c0_i32 : i32, i32
  }
}

module attributes {stable_mosaic.version = 14 : i64} {
  func.func @_gates2_body(%arg0: i32, %arg1: memref<1024x64xf32, #tpu.memory_space<vmem>>, %arg2: memref<1x1024x128xf32, #tpu.memory_space<vmem>>, %arg3: memref<1x1024x128xf32, #tpu.memory_space<vmem>>, %arg4: memref<64x64xf32, #tpu.memory_space<vmem>>, %arg5: memref<64x64xf32, #tpu.memory_space<vmem>>, %arg6: memref<64x64xf32, #tpu.memory_space<vmem>>, %arg7: memref<64x64xf32, #tpu.memory_space<vmem>>, %arg8: memref<64x64xf32, #tpu.memory_space<vmem>>, %arg9: memref<64x64xf32, #tpu.memory_space<vmem>>, %arg10: memref<1x64xf32, #tpu.memory_space<vmem>>, %arg11: memref<1x64xf32, #tpu.memory_space<vmem>>, %arg12: memref<64x1xf32, #tpu.memory_space<vmem>>, %arg13: memref<1x1xf32, #tpu.memory_space<vmem>>, %arg14: memref<1024x1xf32, #tpu.memory_space<vmem>>) attributes {dimension_semantics = [#tpu.dimension_semantics<arbitrary>], iteration_bounds = array<i64: 10>, scalar_prefetch = 0 : i64, scratch_operands = 0 : i64, tpu.core_type = #tpu.core_type<tc>, window_params = [{transform_indices = @transform_0, window_bounds = array<i64: 1024, 64>}, {transform_indices = @transform_1, window_bounds = array<i64: 1, 1024, 128>}, {transform_indices = @transform_2, window_bounds = array<i64: 1, 1024, 128>}, {pipeline_mode = #tpu.pipeline_mode<synchronous>, transform_indices = @transform_3, window_bounds = array<i64: 64, 64>}, {pipeline_mode = #tpu.pipeline_mode<synchronous>, transform_indices = @transform_4, window_bounds = array<i64: 64, 64>}, {pipeline_mode = #tpu.pipeline_mode<synchronous>, transform_indices = @transform_5, window_bounds = array<i64: 64, 64>}, {pipeline_mode = #tpu.pipeline_mode<synchronous>, transform_indices = @transform_6, window_bounds = array<i64: 64, 64>}, {pipeline_mode = #tpu.pipeline_mode<synchronous>, transform_indices = @transform_7, window_bounds = array<i64: 64, 64>}, {pipeline_mode = #tpu.pipeline_mode<synchronous>, transform_indices = @transform_8, window_bounds = array<i64: 64, 64>}, {pipeline_mode = #tpu.pipeline_mode<synchronous>, transform_indices = @transform_9, window_bounds = array<i64: 1, 64>}, {pipeline_mode = #tpu.pipeline_mode<synchronous>, transform_indices = @transform_10, window_bounds = array<i64: 1, 64>}, {pipeline_mode = #tpu.pipeline_mode<synchronous>, transform_indices = @transform_11, window_bounds = array<i64: 64, 1>}, {pipeline_mode = #tpu.pipeline_mode<synchronous>, transform_indices = @transform_12, window_bounds = array<i64: 1, 1>}, {transform_indices = @transform_13, window_bounds = array<i64: 1024, 1>}]} {
    %get3A = arith.constant 0 : index
    %get3A_0 = arith.constant 0 : index
    %get3A_1 = vector.load %arg1[%get3A, %get3A_0] : memref<1024x64xf32, #tpu.memory_space<vmem>>, vector<1024x64xf32>
    %get3A_2 = arith.constant 0 : index
    %get3A_3 = arith.constant 0 : index
    %get3A_4 = arith.constant 0 : index
    %get3A_5 = vector.load %arg2[%get3A_2, %get3A_3, %get3A_4] : memref<1x1024x128xf32, #tpu.memory_space<vmem>>, vector<1x1024x128xf32>
    %get3A_6 = vector.shape_cast %get3A_5 : vector<1x1024x128xf32> to vector<1024x128xf32>
    %slice3A = vector.extract_strided_slice %get3A_6 {offsets = [0, 0], sizes = [1024, 64], strides = [1, 1]} : vector<1024x128xf32> to vector<1024x64xf32>
    %get3A_7 = arith.constant 0 : index
    %get3A_8 = arith.constant 0 : index
    %get3A_9 = arith.constant 0 : index
    %get3A_10 = vector.load %arg3[%get3A_7, %get3A_8, %get3A_9] : memref<1x1024x128xf32, #tpu.memory_space<vmem>>, vector<1x1024x128xf32>
    %get3A_11 = vector.shape_cast %get3A_10 : vector<1x1024x128xf32> to vector<1024x128xf32>
    %slice3A_12 = vector.extract_strided_slice %get3A_11 {offsets = [0, 64], sizes = [1024, 64], strides = [1, 1]} : vector<1024x128xf32> to vector<1024x64xf32>
    %get3A_13 = arith.constant 0 : index
    %get3A_14 = arith.constant 0 : index
    %get3A_15 = vector.load %arg4[%get3A_13, %get3A_14] : memref<64x64xf32, #tpu.memory_space<vmem>>, vector<64x64xf32>
    %dot_general3A = arith.constant dense<0.000000e+00> : vector<1024x64xf32>
    %dot_general3A_16 = tpu.matmul %get3A_1, %get3A_15, %dot_general3A {dimension_numbers = #tpu.dot_dimension_numbers<[1], [0], [0], [1], [0, 0, 1, 1], [], []>, transpose_lhs_hint = false} : vector<1024x64xf32>, vector<64x64xf32>, vector<1024x64xf32> -> vector<1024x64xf32>
    %get3A_17 = arith.constant 0 : index
    %get3A_18 = arith.constant 0 : index
    %get3A_19 = vector.load %arg5[%get3A_17, %get3A_18] : memref<64x64xf32, #tpu.memory_space<vmem>>, vector<64x64xf32>
    %dot_general3A_20 = arith.constant dense<0.000000e+00> : vector<1024x64xf32>
    %dot_general3A_21 = tpu.matmul %slice3A, %get3A_19, %dot_general3A_20 {dimension_numbers = #tpu.dot_dimension_numbers<[1], [0], [0], [1], [0, 0, 1, 1], [], []>, transpose_lhs_hint = false} : vector<1024x64xf32>, vector<64x64xf32>, vector<1024x64xf32> -> vector<1024x64xf32>
    %add3A = arith.addf %dot_general3A_16, %dot_general3A_21 : vector<1024x64xf32>
    %get3A_22 = arith.constant 0 : index
    %get3A_23 = arith.constant 0 : index
    %get3A_24 = vector.load %arg6[%get3A_22, %get3A_23] : memref<64x64xf32, #tpu.memory_space<vmem>>, vector<64x64xf32>
    %dot_general3A_25 = arith.constant dense<0.000000e+00> : vector<1024x64xf32>
    %dot_general3A_26 = tpu.matmul %slice3A_12, %get3A_24, %dot_general3A_25 {dimension_numbers = #tpu.dot_dimension_numbers<[1], [0], [0], [1], [0, 0, 1, 1], [], []>, transpose_lhs_hint = false} : vector<1024x64xf32>, vector<64x64xf32>, vector<1024x64xf32> -> vector<1024x64xf32>
    %add3A_27 = arith.addf %add3A, %dot_general3A_26 : vector<1024x64xf32>
    %get3A_28 = arith.constant 0 : index
    %get3A_29 = arith.constant 0 : index
    %get3A_30 = vector.load %arg10[%get3A_28, %get3A_29] : memref<1x64xf32, #tpu.memory_space<vmem>>, vector<1x64xf32>
    %add3A_31 = vector.broadcast %get3A_30 : vector<1x64xf32> to vector<1024x64xf32>
    %add3A_32 = arith.addf %add3A_27, %add3A_31 : vector<1024x64xf32>
    %logistic3A = arith.negf %add3A_32 : vector<1024x64xf32>
    %logistic3A_33 = math.exp %logistic3A : vector<1024x64xf32>
    %logistic3A_34 = arith.constant 1.000000e+00 : f32
    %logistic3A_35 = vector.broadcast %logistic3A_34 : f32 to vector<1024x64xf32>
    %logistic3A_36 = arith.addf %logistic3A_35, %logistic3A_33 : vector<1024x64xf32>
    %logistic3A_37 = arith.divf %logistic3A_35, %logistic3A_36 : vector<1024x64xf32>
    %get3A_38 = arith.constant 0 : index
    %get3A_39 = arith.constant 0 : index
    %get3A_40 = vector.load %arg7[%get3A_38, %get3A_39] : memref<64x64xf32, #tpu.memory_space<vmem>>, vector<64x64xf32>
    %dot_general3A_41 = arith.constant dense<0.000000e+00> : vector<1024x64xf32>
    %dot_general3A_42 = tpu.matmul %get3A_1, %get3A_40, %dot_general3A_41 {dimension_numbers = #tpu.dot_dimension_numbers<[1], [0], [0], [1], [0, 0, 1, 1], [], []>, transpose_lhs_hint = false} : vector<1024x64xf32>, vector<64x64xf32>, vector<1024x64xf32> -> vector<1024x64xf32>
    %get3A_43 = arith.constant 0 : index
    %get3A_44 = arith.constant 0 : index
    %get3A_45 = vector.load %arg8[%get3A_43, %get3A_44] : memref<64x64xf32, #tpu.memory_space<vmem>>, vector<64x64xf32>
    %dot_general3A_46 = arith.constant dense<0.000000e+00> : vector<1024x64xf32>
    %dot_general3A_47 = tpu.matmul %slice3A, %get3A_45, %dot_general3A_46 {dimension_numbers = #tpu.dot_dimension_numbers<[1], [0], [0], [1], [0, 0, 1, 1], [], []>, transpose_lhs_hint = false} : vector<1024x64xf32>, vector<64x64xf32>, vector<1024x64xf32> -> vector<1024x64xf32>
    %add3A_48 = arith.addf %dot_general3A_42, %dot_general3A_47 : vector<1024x64xf32>
    %get3A_49 = arith.constant 0 : index
    %get3A_50 = arith.constant 0 : index
    %get3A_51 = vector.load %arg9[%get3A_49, %get3A_50] : memref<64x64xf32, #tpu.memory_space<vmem>>, vector<64x64xf32>
    %dot_general3A_52 = arith.constant dense<0.000000e+00> : vector<1024x64xf32>
    %dot_general3A_53 = tpu.matmul %slice3A_12, %get3A_51, %dot_general3A_52 {dimension_numbers = #tpu.dot_dimension_numbers<[1], [0], [0], [1], [0, 0, 1, 1], [], []>, transpose_lhs_hint = false} : vector<1024x64xf32>, vector<64x64xf32>, vector<1024x64xf32> -> vector<1024x64xf32>
    %add3A_54 = arith.addf %add3A_48, %dot_general3A_53 : vector<1024x64xf32>
    %get3A_55 = arith.constant 0 : index
    %get3A_56 = arith.constant 0 : index
    %get3A_57 = vector.load %arg11[%get3A_55, %get3A_56] : memref<1x64xf32, #tpu.memory_space<vmem>>, vector<1x64xf32>
    %add3A_58 = vector.broadcast %get3A_57 : vector<1x64xf32> to vector<1024x64xf32>
    %add3A_59 = arith.addf %add3A_54, %add3A_58 : vector<1024x64xf32>
    %tanh3A = math.tanh %add3A_59 : vector<1024x64xf32>
    %sub3A = arith.constant 1.000000e+00 : f32
    %sub3A_60 = vector.broadcast %sub3A : f32 to vector<1024x64xf32>
    %sub3A_61 = arith.subf %sub3A_60, %logistic3A_37 : vector<1024x64xf32>
    %mul3A = arith.mulf %sub3A_61, %tanh3A : vector<1024x64xf32>
    %get3A_62 = arith.constant 0 : index
    %get3A_63 = arith.constant 0 : index
    %get3A_64 = vector.load %arg12[%get3A_62, %get3A_63] : memref<64x1xf32, #tpu.memory_space<vmem>>, vector<64x1xf32>
    %dot_general3A_65 = arith.constant dense<0.000000e+00> : vector<1024x1xf32>
    %dot_general3A_66 = tpu.matmul %mul3A, %get3A_64, %dot_general3A_65 {dimension_numbers = #tpu.dot_dimension_numbers<[1], [0], [0], [1], [0, 0, 1, 1], [], []>, transpose_lhs_hint = false} : vector<1024x64xf32>, vector<64x1xf32>, vector<1024x1xf32> -> vector<1024x1xf32>
    %get3A_67 = arith.constant 0 : index
    %get3A_68 = arith.constant 0 : index
    %get3A_69 = vector.load %arg13[%get3A_67, %get3A_68] : memref<1x1xf32, #tpu.memory_space<vmem>>, vector<1x1xf32>
    %add3A_70 = vector.broadcast %get3A_69 : vector<1x1xf32> to vector<1024x1xf32>
    %add3A_71 = arith.addf %dot_general3A_66, %add3A_70 : vector<1024x1xf32>
    %swap3A = arith.constant 0 : index
    %swap3A_72 = arith.constant 0 : index
    %swap3A_73 = vector.load %arg14[%swap3A, %swap3A_72] : memref<1024x1xf32, #tpu.memory_space<vmem>>, vector<1024x1xf32>
    tpu.vector_store %arg14[%swap3A, %swap3A_72], %add3A_71 {strides = array<i32>} : memref<1024x1xf32, #tpu.memory_space<vmem>>, vector<1024x1xf32>,
    return
  }
  func.func @transform_0(%arg0: i32) -> (i32, i32) {
    %c0_i32 = arith.constant 0 : i32
    %c0_i32_0 = arith.constant 0 : i32
    return %arg0, %c0_i32 : i32, i32
  }
  func.func @transform_1(%arg0: i32) -> (i32, i32, i32) {
    %c0_i32 = arith.constant 0 : i32
    %c0_i32_0 = arith.constant 0 : i32
    %c0_i32_1 = arith.constant 0 : i32
    return %c0_i32, %arg0, %c0_i32_0 : i32, i32, i32
  }
  func.func @transform_2(%arg0: i32) -> (i32, i32, i32) {
    %c1_i32 = arith.constant 1 : i32
    %c0_i32 = arith.constant 0 : i32
    %c0_i32_0 = arith.constant 0 : i32
    return %c1_i32, %arg0, %c0_i32 : i32, i32, i32
  }
  func.func @transform_3(%arg0: i32) -> (i32, i32) {
    %c0_i32 = arith.constant 0 : i32
    %c0_i32_0 = arith.constant 0 : i32
    %c0_i32_1 = arith.constant 0 : i32
    return %c0_i32, %c0_i32_0 : i32, i32
  }
  func.func @transform_4(%arg0: i32) -> (i32, i32) {
    %c0_i32 = arith.constant 0 : i32
    %c0_i32_0 = arith.constant 0 : i32
    %c0_i32_1 = arith.constant 0 : i32
    return %c0_i32, %c0_i32_0 : i32, i32
  }
  func.func @transform_5(%arg0: i32) -> (i32, i32) {
    %c0_i32 = arith.constant 0 : i32
    %c0_i32_0 = arith.constant 0 : i32
    %c0_i32_1 = arith.constant 0 : i32
    return %c0_i32, %c0_i32_0 : i32, i32
  }
  func.func @transform_6(%arg0: i32) -> (i32, i32) {
    %c0_i32 = arith.constant 0 : i32
    %c0_i32_0 = arith.constant 0 : i32
    %c0_i32_1 = arith.constant 0 : i32
    return %c0_i32, %c0_i32_0 : i32, i32
  }
  func.func @transform_7(%arg0: i32) -> (i32, i32) {
    %c0_i32 = arith.constant 0 : i32
    %c0_i32_0 = arith.constant 0 : i32
    %c0_i32_1 = arith.constant 0 : i32
    return %c0_i32, %c0_i32_0 : i32, i32
  }
  func.func @transform_8(%arg0: i32) -> (i32, i32) {
    %c0_i32 = arith.constant 0 : i32
    %c0_i32_0 = arith.constant 0 : i32
    %c0_i32_1 = arith.constant 0 : i32
    return %c0_i32, %c0_i32_0 : i32, i32
  }
  func.func @transform_9(%arg0: i32) -> (i32, i32) {
    %c0_i32 = arith.constant 0 : i32
    %c0_i32_0 = arith.constant 0 : i32
    %c0_i32_1 = arith.constant 0 : i32
    return %c0_i32, %c0_i32_0 : i32, i32
  }
  func.func @transform_10(%arg0: i32) -> (i32, i32) {
    %c0_i32 = arith.constant 0 : i32
    %c0_i32_0 = arith.constant 0 : i32
    %c0_i32_1 = arith.constant 0 : i32
    return %c0_i32, %c0_i32_0 : i32, i32
  }
  func.func @transform_11(%arg0: i32) -> (i32, i32) {
    %c0_i32 = arith.constant 0 : i32
    %c0_i32_0 = arith.constant 0 : i32
    %c0_i32_1 = arith.constant 0 : i32
    return %c0_i32, %c0_i32_0 : i32, i32
  }
  func.func @transform_12(%arg0: i32) -> (i32, i32) {
    %c0_i32 = arith.constant 0 : i32
    %c0_i32_0 = arith.constant 0 : i32
    %c0_i32_1 = arith.constant 0 : i32
    return %c0_i32, %c0_i32_0 : i32, i32
  }
  func.func @transform_13(%arg0: i32) -> (i32, i32) {
    %c0_i32 = arith.constant 0 : i32
    %c0_i32_0 = arith.constant 0 : i32
    return %arg0, %c0_i32 : i32, i32
  }
}

</mosaic_0001>

<sc_bundles>
// kernel: kernel.11.cloned.1.call-start
scs
__scs_entry_jumppad:
0x0: {  	(pc) =	sbr.rel $0x88, $3  }
0x1: {  	(tag) =	ssettag $0x0;
	lr =	simm.s32 $0x1  }
0x2: {  	[smem:$0x3F94] =	sst lr;
	_ =	strace $0xD0000000  }
0x3: {  	_ = 	snop  }
0x4: {  	_ = 	snop  }
0x5: {  	_ = 	snop  }
0x6: {  	_ = 	snop  }
0x7: {  	_ = 	snop  }
__scs_overlays_trampoline_lowered:
0x8: {  	[smem:$0x3FA3] =	sst s0  }
0x9: {  	[smem:$0x3FA4] =	sst s1  }
0xa: {  	[smem:$0x3FA5] =	sst s2  }
0xb: {  	[smem:$0x3FA6] =	sst s3  }
0xc: {  	[smem:$0x3FA7] =	sst s4  }
0xd: {  	[smem:$0x3FA8] =	sst s5  }
0xe: {  	[smem:$0x3FA9] =	sst s6  }
0xf: {  	[smem:$0x3FAA] =	sst s7  }
0x10: {  	[smem:$0x3FAB] =	sst s8  }
0x11: {  	[smem:$0x3FAC] =	sst s9;
	s0 =	simm.s32 @!p0 $0x0  }
0x12: {  	s1 =	sld [smem:$0x3F92];
	s0 =	simm.s32 @p0 $0x1  }
0x13: {  	[smem:$0x3FAD] =	sst s0;
	s0 =	simm.s32 @!p1 $0x0  }
0x14: {  	s2 =	sld [smem:$0x3F91];
	s0 =	simm.s32 @p1 $0x1  }
0x15: {  	[smem:$0x3FAE] =	sst s0;
	s0 =	simm.s32 @!p2 $0x0  }
0x16: {  	s3 =	sld [smem:$0x3FDB];
	s0 =	simm.s32 @p2 $0x1  }
0x17: {  	s4 =	simm.s32 $0x1BF5;
	[smem:$0x3FB0] =	sst s0  }
0x18: {  	s0 =	sld [smem:$0x3F93];
	_ =	swait.ge [sflag:s4], $0x0  }
0x19: {  	s7 =	sld [smem:$0x3F94]  }
0x1a: {  	s8 =	sadd.s32 $0xFFFFE003, lr  }
0x1b: {  	s9 =	sadd.s32 $0xFFFFFEF7, lr;
	s5 =	simm.s32 $0xFFFFFFFF;
	p2 =	slt.u32 s8, $0xFFFFF086  }
0x1c: {  	p1 =	slt.u32 s9, $0xF7A;
	s5 =	simm.s32 @!p2 $0x0  }
0x1d: {  	s5 =	simm.s32 @p1 $0x1;
	p0 =	seq.s32 s7, s2  }
0x1e: {  	s7 =	smul.u32 @!p0 $0xF7A, s2;
	p2 =	seq.s32 @!p0 s5, $0x0  }
0x1f: {  	s9 =	smul.u32 $0xF7A, s1;
	s8 =	simm.s32 @!p0 $0x1BF5;
	p2 =	por !p2, p0  }
0x20: {  	[sflag:s8] =	ssyncset.s32 @!p0 $0xFFFFF086;
	s6 =	sadd.s32 @!p0 s3, s7;
	s7 =	simm.s32 @!p0 $0x108  }
0x21: {  	s3 =	sadd.s32 s3, s9;
	s6 =	sadd.s32 @!p0 $0x88, s6;
	s7 =	simm.s32 @p2 $0x1082  }
0x22: {  	[simem:s7], [sflag:s8] =	dma.local @!p0 [hbm:s6], $0xF7A  }
0x23: {  	s9 =	sor.u32 $0xD0000000, s2;
	s6 =	simm.s32 $0x108;
	_ =	swait.ge @!p0 [sflag:s8], $0x0  }
0x24: {  	s3 =	sadd.s32 $0x88, s3;
	s6 =	simm.s32 @!p1 $0x1082;
	[sflag:s4] =	ssyncset.s32 $0xFFFFF086  }
0x25: {  	[simem:s6], [sflag:s4] =	dma.local [hbm:s3], $0xF7A  }
0x26: {  	[smem:$0x3F94] =	sst s1;
	(tag) =	ssettag s2;
	_ =	strace s9  }
0x27: {  	s1 =	sld [smem:$0x3FA4]  }
0x28: {  	s2 =	sld [smem:$0x3FA5]  }
0x29: {  	s4 =	sld [smem:$0x3FA7]  }
0x2a: {  	p0 =	seq.s32 s5, $0x0;
	s5 =	sld [smem:$0x3FA8]  }
0x2b: {  	s6 =	sld [smem:$0x3FA9]  }
0x2c: {  	s7 =	sld [smem:$0x3FAA]  }
0x2d: {  	s3 =	simm.s32 $0x108;
	s8 =	sld [smem:$0x3FAB]  }
0x2e: {  	s3 =	simm.s32 @!p0 $0x1082;
	s9 =	sld [smem:$0x3FAC]  }
0x2f: {  	lr =	sadd.s32 s0, s3;
	s0 =	sld [smem:$0x3FA3]  }
0x30: {  	s3 =	sld [smem:$0x3FA6]  }
0x31: {  	[smem:$0x3FAF] =	sst s10  }
0x32: {  	s10 =	sld [smem:$0x3FAD];
	_ =	sdelay $0x3  }
0x33: {  	p0 =	seq.s32 s10, $0x1;
	s10 =	sld [smem:$0x3FAF];
	_ =	sdelay $0x3  }
0x34: {  	[smem:$0x3FAF] =	sst s10  }
0x35: {  	s10 =	sld [smem:$0x3FAE];
	_ =	sdelay $0x3  }
0x36: {  	p1 =	seq.s32 s10, $0x1;
	s10 =	sld [smem:$0x3FAF];
	_ =	sdelay $0x3  }
0x37: {  	[smem:$0x3FAF] =	sst s10  }
0x38: {  	s10 =	sld [smem:$0x3FB0]  }
0x39: {  	_ = 	snop;
	(pc) =	sbr.ind lr, $3  }
0x3a: {  	_ = 	snop  }
0x3b: {  	_ = 	snop  }
0x3c: {  	p2 =	seq.s32 s10, $0x1;
	s10 =	sld [smem:$0x3FAF]  }
0x3d: {  	_ =	shalt  }
0x3e: {  	_ =	shalt  }
0x3f: {  	_ =	shalt  }
0x40: {  	_ =	shalt  }
0x41: {  	_ =	shalt  }
0x42: {  	_ =	shalt  }
0x43: {  	_ =	shalt  }
0x44: {  	_ =	shalt  }
0x45: {  	_ =	shalt  }
0x46: {  	_ =	shalt  }
0x47: {  	_ =	shalt  }
0x48: {  	_ =	shalt  }
0x49: {  	_ =	shalt  }
0x4a: {  	_ =	shalt  }
0x4b: {  	_ =	shalt  }
0x4c: {  	_ =	shalt  }
0x4d: {  	_ =	shalt  }
0x4e: {  	_ =	shalt  }
0x4f: {  	_ =	shalt  }
0x50: {  	_ =	shalt  }
0x51: {  	_ =	shalt  }
0x52: {  	_ =	shalt  }
0x53: {  	_ =	shalt  }
0x54: {  	_ =	shalt  }
0x55: {  	_ =	shalt  }
0x56: {  	_ =	shalt  }
0x57: {  	_ =	shalt  }
0x58: {  	_ =	shalt  }
0x59: {  	_ =	shalt  }
0x5a: {  	_ =	shalt  }
0x5b: {  	_ =	shalt  }
0x5c: {  	_ =	shalt  }
0x5d: {  	_ =	shalt  }
0x5e: {  	_ =	shalt  }
0x5f: {  	_ =	shalt  }
0x60: {  	_ =	shalt  }
0x61: {  	_ =	shalt  }
0x62: {  	_ =	shalt  }
0x63: {  	_ =	shalt  }
0x64: {  	_ =	shalt  }
0x65: {  	_ =	shalt  }
0x66: {  	_ =	shalt  }
0x67: {  	_ =	shalt  }
0x68: {  	_ =	shalt  }
0x69: {  	_ =	shalt  }
0x6a: {  	_ =	shalt  }
0x6b: {  	_ =	shalt  }
0x6c: {  	_ =	shalt  }
0x6d: {  	_ =	shalt  }
0x6e: {  	_ =	shalt  }
0x6f: {  	_ =	shalt  }
0x70: {  	_ =	shalt  }
0x71: {  	_ =	shalt  }
0x72: {  	_ =	shalt  }
0x73: {  	_ =	shalt  }
0x74: {  	_ =	shalt  }
0x75: {  	_ =	shalt  }
0x76: {  	_ =	shalt  }
0x77: {  	_ =	shalt  }
0x78: {  	_ =	shalt  }
0x79: {  	_ =	shalt  }
0x7a: {  	_ =	shalt  }
0x7b: {  	_ =	shalt  }
0x7c: {  	_ =	shalt  }
0x7d: {  	_ =	shalt  }
0x7e: {  	_ =	shalt  }
0x7f: {  	_ =	shalt  }
0x80: {  	_ =	shalt  }
0x81: {  	_ =	shalt  }
0x82: {  	_ =	shalt  }
0x83: {  	_ =	shalt  }
0x84: {  	_ =	shalt  }
0x85: {  	_ =	shalt  }
0x86: {  	_ =	shalt  }
0x87: {  	_ =	shalt  }
.Lfunc_end0:
.L_simem_size_0:
called_computation.1_lowered:
.L_overlay_start_0:
0x88: {  	s2 =	sld [smem:$0x3FD9]  }
0x89: {  	s3 =	sld [smem:$0x3FFE];
	_ =	sdelay $0x1  }
0x8a: {  	s1 =	srdreg.scid  }
0x8b: {  	s0 =	sand.u32 $0x1, s1  }
0x8c: {  	s16 =	sshll.u32 s0, $0xA;
	s2 =	sadd.s32 s3, s2  }
0x8d: {  	s2 =	sadd.s32 s2, s16  }
0x8e: {  	[smem:$0x3FBB] =	sst s2  }
0x8f: {  	_ = 	snop  }
0x90: {  	(tm) =	ssettm $0x1  }
0x91: {  	s17 =	sld [smem:$0x3FFB];
	_ =	sdelay $0x3  }
0x92: {  	_ =	strace s17  }
0x93: {  	s2 =	sld [smem:$0x3FFC];
	_ =	sdelay $0x3  }
0x94: {  	_ =	strace s2  }
0x95: {  	s2 =	sld [smem:$0x3FFD];
	_ =	sdelay $0x3  }
0x96: {  	_ =	strace s2  }
0x97: {  	_ =	strace $0x8FFFFFFF  }
0x98: {  	s18 =	sld [smem:$0x3FDB];
	_ =	sdelay $0x1  }
0x99: {  	s19 =	simm.s32 $_scs_section_size  }
0x9a: {  	s4 =	simm.s32 $_size__tile_overlayer_lowered;
	s5 =	simm.s32 $_tile_overlayer_lowered  }
0x9b: {  	s22 =	simm.s32 $0x1BFF;
	s21 =	sshll.u32 s5, $0x1;
	s2 =	sadd.s32 s19, s18  }
0x9c: {  	s6 =	simm.s32 $0x0;
	s20 =	sshll.u32 s4, $0x1;
	s4 =	sadd.s32 s21, s2  }
0x9d: {  	[timem:s6], [sflag:s22] =	dma.local [hbm:s4], s20  }
0x9e: {  	_ =	swait.ge [sflag:s22], s20  }
0x9f: {  	s3 =	ssub.s32 $0x0, s20;
	[sflag:s22] =	ssyncset.done $0x0  }
0xa0: {  	[sflag:s22] =	ssyncadd.s32 s3;
	_ =	sdelay $0x1  }
0xa1: {  	s23 =	simm.s32 $0x1B8B  }
0xa2: {  	_ =	swait.ge [sflag:s23], $0x1  }
0xa3: {  	[sflag:s23] =	ssyncset.done $0x0  }
0xa4: {  	s25 =	simm.s32 $0x1B8E;
	s24 =	sld [smem:$0x3FFE];
	[sflag:s23] =	ssyncadd.s32 $0xFFFFFFFF  }
0xa5: {  	s26 =	simm.s32 $execute0_lowered;
	[smem:$0x3FD2] =	sst s25  }
0xa6: {  	s4 =	sshll.u32 s26, $0x1;
	_ =	strace $0x80000049;
	[dreg:$0x1] =	wrdreg $0xFFFFFFFF  }
0xa7: {  	s28 =	simm.s32 $_size_execute0_lowered;
	s2 =	sadd.s32 s2, s4;
	[dreg:$0x0] =	wrdreg $0x0  }
0xa8: {  	s4 =	sshll.u32 s28, $0x1;
	[dreg:$0x2] =	wrdreg s2  }
0xa9: {  	[dreg:$0x3] =	wrdreg s4  }
0xaa: {  	[dreg:$0x4] =	wrdreg $0xC0  }
0xab: {  	_ =	task [dreg:s6], $0x5FFFF  }
0xac: {  	[dreg:$0x1] =	wrdreg $0xFFFFFFFF  }
0xad: {  	[dreg:$0x0] =	wrdreg $0x60  }
0xae: {  	[dreg:$0x2] =	wrdreg s24  }
0xaf: {  	[dreg:$0x3] =	wrdreg $0xB4000  }
0xb0: {  	[dreg:$0x4] =	wrdreg $0x9  }
0xb1: {  	_ =	task.clear_ibuf [dreg:s6], $0x5FFFF;
	_ =	strace $0x90000049  }
0xb2: {  	s29 =	simm.s32 $0x9;
	_ =	strace $0x8000004B  }
0xb3: {  	_ =	swait.ge [sflag:s29], $0x1  }
0xb4: {  	[sflag:s29] =	ssyncadd.s32 $0xFFFFFFFF  }
0xb5: {  	_ =	strace $0x9000004B  }
0xb6: {  	_ =	sfence  }
0xb7: {  	s30 =	sld [smem:$0x0];
	_ =	sdelay $0x2  }
0xb8: {  	s31 =	sshll.u32 s1, $0xD;
	s1 =	sshrl.u32 s1, $0x2  }
0xb9: {  	s3 =	sand.u32 $0x4000, s31;
	s1 =	sadd.s32 s1, s30  }
0xba: {  	s0 =	sor.u32 s3, s0;
	s1 =	sshll.u32 s1, $0x11  }
0xbb: {  	s0 =	sor.u32 s1, s0  }
0xbc: {  	s0 =	sadd.s32 $0x8F2B, s0  }
0xbd: {  	[sflag:s0] =	ssyncadd.remote.s32 $0x1  }
0xbe: {  	_ =	sfence.sel $0xFFFF  }
0xbf: {  	[dreg:$0x0] =	wrdreg $0xFFFFFFFF;
	(pc) =	sbr.abs _section_cstart, $3  }
0xc0: {  	[dreg:$0x1] =	wrdreg $0xFFFFFFFF  }
0xc1: {  	_ =	task.clear_ibuf [dreg:s6], $0x2FFFF;
	_ =	strace $0x9FFFFFFF  }
0xc2: {  	(tm) =	ssettm $0x7FFFFFFF  }
0xc3: {  	_ =	shalt  }
tec
execute0_lowered:
.L_overlay_start_1:
0x0: {  	(tag) =	ssettag $0x1  }
0x1: {  	s0 =	rddreg [dreg:$0x0]  }
0x2: {  	s1 =	rddreg [dreg:$0x1];
	s3 =	simm.s32 $0x0;
	s2 =	srdreg.scid  }
0x3: {  	s12 =	stileid.u32;
	s28 =	simm.s32 $0x8;
	s29 =	simm.s32 $0x8400  }
0x4: {  	s30 =	simm.s32 $0x1;
	s31 =	simm.s32 $0xB080;
	s14 =	simm.s32 $0x7  }
0x5: {  	[smem:$0x7FF] =	sst s3;
	s2 =	sand.u32 $0x1, s2;
	s7 =	smul.u32 $0x14000, s12  }
0x6: {  	s4 =	sadd.s32 $0x5C200, s0;
	s5 =	sadd.s32 $0x83400, s0;
	s15 =	smul.u32 $0x50000, s12  }
0x7: {  	s9 =	sadd.s32 $0x23200, s0;
	s10 =	sadd.s32 $0x3FA00, s0;
	s11 =	smul.u32 $0xE400, s12  }
0x8: {  	s13 =	sadd.s32 $0x3E00, s0;
	s17 =	sshll.u32 s12, $0x6;
	s21 =	smul.u32 $0x1C80, s12  }
0x9: {  	s12 =	simm.s32 $0x3;
	s6 =	smul.u32 $0x140000, s2;
	_ =	strace $0x8000004A  }
0xa: {  	s8 =	ssub.s32 $0x2, s2;
	[dreg:$0x5] =	wrdreg s13;
	p0 =	seq.s32 s2, $0x1  }
0xb: {  	s2 =	simm.s32 $0x2;
	s13 =	simm.s32 $0xB280;
	s16 =	sshrl.u32 s8, $0x1  }
0xc: {  	s11 =	sshrl.u32 s11, $0x3;
	s25 =	sadd.s32 s21, s9;
	s26 =	sadd.s32 s21, s10  }
0xd: {  	s21 =	simm.s32 $0xB100;
	s6 =	sadd.s32 s7, s6;
	s7 =	sshrl.u32 s15, $0x2  }
0xe: {  	s18 =	sadd.s32 s9, s11;
	s11 =	sadd.s32 s10, s11;
	[dreg:$0x3] =	wrdreg s25  }
0xf: {  	[dreg:$0x4] =	wrdreg s26;
	s25 =	simm.s32 $0x2C00;
	s26 =	simm.s32 $0x5800  }
0x10: {  	s9 =	simm.s32 $0xB180;
	s10 =	simm.s32 $0x6;
	[dreg:$0x6] =	wrdreg s18  }
0x11: {  	s15 =	simm.s32 $0x4;
	s19 =	sadd.s32 $0x20, s18;
	[dreg:$0x9] =	wrdreg s11  }
0x12: {  	s6 =	sshrl.u32 s6, $0x3;
	s20 =	sadd.s32 $0x40, s18;
	[dreg:$0x7] =	wrdreg s19  }
0x13: {  	s7 =	sadd.s32 s7, s1;
	s22 =	sadd.s32 $0x60, s18;
	[dreg:$0x8] =	wrdreg s20  }
0x14: {  	s23 =	sadd.s32 $0x20, s11;
	s24 =	sadd.s32 $0x40, s11;
	[dreg:$0xa] =	wrdreg s22  }
0x15: {  	s11 =	sadd.s32 $0x60, s11;
	s0 =	sadd.s32 s6, s0;
	[dreg:$0xb] =	wrdreg s23  }
0x16: {  	s6 =	ssub.s32 s8, s16;
	s8 =	sor.u32 $0x1C09, s17;
	[dreg:$0xc] =	wrdreg s24  }
.Ltmp0:
0x17: {  	[dreg:$0xd] =	wrdreg s11;
	s18 =	sshrl.u32 s7, $0x3;
	(pc) =	sbr.rel .LBB2_1-.Ltmp0, $4  }
0x18: {  	s19 =	simm.s32 $0x9;
	s20 =	simm.s32 $0xB000;
	s22 =	simm.s32 $0xB200  }
0x19: {  	s23 =	simm.s32 $0xB300;
	s24 =	simm.s32 $0x58;
	s0 =	sadd.s32 $0xAA600, s0  }
0x1a: {  	s7 =	simm.s32 $0xB380;
	s6 =	smax.u32 s6, $0x1;
	[dreg:$0xe] =	wrdreg s0  }
0x1b: {  	s11 =	simm.s32 $0x0;
	[dreg:$0xf] =	wrdreg s6;
	s0 =	simm.s32 $0x5  }
.LBB2_7:
0x1c: {  	[tilespmem:s23], [sflag:$0x8] =	stream.linear.gather [hbm4b:s16+s3], $0x100, $0x38;
	[tilespmem:$0x1F400] =	vst v63  }
0x1d: {  	s6 =	smov.u32 s5  }
.LBB2_8:
0x1e: {  	_ =	swait.ge [sflag:s28], $0x100  }
0x1f: {  	[sflag:s28] =	ssyncset.done $0x0  }
0x20: {  	[sflag:s28] =	ssyncadd.s32 $0xFFFFFF00  }
0x21: {  	[tilespmem:s29], [sflag:$0x4] =	stream.indirect.gather [hbm4b:s6+s24], $0x80, s23, s24, $0xb8;
	[tilespmem:$0x1F400] =	vst v63  }
0x22: {  	_ =	swait.ge [sflag:s30], $0x2C00  }
0x23: {  	[sflag:s30] =	ssyncset.done $0x0  }
0x24: {  	[sflag:s30] =	ssyncadd.s32 $0xFFFFD400  }
0x25: {  	[spmem:s1] =	stream.indirect.scatter.add.f32 [tilespmem:s3], [sflag:$0x9], $0x80, s31, s24, $0xb8;
	[tilespmem:$0x1F400] =	vst v63  }
0x26: {  	_ =	swait.ge [sflag:s19], $0x2C00  }
0x27: {  	[sflag:s19] =	ssyncset.done $0x0  }
0x28: {  	[sflag:s19] =	ssyncadd.s32 $0xFFFFD400  }
0x29: {  	_ =	swait.ge [sflag:s2], $0x2C00  }
0x2a: {  	[sflag:s2] =	ssyncset.done $0x0  }
0x2b: {  	[sflag:s2] =	ssyncadd.s32 $0xFFFFD400  }
0x2c: {  	[spmem:s1] =	stream.indirect.scatter.add.f32 [tilespmem:s25], [sflag:$0x9], $0x80, s9, s24, $0xb8;
	[tilespmem:$0x1F400] =	vst v63  }
0x2d: {  	_ =	swait.ge [sflag:s19], $0x2C00  }
0x2e: {  	[sflag:s19] =	ssyncset.done $0x0  }
0x2f: {  	[sflag:s19] =	ssyncadd.s32 $0xFFFFD400  }
0x30: {  	_ =	swait.ge [sflag:s12], $0x2C00  }
0x31: {  	[sflag:s12] =	ssyncset.done $0x0  }
0x32: {  	[sflag:s12] =	ssyncadd.s32 $0xFFFFD400  }
0x33: {  	[spmem:s1] =	stream.indirect.scatter.add.f32 [tilespmem:s26], [sflag:$0x9], $0x80, s13, s24, $0xb8;
	[tilespmem:$0x1F400] =	vst v63  }
0x34: {  	_ =	swait.ge [sflag:s19], $0x2C00  }
0x35: {  	[sflag:s19] =	ssyncset.done $0x0  }
0x36: {  	[sflag:s19] =	ssyncadd.s32 $0xFFFFD400  }
0x37: {  	_ =	swait.ge [sflag:s15], $0x2C00  }
0x38: {  	[sflag:s15] =	ssyncset.done $0x0  }
0x39: {  	[sflag:s15] =	ssyncadd.s32 $0xFFFFD400  }
0x3a: {  	[spmem:s1] =	stream.indirect.scatter.add.f32 [tilespmem:s29], [sflag:$0x9], $0x80, s7, s24, $0xb8;
	[tilespmem:$0x1F400] =	vst v63  }
0x3b: {  	_ =	swait.ge [sflag:s19], $0x2C00  }
0x3c: {  	[sflag:s19] =	ssyncset.done $0x0  }
0x3d: {  	[sflag:s19] =	ssyncadd.s32 $0xFFFFD400  }
0x3e: {  	[bflag:$0x0] =	sbarrier.arrive $0xFFFF  }
0x3f: {  	s16 =	rddreg [dreg:$0xe]  }
0x40: {  	[hbm:s16], [sflag:s8] =	dma.local [spmem:s18], $0x2800  }
0x41: {  	_ =	swait.ge [sflag:s19], $0x2800  }
0x42: {  	s11 =	sadd.s32 $0x1, s11;
	s17 =	rddreg [dreg:$0xf]  }
0x43: {  	p1 =	sne.s32 s11, s17  }
.Ltmp1:
0x44: {  	_ = 	snop;
	(pc) =	sbr.rel @!p1 .LBB2_9-.Ltmp1, $3  }
0x45: {  	_ =	sdelay $0x1  }
0x46: {  	[sflag:s19] =	ssyncset.done $0x0  }
0x47: {  	[sflag:s19] =	ssyncadd.s32 $0xFFFFD800  }
.LBB2_1:
0x48: {  	s6 =	rddreg [dreg:$0x5]  }
0x49: {  	[spmem:s18], [sflag:s8] =	dma.local [hbm:s6], $0x2800  }
.Ltmp2:
0x4a: {  	_ =	swait.ge [sflag:s19], $0x2800;
	(pc) =	sbr.rel @!p0 .LBB2_2-.Ltmp2, $3  }
0x4b: {  	[sflag:s19] =	ssyncset.done $0x0  }
0x4c: {  	[sflag:s19] =	ssyncadd.s32 $0xFFFFD800  }
0x4d: {  	[bflag:$0x0] =	sbarrier.arrive $0xFFFF;
	_ =	sdelay $0x1  }
0x4e: {  	s6 =	rddreg [dreg:$0x9]  }
0x4f: {  	[tilespmem:s20], [sflag:$0x9] =	stream.linear.gather [hbm4b:s6+s3], $0x100, $0x38;
	[tilespmem:$0x1F400] =	vst v63  }
0x50: {  	_ =	swait.ge [sflag:s19], $0x100  }
0x51: {  	[sflag:s19] =	ssyncset.done $0x0  }
0x52: {  	s17 =	rddreg [dreg:$0xb];
	[sflag:s19] =	ssyncadd.s32 $0xFFFFFF00  }
0x53: {  	[tilespmem:s21], [sflag:$0x9] =	stream.linear.gather [hbm4b:s17+s3], $0x100, $0x38;
	[tilespmem:$0x1F400] =	vst v63  }
0x54: {  	_ =	swait.ge [sflag:s19], $0x100  }
0x55: {  	[sflag:s19] =	ssyncset.done $0x0  }
0x56: {  	s16 =	rddreg [dreg:$0xc];
	[sflag:s19] =	ssyncadd.s32 $0xFFFFFF00  }
0x57: {  	[tilespmem:s22], [sflag:$0x9] =	stream.linear.gather [hbm4b:s16+s3], $0x100, $0x38;
	[tilespmem:$0x1F400] =	vst v63  }
0x58: {  	_ =	swait.ge [sflag:s19], $0x100  }
0x59: {  	[sflag:s19] =	ssyncset.done $0x0  }
0x5a: {  	s17 =	rddreg [dreg:$0xd];
	[sflag:s19] =	ssyncadd.s32 $0xFFFFFF00  }
0x5b: {  	[tilespmem:s23], [sflag:$0x8] =	stream.linear.gather [hbm4b:s17+s3], $0x100, $0x38;
	[tilespmem:$0x1F400] =	vst v63  }
0x5c: {  	_ = 	snop  }
0x5d: {  	[tilespmem:s3], [sflag:$0x1] =	stream.indirect.gather [hbm4b:s5+s24], $0x80, s20, s24, $0xb8;
	[tilespmem:$0x1F400] =	vst v63  }
0x5e: {  	_ = 	snop  }
0x5f: {  	[tilespmem:s25], [sflag:$0x2] =	stream.indirect.gather [hbm4b:s5+s24], $0x80, s21, s24, $0xb8;
	[tilespmem:$0x1F400] =	vst v63  }
0x60: {  	_ = 	snop  }
0x61: {  	[tilespmem:s26], [sflag:$0x3] =	stream.indirect.gather [hbm4b:s5+s24], $0x80, s22, s24, $0xb8;
	[tilespmem:$0x1F400] =	vst v63  }
0x62: {  	_ =	swait.ge [sflag:s28], $0x100  }
0x63: {  	[sflag:s28] =	ssyncset.done $0x0  }
0x64: {  	[sflag:s28] =	ssyncadd.s32 $0xFFFFFF00  }
0x65: {  	[tilespmem:s29], [sflag:$0x4] =	stream.indirect.gather [hbm4b:s5+s24], $0x80, s23, s24, $0xb8;
	[tilespmem:$0x1F400] =	vst v63  }
0x66: {  	_ =	swait.ge [sflag:s30], $0x2C00  }
0x67: {  	[sflag:s30] =	ssyncset.done $0x0  }
0x68: {  	[sflag:s30] =	ssyncadd.s32 $0xFFFFD400  }
0x69: {  	[spmem:s1] =	stream.indirect.scatter.add.f32 [tilespmem:s3], [sflag:$0x9], $0x80, s31, s24, $0xb8;
	[tilespmem:$0x1F400] =	vst v63  }
0x6a: {  	_ =	swait.ge [sflag:s19], $0x2C00  }
0x6b: {  	s16 =	rddreg [dreg:$0x4]  }
0x6c: {  	[sflag:s19] =	ssyncset.done $0x0;
	s16 =	sadd.s32 $0xFFFFE400, s16  }
0x6d: {  	[sflag:s19] =	ssyncadd.s32 $0xFFFFD400;
	s6 =	sadd.s32 $0x1C80, s16  }
0x6e: {  	[tilespmem:s20], [sflag:$0x5] =	stream.linear.gather [hbm4b:s6+s3], $0x100, $0x38;
	[tilespmem:$0x1F400] =	vst v63  }
0x6f: {  	_ =	swait.ge [sflag:s0], $0x100  }
0x70: {  	[sflag:s0] =	ssyncset.done $0x0  }
0x71: {  	[sflag:s0] =	ssyncadd.s32 $0xFFFFFF00  }
0x72: {  	[tilespmem:s3], [sflag:$0x1] =	stream.indirect.gather [hbm4b:s5+s24], $0x80, s20, s24, $0xb8;
	[tilespmem:$0x1F400] =	vst v63  }
0x73: {  	_ =	swait.ge [sflag:s2], $0x2C00  }
0x74: {  	[sflag:s2] =	ssyncset.done $0x0  }
0x75: {  	[sflag:s2] =	ssyncadd.s32 $0xFFFFD400  }
0x76: {  	[spmem:s1] =	stream.indirect.scatter.add.f32 [tilespmem:s25], [sflag:$0x9], $0x80, s9, s24, $0xb8;
	[tilespmem:$0x1F400] =	vst v63  }
0x77: {  	_ =	swait.ge [sflag:s19], $0x2C00  }
0x78: {  	[sflag:s19] =	ssyncset.done $0x0  }
0x79: {  	s17 =	sadd.s32 $0x1CA0, s16;
	[sflag:s19] =	ssyncadd.s32 $0xFFFFD400  }
0x7a: {  	[tilespmem:s21], [sflag:$0x6] =	stream.linear.gather [hbm4b:s17+s3], $0x100, $0x38;
	[tilespmem:$0x1F400] =	vst v63  }
0x7b: {  	_ =	swait.ge [sflag:s10], $0x100  }
0x7c: {  	[sflag:s10] =	ssyncset.done $0x0  }
0x7d: {  	[sflag:s10] =	ssyncadd.s32 $0xFFFFFF00  }
0x7e: {  	[tilespmem:s25], [sflag:$0x2] =	stream.indirect.gather [hbm4b:s5+s24], $0x80, s21, s24, $0xb8;
	[tilespmem:$0x1F400] =	vst v63  }
0x7f: {  	_ =	swait.ge [sflag:s12], $0x2C00  }
0x80: {  	[sflag:s12] =	ssyncset.done $0x0  }
0x81: {  	[sflag:s12] =	ssyncadd.s32 $0xFFFFD400  }
0x82: {  	[spmem:s1] =	stream.indirect.scatter.add.f32 [tilespmem:s26], [sflag:$0x9], $0x80, s13, s24, $0xb8;
	[tilespmem:$0x1F400] =	vst v63  }
0x83: {  	_ =	swait.ge [sflag:s19], $0x2C00  }
0x84: {  	[sflag:s19] =	ssyncset.done $0x0  }
0x85: {  	s17 =	sadd.s32 $0x1CC0, s16;
	[sflag:s19] =	ssyncadd.s32 $0xFFFFD400  }
0x86: {  	[tilespmem:s22], [sflag:$0x7] =	stream.linear.gather [hbm4b:s17+s3], $0x100, $0x38;
	[tilespmem:$0x1F400] =	vst v63  }
0x87: {  	_ =	swait.ge [sflag:s14], $0x100  }
0x88: {  	[sflag:s14] =	ssyncset.done $0x0  }
0x89: {  	[sflag:s14] =	ssyncadd.s32 $0xFFFFFF00  }
0x8a: {  	[tilespmem:s26], [sflag:$0x3] =	stream.indirect.gather [hbm4b:s5+s24], $0x80, s22, s24, $0xb8;
	[tilespmem:$0x1F400] =	vst v63  }
0x8b: {  	_ =	swait.ge [sflag:s15], $0x2C00  }
0x8c: {  	[sflag:s15] =	ssyncset.done $0x0  }
0x8d: {  	[sflag:s15] =	ssyncadd.s32 $0xFFFFD400  }
0x8e: {  	[spmem:s1] =	stream.indirect.scatter.add.f32 [tilespmem:s29], [sflag:$0x9], $0x80, s7, s24, $0xb8;
	[tilespmem:$0x1F400] =	vst v63  }
0x8f: {  	_ =	swait.ge [sflag:s19], $0x2C00  }
0x90: {  	[sflag:s19] =	ssyncset.done $0x0  }
0x91: {  	s6 =	simm.s32 $0xFFFFE480;
	s16 =	sadd.s32 $0x1CE0, s16;
	[sflag:s19] =	ssyncadd.s32 $0xFFFFD400  }
.LBB2_6:
0x92: {  	[tilespmem:s23], [sflag:$0x8] =	stream.linear.gather [hbm4b:s16+s3], $0x100, $0x38;
	[tilespmem:$0x1F400] =	vst v63  }
0x93: {  	_ =	swait.ge [sflag:s28], $0x100  }
0x94: {  	[sflag:s28] =	ssyncset.done $0x0  }
0x95: {  	[sflag:s28] =	ssyncadd.s32 $0xFFFFFF00  }
0x96: {  	[tilespmem:s29], [sflag:$0x4] =	stream.indirect.gather [hbm4b:s5+s24], $0x80, s23, s24, $0xb8;
	[tilespmem:$0x1F400] =	vst v63  }
0x97: {  	_ =	swait.ge [sflag:s30], $0x2C00  }
0x98: {  	[sflag:s30] =	ssyncset.done $0x0  }
0x99: {  	[sflag:s30] =	ssyncadd.s32 $0xFFFFD400  }
0x9a: {  	[spmem:s1] =	stream.indirect.scatter.add.f32 [tilespmem:s3], [sflag:$0x9], $0x80, s31, s24, $0xb8;
	[tilespmem:$0x1F400] =	vst v63  }
0x9b: {  	_ =	swait.ge [sflag:s19], $0x2C00  }
0x9c: {  	s16 =	smov.u32 s6;
	s17 =	rddreg [dreg:$0x4]  }
0x9d: {  	[sflag:s19] =	ssyncset.done $0x0;
	s16 =	sadd.s32 s16, s17  }
0x9e: {  	[sflag:s19] =	ssyncadd.s32 $0xFFFFD400;
	s17 =	sadd.s32 $0x1C80, s16  }
0x9f: {  	[tilespmem:s20], [sflag:$0x5] =	stream.linear.gather [hbm4b:s17+s3], $0x100, $0x38;
	[tilespmem:$0x1F400] =	vst v63  }
0xa0: {  	_ =	swait.ge [sflag:s0], $0x100  }
0xa1: {  	[sflag:s0] =	ssyncset.done $0x0  }
0xa2: {  	[sflag:s0] =	ssyncadd.s32 $0xFFFFFF00  }
0xa3: {  	[tilespmem:s3], [sflag:$0x1] =	stream.indirect.gather [hbm4b:s5+s24], $0x80, s20, s24, $0xb8;
	[tilespmem:$0x1F400] =	vst v63  }
0xa4: {  	_ =	swait.ge [sflag:s2], $0x2C00  }
0xa5: {  	[sflag:s2] =	ssyncset.done $0x0  }
0xa6: {  	[sflag:s2] =	ssyncadd.s32 $0xFFFFD400  }
0xa7: {  	[spmem:s1] =	stream.indirect.scatter.add.f32 [tilespmem:s25], [sflag:$0x9], $0x80, s9, s24, $0xb8;
	[tilespmem:$0x1F400] =	vst v63  }
0xa8: {  	_ =	swait.ge [sflag:s19], $0x2C00  }
0xa9: {  	[sflag:s19] =	ssyncset.done $0x0  }
0xaa: {  	s17 =	sadd.s32 $0x1CA0, s16;
	[sflag:s19] =	ssyncadd.s32 $0xFFFFD400  }
0xab: {  	[tilespmem:s21], [sflag:$0x6] =	stream.linear.gather [hbm4b:s17+s3], $0x100, $0x38;
	[tilespmem:$0x1F400] =	vst v63  }
0xac: {  	_ =	swait.ge [sflag:s10], $0x100  }
0xad: {  	[sflag:s10] =	ssyncset.done $0x0  }
0xae: {  	[sflag:s10] =	ssyncadd.s32 $0xFFFFFF00  }
0xaf: {  	[tilespmem:s25], [sflag:$0x2] =	stream.indirect.gather [hbm4b:s5+s24], $0x80, s21, s24, $0xb8;
	[tilespmem:$0x1F400] =	vst v63  }
0xb0: {  	_ =	swait.ge [sflag:s12], $0x2C00  }
0xb1: {  	[sflag:s12] =	ssyncset.done $0x0  }
0xb2: {  	[sflag:s12] =	ssyncadd.s32 $0xFFFFD400  }
0xb3: {  	[spmem:s1] =	stream.indirect.scatter.add.f32 [tilespmem:s26], [sflag:$0x9], $0x80, s13, s24, $0xb8;
	[tilespmem:$0x1F400] =	vst v63  }
0xb4: {  	_ =	swait.ge [sflag:s19], $0x2C00  }
0xb5: {  	[sflag:s19] =	ssyncset.done $0x0  }
0xb6: {  	s17 =	sadd.s32 $0x1CC0, s16;
	[sflag:s19] =	ssyncadd.s32 $0xFFFFD400  }
0xb7: {  	[tilespmem:s22], [sflag:$0x7] =	stream.linear.gather [hbm4b:s17+s3], $0x100, $0x38;
	[tilespmem:$0x1F400] =	vst v63  }
0xb8: {  	_ =	swait.ge [sflag:s14], $0x100  }
0xb9: {  	[sflag:s14] =	ssyncset.done $0x0  }
0xba: {  	[sflag:s14] =	ssyncadd.s32 $0xFFFFFF00  }
0xbb: {  	[tilespmem:s26], [sflag:$0x3] =	stream.indirect.gather [hbm4b:s5+s24], $0x80, s22, s24, $0xb8;
	[tilespmem:$0x1F400] =	vst v63  }
0xbc: {  	_ =	swait.ge [sflag:s15], $0x2C00  }
0xbd: {  	p1 =	sne.s32 s6, $0xFFFFFF80;
	[sflag:s15] =	ssyncset.done $0x0  }
.Ltmp3:
0xbe: {  	[sflag:s15] =	ssyncadd.s32 $0xFFFFD400;
	(pc) =	sbr.rel @p1 .LBB2_6-.Ltmp3, $4  }
0xbf: {  	[spmem:s1] =	stream.indirect.scatter.add.f32 [tilespmem:s29], [sflag:$0x9], $0x80, s7, s24, $0xb8;
	[tilespmem:$0x1F400] =	vst v63  }
0xc0: {  	_ =	swait.ge [sflag:s19], $0x2C00  }
0xc1: {  	[sflag:s19] =	ssyncset.done $0x0  }
0xc2: {  	s6 =	sadd.s32 $0x80, s6;
	s16 =	sadd.s32 $0x1CE0, s16;
	[sflag:s19] =	ssyncadd.s32 $0xFFFFD400  }
.Ltmp4:
0xc3: {  	_ = 	snop;
	(pc) =	sbr.rel .LBB2_7-.Ltmp4, $1  }
0xc4: {  	_ =	sdelay $0x3  }
.LBB2_2:
0xc5: {  	s6 =	rddreg [dreg:$0x6]  }
0xc6: {  	[tilespmem:s20], [sflag:$0x9] =	stream.linear.gather [hbm4b:s6+s3], $0x100, $0x38;
	[tilespmem:$0x1F400] =	vst v63  }
0xc7: {  	_ =	swait.ge [sflag:s19], $0x100  }
0xc8: {  	[sflag:s19] =	ssyncset.done $0x0  }
0xc9: {  	s17 =	rddreg [dreg:$0x7];
	[sflag:s19] =	ssyncadd.s32 $0xFFFFFF00  }
0xca: {  	[tilespmem:s21], [sflag:$0x9] =	stream.linear.gather [hbm4b:s17+s3], $0x100, $0x38;
	[tilespmem:$0x1F400] =	vst v63  }
0xcb: {  	_ =	swait.ge [sflag:s19], $0x100  }
0xcc: {  	[sflag:s19] =	ssyncset.done $0x0  }
0xcd: {  	s16 =	rddreg [dreg:$0x8];
	[sflag:s19] =	ssyncadd.s32 $0xFFFFFF00  }
0xce: {  	[tilespmem:s22], [sflag:$0x9] =	stream.linear.gather [hbm4b:s16+s3], $0x100, $0x38;
	[tilespmem:$0x1F400] =	vst v63  }
0xcf: {  	_ =	swait.ge [sflag:s19], $0x100  }
0xd0: {  	[sflag:s19] =	ssyncset.done $0x0  }
0xd1: {  	s17 =	rddreg [dreg:$0xa];
	[sflag:s19] =	ssyncadd.s32 $0xFFFFFF00  }
0xd2: {  	[tilespmem:s23], [sflag:$0x8] =	stream.linear.gather [hbm4b:s17+s3], $0x100, $0x38;
	[tilespmem:$0x1F400] =	vst v63  }
0xd3: {  	_ = 	snop  }
0xd4: {  	[tilespmem:s3], [sflag:$0x1] =	stream.indirect.gather [hbm4b:s4+s24], $0x80, s20, s24, $0xb8;
	[tilespmem:$0x1F400] =	vst v63  }
0xd5: {  	_ = 	snop  }
0xd6: {  	[tilespmem:s25], [sflag:$0x2] =	stream.indirect.gather [hbm4b:s4+s24], $0x80, s21, s24, $0xb8;
	[tilespmem:$0x1F400] =	vst v63  }
0xd7: {  	_ = 	snop  }
0xd8: {  	[tilespmem:s26], [sflag:$0x3] =	stream.indirect.gather [hbm4b:s4+s24], $0x80, s22, s24, $0xb8;
	[tilespmem:$0x1F400] =	vst v63  }
0xd9: {  	_ =	swait.ge [sflag:s28], $0x100  }
0xda: {  	[sflag:s28] =	ssyncset.done $0x0  }
0xdb: {  	[sflag:s28] =	ssyncadd.s32 $0xFFFFFF00  }
0xdc: {  	[tilespmem:s29], [sflag:$0x4] =	stream.indirect.gather [hbm4b:s4+s24], $0x80, s23, s24, $0xb8;
	[tilespmem:$0x1F400] =	vst v63  }
0xdd: {  	_ =	swait.ge [sflag:s30], $0x2C00  }
0xde: {  	[sflag:s30] =	ssyncset.done $0x0  }
0xdf: {  	[sflag:s30] =	ssyncadd.s32 $0xFFFFD400  }
0xe0: {  	[spmem:s1] =	stream.indirect.scatter.add.f32 [tilespmem:s3], [sflag:$0x9], $0x80, s31, s24, $0xb8;
	[tilespmem:$0x1F400] =	vst v63  }
0xe1: {  	_ =	swait.ge [sflag:s19], $0x2C00  }
0xe2: {  	s16 =	rddreg [dreg:$0x3]  }
0xe3: {  	[sflag:s19] =	ssyncset.done $0x0;
	s16 =	sadd.s32 $0xFFFFE400, s16  }
0xe4: {  	[sflag:s19] =	ssyncadd.s32 $0xFFFFD400;
	s6 =	sadd.s32 $0x1C80, s16  }
0xe5: {  	[tilespmem:s20], [sflag:$0x5] =	stream.linear.gather [hbm4b:s6+s3], $0x100, $0x38;
	[tilespmem:$0x1F400] =	vst v63  }
0xe6: {  	_ =	swait.ge [sflag:s0], $0x100  }
0xe7: {  	[sflag:s0] =	ssyncset.done $0x0  }
0xe8: {  	[sflag:s0] =	ssyncadd.s32 $0xFFFFFF00  }
0xe9: {  	[tilespmem:s3], [sflag:$0x1] =	stream.indirect.gather [hbm4b:s4+s24], $0x80, s20, s24, $0xb8;
	[tilespmem:$0x1F400] =	vst v63  }
0xea: {  	_ =	swait.ge [sflag:s2], $0x2C00  }
0xeb: {  	[sflag:s2] =	ssyncset.done $0x0  }
0xec: {  	[sflag:s2] =	ssyncadd.s32 $0xFFFFD400  }
0xed: {  	[spmem:s1] =	stream.indirect.scatter.add.f32 [tilespmem:s25], [sflag:$0x9], $0x80, s9, s24, $0xb8;
	[tilespmem:$0x1F400] =	vst v63  }
0xee: {  	_ =	swait.ge [sflag:s19], $0x2C00  }
0xef: {  	[sflag:s19] =	ssyncset.done $0x0  }
0xf0: {  	s17 =	sadd.s32 $0x1CA0, s16;
	[sflag:s19] =	ssyncadd.s32 $0xFFFFD400  }
0xf1: {  	[tilespmem:s21], [sflag:$0x6] =	stream.linear.gather [hbm4b:s17+s3], $0x100, $0x38;
	[tilespmem:$0x1F400] =	vst v63  }
0xf2: {  	_ =	swait.ge [sflag:s10], $0x100  }
0xf3: {  	[sflag:s10] =	ssyncset.done $0x0  }
0xf4: {  	[sflag:s10] =	ssyncadd.s32 $0xFFFFFF00  }
0xf5: {  	[tilespmem:s25], [sflag:$0x2] =	stream.indirect.gather [hbm4b:s4+s24], $0x80, s21, s24, $0xb8;
	[tilespmem:$0x1F400] =	vst v63  }
0xf6: {  	_ =	swait.ge [sflag:s12], $0x2C00  }
0xf7: {  	[sflag:s12] =	ssyncset.done $0x0  }
0xf8: {  	[sflag:s12] =	ssyncadd.s32 $0xFFFFD400  }
0xf9: {  	[spmem:s1] =	stream.indirect.scatter.add.f32 [tilespmem:s26], [sflag:$0x9], $0x80, s13, s24, $0xb8;
	[tilespmem:$0x1F400] =	vst v63  }
0xfa: {  	_ =	swait.ge [sflag:s19], $0x2C00  }
0xfb: {  	[sflag:s19] =	ssyncset.done $0x0  }
0xfc: {  	s17 =	sadd.s32 $0x1CC0, s16;
	[sflag:s19] =	ssyncadd.s32 $0xFFFFD400  }
0xfd: {  	[tilespmem:s22], [sflag:$0x7] =	stream.linear.gather [hbm4b:s17+s3], $0x100, $0x38;
	[tilespmem:$0x1F400] =	vst v63  }
0xfe: {  	_ =	swait.ge [sflag:s14], $0x100  }
0xff: {  	[sflag:s14] =	ssyncset.done $0x0  }
0x100: {  	[sflag:s14] =	ssyncadd.s32 $0xFFFFFF00  }
0x101: {  	[tilespmem:s26], [sflag:$0x3] =	stream.indirect.gather [hbm4b:s4+s24], $0x80, s22, s24, $0xb8;
	[tilespmem:$0x1F400] =	vst v63  }
0x102: {  	_ =	swait.ge [sflag:s15], $0x2C00  }
0x103: {  	[sflag:s15] =	ssyncset.done $0x0  }
0x104: {  	[sflag:s15] =	ssyncadd.s32 $0xFFFFD400  }
0x105: {  	[spmem:s1] =	stream.indirect.scatter.add.f32 [tilespmem:s29], [sflag:$0x9], $0x80, s7, s24, $0xb8;
	[tilespmem:$0x1F400] =	vst v63  }
0x106: {  	_ =	swait.ge [sflag:s19], $0x2C00  }
0x107: {  	[sflag:s19] =	ssyncset.done $0x0  }
0x108: {  	s6 =	simm.s32 $0xFFFFE480;
	s16 =	sadd.s32 $0x1CE0, s16;
	[sflag:s19] =	ssyncadd.s32 $0xFFFFD400  }
.LBB2_3:
0x109: {  	[tilespmem:s23], [sflag:$0x8] =	stream.linear.gather [hbm4b:s16+s3], $0x100, $0x38;
	[tilespmem:$0x1F400] =	vst v63  }
0x10a: {  	_ =	swait.ge [sflag:s28], $0x100  }
0x10b: {  	[sflag:s28] =	ssyncset.done $0x0  }
0x10c: {  	[sflag:s28] =	ssyncadd.s32 $0xFFFFFF00  }
0x10d: {  	[tilespmem:s29], [sflag:$0x4] =	stream.indirect.gather [hbm4b:s4+s24], $0x80, s23, s24, $0xb8;
	[tilespmem:$0x1F400] =	vst v63  }
0x10e: {  	_ =	swait.ge [sflag:s30], $0x2C00  }
0x10f: {  	[sflag:s30] =	ssyncset.done $0x0  }
0x110: {  	[sflag:s30] =	ssyncadd.s32 $0xFFFFD400  }
0x111: {  	[spmem:s1] =	stream.indirect.scatter.add.f32 [tilespmem:s3], [sflag:$0x9], $0x80, s31, s24, $0xb8;
	[tilespmem:$0x1F400] =	vst v63  }
0x112: {  	_ =	swait.ge [sflag:s19], $0x2C00  }
0x113: {  	s16 =	smov.u32 s6;
	s17 =	rddreg [dreg:$0x3]  }
0x114: {  	[sflag:s19] =	ssyncset.done $0x0;
	s16 =	sadd.s32 s16, s17  }
0x115: {  	[sflag:s19] =	ssyncadd.s32 $0xFFFFD400;
	s17 =	sadd.s32 $0x1C80, s16  }
0x116: {  	[tilespmem:s20], [sflag:$0x5] =	stream.linear.gather [hbm4b:s17+s3], $0x100, $0x38;
	[tilespmem:$0x1F400] =	vst v63  }
0x117: {  	_ =	swait.ge [sflag:s0], $0x100  }
0x118: {  	[sflag:s0] =	ssyncset.done $0x0  }
0x119: {  	[sflag:s0] =	ssyncadd.s32 $0xFFFFFF00  }
0x11a: {  	[tilespmem:s3], [sflag:$0x1] =	stream.indirect.gather [hbm4b:s4+s24], $0x80, s20, s24, $0xb8;
	[tilespmem:$0x1F400] =	vst v63  }
0x11b: {  	_ =	swait.ge [sflag:s2], $0x2C00  }
0x11c: {  	[sflag:s2] =	ssyncset.done $0x0  }
0x11d: {  	[sflag:s2] =	ssyncadd.s32 $0xFFFFD400  }
0x11e: {  	[spmem:s1] =	stream.indirect.scatter.add.f32 [tilespmem:s25], [sflag:$0x9], $0x80, s9, s24, $0xb8;
	[tilespmem:$0x1F400] =	vst v63  }
0x11f: {  	_ =	swait.ge [sflag:s19], $0x2C00  }
0x120: {  	[sflag:s19] =	ssyncset.done $0x0  }
0x121: {  	s17 =	sadd.s32 $0x1CA0, s16;
	[sflag:s19] =	ssyncadd.s32 $0xFFFFD400  }
0x122: {  	[tilespmem:s21], [sflag:$0x6] =	stream.linear.gather [hbm4b:s17+s3], $0x100, $0x38;
	[tilespmem:$0x1F400] =	vst v63  }
0x123: {  	_ =	swait.ge [sflag:s10], $0x100  }
0x124: {  	[sflag:s10] =	ssyncset.done $0x0  }
0x125: {  	[sflag:s10] =	ssyncadd.s32 $0xFFFFFF00  }
0x126: {  	[tilespmem:s25], [sflag:$0x2] =	stream.indirect.gather [hbm4b:s4+s24], $0x80, s21, s24, $0xb8;
	[tilespmem:$0x1F400] =	vst v63  }
0x127: {  	_ =	swait.ge [sflag:s12], $0x2C00  }
0x128: {  	[sflag:s12] =	ssyncset.done $0x0  }
0x129: {  	[sflag:s12] =	ssyncadd.s32 $0xFFFFD400  }
0x12a: {  	[spmem:s1] =	stream.indirect.scatter.add.f32 [tilespmem:s26], [sflag:$0x9], $0x80, s13, s24, $0xb8;
	[tilespmem:$0x1F400] =	vst v63  }
0x12b: {  	_ =	swait.ge [sflag:s19], $0x2C00  }
0x12c: {  	[sflag:s19] =	ssyncset.done $0x0  }
0x12d: {  	s17 =	sadd.s32 $0x1CC0, s16;
	[sflag:s19] =	ssyncadd.s32 $0xFFFFD400  }
0x12e: {  	[tilespmem:s22], [sflag:$0x7] =	stream.linear.gather [hbm4b:s17+s3], $0x100, $0x38;
	[tilespmem:$0x1F400] =	vst v63  }
0x12f: {  	_ =	swait.ge [sflag:s14], $0x100  }
0x130: {  	[sflag:s14] =	ssyncset.done $0x0  }
0x131: {  	[sflag:s14] =	ssyncadd.s32 $0xFFFFFF00  }
0x132: {  	[tilespmem:s26], [sflag:$0x3] =	stream.indirect.gather [hbm4b:s4+s24], $0x80, s22, s24, $0xb8;
	[tilespmem:$0x1F400] =	vst v63  }
0x133: {  	_ =	swait.ge [sflag:s15], $0x2C00  }
0x134: {  	p1 =	seq.s32 s6, $0xFFFFFF80;
	[sflag:s15] =	ssyncset.done $0x0  }
.Ltmp5:
0x135: {  	[sflag:s15] =	ssyncadd.s32 $0xFFFFD400;
	(pc) =	sbr.rel @!p1 .LBB2_3-.Ltmp5, $4  }
0x136: {  	[spmem:s1] =	stream.indirect.scatter.add.f32 [tilespmem:s29], [sflag:$0x9], $0x80, s7, s24, $0xb8;
	[tilespmem:$0x1F400] =	vst v63  }
0x137: {  	_ =	swait.ge [sflag:s19], $0x2C00  }
0x138: {  	[sflag:s19] =	ssyncset.done $0x0  }
0x139: {  	s6 =	sadd.s32 $0x80, s6;
	s16 =	sadd.s32 $0x1CE0, s16;
	[sflag:s19] =	ssyncadd.s32 $0xFFFFD400  }
.Ltmp6:
0x13a: {  	(pc) =	sbr.rel .LBB2_8-.Ltmp6, $3  }
0x13b: {  	_ =	sdelay $0x1  }
0x13c: {  	[tilespmem:s23], [sflag:$0x8] =	stream.linear.gather [hbm4b:s16+s3], $0x100, $0x38;
	[tilespmem:$0x1F400] =	vst v63  }
0x13d: {  	s6 =	smov.u32 s4  }
.LBB2_9:
0x13e: {  	_ =	sfence.sel $0x180000  }
0x13f: {  	[bflag:$0x0] =	sbarrier.arrive $0xFFFF  }
0x140: {  	_ =	strace $0x9000004A  }
0x141: {  	s0 =	stileid.u32;
	[bflag:$0x2] =	sbarrier.arrive $0xFFFF  }
0x142: {  	p0 =	sne.s32 s0, $0x0;
	s0 =	rddreg [dreg:$0x2]  }
0x143: {  	s0 =	sadd.s32 @!p0 $0x100000, s0  }
0x144: {  	[sflag:s0] =	ssyncadd.tile.s32 @!p0 $0x1;
	_ =	shalt  }
.Lfunc_end2:
_tile_overlayer_lowered:
.L_overlay_start_2:
0x145: {  	(tag) =	ssettag $0x2  }
0x146: {  	s0 =	rddreg [dreg:$0x0];
	s2 =	stileid.u32  }
0x147: {  	s1 =	rddreg [dreg:$0x1];
	p0 =	sne.s32 s2, $0x0  }
0x148: {  	s3 =	rddreg [dreg:$0x2];
	[bflag:$0x3] =	sbarrier.arrive $0xFFFF;
	s2 =	simm.s32 @!p0 $0x1C09  }
0x149: {  	[timem:s3], [sflag:s2] =	dma.local @!p0 [hbm:s0], s1  }
0x14a: {  	s0 =	simm.s32 @!p0 $0x9  }
0x14b: {  	_ =	swait.ge @!p0 [sflag:s0], s1  }
0x14c: {  	s1 =	ssub.s32 @!p0 $0x0, s1;
	[sflag:s0] =	ssyncset.done @!p0 $0x0  }
0x14d: {  	[sflag:s0] =	ssyncadd.s32 @!p0 s1  }
0x14e: {  	[bflag:$0x3] =	sbarrier.arrive $0xFFFF  }
0x14f: {  	_ =	shalt  }

// kernel: kernel.14.cloned.1.call-start
scs
__scs_entry_jumppad:
0x0: {  	(pc) =	sbr.rel $0x88, $3  }
0x1: {  	(tag) =	ssettag $0x0;
	lr =	simm.s32 $0x1  }
0x2: {  	[smem:$0x3F94] =	sst lr;
	_ =	strace $0xD0000000  }
0x3: {  	_ = 	snop  }
0x4: {  	_ = 	snop  }
0x5: {  	_ = 	snop  }
0x6: {  	_ = 	snop  }
0x7: {  	_ = 	snop  }
__scs_overlays_trampoline_lowered:
0x8: {  	[smem:$0x3FA3] =	sst s0  }
0x9: {  	[smem:$0x3FA4] =	sst s1  }
0xa: {  	[smem:$0x3FA5] =	sst s2  }
0xb: {  	[smem:$0x3FA6] =	sst s3  }
0xc: {  	[smem:$0x3FA7] =	sst s4  }
0xd: {  	[smem:$0x3FA8] =	sst s5  }
0xe: {  	[smem:$0x3FA9] =	sst s6  }
0xf: {  	[smem:$0x3FAA] =	sst s7  }
0x10: {  	[smem:$0x3FAB] =	sst s8  }
0x11: {  	[smem:$0x3FAC] =	sst s9;
	s0 =	simm.s32 @!p0 $0x0  }
0x12: {  	s1 =	sld [smem:$0x3F92];
	s0 =	simm.s32 @p0 $0x1  }
0x13: {  	[smem:$0x3FAD] =	sst s0;
	s0 =	simm.s32 @!p1 $0x0  }
0x14: {  	s2 =	sld [smem:$0x3F91];
	s0 =	simm.s32 @p1 $0x1  }
0x15: {  	[smem:$0x3FAE] =	sst s0;
	s0 =	simm.s32 @!p2 $0x0  }
0x16: {  	s3 =	sld [smem:$0x3FDB];
	s0 =	simm.s32 @p2 $0x1  }
0x17: {  	s4 =	simm.s32 $0x1BF5;
	[smem:$0x3FB0] =	sst s0  }
0x18: {  	s0 =	sld [smem:$0x3F93];
	_ =	swait.ge [sflag:s4], $0x0  }
0x19: {  	s7 =	sld [smem:$0x3F94]  }
0x1a: {  	s8 =	sadd.s32 $0xFFFFE003, lr  }
0x1b: {  	s9 =	sadd.s32 $0xFFFFFEF7, lr;
	s5 =	simm.s32 $0xFFFFFFFF;
	p2 =	slt.u32 s8, $0xFFFFF086  }
0x1c: {  	p1 =	slt.u32 s9, $0xF7A;
	s5 =	simm.s32 @!p2 $0x0  }
0x1d: {  	s5 =	simm.s32 @p1 $0x1;
	p0 =	seq.s32 s7, s2  }
0x1e: {  	s7 =	smul.u32 @!p0 $0xF7A, s2;
	p2 =	seq.s32 @!p0 s5, $0x0  }
0x1f: {  	s9 =	smul.u32 $0xF7A, s1;
	s8 =	simm.s32 @!p0 $0x1BF5;
	p2 =	por !p2, p0  }
0x20: {  	[sflag:s8] =	ssyncset.s32 @!p0 $0xFFFFF086;
	s6 =	sadd.s32 @!p0 s3, s7;
	s7 =	simm.s32 @!p0 $0x108  }
0x21: {  	s3 =	sadd.s32 s3, s9;
	s6 =	sadd.s32 @!p0 $0x88, s6;
	s7 =	simm.s32 @p2 $0x1082  }
0x22: {  	[simem:s7], [sflag:s8] =	dma.local @!p0 [hbm:s6], $0xF7A  }
0x23: {  	s9 =	sor.u32 $0xD0000000, s2;
	s6 =	simm.s32 $0x108;
	_ =	swait.ge @!p0 [sflag:s8], $0x0  }
0x24: {  	s3 =	sadd.s32 $0x88, s3;
	s6 =	simm.s32 @!p1 $0x1082;
	[sflag:s4] =	ssyncset.s32 $0xFFFFF086  }
0x25: {  	[simem:s6], [sflag:s4] =	dma.local [hbm:s3], $0xF7A  }
0x26: {  	[smem:$0x3F94] =	sst s1;
	(tag) =	ssettag s2;
	_ =	strace s9  }
0x27: {  	s1 =	sld [smem:$0x3FA4]  }
0x28: {  	s2 =	sld [smem:$0x3FA5]  }
0x29: {  	s4 =	sld [smem:$0x3FA7]  }
0x2a: {  	p0 =	seq.s32 s5, $0x0;
	s5 =	sld [smem:$0x3FA8]  }
0x2b: {  	s6 =	sld [smem:$0x3FA9]  }
0x2c: {  	s7 =	sld [smem:$0x3FAA]  }
0x2d: {  	s3 =	simm.s32 $0x108;
	s8 =	sld [smem:$0x3FAB]  }
0x2e: {  	s3 =	simm.s32 @!p0 $0x1082;
	s9 =	sld [smem:$0x3FAC]  }
0x2f: {  	lr =	sadd.s32 s0, s3;
	s0 =	sld [smem:$0x3FA3]  }
0x30: {  	s3 =	sld [smem:$0x3FA6]  }
0x31: {  	[smem:$0x3FAF] =	sst s10  }
0x32: {  	s10 =	sld [smem:$0x3FAD];
	_ =	sdelay $0x3  }
0x33: {  	p0 =	seq.s32 s10, $0x1;
	s10 =	sld [smem:$0x3FAF];
	_ =	sdelay $0x3  }
0x34: {  	[smem:$0x3FAF] =	sst s10  }
0x35: {  	s10 =	sld [smem:$0x3FAE];
	_ =	sdelay $0x3  }
0x36: {  	p1 =	seq.s32 s10, $0x1;
	s10 =	sld [smem:$0x3FAF];
	_ =	sdelay $0x3  }
0x37: {  	[smem:$0x3FAF] =	sst s10  }
0x38: {  	s10 =	sld [smem:$0x3FB0]  }
0x39: {  	_ = 	snop;
	(pc) =	sbr.ind lr, $3  }
0x3a: {  	_ = 	snop  }
0x3b: {  	_ = 	snop  }
0x3c: {  	p2 =	seq.s32 s10, $0x1;
	s10 =	sld [smem:$0x3FAF]  }
0x3d: {  	_ =	shalt  }
0x3e: {  	_ =	shalt  }
0x3f: {  	_ =	shalt  }
0x40: {  	_ =	shalt  }
0x41: {  	_ =	shalt  }
0x42: {  	_ =	shalt  }
0x43: {  	_ =	shalt  }
0x44: {  	_ =	shalt  }
0x45: {  	_ =	shalt  }
0x46: {  	_ =	shalt  }
0x47: {  	_ =	shalt  }
0x48: {  	_ =	shalt  }
0x49: {  	_ =	shalt  }
0x4a: {  	_ =	shalt  }
0x4b: {  	_ =	shalt  }
0x4c: {  	_ =	shalt  }
0x4d: {  	_ =	shalt  }
0x4e: {  	_ =	shalt  }
0x4f: {  	_ =	shalt  }
0x50: {  	_ =	shalt  }
0x51: {  	_ =	shalt  }
0x52: {  	_ =	shalt  }
0x53: {  	_ =	shalt  }
0x54: {  	_ =	shalt  }
0x55: {  	_ =	shalt  }
0x56: {  	_ =	shalt  }
0x57: {  	_ =	shalt  }
0x58: {  	_ =	shalt  }
0x59: {  	_ =	shalt  }
0x5a: {  	_ =	shalt  }
0x5b: {  	_ =	shalt  }
0x5c: {  	_ =	shalt  }
0x5d: {  	_ =	shalt  }
0x5e: {  	_ =	shalt  }
0x5f: {  	_ =	shalt  }
0x60: {  	_ =	shalt  }
0x61: {  	_ =	shalt  }
0x62: {  	_ =	shalt  }
0x63: {  	_ =	shalt  }
0x64: {  	_ =	shalt  }
0x65: {  	_ =	shalt  }
0x66: {  	_ =	shalt  }
0x67: {  	_ =	shalt  }
0x68: {  	_ =	shalt  }
0x69: {  	_ =	shalt  }
0x6a: {  	_ =	shalt  }
0x6b: {  	_ =	shalt  }
0x6c: {  	_ =	shalt  }
0x6d: {  	_ =	shalt  }
0x6e: {  	_ =	shalt  }
0x6f: {  	_ =	shalt  }
0x70: {  	_ =	shalt  }
0x71: {  	_ =	shalt  }
0x72: {  	_ =	shalt  }
0x73: {  	_ =	shalt  }
0x74: {  	_ =	shalt  }
0x75: {  	_ =	shalt  }
0x76: {  	_ =	shalt  }
0x77: {  	_ =	shalt  }
0x78: {  	_ =	shalt  }
0x79: {  	_ =	shalt  }
0x7a: {  	_ =	shalt  }
0x7b: {  	_ =	shalt  }
0x7c: {  	_ =	shalt  }
0x7d: {  	_ =	shalt  }
0x7e: {  	_ =	shalt  }
0x7f: {  	_ =	shalt  }
0x80: {  	_ =	shalt  }
0x81: {  	_ =	shalt  }
0x82: {  	_ =	shalt  }
0x83: {  	_ =	shalt  }
0x84: {  	_ =	shalt  }
0x85: {  	_ =	shalt  }
0x86: {  	_ =	shalt  }
0x87: {  	_ =	shalt  }
.Lfunc_end0:
.L_simem_size_0:
called_computation.2_lowered:
.L_overlay_start_0:
0x88: {  	s2 =	sld [smem:$0x3FD9]  }
0x89: {  	s3 =	sld [smem:$0x3FFE];
	_ =	sdelay $0x1  }
0x8a: {  	s1 =	srdreg.scid  }
0x8b: {  	s0 =	sand.u32 $0x1, s1  }
0x8c: {  	s16 =	sshll.u32 s0, $0xA;
	s2 =	sadd.s32 s3, s2  }
0x8d: {  	s2 =	sadd.s32 s2, s16  }
0x8e: {  	[smem:$0x3FBB] =	sst s2  }
0x8f: {  	_ = 	snop  }
0x90: {  	(tm) =	ssettm $0x1  }
0x91: {  	s17 =	sld [smem:$0x3FFB];
	_ =	sdelay $0x3  }
0x92: {  	_ =	strace s17  }
0x93: {  	s2 =	sld [smem:$0x3FFC];
	_ =	sdelay $0x3  }
0x94: {  	_ =	strace s2  }
0x95: {  	s2 =	sld [smem:$0x3FFD];
	_ =	sdelay $0x3  }
0x96: {  	_ =	strace s2  }
0x97: {  	_ =	strace $0x8FFFFFFF  }
0x98: {  	s18 =	sld [smem:$0x3FDB];
	_ =	sdelay $0x1  }
0x99: {  	s19 =	simm.s32 $_scs_section_size  }
0x9a: {  	s4 =	simm.s32 $_size__tile_overlayer_lowered;
	s5 =	simm.s32 $_tile_overlayer_lowered  }
0x9b: {  	s22 =	simm.s32 $0x1BFF;
	s21 =	sshll.u32 s5, $0x1;
	s2 =	sadd.s32 s19, s18  }
0x9c: {  	s6 =	simm.s32 $0x0;
	s20 =	sshll.u32 s4, $0x1;
	s4 =	sadd.s32 s21, s2  }
0x9d: {  	[timem:s6], [sflag:s22] =	dma.local [hbm:s4], s20  }
0x9e: {  	_ =	swait.ge [sflag:s22], s20  }
0x9f: {  	s3 =	ssub.s32 $0x0, s20;
	[sflag:s22] =	ssyncset.done $0x0  }
0xa0: {  	[sflag:s22] =	ssyncadd.s32 s3;
	_ =	sdelay $0x1  }
0xa1: {  	s23 =	simm.s32 $0x1B8B  }
0xa2: {  	_ =	swait.ge [sflag:s23], $0x1  }
0xa3: {  	[sflag:s23] =	ssyncset.done $0x0  }
0xa4: {  	s25 =	simm.s32 $0x1B8E;
	s24 =	sld [smem:$0x3FFE];
	[sflag:s23] =	ssyncadd.s32 $0xFFFFFFFF  }
0xa5: {  	s26 =	simm.s32 $execute0_lowered;
	[smem:$0x3FD2] =	sst s25  }
0xa6: {  	s4 =	sshll.u32 s26, $0x1;
	_ =	strace $0x8000004C;
	[dreg:$0x1] =	wrdreg $0xFFFFFFFF  }
0xa7: {  	s28 =	simm.s32 $_size_execute0_lowered;
	s2 =	sadd.s32 s2, s4;
	[dreg:$0x0] =	wrdreg $0x0  }
0xa8: {  	s4 =	sshll.u32 s28, $0x1;
	[dreg:$0x2] =	wrdreg s2  }
0xa9: {  	[dreg:$0x3] =	wrdreg s4  }
0xaa: {  	[dreg:$0x4] =	wrdreg $0xC0  }
0xab: {  	_ =	task [dreg:s6], $0x5FFFF  }
0xac: {  	[dreg:$0x1] =	wrdreg $0xFFFFFFFF  }
0xad: {  	[dreg:$0x0] =	wrdreg $0x60  }
0xae: {  	[dreg:$0x2] =	wrdreg s24  }
0xaf: {  	[dreg:$0x3] =	wrdreg $0xB4000  }
0xb0: {  	[dreg:$0x4] =	wrdreg $0x9  }
0xb1: {  	_ =	task.clear_ibuf [dreg:s6], $0x5FFFF;
	_ =	strace $0x9000004C  }
0xb2: {  	s29 =	simm.s32 $0x9;
	_ =	strace $0x8000004E  }
0xb3: {  	_ =	swait.ge [sflag:s29], $0x1  }
0xb4: {  	[sflag:s29] =	ssyncadd.s32 $0xFFFFFFFF  }
0xb5: {  	_ =	strace $0x9000004E  }
0xb6: {  	_ =	sfence  }
0xb7: {  	s30 =	sld [smem:$0x0];
	_ =	sdelay $0x2  }
0xb8: {  	s31 =	sshll.u32 s1, $0xD;
	s1 =	sshrl.u32 s1, $0x2  }
0xb9: {  	s3 =	sand.u32 $0x4000, s31;
	s1 =	sadd.s32 s1, s30  }
0xba: {  	s0 =	sor.u32 s3, s0;
	s1 =	sshll.u32 s1, $0x11  }
0xbb: {  	s0 =	sor.u32 s1, s0  }
0xbc: {  	s0 =	sadd.s32 $0x8F2B, s0  }
0xbd: {  	[sflag:s0] =	ssyncadd.remote.s32 $0x1  }
0xbe: {  	_ =	sfence.sel $0xFFFF  }
0xbf: {  	[dreg:$0x0] =	wrdreg $0xFFFFFFFF;
	(pc) =	sbr.abs _section_cstart, $3  }
0xc0: {  	[dreg:$0x1] =	wrdreg $0xFFFFFFFF  }
0xc1: {  	_ =	task.clear_ibuf [dreg:s6], $0x2FFFF;
	_ =	strace $0x9FFFFFFF  }
0xc2: {  	(tm) =	ssettm $0x7FFFFFFF  }
0xc3: {  	_ =	shalt  }
tec
execute0_lowered:
.L_overlay_start_1:
0x0: {  	(tag) =	ssettag $0x1  }
0x1: {  	s0 =	rddreg [dreg:$0x0]  }
0x2: {  	s1 =	rddreg [dreg:$0x1];
	s3 =	simm.s32 $0x0;
	s2 =	srdreg.scid  }
0x3: {  	s12 =	stileid.u32;
	s28 =	simm.s32 $0x8;
	s29 =	simm.s32 $0x8400  }
0x4: {  	s30 =	simm.s32 $0x1;
	s31 =	simm.s32 $0xB080;
	s14 =	simm.s32 $0x7  }
0x5: {  	[smem:$0x7FF] =	sst s3;
	s2 =	sand.u32 $0x1, s2;
	s7 =	smul.u32 $0x14000, s12  }
0x6: {  	s4 =	sadd.s32 $0x5C200, s0;
	s5 =	sadd.s32 $0x83400, s0;
	s15 =	smul.u32 $0x50000, s12  }
0x7: {  	s9 =	sadd.s32 $0x23200, s0;
	s10 =	sadd.s32 $0x3FA00, s0;
	s11 =	smul.u32 $0xE400, s12  }
0x8: {  	s13 =	sadd.s32 $0x3E00, s0;
	s17 =	sshll.u32 s12, $0x6;
	s21 =	smul.u32 $0x1C80, s12  }
0x9: {  	s12 =	simm.s32 $0x3;
	s6 =	smul.u32 $0x140000, s2;
	_ =	strace $0x8000004D  }
0xa: {  	s8 =	ssub.s32 $0x2, s2;
	[dreg:$0x5] =	wrdreg s13;
	p0 =	seq.s32 s2, $0x1  }
0xb: {  	s2 =	simm.s32 $0x2;
	s13 =	simm.s32 $0xB280;
	s16 =	sshrl.u32 s8, $0x1  }
0xc: {  	s11 =	sshrl.u32 s11, $0x3;
	s25 =	sadd.s32 s21, s9;
	s26 =	sadd.s32 s21, s10  }
0xd: {  	s21 =	simm.s32 $0xB100;
	s6 =	sadd.s32 s7, s6;
	s7 =	sshrl.u32 s15, $0x2  }
0xe: {  	s18 =	sadd.s32 s9, s11;
	s11 =	sadd.s32 s10, s11;
	[dreg:$0x3] =	wrdreg s25  }
0xf: {  	[dreg:$0x4] =	wrdreg s26;
	s25 =	simm.s32 $0x2C00;
	s26 =	simm.s32 $0x5800  }
0x10: {  	s9 =	simm.s32 $0xB180;
	s10 =	simm.s32 $0x6;
	[dreg:$0x6] =	wrdreg s18  }
0x11: {  	s15 =	simm.s32 $0x4;
	s19 =	sadd.s32 $0x20, s18;
	[dreg:$0x9] =	wrdreg s11  }
0x12: {  	s6 =	sshrl.u32 s6, $0x3;
	s20 =	sadd.s32 $0x40, s18;
	[dreg:$0x7] =	wrdreg s19  }
0x13: {  	s7 =	sadd.s32 s7, s1;
	s22 =	sadd.s32 $0x60, s18;
	[dreg:$0x8] =	wrdreg s20  }
0x14: {  	s23 =	sadd.s32 $0x20, s11;
	s24 =	sadd.s32 $0x40, s11;
	[dreg:$0xa] =	wrdreg s22  }
0x15: {  	s11 =	sadd.s32 $0x60, s11;
	s0 =	sadd.s32 s6, s0;
	[dreg:$0xb] =	wrdreg s23  }
0x16: {  	s6 =	ssub.s32 s8, s16;
	s8 =	sor.u32 $0x1C09, s17;
	[dreg:$0xc] =	wrdreg s24  }
.Ltmp0:
0x17: {  	[dreg:$0xd] =	wrdreg s11;
	s18 =	sshrl.u32 s7, $0x3;
	(pc) =	sbr.rel .LBB2_1-.Ltmp0, $4  }
0x18: {  	s19 =	simm.s32 $0x9;
	s20 =	simm.s32 $0xB000;
	s22 =	simm.s32 $0xB200  }
0x19: {  	s23 =	simm.s32 $0xB300;
	s24 =	simm.s32 $0x58;
	s0 =	sadd.s32 $0xAA600, s0  }
0x1a: {  	s7 =	simm.s32 $0xB380;
	s6 =	smax.u32 s6, $0x1;
	[dreg:$0xe] =	wrdreg s0  }
0x1b: {  	s11 =	simm.s32 $0x0;
	[dreg:$0xf] =	wrdreg s6;
	s0 =	simm.s32 $0x5  }
.LBB2_7:
0x1c: {  	[tilespmem:s23], [sflag:$0x8] =	stream.linear.gather [hbm4b:s16+s3], $0x100, $0x38;
	[tilespmem:$0x1F400] =	vst v63  }
0x1d: {  	s6 =	smov.u32 s5  }
.LBB2_8:
0x1e: {  	_ =	swait.ge [sflag:s28], $0x100  }
0x1f: {  	[sflag:s28] =	ssyncset.done $0x0  }
0x20: {  	[sflag:s28] =	ssyncadd.s32 $0xFFFFFF00  }
0x21: {  	[tilespmem:s29], [sflag:$0x4] =	stream.indirect.gather [hbm4b:s6+s24], $0x80, s23, s24, $0xb8;
	[tilespmem:$0x1F400] =	vst v63  }
0x22: {  	_ =	swait.ge [sflag:s30], $0x2C00  }
0x23: {  	[sflag:s30] =	ssyncset.done $0x0  }
0x24: {  	[sflag:s30] =	ssyncadd.s32 $0xFFFFD400  }
0x25: {  	[spmem:s1] =	stream.indirect.scatter.add.f32 [tilespmem:s3], [sflag:$0x9], $0x80, s31, s24, $0xb8;
	[tilespmem:$0x1F400] =	vst v63  }
0x26: {  	_ =	swait.ge [sflag:s19], $0x2C00  }
0x27: {  	[sflag:s19] =	ssyncset.done $0x0  }
0x28: {  	[sflag:s19] =	ssyncadd.s32 $0xFFFFD400  }
0x29: {  	_ =	swait.ge [sflag:s2], $0x2C00  }
0x2a: {  	[sflag:s2] =	ssyncset.done $0x0  }
0x2b: {  	[sflag:s2] =	ssyncadd.s32 $0xFFFFD400  }
0x2c: {  	[spmem:s1] =	stream.indirect.scatter.add.f32 [tilespmem:s25], [sflag:$0x9], $0x80, s9, s24, $0xb8;
	[tilespmem:$0x1F400] =	vst v63  }
0x2d: {  	_ =	swait.ge [sflag:s19], $0x2C00  }
0x2e: {  	[sflag:s19] =	ssyncset.done $0x0  }
0x2f: {  	[sflag:s19] =	ssyncadd.s32 $0xFFFFD400  }
0x30: {  	_ =	swait.ge [sflag:s12], $0x2C00  }
0x31: {  	[sflag:s12] =	ssyncset.done $0x0  }
0x32: {  	[sflag:s12] =	ssyncadd.s32 $0xFFFFD400  }
0x33: {  	[spmem:s1] =	stream.indirect.scatter.add.f32 [tilespmem:s26], [sflag:$0x9], $0x80, s13, s24, $0xb8;
	[tilespmem:$0x1F400] =	vst v63  }
0x34: {  	_ =	swait.ge [sflag:s19], $0x2C00  }
0x35: {  	[sflag:s19] =	ssyncset.done $0x0  }
0x36: {  	[sflag:s19] =	ssyncadd.s32 $0xFFFFD400  }
0x37: {  	_ =	swait.ge [sflag:s15], $0x2C00  }
0x38: {  	[sflag:s15] =	ssyncset.done $0x0  }
0x39: {  	[sflag:s15] =	ssyncadd.s32 $0xFFFFD400  }
0x3a: {  	[spmem:s1] =	stream.indirect.scatter.add.f32 [tilespmem:s29], [sflag:$0x9], $0x80, s7, s24, $0xb8;
	[tilespmem:$0x1F400] =	vst v63  }
0x3b: {  	_ =	swait.ge [sflag:s19], $0x2C00  }
0x3c: {  	[sflag:s19] =	ssyncset.done $0x0  }
0x3d: {  	[sflag:s19] =	ssyncadd.s32 $0xFFFFD400  }
0x3e: {  	[bflag:$0x0] =	sbarrier.arrive $0xFFFF  }
0x3f: {  	s16 =	rddreg [dreg:$0xe]  }
0x40: {  	[hbm:s16], [sflag:s8] =	dma.local [spmem:s18], $0x2800  }
0x41: {  	_ =	swait.ge [sflag:s19], $0x2800  }
0x42: {  	s11 =	sadd.s32 $0x1, s11;
	s17 =	rddreg [dreg:$0xf]  }
0x43: {  	p1 =	sne.s32 s11, s17  }
.Ltmp1:
0x44: {  	_ = 	snop;
	(pc) =	sbr.rel @!p1 .LBB2_9-.Ltmp1, $3  }
0x45: {  	_ =	sdelay $0x1  }
0x46: {  	[sflag:s19] =	ssyncset.done $0x0  }
0x47: {  	[sflag:s19] =	ssyncadd.s32 $0xFFFFD800  }
.LBB2_1:
0x48: {  	s6 =	rddreg [dreg:$0x5]  }
0x49: {  	[spmem:s18], [sflag:s8] =	dma.local [hbm:s6], $0x2800  }
.Ltmp2:
0x4a: {  	_ =	swait.ge [sflag:s19], $0x2800;
	(pc) =	sbr.rel @!p0 .LBB2_2-.Ltmp2, $3  }
0x4b: {  	[sflag:s19] =	ssyncset.done $0x0  }
0x4c: {  	[sflag:s19] =	ssyncadd.s32 $0xFFFFD800  }
0x4d: {  	[bflag:$0x0] =	sbarrier.arrive $0xFFFF;
	_ =	sdelay $0x1  }
0x4e: {  	s6 =	rddreg [dreg:$0x9]  }
0x4f: {  	[tilespmem:s20], [sflag:$0x9] =	stream.linear.gather [hbm4b:s6+s3], $0x100, $0x38;
	[tilespmem:$0x1F400] =	vst v63  }
0x50: {  	_ =	swait.ge [sflag:s19], $0x100  }
0x51: {  	[sflag:s19] =	ssyncset.done $0x0  }
0x52: {  	s17 =	rddreg [dreg:$0xb];
	[sflag:s19] =	ssyncadd.s32 $0xFFFFFF00  }
0x53: {  	[tilespmem:s21], [sflag:$0x9] =	stream.linear.gather [hbm4b:s17+s3], $0x100, $0x38;
	[tilespmem:$0x1F400] =	vst v63  }
0x54: {  	_ =	swait.ge [sflag:s19], $0x100  }
0x55: {  	[sflag:s19] =	ssyncset.done $0x0  }
0x56: {  	s16 =	rddreg [dreg:$0xc];
	[sflag:s19] =	ssyncadd.s32 $0xFFFFFF00  }
0x57: {  	[tilespmem:s22], [sflag:$0x9] =	stream.linear.gather [hbm4b:s16+s3], $0x100, $0x38;
	[tilespmem:$0x1F400] =	vst v63  }
0x58: {  	_ =	swait.ge [sflag:s19], $0x100  }
0x59: {  	[sflag:s19] =	ssyncset.done $0x0  }
0x5a: {  	s17 =	rddreg [dreg:$0xd];
	[sflag:s19] =	ssyncadd.s32 $0xFFFFFF00  }
0x5b: {  	[tilespmem:s23], [sflag:$0x8] =	stream.linear.gather [hbm4b:s17+s3], $0x100, $0x38;
	[tilespmem:$0x1F400] =	vst v63  }
0x5c: {  	_ = 	snop  }
0x5d: {  	[tilespmem:s3], [sflag:$0x1] =	stream.indirect.gather [hbm4b:s5+s24], $0x80, s20, s24, $0xb8;
	[tilespmem:$0x1F400] =	vst v63  }
0x5e: {  	_ = 	snop  }
0x5f: {  	[tilespmem:s25], [sflag:$0x2] =	stream.indirect.gather [hbm4b:s5+s24], $0x80, s21, s24, $0xb8;
	[tilespmem:$0x1F400] =	vst v63  }
0x60: {  	_ = 	snop  }
0x61: {  	[tilespmem:s26], [sflag:$0x3] =	stream.indirect.gather [hbm4b:s5+s24], $0x80, s22, s24, $0xb8;
	[tilespmem:$0x1F400] =	vst v63  }
0x62: {  	_ =	swait.ge [sflag:s28], $0x100  }
0x63: {  	[sflag:s28] =	ssyncset.done $0x0  }
0x64: {  	[sflag:s28] =	ssyncadd.s32 $0xFFFFFF00  }
0x65: {  	[tilespmem:s29], [sflag:$0x4] =	stream.indirect.gather [hbm4b:s5+s24], $0x80, s23, s24, $0xb8;
	[tilespmem:$0x1F400] =	vst v63  }
0x66: {  	_ =	swait.ge [sflag:s30], $0x2C00  }
0x67: {  	[sflag:s30] =	ssyncset.done $0x0  }
0x68: {  	[sflag:s30] =	ssyncadd.s32 $0xFFFFD400  }
0x69: {  	[spmem:s1] =	stream.indirect.scatter.add.f32 [tilespmem:s3], [sflag:$0x9], $0x80, s31, s24, $0xb8;
	[tilespmem:$0x1F400] =	vst v63  }
0x6a: {  	_ =	swait.ge [sflag:s19], $0x2C00  }
0x6b: {  	s16 =	rddreg [dreg:$0x4]  }
0x6c: {  	[sflag:s19] =	ssyncset.done $0x0;
	s16 =	sadd.s32 $0xFFFFE400, s16  }
0x6d: {  	[sflag:s19] =	ssyncadd.s32 $0xFFFFD400;
	s6 =	sadd.s32 $0x1C80, s16  }
0x6e: {  	[tilespmem:s20], [sflag:$0x5] =	stream.linear.gather [hbm4b:s6+s3], $0x100, $0x38;
	[tilespmem:$0x1F400] =	vst v63  }
0x6f: {  	_ =	swait.ge [sflag:s0], $0x100  }
0x70: {  	[sflag:s0] =	ssyncset.done $0x0  }
0x71: {  	[sflag:s0] =	ssyncadd.s32 $0xFFFFFF00  }
0x72: {  	[tilespmem:s3], [sflag:$0x1] =	stream.indirect.gather [hbm4b:s5+s24], $0x80, s20, s24, $0xb8;
	[tilespmem:$0x1F400] =	vst v63  }
0x73: {  	_ =	swait.ge [sflag:s2], $0x2C00  }
0x74: {  	[sflag:s2] =	ssyncset.done $0x0  }
0x75: {  	[sflag:s2] =	ssyncadd.s32 $0xFFFFD400  }
0x76: {  	[spmem:s1] =	stream.indirect.scatter.add.f32 [tilespmem:s25], [sflag:$0x9], $0x80, s9, s24, $0xb8;
	[tilespmem:$0x1F400] =	vst v63  }
0x77: {  	_ =	swait.ge [sflag:s19], $0x2C00  }
0x78: {  	[sflag:s19] =	ssyncset.done $0x0  }
0x79: {  	s17 =	sadd.s32 $0x1CA0, s16;
	[sflag:s19] =	ssyncadd.s32 $0xFFFFD400  }
0x7a: {  	[tilespmem:s21], [sflag:$0x6] =	stream.linear.gather [hbm4b:s17+s3], $0x100, $0x38;
	[tilespmem:$0x1F400] =	vst v63  }
0x7b: {  	_ =	swait.ge [sflag:s10], $0x100  }
0x7c: {  	[sflag:s10] =	ssyncset.done $0x0  }
0x7d: {  	[sflag:s10] =	ssyncadd.s32 $0xFFFFFF00  }
0x7e: {  	[tilespmem:s25], [sflag:$0x2] =	stream.indirect.gather [hbm4b:s5+s24], $0x80, s21, s24, $0xb8;
	[tilespmem:$0x1F400] =	vst v63  }
0x7f: {  	_ =	swait.ge [sflag:s12], $0x2C00  }
0x80: {  	[sflag:s12] =	ssyncset.done $0x0  }
0x81: {  	[sflag:s12] =	ssyncadd.s32 $0xFFFFD400  }
0x82: {  	[spmem:s1] =	stream.indirect.scatter.add.f32 [tilespmem:s26], [sflag:$0x9], $0x80, s13, s24, $0xb8;
	[tilespmem:$0x1F400] =	vst v63  }
0x83: {  	_ =	swait.ge [sflag:s19], $0x2C00  }
0x84: {  	[sflag:s19] =	ssyncset.done $0x0  }
0x85: {  	s17 =	sadd.s32 $0x1CC0, s16;
	[sflag:s19] =	ssyncadd.s32 $0xFFFFD400  }
0x86: {  	[tilespmem:s22], [sflag:$0x7] =	stream.linear.gather [hbm4b:s17+s3], $0x100, $0x38;
	[tilespmem:$0x1F400] =	vst v63  }
0x87: {  	_ =	swait.ge [sflag:s14], $0x100  }
0x88: {  	[sflag:s14] =	ssyncset.done $0x0  }
0x89: {  	[sflag:s14] =	ssyncadd.s32 $0xFFFFFF00  }
0x8a: {  	[tilespmem:s26], [sflag:$0x3] =	stream.indirect.gather [hbm4b:s5+s24], $0x80, s22, s24, $0xb8;
	[tilespmem:$0x1F400] =	vst v63  }
0x8b: {  	_ =	swait.ge [sflag:s15], $0x2C00  }
0x8c: {  	[sflag:s15] =	ssyncset.done $0x0  }
0x8d: {  	[sflag:s15] =	ssyncadd.s32 $0xFFFFD400  }
0x8e: {  	[spmem:s1] =	stream.indirect.scatter.add.f32 [tilespmem:s29], [sflag:$0x9], $0x80, s7, s24, $0xb8;
	[tilespmem:$0x1F400] =	vst v63  }
0x8f: {  	_ =	swait.ge [sflag:s19], $0x2C00  }
0x90: {  	[sflag:s19] =	ssyncset.done $0x0  }
0x91: {  	s6 =	simm.s32 $0xFFFFE480;
	s16 =	sadd.s32 $0x1CE0, s16;
	[sflag:s19] =	ssyncadd.s32 $0xFFFFD400  }
.LBB2_6:
0x92: {  	[tilespmem:s23], [sflag:$0x8] =	stream.linear.gather [hbm4b:s16+s3], $0x100, $0x38;
	[tilespmem:$0x1F400] =	vst v63  }
0x93: {  	_ =	swait.ge [sflag:s28], $0x100  }
0x94: {  	[sflag:s28] =	ssyncset.done $0x0  }
0x95: {  	[sflag:s28] =	ssyncadd.s32 $0xFFFFFF00  }
0x96: {  	[tilespmem:s29], [sflag:$0x4] =	stream.indirect.gather [hbm4b:s5+s24], $0x80, s23, s24, $0xb8;
	[tilespmem:$0x1F400] =	vst v63  }
0x97: {  	_ =	swait.ge [sflag:s30], $0x2C00  }
0x98: {  	[sflag:s30] =	ssyncset.done $0x0  }
0x99: {  	[sflag:s30] =	ssyncadd.s32 $0xFFFFD400  }
0x9a: {  	[spmem:s1] =	stream.indirect.scatter.add.f32 [tilespmem:s3], [sflag:$0x9], $0x80, s31, s24, $0xb8;
	[tilespmem:$0x1F400] =	vst v63  }
0x9b: {  	_ =	swait.ge [sflag:s19], $0x2C00  }
0x9c: {  	s16 =	smov.u32 s6;
	s17 =	rddreg [dreg:$0x4]  }
0x9d: {  	[sflag:s19] =	ssyncset.done $0x0;
	s16 =	sadd.s32 s16, s17  }
0x9e: {  	[sflag:s19] =	ssyncadd.s32 $0xFFFFD400;
	s17 =	sadd.s32 $0x1C80, s16  }
0x9f: {  	[tilespmem:s20], [sflag:$0x5] =	stream.linear.gather [hbm4b:s17+s3], $0x100, $0x38;
	[tilespmem:$0x1F400] =	vst v63  }
0xa0: {  	_ =	swait.ge [sflag:s0], $0x100  }
0xa1: {  	[sflag:s0] =	ssyncset.done $0x0  }
0xa2: {  	[sflag:s0] =	ssyncadd.s32 $0xFFFFFF00  }
0xa3: {  	[tilespmem:s3], [sflag:$0x1] =	stream.indirect.gather [hbm4b:s5+s24], $0x80, s20, s24, $0xb8;
	[tilespmem:$0x1F400] =	vst v63  }
0xa4: {  	_ =	swait.ge [sflag:s2], $0x2C00  }
0xa5: {  	[sflag:s2] =	ssyncset.done $0x0  }
0xa6: {  	[sflag:s2] =	ssyncadd.s32 $0xFFFFD400  }
0xa7: {  	[spmem:s1] =	stream.indirect.scatter.add.f32 [tilespmem:s25], [sflag:$0x9], $0x80, s9, s24, $0xb8;
	[tilespmem:$0x1F400] =	vst v63  }
0xa8: {  	_ =	swait.ge [sflag:s19], $0x2C00  }
0xa9: {  	[sflag:s19] =	ssyncset.done $0x0  }
0xaa: {  	s17 =	sadd.s32 $0x1CA0, s16;
	[sflag:s19] =	ssyncadd.s32 $0xFFFFD400  }
0xab: {  	[tilespmem:s21], [sflag:$0x6] =	stream.linear.gather [hbm4b:s17+s3], $0x100, $0x38;
	[tilespmem:$0x1F400] =	vst v63  }
0xac: {  	_ =	swait.ge [sflag:s10], $0x100  }
0xad: {  	[sflag:s10] =	ssyncset.done $0x0  }
0xae: {  	[sflag:s10] =	ssyncadd.s32 $0xFFFFFF00  }
0xaf: {  	[tilespmem:s25], [sflag:$0x2] =	stream.indirect.gather [hbm4b:s5+s24], $0x80, s21, s24, $0xb8;
	[tilespmem:$0x1F400] =	vst v63  }
0xb0: {  	_ =	swait.ge [sflag:s12], $0x2C00  }
0xb1: {  	[sflag:s12] =	ssyncset.done $0x0  }
0xb2: {  	[sflag:s12] =	ssyncadd.s32 $0xFFFFD400  }
0xb3: {  	[spmem:s1] =	stream.indirect.scatter.add.f32 [tilespmem:s26], [sflag:$0x9], $0x80, s13, s24, $0xb8;
	[tilespmem:$0x1F400] =	vst v63  }
0xb4: {  	_ =	swait.ge [sflag:s19], $0x2C00  }
0xb5: {  	[sflag:s19] =	ssyncset.done $0x0  }
0xb6: {  	s17 =	sadd.s32 $0x1CC0, s16;
	[sflag:s19] =	ssyncadd.s32 $0xFFFFD400  }
0xb7: {  	[tilespmem:s22], [sflag:$0x7] =	stream.linear.gather [hbm4b:s17+s3], $0x100, $0x38;
	[tilespmem:$0x1F400] =	vst v63  }
0xb8: {  	_ =	swait.ge [sflag:s14], $0x100  }
0xb9: {  	[sflag:s14] =	ssyncset.done $0x0  }
0xba: {  	[sflag:s14] =	ssyncadd.s32 $0xFFFFFF00  }
0xbb: {  	[tilespmem:s26], [sflag:$0x3] =	stream.indirect.gather [hbm4b:s5+s24], $0x80, s22, s24, $0xb8;
	[tilespmem:$0x1F400] =	vst v63  }
0xbc: {  	_ =	swait.ge [sflag:s15], $0x2C00  }
0xbd: {  	p1 =	sne.s32 s6, $0xFFFFFF80;
	[sflag:s15] =	ssyncset.done $0x0  }
.Ltmp3:
0xbe: {  	[sflag:s15] =	ssyncadd.s32 $0xFFFFD400;
	(pc) =	sbr.rel @p1 .LBB2_6-.Ltmp3, $4  }
0xbf: {  	[spmem:s1] =	stream.indirect.scatter.add.f32 [tilespmem:s29], [sflag:$0x9], $0x80, s7, s24, $0xb8;
	[tilespmem:$0x1F400] =	vst v63  }
0xc0: {  	_ =	swait.ge [sflag:s19], $0x2C00  }
0xc1: {  	[sflag:s19] =	ssyncset.done $0x0  }
0xc2: {  	s6 =	sadd.s32 $0x80, s6;
	s16 =	sadd.s32 $0x1CE0, s16;
	[sflag:s19] =	ssyncadd.s32 $0xFFFFD400  }
.Ltmp4:
0xc3: {  	_ = 	snop;
	(pc) =	sbr.rel .LBB2_7-.Ltmp4, $1  }
0xc4: {  	_ =	sdelay $0x3  }
.LBB2_2:
0xc5: {  	s6 =	rddreg [dreg:$0x6]  }
0xc6: {  	[tilespmem:s20], [sflag:$0x9] =	stream.linear.gather [hbm4b:s6+s3], $0x100, $0x38;
	[tilespmem:$0x1F400] =	vst v63  }
0xc7: {  	_ =	swait.ge [sflag:s19], $0x100  }
0xc8: {  	[sflag:s19] =	ssyncset.done $0x0  }
0xc9: {  	s17 =	rddreg [dreg:$0x7];
	[sflag:s19] =	ssyncadd.s32 $0xFFFFFF00  }
0xca: {  	[tilespmem:s21], [sflag:$0x9] =	stream.linear.gather [hbm4b:s17+s3], $0x100, $0x38;
	[tilespmem:$0x1F400] =	vst v63  }
0xcb: {  	_ =	swait.ge [sflag:s19], $0x100  }
0xcc: {  	[sflag:s19] =	ssyncset.done $0x0  }
0xcd: {  	s16 =	rddreg [dreg:$0x8];
	[sflag:s19] =	ssyncadd.s32 $0xFFFFFF00  }
0xce: {  	[tilespmem:s22], [sflag:$0x9] =	stream.linear.gather [hbm4b:s16+s3], $0x100, $0x38;
	[tilespmem:$0x1F400] =	vst v63  }
0xcf: {  	_ =	swait.ge [sflag:s19], $0x100  }
0xd0: {  	[sflag:s19] =	ssyncset.done $0x0  }
0xd1: {  	s17 =	rddreg [dreg:$0xa];
	[sflag:s19] =	ssyncadd.s32 $0xFFFFFF00  }
0xd2: {  	[tilespmem:s23], [sflag:$0x8] =	stream.linear.gather [hbm4b:s17+s3], $0x100, $0x38;
	[tilespmem:$0x1F400] =	vst v63  }
0xd3: {  	_ = 	snop  }
0xd4: {  	[tilespmem:s3], [sflag:$0x1] =	stream.indirect.gather [hbm4b:s4+s24], $0x80, s20, s24, $0xb8;
	[tilespmem:$0x1F400] =	vst v63  }
0xd5: {  	_ = 	snop  }
0xd6: {  	[tilespmem:s25], [sflag:$0x2] =	stream.indirect.gather [hbm4b:s4+s24], $0x80, s21, s24, $0xb8;
	[tilespmem:$0x1F400] =	vst v63  }
0xd7: {  	_ = 	snop  }
0xd8: {  	[tilespmem:s26], [sflag:$0x3] =	stream.indirect.gather [hbm4b:s4+s24], $0x80, s22, s24, $0xb8;
	[tilespmem:$0x1F400] =	vst v63  }
0xd9: {  	_ =	swait.ge [sflag:s28], $0x100  }
0xda: {  	[sflag:s28] =	ssyncset.done $0x0  }
0xdb: {  	[sflag:s28] =	ssyncadd.s32 $0xFFFFFF00  }
0xdc: {  	[tilespmem:s29], [sflag:$0x4] =	stream.indirect.gather [hbm4b:s4+s24], $0x80, s23, s24, $0xb8;
	[tilespmem:$0x1F400] =	vst v63  }
0xdd: {  	_ =	swait.ge [sflag:s30], $0x2C00  }
0xde: {  	[sflag:s30] =	ssyncset.done $0x0  }
0xdf: {  	[sflag:s30] =	ssyncadd.s32 $0xFFFFD400  }
0xe0: {  	[spmem:s1] =	stream.indirect.scatter.add.f32 [tilespmem:s3], [sflag:$0x9], $0x80, s31, s24, $0xb8;
	[tilespmem:$0x1F400] =	vst v63  }
0xe1: {  	_ =	swait.ge [sflag:s19], $0x2C00  }
0xe2: {  	s16 =	rddreg [dreg:$0x3]  }
0xe3: {  	[sflag:s19] =	ssyncset.done $0x0;
	s16 =	sadd.s32 $0xFFFFE400, s16  }
0xe4: {  	[sflag:s19] =	ssyncadd.s32 $0xFFFFD400;
	s6 =	sadd.s32 $0x1C80, s16  }
0xe5: {  	[tilespmem:s20], [sflag:$0x5] =	stream.linear.gather [hbm4b:s6+s3], $0x100, $0x38;
	[tilespmem:$0x1F400] =	vst v63  }
0xe6: {  	_ =	swait.ge [sflag:s0], $0x100  }
0xe7: {  	[sflag:s0] =	ssyncset.done $0x0  }
0xe8: {  	[sflag:s0] =	ssyncadd.s32 $0xFFFFFF00  }
0xe9: {  	[tilespmem:s3], [sflag:$0x1] =	stream.indirect.gather [hbm4b:s4+s24], $0x80, s20, s24, $0xb8;
	[tilespmem:$0x1F400] =	vst v63  }
0xea: {  	_ =	swait.ge [sflag:s2], $0x2C00  }
0xeb: {  	[sflag:s2] =	ssyncset.done $0x0  }
0xec: {  	[sflag:s2] =	ssyncadd.s32 $0xFFFFD400  }
0xed: {  	[spmem:s1] =	stream.indirect.scatter.add.f32 [tilespmem:s25], [sflag:$0x9], $0x80, s9, s24, $0xb8;
	[tilespmem:$0x1F400] =	vst v63  }
0xee: {  	_ =	swait.ge [sflag:s19], $0x2C00  }
0xef: {  	[sflag:s19] =	ssyncset.done $0x0  }
0xf0: {  	s17 =	sadd.s32 $0x1CA0, s16;
	[sflag:s19] =	ssyncadd.s32 $0xFFFFD400  }
0xf1: {  	[tilespmem:s21], [sflag:$0x6] =	stream.linear.gather [hbm4b:s17+s3], $0x100, $0x38;
	[tilespmem:$0x1F400] =	vst v63  }
0xf2: {  	_ =	swait.ge [sflag:s10], $0x100  }
0xf3: {  	[sflag:s10] =	ssyncset.done $0x0  }
0xf4: {  	[sflag:s10] =	ssyncadd.s32 $0xFFFFFF00  }
0xf5: {  	[tilespmem:s25], [sflag:$0x2] =	stream.indirect.gather [hbm4b:s4+s24], $0x80, s21, s24, $0xb8;
	[tilespmem:$0x1F400] =	vst v63  }
0xf6: {  	_ =	swait.ge [sflag:s12], $0x2C00  }
0xf7: {  	[sflag:s12] =	ssyncset.done $0x0  }
0xf8: {  	[sflag:s12] =	ssyncadd.s32 $0xFFFFD400  }
0xf9: {  	[spmem:s1] =	stream.indirect.scatter.add.f32 [tilespmem:s26], [sflag:$0x9], $0x80, s13, s24, $0xb8;
	[tilespmem:$0x1F400] =	vst v63  }
0xfa: {  	_ =	swait.ge [sflag:s19], $0x2C00  }
0xfb: {  	[sflag:s19] =	ssyncset.done $0x0  }
0xfc: {  	s17 =	sadd.s32 $0x1CC0, s16;
	[sflag:s19] =	ssyncadd.s32 $0xFFFFD400  }
0xfd: {  	[tilespmem:s22], [sflag:$0x7] =	stream.linear.gather [hbm4b:s17+s3], $0x100, $0x38;
	[tilespmem:$0x1F400] =	vst v63  }
0xfe: {  	_ =	swait.ge [sflag:s14], $0x100  }
0xff: {  	[sflag:s14] =	ssyncset.done $0x0  }
0x100: {  	[sflag:s14] =	ssyncadd.s32 $0xFFFFFF00  }
0x101: {  	[tilespmem:s26], [sflag:$0x3] =	stream.indirect.gather [hbm4b:s4+s24], $0x80, s22, s24, $0xb8;
	[tilespmem:$0x1F400] =	vst v63  }
0x102: {  	_ =	swait.ge [sflag:s15], $0x2C00  }
0x103: {  	[sflag:s15] =	ssyncset.done $0x0  }
0x104: {  	[sflag:s15] =	ssyncadd.s32 $0xFFFFD400  }
0x105: {  	[spmem:s1] =	stream.indirect.scatter.add.f32 [tilespmem:s29], [sflag:$0x9], $0x80, s7, s24, $0xb8;
	[tilespmem:$0x1F400] =	vst v63  }
0x106: {  	_ =	swait.ge [sflag:s19], $0x2C00  }
0x107: {  	[sflag:s19] =	ssyncset.done $0x0  }
0x108: {  	s6 =	simm.s32 $0xFFFFE480;
	s16 =	sadd.s32 $0x1CE0, s16;
	[sflag:s19] =	ssyncadd.s32 $0xFFFFD400  }
.LBB2_3:
0x109: {  	[tilespmem:s23], [sflag:$0x8] =	stream.linear.gather [hbm4b:s16+s3], $0x100, $0x38;
	[tilespmem:$0x1F400] =	vst v63  }
0x10a: {  	_ =	swait.ge [sflag:s28], $0x100  }
0x10b: {  	[sflag:s28] =	ssyncset.done $0x0  }
0x10c: {  	[sflag:s28] =	ssyncadd.s32 $0xFFFFFF00  }
0x10d: {  	[tilespmem:s29], [sflag:$0x4] =	stream.indirect.gather [hbm4b:s4+s24], $0x80, s23, s24, $0xb8;
	[tilespmem:$0x1F400] =	vst v63  }
0x10e: {  	_ =	swait.ge [sflag:s30], $0x2C00  }
0x10f: {  	[sflag:s30] =	ssyncset.done $0x0  }
0x110: {  	[sflag:s30] =	ssyncadd.s32 $0xFFFFD400  }
0x111: {  	[spmem:s1] =	stream.indirect.scatter.add.f32 [tilespmem:s3], [sflag:$0x9], $0x80, s31, s24, $0xb8;
	[tilespmem:$0x1F400] =	vst v63  }
0x112: {  	_ =	swait.ge [sflag:s19], $0x2C00  }
0x113: {  	s16 =	smov.u32 s6;
	s17 =	rddreg [dreg:$0x3]  }
0x114: {  	[sflag:s19] =	ssyncset.done $0x0;
	s16 =	sadd.s32 s16, s17  }
0x115: {  	[sflag:s19] =	ssyncadd.s32 $0xFFFFD400;
	s17 =	sadd.s32 $0x1C80, s16  }
0x116: {  	[tilespmem:s20], [sflag:$0x5] =	stream.linear.gather [hbm4b:s17+s3], $0x100, $0x38;
	[tilespmem:$0x1F400] =	vst v63  }
0x117: {  	_ =	swait.ge [sflag:s0], $0x100  }
0x118: {  	[sflag:s0] =	ssyncset.done $0x0  }
0x119: {  	[sflag:s0] =	ssyncadd.s32 $0xFFFFFF00  }
0x11a: {  	[tilespmem:s3], [sflag:$0x1] =	stream.indirect.gather [hbm4b:s4+s24], $0x80, s20, s24, $0xb8;
	[tilespmem:$0x1F400] =	vst v63  }
0x11b: {  	_ =	swait.ge [sflag:s2], $0x2C00  }
0x11c: {  	[sflag:s2] =	ssyncset.done $0x0  }
0x11d: {  	[sflag:s2] =	ssyncadd.s32 $0xFFFFD400  }
0x11e: {  	[spmem:s1] =	stream.indirect.scatter.add.f32 [tilespmem:s25], [sflag:$0x9], $0x80, s9, s24, $0xb8;
	[tilespmem:$0x1F400] =	vst v63  }
0x11f: {  	_ =	swait.ge [sflag:s19], $0x2C00  }
0x120: {  	[sflag:s19] =	ssyncset.done $0x0  }
0x121: {  	s17 =	sadd.s32 $0x1CA0, s16;
	[sflag:s19] =	ssyncadd.s32 $0xFFFFD400  }
0x122: {  	[tilespmem:s21], [sflag:$0x6] =	stream.linear.gather [hbm4b:s17+s3], $0x100, $0x38;
	[tilespmem:$0x1F400] =	vst v63  }
0x123: {  	_ =	swait.ge [sflag:s10], $0x100  }
0x124: {  	[sflag:s10] =	ssyncset.done $0x0  }
0x125: {  	[sflag:s10] =	ssyncadd.s32 $0xFFFFFF00  }
0x126: {  	[tilespmem:s25], [sflag:$0x2] =	stream.indirect.gather [hbm4b:s4+s24], $0x80, s21, s24, $0xb8;
	[tilespmem:$0x1F400] =	vst v63  }
0x127: {  	_ =	swait.ge [sflag:s12], $0x2C00  }
0x128: {  	[sflag:s12] =	ssyncset.done $0x0  }
0x129: {  	[sflag:s12] =	ssyncadd.s32 $0xFFFFD400  }
0x12a: {  	[spmem:s1] =	stream.indirect.scatter.add.f32 [tilespmem:s26], [sflag:$0x9], $0x80, s13, s24, $0xb8;
	[tilespmem:$0x1F400] =	vst v63  }
0x12b: {  	_ =	swait.ge [sflag:s19], $0x2C00  }
0x12c: {  	[sflag:s19] =	ssyncset.done $0x0  }
0x12d: {  	s17 =	sadd.s32 $0x1CC0, s16;
	[sflag:s19] =	ssyncadd.s32 $0xFFFFD400  }
0x12e: {  	[tilespmem:s22], [sflag:$0x7] =	stream.linear.gather [hbm4b:s17+s3], $0x100, $0x38;
	[tilespmem:$0x1F400] =	vst v63  }
0x12f: {  	_ =	swait.ge [sflag:s14], $0x100  }
0x130: {  	[sflag:s14] =	ssyncset.done $0x0  }
0x131: {  	[sflag:s14] =	ssyncadd.s32 $0xFFFFFF00  }
0x132: {  	[tilespmem:s26], [sflag:$0x3] =	stream.indirect.gather [hbm4b:s4+s24], $0x80, s22, s24, $0xb8;
	[tilespmem:$0x1F400] =	vst v63  }
0x133: {  	_ =	swait.ge [sflag:s15], $0x2C00  }
0x134: {  	p1 =	seq.s32 s6, $0xFFFFFF80;
	[sflag:s15] =	ssyncset.done $0x0  }
.Ltmp5:
0x135: {  	[sflag:s15] =	ssyncadd.s32 $0xFFFFD400;
	(pc) =	sbr.rel @!p1 .LBB2_3-.Ltmp5, $4  }
0x136: {  	[spmem:s1] =	stream.indirect.scatter.add.f32 [tilespmem:s29], [sflag:$0x9], $0x80, s7, s24, $0xb8;
	[tilespmem:$0x1F400] =	vst v63  }
0x137: {  	_ =	swait.ge [sflag:s19], $0x2C00  }
0x138: {  	[sflag:s19] =	ssyncset.done $0x0  }
0x139: {  	s6 =	sadd.s32 $0x80, s6;
	s16 =	sadd.s32 $0x1CE0, s16;
	[sflag:s19] =	ssyncadd.s32 $0xFFFFD400  }
.Ltmp6:
0x13a: {  	(pc) =	sbr.rel .LBB2_8-.Ltmp6, $3  }
0x13b: {  	_ =	sdelay $0x1  }
0x13c: {  	[tilespmem:s23], [sflag:$0x8] =	stream.linear.gather [hbm4b:s16+s3], $0x100, $0x38;
	[tilespmem:$0x1F400] =	vst v63  }
0x13d: {  	s6 =	smov.u32 s4  }
.LBB2_9:
0x13e: {  	_ =	sfence.sel $0x180000  }
0x13f: {  	[bflag:$0x0] =	sbarrier.arrive $0xFFFF  }
0x140: {  	_ =	strace $0x9000004D  }
0x141: {  	s0 =	stileid.u32;
	[bflag:$0x2] =	sbarrier.arrive $0xFFFF  }
0x142: {  	p0 =	sne.s32 s0, $0x0;
	s0 =	rddreg [dreg:$0x2]  }
0x143: {  	s0 =	sadd.s32 @!p0 $0x100000, s0  }
0x144: {  	[sflag:s0] =	ssyncadd.tile.s32 @!p0 $0x1;
	_ =	shalt  }
.Lfunc_end2:
_tile_overlayer_lowered:
.L_overlay_start_2:
0x145: {  	(tag) =	ssettag $0x2  }
0x146: {  	s0 =	rddreg [dreg:$0x0];
	s2 =	stileid.u32  }
0x147: {  	s1 =	rddreg [dreg:$0x1];
	p0 =	sne.s32 s2, $0x0  }
0x148: {  	s3 =	rddreg [dreg:$0x2];
	[bflag:$0x3] =	sbarrier.arrive $0xFFFF;
	s2 =	simm.s32 @!p0 $0x1C09  }
0x149: {  	[timem:s3], [sflag:s2] =	dma.local @!p0 [hbm:s0], s1  }
0x14a: {  	s0 =	simm.s32 @!p0 $0x9  }
0x14b: {  	_ =	swait.ge @!p0 [sflag:s0], s1  }
0x14c: {  	s1 =	ssub.s32 @!p0 $0x0, s1;
	[sflag:s0] =	ssyncset.done @!p0 $0x0  }
0x14d: {  	[sflag:s0] =	ssyncadd.s32 @!p0 s1  }
0x14e: {  	[bflag:$0x3] =	sbarrier.arrive $0xFFFF  }
0x14f: {  	_ =	shalt  }

// kernel: kernel.8.cloned.1.call-start
scs
__scs_entry_jumppad:
0x0: {  	(pc) =	sbr.rel $0x88, $3  }
0x1: {  	(tag) =	ssettag $0x0;
	lr =	simm.s32 $0x1  }
0x2: {  	[smem:$0x3F94] =	sst lr;
	_ =	strace $0xD0000000  }
0x3: {  	_ = 	snop  }
0x4: {  	_ = 	snop  }
0x5: {  	_ = 	snop  }
0x6: {  	_ = 	snop  }
0x7: {  	_ = 	snop  }
__scs_overlays_trampoline_lowered:
0x8: {  	[smem:$0x3FA3] =	sst s0  }
0x9: {  	[smem:$0x3FA4] =	sst s1  }
0xa: {  	[smem:$0x3FA5] =	sst s2  }
0xb: {  	[smem:$0x3FA6] =	sst s3  }
0xc: {  	[smem:$0x3FA7] =	sst s4  }
0xd: {  	[smem:$0x3FA8] =	sst s5  }
0xe: {  	[smem:$0x3FA9] =	sst s6  }
0xf: {  	[smem:$0x3FAA] =	sst s7  }
0x10: {  	[smem:$0x3FAB] =	sst s8  }
0x11: {  	[smem:$0x3FAC] =	sst s9;
	s0 =	simm.s32 @!p0 $0x0  }
0x12: {  	s1 =	sld [smem:$0x3F92];
	s0 =	simm.s32 @p0 $0x1  }
0x13: {  	[smem:$0x3FAD] =	sst s0;
	s0 =	simm.s32 @!p1 $0x0  }
0x14: {  	s2 =	sld [smem:$0x3F91];
	s0 =	simm.s32 @p1 $0x1  }
0x15: {  	[smem:$0x3FAE] =	sst s0;
	s0 =	simm.s32 @!p2 $0x0  }
0x16: {  	s3 =	sld [smem:$0x3FDB];
	s0 =	simm.s32 @p2 $0x1  }
0x17: {  	s4 =	simm.s32 $0x1BF5;
	[smem:$0x3FB0] =	sst s0  }
0x18: {  	s0 =	sld [smem:$0x3F93];
	_ =	swait.ge [sflag:s4], $0x0  }
0x19: {  	s7 =	sld [smem:$0x3F94]  }
0x1a: {  	s8 =	sadd.s32 $0xFFFFE003, lr  }
0x1b: {  	s9 =	sadd.s32 $0xFFFFFEF7, lr;
	s5 =	simm.s32 $0xFFFFFFFF;
	p2 =	slt.u32 s8, $0xFFFFF086  }
0x1c: {  	p1 =	slt.u32 s9, $0xF7A;
	s5 =	simm.s32 @!p2 $0x0  }
0x1d: {  	s5 =	simm.s32 @p1 $0x1;
	p0 =	seq.s32 s7, s2  }
0x1e: {  	s7 =	smul.u32 @!p0 $0xF7A, s2;
	p2 =	seq.s32 @!p0 s5, $0x0  }
0x1f: {  	s9 =	smul.u32 $0xF7A, s1;
	s8 =	simm.s32 @!p0 $0x1BF5;
	p2 =	por !p2, p0  }
0x20: {  	[sflag:s8] =	ssyncset.s32 @!p0 $0xFFFFF086;
	s6 =	sadd.s32 @!p0 s3, s7;
	s7 =	simm.s32 @!p0 $0x108  }
0x21: {  	s3 =	sadd.s32 s3, s9;
	s6 =	sadd.s32 @!p0 $0x88, s6;
	s7 =	simm.s32 @p2 $0x1082  }
0x22: {  	[simem:s7], [sflag:s8] =	dma.local @!p0 [hbm:s6], $0xF7A  }
0x23: {  	s9 =	sor.u32 $0xD0000000, s2;
	s6 =	simm.s32 $0x108;
	_ =	swait.ge @!p0 [sflag:s8], $0x0  }
0x24: {  	s3 =	sadd.s32 $0x88, s3;
	s6 =	simm.s32 @!p1 $0x1082;
	[sflag:s4] =	ssyncset.s32 $0xFFFFF086  }
0x25: {  	[simem:s6], [sflag:s4] =	dma.local [hbm:s3], $0xF7A  }
0x26: {  	[smem:$0x3F94] =	sst s1;
	(tag) =	ssettag s2;
	_ =	strace s9  }
0x27: {  	s1 =	sld [smem:$0x3FA4]  }
0x28: {  	s2 =	sld [smem:$0x3FA5]  }
0x29: {  	s4 =	sld [smem:$0x3FA7]  }
0x2a: {  	p0 =	seq.s32 s5, $0x0;
	s5 =	sld [smem:$0x3FA8]  }
0x2b: {  	s6 =	sld [smem:$0x3FA9]  }
0x2c: {  	s7 =	sld [smem:$0x3FAA]  }
0x2d: {  	s3 =	simm.s32 $0x108;
	s8 =	sld [smem:$0x3FAB]  }
0x2e: {  	s3 =	simm.s32 @!p0 $0x1082;
	s9 =	sld [smem:$0x3FAC]  }
0x2f: {  	lr =	sadd.s32 s0, s3;
	s0 =	sld [smem:$0x3FA3]  }
0x30: {  	s3 =	sld [smem:$0x3FA6]  }
0x31: {  	[smem:$0x3FAF] =	sst s10  }
0x32: {  	s10 =	sld [smem:$0x3FAD];
	_ =	sdelay $0x3  }
0x33: {  	p0 =	seq.s32 s10, $0x1;
	s10 =	sld [smem:$0x3FAF];
	_ =	sdelay $0x3  }
0x34: {  	[smem:$0x3FAF] =	sst s10  }
0x35: {  	s10 =	sld [smem:$0x3FAE];
	_ =	sdelay $0x3  }
0x36: {  	p1 =	seq.s32 s10, $0x1;
	s10 =	sld [smem:$0x3FAF];
	_ =	sdelay $0x3  }
0x37: {  	[smem:$0x3FAF] =	sst s10  }
0x38: {  	s10 =	sld [smem:$0x3FB0]  }
0x39: {  	_ = 	snop;
	(pc) =	sbr.ind lr, $3  }
0x3a: {  	_ = 	snop  }
0x3b: {  	_ = 	snop  }
0x3c: {  	p2 =	seq.s32 s10, $0x1;
	s10 =	sld [smem:$0x3FAF]  }
0x3d: {  	_ =	shalt  }
0x3e: {  	_ =	shalt  }
0x3f: {  	_ =	shalt  }
0x40: {  	_ =	shalt  }
0x41: {  	_ =	shalt  }
0x42: {  	_ =	shalt  }
0x43: {  	_ =	shalt  }
0x44: {  	_ =	shalt  }
0x45: {  	_ =	shalt  }
0x46: {  	_ =	shalt  }
0x47: {  	_ =	shalt  }
0x48: {  	_ =	shalt  }
0x49: {  	_ =	shalt  }
0x4a: {  	_ =	shalt  }
0x4b: {  	_ =	shalt  }
0x4c: {  	_ =	shalt  }
0x4d: {  	_ =	shalt  }
0x4e: {  	_ =	shalt  }
0x4f: {  	_ =	shalt  }
0x50: {  	_ =	shalt  }
0x51: {  	_ =	shalt  }
0x52: {  	_ =	shalt  }
0x53: {  	_ =	shalt  }
0x54: {  	_ =	shalt  }
0x55: {  	_ =	shalt  }
0x56: {  	_ =	shalt  }
0x57: {  	_ =	shalt  }
0x58: {  	_ =	shalt  }
0x59: {  	_ =	shalt  }
0x5a: {  	_ =	shalt  }
0x5b: {  	_ =	shalt  }
0x5c: {  	_ =	shalt  }
0x5d: {  	_ =	shalt  }
0x5e: {  	_ =	shalt  }
0x5f: {  	_ =	shalt  }
0x60: {  	_ =	shalt  }
0x61: {  	_ =	shalt  }
0x62: {  	_ =	shalt  }
0x63: {  	_ =	shalt  }
0x64: {  	_ =	shalt  }
0x65: {  	_ =	shalt  }
0x66: {  	_ =	shalt  }
0x67: {  	_ =	shalt  }
0x68: {  	_ =	shalt  }
0x69: {  	_ =	shalt  }
0x6a: {  	_ =	shalt  }
0x6b: {  	_ =	shalt  }
0x6c: {  	_ =	shalt  }
0x6d: {  	_ =	shalt  }
0x6e: {  	_ =	shalt  }
0x6f: {  	_ =	shalt  }
0x70: {  	_ =	shalt  }
0x71: {  	_ =	shalt  }
0x72: {  	_ =	shalt  }
0x73: {  	_ =	shalt  }
0x74: {  	_ =	shalt  }
0x75: {  	_ =	shalt  }
0x76: {  	_ =	shalt  }
0x77: {  	_ =	shalt  }
0x78: {  	_ =	shalt  }
0x79: {  	_ =	shalt  }
0x7a: {  	_ =	shalt  }
0x7b: {  	_ =	shalt  }
0x7c: {  	_ =	shalt  }
0x7d: {  	_ =	shalt  }
0x7e: {  	_ =	shalt  }
0x7f: {  	_ =	shalt  }
0x80: {  	_ =	shalt  }
0x81: {  	_ =	shalt  }
0x82: {  	_ =	shalt  }
0x83: {  	_ =	shalt  }
0x84: {  	_ =	shalt  }
0x85: {  	_ =	shalt  }
0x86: {  	_ =	shalt  }
0x87: {  	_ =	shalt  }
.Lfunc_end0:
.L_simem_size_0:
called_computation_lowered:
.L_overlay_start_0:
0x88: {  	s2 =	sld [smem:$0x3FD9]  }
0x89: {  	s3 =	sld [smem:$0x3FFE];
	_ =	sdelay $0x1  }
0x8a: {  	s1 =	srdreg.scid  }
0x8b: {  	s0 =	sand.u32 $0x1, s1  }
0x8c: {  	s17 =	sshll.u32 s0, $0xA;
	s2 =	sadd.s32 s3, s2  }
0x8d: {  	s2 =	sadd.s32 s2, s17  }
0x8e: {  	[smem:$0x3FBB] =	sst s2  }
0x8f: {  	_ = 	snop  }
0x90: {  	s2 =	sld [smem:$0x3FD0];
	(tm) =	ssettm $0x1  }
0x91: {  	s18 =	sld [smem:$0x3FFB];
	_ =	sdelay $0x3  }
0x92: {  	_ =	strace s18  }
0x93: {  	s3 =	sld [smem:$0x3FFC];
	_ =	sdelay $0x3  }
0x94: {  	_ =	strace s3  }
0x95: {  	s3 =	sld [smem:$0x3FFD];
	_ =	sdelay $0x3  }
0x96: {  	_ =	strace s3  }
0x97: {  	_ =	strace $0x8FFFFFFF  }
0x98: {  	s19 =	sld [smem:$0x3FDB];
	_ =	sdelay $0x1  }
0x99: {  	s4 =	simm.s32 $_scs_section_size  }
0x9a: {  	s5 =	simm.s32 $_size__tile_overlayer_lowered;
	s6 =	simm.s32 $_tile_overlayer_lowered  }
0x9b: {  	s22 =	simm.s32 $0x1BFF;
	s21 =	sshll.u32 s6, $0x1;
	s3 =	sadd.s32 s4, s19  }
0x9c: {  	s7 =	simm.s32 $0x0;
	s20 =	sshll.u32 s5, $0x1;
	s5 =	sadd.s32 s21, s3  }
0x9d: {  	[timem:s7], [sflag:s22] =	dma.local [hbm:s5], s20  }
0x9e: {  	_ =	swait.ge [sflag:s22], s20  }
0x9f: {  	s4 =	ssub.s32 $0x0, s20;
	[sflag:s22] =	ssyncset.done $0x0  }
0xa0: {  	[sflag:s22] =	ssyncadd.s32 s4;
	_ =	sdelay $0x1  }
0xa1: {  	s23 =	simm.s32 $0x1B8B  }
0xa2: {  	_ =	swait.ge [sflag:s23], $0x1  }
0xa3: {  	[sflag:s23] =	ssyncset.done $0x0  }
0xa4: {  	s25 =	simm.s32 $0x1B8E;
	s24 =	sld [smem:$0x3FFE];
	[sflag:s23] =	ssyncadd.s32 $0xFFFFFFFF  }
0xa5: {  	s26 =	simm.s32 $execute0_lowered;
	[smem:$0x3FD2] =	sst s25  }
0xa6: {  	s5 =	sshll.u32 s26, $0x1;
	_ =	strace $0x80000046;
	[dreg:$0x1] =	wrdreg $0xFFFFFFFF  }
0xa7: {  	s28 =	simm.s32 $_size_execute0_lowered;
	s3 =	sadd.s32 s3, s5;
	[dreg:$0x0] =	wrdreg $0x0  }
0xa8: {  	s5 =	sshll.u32 s28, $0x1;
	[dreg:$0x2] =	wrdreg s3  }
0xa9: {  	[dreg:$0x3] =	wrdreg s5  }
0xaa: {  	[dreg:$0x4] =	wrdreg $0xC0  }
0xab: {  	_ =	task [dreg:s7], $0x5FFFF  }
0xac: {  	[dreg:$0x1] =	wrdreg $0xFFFFFFFF  }
0xad: {  	[dreg:$0x0] =	wrdreg $0x60  }
0xae: {  	[dreg:$0x2] =	wrdreg s24  }
0xaf: {  	[dreg:$0x3] =	wrdreg s2  }
0xb0: {  	[dreg:$0x4] =	wrdreg $0x78000  }
0xb1: {  	[dreg:$0x5] =	wrdreg $0x7A800  }
0xb2: {  	[dreg:$0x6] =	wrdreg $0x9  }
0xb3: {  	_ =	task.clear_ibuf [dreg:s7], $0x7FFFF;
	_ =	strace $0x90000046  }
0xb4: {  	s29 =	simm.s32 $0x9;
	_ =	strace $0x80000048  }
0xb5: {  	_ =	swait.ge [sflag:s29], $0x1  }
0xb6: {  	[sflag:s29] =	ssyncadd.s32 $0xFFFFFFFF  }
0xb7: {  	_ =	strace $0x90000048  }
0xb8: {  	_ =	sfence  }
0xb9: {  	s30 =	sld [smem:$0x0];
	_ =	sdelay $0x2  }
0xba: {  	s31 =	sshll.u32 s1, $0xD;
	s1 =	sshrl.u32 s1, $0x2  }
0xbb: {  	s3 =	sand.u32 $0x4000, s31;
	s1 =	sadd.s32 s1, s30  }
0xbc: {  	s0 =	sor.u32 s3, s0;
	s1 =	sshll.u32 s1, $0x11  }
0xbd: {  	s0 =	sor.u32 s1, s0  }
0xbe: {  	s0 =	sadd.s32 $0x8F2B, s0  }
0xbf: {  	[sflag:s0] =	ssyncadd.remote.s32 $0x1  }
0xc0: {  	_ =	sfence.sel $0xFFFF  }
0xc1: {  	[dreg:$0x0] =	wrdreg $0xFFFFFFFF;
	(pc) =	sbr.abs _section_cstart, $3  }
0xc2: {  	[dreg:$0x1] =	wrdreg $0xFFFFFFFF  }
0xc3: {  	_ =	task.clear_ibuf [dreg:s7], $0x2FFFF;
	_ =	strace $0x9FFFFFFF  }
0xc4: {  	(tm) =	ssettm $0x7FFFFFFF  }
0xc5: {  	_ =	shalt  }
tec
execute0_lowered:
.L_overlay_start_1:
0x0: {  	(tag) =	ssettag $0x1  }
0x1: {  	s5 =	rddreg [dreg:$0x0]  }
0x2: {  	s0 =	rddreg [dreg:$0x1]  }
0x3: {  	s1 =	srdreg.scid;
	s2 =	rddreg [dreg:$0x2]  }
0x4: {  	s3 =	rddreg [dreg:$0x3];
	s18 =	stileid.u32;
	s4 =	simm.s32 $0x0  }
0x5: {  	s13 =	simm.s32 $0x1;
	s15 =	simm.s32 $0x2800;
	s16 =	simm.s32 $0x5000  }
0x6: {  	s17 =	simm.s32 $0x80;
	s6 =	sand.u32 $0x1, s1;
	s1 =	rddreg [dreg:$0x4]  }
0x7: {  	s20 =	simm.s32 $0x0;
	[smem:$0x7FF] =	sst s4;
	s9 =	smul.u32 $0x280, s18  }
0x8: {  	s31 =	sshll.u32 s18, $0x6;
	p0 =	sne.s32 s18, $0x0;
	s7 =	sshll.u32 s6, $0x4  }
0x9: {  	_ =	strace $0x80000047;
	s6 =	ssub.s32 $0x2, s6;
	s19 =	sshrl.u32 @!p0 s3, $0x3  }
0xa: {  	s8 =	sor.u32 s18, s7;
	s10 =	sadd.s32 s7, s5;
	s30 =	sshrl.u32 s6, $0x1  }
0xb: {  	s12 =	sadd.s32 s9, s2;
	s14 =	sadd.s32 s9, s3;
	s18 =	sshrl.u32 @!p0 s2, $0x3  }
0xc: {  	s8 =	smul.u32 $0x500, s8;
	s11 =	ssub.s32 s6, s30;
	s9 =	sadd.s32 $0x21E00, s10  }
0xd: {  	s10 =	sadd.s32 $0x22800, s10;
	s12 =	sshrl.u32 s12, $0x3;
	s14 =	sshrl.u32 s14, $0x3  }
0xe: {  	s11 =	smax.u32 s11, $0x1;
	s8 =	sadd.s32 s8, s5;
	s5 =	sor.u32 $0x1C01, s31  }
0xf: {  	s6 =	sadd.s32 $0x3E00, s8;
	s7 =	sadd.s32 $0xDE00, s8;
	s8 =	sadd.s32 $0x17E00, s8  }
.LBB2_1:
0x10: {  	[spmem:s12], [sflag:s5] =	dma.local [hbm:s0], $0x50  }
0x11: {  	_ =	swait.ge [sflag:s13], $0x50  }
0x12: {  	[sflag:s13] =	ssyncset.done $0x0  }
0x13: {  	[sflag:s13] =	ssyncadd.s32 $0xFFFFFFB0  }
0x14: {  	[spmem:s14], [sflag:s5] =	dma.local [hbm:s0], $0x50  }
0x15: {  	_ =	swait.ge [sflag:s13], $0x50  }
0x16: {  	[sflag:s13] =	ssyncset.done $0x0  }
0x17: {  	[sflag:s13] =	ssyncadd.s32 $0xFFFFFFB0  }
0x18: {  	[tilespmem:s4], [sflag:$0x1] =	stream.linear.gather [hbm4b:s6+s4], $0x2780, $0x38;
	[tilespmem:$0x7D00] =	vst v63  }
0x19: {  	_ =	swait.ge [sflag:s13], $0x2780  }
0x1a: {  	[sflag:s13] =	ssyncset.done $0x0  }
0x1b: {  	[sflag:s13] =	ssyncadd.s32 $0xFFFFD880  }
0x1c: {  	[tilespmem:s15], [sflag:$0x1] =	stream.linear.gather [hbm4b:s7+s4], $0x2780, $0x38;
	[tilespmem:$0x7D00] =	vst v63  }
0x1d: {  	_ =	swait.ge [sflag:s13], $0x2780  }
0x1e: {  	[sflag:s13] =	ssyncset.done $0x0  }
0x1f: {  	[sflag:s13] =	ssyncadd.s32 $0xFFFFD880  }
0x20: {  	[tilespmem:s16], [sflag:$0x1] =	stream.linear.gather [hbm4b:s8+s4], $0x2780, $0x38;
	[tilespmem:$0x7D00] =	vst v63  }
0x21: {  	_ =	swait.ge [sflag:s13], $0x2780  }
0x22: {  	[sflag:s13] =	ssyncset.done $0x0  }
0x23: {  	[sflag:s13] =	ssyncadd.s32 $0xFFFFD880  }
0x24: {  	s21 =	simm.s32 $0x0;
	s22 =	simm.s32 $0x5000;
	[bflag:$0x0] =	sbarrier.arrive $0xFFFF  }
0x25: {  	[spmem:s2] =	stream.indirect.scatter.add.f32 [tilespmem:s22], [sflag:$0x1], $0x1, s21, s17, $0xb8;
	[tilespmem:$0x7D00] =	vst v63  }
0x26: {  	_ =	swait.ge [sflag:s13], $0x80  }
0x27: {  	[sflag:s13] =	ssyncset.done $0x0  }
0x28: {  	s31 =	simm.s32 $0x2800;
	[sflag:s13] =	ssyncadd.s32 $0xFFFFFF80  }
0x29: {  	[spmem:s3] =	stream.indirect.scatter.add.f32 [tilespmem:s22], [sflag:$0x1], $0x1, s31, s17, $0xb8;
	[tilespmem:$0x7D00] =	vst v63  }
0x2a: {  	_ =	swait.ge [sflag:s13], $0x80  }
0x2b: {  	s21 =	simm.s32 $0x80;
	s22 =	simm.s32 $0x400;
	[sflag:s13] =	ssyncset.done $0x0  }
.LBB2_2:
0x2c: {  	s23 =	sadd.s32 $0x5000, s21  }
0x2d: {  	[sflag:s13] =	ssyncadd.s32 $0xFFFFFF80;
	s24 =	smov.u32 s22;
	s25 =	sadd.s32 $0x200, s22  }
0x2e: {  	[spmem:s2] =	stream.indirect.scatter.add.f32 [tilespmem:s23], [sflag:$0x1], $0x1, s21, s17, $0xb8;
	[tilespmem:$0x7D00] =	vst v63  }
0x2f: {  	p1 =	sne.s32 s22, $0x9C00;
	_ =	swait.ge [sflag:s13], $0x80  }
.Ltmp0:
0x30: {  	[sflag:s13] =	ssyncset.done $0x0;
	(pc) =	sbr.rel @p1 .LBB2_2-.Ltmp0, $4  }
0x31: {  	s21 =	sadd.s32 $0x2800, s21;
	[sflag:s13] =	ssyncadd.s32 $0xFFFFFF80  }
0x32: {  	[spmem:s3] =	stream.indirect.scatter.add.f32 [tilespmem:s23], [sflag:$0x1], $0x1, s21, s17, $0xb8;
	[tilespmem:$0x7D00] =	vst v63  }
0x33: {  	_ =	swait.ge [sflag:s13], $0x80  }
0x34: {  	s22 =	smov.u32 s25;
	s21 =	sshra.s32 s24, $0x2;
	[sflag:s13] =	ssyncset.done $0x0  }
0x35: {  	s22 =	sadd.s32 $0x5000, s21;
	[sflag:s13] =	ssyncadd.s32 $0xFFFFFF80  }
0x36: {  	[spmem:s2] =	stream.indirect.scatter.add.f32 [tilespmem:s22], [sflag:$0x1], $0x1, s21, s17, $0xb8;
	[tilespmem:$0x7D00] =	vst v63  }
0x37: {  	_ =	swait.ge [sflag:s13], $0x80  }
0x38: {  	[sflag:s13] =	ssyncset.done $0x0  }
0x39: {  	s31 =	sadd.s32 $0x2800, s21;
	[sflag:s13] =	ssyncadd.s32 $0xFFFFFF80  }
0x3a: {  	[spmem:s3] =	stream.indirect.scatter.add.f32 [tilespmem:s22], [sflag:$0x1], $0x1, s31, s17, $0xb8;
	[tilespmem:$0x7D00] =	vst v63  }
0x3b: {  	_ =	swait.ge [sflag:s13], $0x80  }
0x3c: {  	[sflag:s13] =	ssyncset.done $0x0  }
0x3d: {  	s23 =	simm.s32 @!p0 $0x10;
	[sflag:s13] =	ssyncadd.s32 $0xFFFFFF80  }
0x3e: {  	s21 =	simm.s32 @!p0 $0x1;
	s22 =	simm.s32 @!p0 $0x20;
	[bflag:$0x0] =	sbarrier.arrive $0xFFFF  }
0x3f: {  	[hbm:s9@s22], [sflag:s5] =	dma.strided @!p0 [spmem:s18@s23], $0x500, s21, $0x10   }
0x40: {  	s20 =	sadd.s32 $0x1, s20;
	_ =	swait.ge @!p0 [sflag:s21], $0x500  }
0x41: {  	p1 =	sne.s32 s20, s11;
	[sflag:s21] =	ssyncset.done @!p0 $0x0  }
.Ltmp1:
0x42: {  	[sflag:s21] =	ssyncadd.s32 @!p0 $0xFFFFFB00;
	(pc) =	sbr.rel @p1 .LBB2_1-.Ltmp1, $4  }
0x43: {  	[hbm:s10@s22], [sflag:s5] =	dma.strided @!p0 [spmem:s19@s23], $0x500, s21, $0x10   }
0x44: {  	_ =	swait.ge @!p0 [sflag:s21], $0x500  }
0x45: {  	[sflag:s21] =	ssyncset.done @!p0 $0x0  }
0x46: {  	[sflag:s21] =	ssyncadd.s32 @!p0 $0xFFFFFB00  }
0x47: {  	_ =	sfence.sel $0x180000  }
0x48: {  	[bflag:$0x0] =	sbarrier.arrive $0xFFFF  }
0x49: {  	_ =	strace $0x90000047  }
0x4a: {  	s0 =	sadd.s32 @!p0 $0x100000, s1;
	[bflag:$0x2] =	sbarrier.arrive $0xFFFF  }
0x4b: {  	[sflag:s0] =	ssyncadd.tile.s32 @!p0 $0x1;
	_ =	shalt  }
.Lfunc_end2:
_tile_overlayer_lowered:
.L_overlay_start_2:
0x4c: {  	(tag) =	ssettag $0x2  }
0x4d: {  	s0 =	rddreg [dreg:$0x0];
	s2 =	stileid.u32  }
0x4e: {  	s1 =	rddreg [dreg:$0x1];
	p0 =	sne.s32 s2, $0x0  }
0x4f: {  	s3 =	rddreg [dreg:$0x2];
	[bflag:$0x3] =	sbarrier.arrive $0xFFFF;
	s2 =	simm.s32 @!p0 $0x1C01  }
0x50: {  	[timem:s3], [sflag:s2] =	dma.local @!p0 [hbm:s0], s1  }
0x51: {  	s0 =	simm.s32 @!p0 $0x1  }
0x52: {  	_ =	swait.ge @!p0 [sflag:s0], s1  }
0x53: {  	s1 =	ssub.s32 @!p0 $0x0, s1;
	[sflag:s0] =	ssyncset.done @!p0 $0x0  }
0x54: {  	[sflag:s0] =	ssyncadd.s32 @!p0 s1  }
0x55: {  	[bflag:$0x3] =	sbarrier.arrive $0xFFFF  }
0x56: {  	_ =	shalt  }

</sc_bundles>
